<compile_context>
chip_gen: v7x
topology: tpu7x:2x2x1
jax: 0.10.2.dev20260603
libtpu: 0.0.44.dev20260713+nightly
codegen_flags: <defaults>
</compile_context>

<pallas_src>
import functools
import math

import jax
import jax.numpy as jnp
from jax import lax
from jax.experimental import pallas as pl
from jax.experimental.pallas import tpu as pltpu
from jax.experimental.pallas import tpu_sc as plsc

_NSLICES = 5
_CHUNK = 64


def _sc_gather_slice(tables, idxs, k_off, n_slice, tc_tiling):
    info = plsc.get_sparse_core_info()
    nw = info.num_cores * info.num_subcores
    per_w = n_slice // nw
    chunk = _CHUNK
    n_chunks = per_w // chunk
    assert per_w % chunk == 0 and n_slice % nw == 0
    dims = [t.shape[1] for t in tables]

    mesh = plsc.VectorSubcoreMesh(core_axis_name="c", subcore_axis_name="s")
    out_type = [jax.ShapeDtypeStruct((n_slice, d), jnp.float32) for d in dims]
    scratch = (
        [pltpu.VMEM((per_w,), jnp.int32) for _ in tables]
        + [pltpu.VMEM((chunk, d), jnp.float32) for d in dims]
        + [pltpu.SemaphoreType.DMA]
    )

    @functools.partial(
        pl.kernel,
        out_type=out_type,
        mesh=mesh,
        scratch_types=scratch,
        compiler_params=pltpu.CompilerParams(use_tc_tiling_on_sc=tc_tiling),
    )
    def k(*refs):
        nt = len(tables)
        tabs = refs[:nt]
        idx_h = refs[nt:2 * nt]
        outs = refs[2 * nt:3 * nt]
        idx_v = refs[3 * nt:4 * nt]
        bufs = refs[4 * nt:5 * nt]
        sem = refs[5 * nt]

        wid = lax.axis_index("s") * info.num_cores + lax.axis_index("c")
        base = wid * per_w
        for t in range(nt):
            pltpu.sync_copy(idx_h[t].at[pl.ds(k_off + base, per_w)], idx_v[t])

        def body(j, _):
            off = j * chunk
            cps = []
            for t in range(nt):
                cps.append(
                    pltpu.async_copy(
                        tabs[t].at[idx_v[t].at[pl.ds(off, chunk)]], bufs[t], sem
                    )
                )
            for c in cps:
                c.wait()
            for t in range(nt):
                pltpu.sync_copy(bufs[t], outs[t].at[pl.ds(base + off, chunk)])
            return 0

        lax.fori_loop(0, n_chunks, body, 0)

    return k(*tables, *idxs)


_COS_POLY = (0.9999999922898433, -19.739205553483565, 64.93917219630283,
             -85.45116501824775, 60.17622317114787, -26.000498056834275,
             6.575565932038976)


def _tc_combine_body(u_ref, s1_ref, s2_ref, s3_ref, dis_ref, x3_ref,
                     wu_ref, w1_ref, w2_ref, w3_ref, b1_ref,
                     w21_ref, b21_ref, cwt_ref, cb_ref, om_ref, ceb_ref,
                     out_ref):
    nl, nbatch, dd = out_ref.shape
    xf_ref = x3_ref[:].reshape(nl * nbatch, 8)
    f32 = jnp.float32
    pre = lax.dot(u_ref[:].astype(jnp.bfloat16), wu_ref[:],
                  preferred_element_type=f32)
    pre += lax.dot(s1_ref[:].astype(jnp.bfloat16), w1_ref[:],
                   preferred_element_type=f32)
    pre += lax.dot(s2_ref[:].astype(jnp.bfloat16), w2_ref[:],
                   preferred_element_type=f32)
    pre += lax.dot(s3_ref[:].astype(jnp.bfloat16), w3_ref[:],
                   preferred_element_type=f32)
    pre += b1_ref[:]
    alpha = 1.6732632423543772848170429916717
    scale = 1.0507009873554804934193349852946
    h1 = scale * jnp.where(pre > 0, pre, alpha * (jnp.exp(pre) - 1.0))
    mu = lax.dot(h1.astype(jnp.bfloat16), w21_ref[:],
                 preferred_element_type=f32) + b21_ref[:]
    x5 = xf_ref[:, 5:6]
    x6 = xf_ref[:, 6:7]
    t = xf_ref[:, 7:8]
    del xf_ref
    conp = x5 * cwt_ref[0:1, :] + x6 * cwt_ref[1:2, :] + cb_ref[:]
    r = t * om_ref[:] + ceb_ref[:]
    r = r - jnp.floor(r + 0.5)
    usq = r * r
    enc = jnp.full_like(usq, _COS_POLY[6])
    for c in _COS_POLY[5::-1]:
        enc = enc * usq + c
    div = math.sqrt(1.0 / 768.0)
    acc = dis_ref[:] + conp + mu + div * enc
    out_ref[:] = acc.reshape(nl, nbatch, dd)


_NLBLK = 1


def _combine_specs(nbatch, d, grid_off):
    nl = _NLBLK
    tok = lambda w: pl.BlockSpec((nl * nbatch, w), lambda i: (i, 0))
    xtok = pl.BlockSpec((nl, nbatch, 8), lambda i: (grid_off + i, 0, 0))
    out = pl.BlockSpec((nl, nbatch, d), lambda i: (grid_off + i, 0, 0))
    return tok, xtok, out


def _tc_combine_slice(prev, gathered, xf, weights, seqlen, nbatch, d, kslice):
    n_slice = gathered[0].shape[0]
    grid = n_slice // (nbatch * _NLBLK)
    tok, xtok, out_spec = _combine_specs(nbatch, d, kslice * grid)
    full = lambda a: pl.BlockSpec(a.shape, lambda i: (0,) * a.ndim)

    in_specs = [tok(128), tok(64), tok(32), tok(16), tok(d), xtok] \
        + [full(w) for w in weights]
    body = _tc_combine_body
    args = tuple(gathered) + (xf,) + tuple(weights)
    aliases = {}
    if prev is not None:
        in_specs = [pl.BlockSpec(memory_space=pl.ANY)] + in_specs
        body = lambda p, *refs: _tc_combine_body(*refs)
        args = (prev,) + args
        aliases = {0: 0}
    return pl.pallas_call(
        body,
        grid=(grid,),
        in_specs=in_specs,
        out_specs=out_spec,
        out_shape=jax.ShapeDtypeStruct((seqlen, nbatch, d), jnp.float32),
        input_output_aliases=aliases,
    )(*args)


def kernel(x, emb_u, emb_s1, emb_s2, emb_s3, fc1_w, fc1_b, fc21_w, fc21_b,
           fc22_w, fc22_b, dis_emb, con_w, con_b, omega, ce_bias):
    b, l, _ = x.shape
    n = b * l
    d = dis_emb.shape[1]
    xf = lax.optimization_barrier(jnp.transpose(x, (1, 0, 2)))
    idxs = [xf[:, :, k].astype(jnp.int32).reshape(n) for k in range(5)]
    wide_tables = [emb_u, dis_emb]
    narrow_tables = [emb_s1, emb_s2, emb_s3]

    bf16 = jnp.bfloat16
    w1t = fc1_w.T.astype(bf16)
    wu, w1, w2, w3 = w1t[:128], w1t[128:192], w1t[192:224], w1t[224:240]
    w21t = fc21_w.T.astype(bf16)
    b1 = fc1_b.reshape(1, -1)
    b21 = fc21_b.reshape(1, -1)
    cwt = con_w.T
    cb = con_b.reshape(1, -1)
    inv2pi = 1.0 / (2.0 * math.pi)
    om = omega.reshape(1, -1) * inv2pi
    ceb = ce_bias.reshape(1, -1) * inv2pi
    weights = (wu, w1, w2, w3, b1, w21t, b21, cwt, cb, om, ceb)

    n_slice = n // _NSLICES
    out = None
    for ks in range(_NSLICES):
        k_off = ks * n_slice
        u, dis = _sc_gather_slice(wide_tables, [idxs[0], idxs[4]],
                                  k_off, n_slice, True)
        s1, s2, s3 = _sc_gather_slice(narrow_tables, idxs[1:4],
                                      k_off, n_slice, False)
        out = _tc_combine_slice(out, (u, s1, s2, s3, dis), xf, weights,
                                l, b, d, ks)
    return jnp.transpose(out, (1, 0, 2))

# --- scband reference (transcript-rebuilt; emitter-appended) ---
"""Pipeline reference for scband-traj-embedding-16063177687204 (READ-ONLY COPY).

The authoritative reference and input builder live on the scoring server;
editing this copy changes nothing except your own understanding.
"""

import math
import jax, jax.numpy as jnp
import numpy as np

B, L, V, D = 1024, 50, 100000, 768

def setup_inputs(seed: int = 0) -> dict:
    key = jax.random.key(seed)
    ks = jax.random.split(key, 16)
    x = jax.random.randint(ks[0], (B, L, 8), 0, V).astype(jnp.float32)
    inp = {
        'x': x,
        'emb_u': jax.random.normal(ks[1], (V, 128), jnp.float32) * 0.02,
        'emb_s1': jax.random.normal(ks[2], (V, 64), jnp.float32) * 0.02,
        'emb_s2': jax.random.normal(ks[3], (V, 32), jnp.float32) * 0.02,
        'emb_s3': jax.random.normal(ks[4], (V, 16), jnp.float32) * 0.02,
        'fc1_w': jax.random.normal(ks[5], (512, 240), jnp.float32) * (1.0 / math.sqrt(240)),
        'fc1_b': jnp.zeros((512,), jnp.float32),
        'fc21_w': jax.random.normal(ks[6], (768, 512), jnp.float32) * (1.0 / math.sqrt(512)),
        'fc21_b': jnp.zeros((768,), jnp.float32),
        'fc22_w': jax.random.normal(ks[7], (768, 512), jnp.float32) * (1.0 / math.sqrt(512)),
        'fc22_b': jnp.zeros((768,), jnp.float32),
        'dis_emb': jax.random.normal(ks[8], (V, D), jnp.float32) * 0.02,
        'con_w': jax.random.normal(ks[9], (D, 2), jnp.float32) * (1.0 / math.sqrt(2)),
        'con_b': jnp.zeros((D,), jnp.float32),
        'omega': jnp.asarray(1.0 / 10 ** np.linspace(0, 9, D), jnp.float32),
        'ce_bias': jnp.zeros((D,), jnp.float32),
    }
    return inp

def reference(x, emb_u, emb_s1, emb_s2, emb_s3, fc1_w, fc1_b, fc21_w, fc21_b, fc22_w, fc22_b, dis_emb, con_w, con_b, omega, ce_bias):
    # eval-mode forward of TrajEmbedding (dropout=identity, reparameterize returns mu)
    iu = x[..., 0].astype(jnp.int32)
    i1 = x[..., 1].astype(jnp.int32)
    i2 = x[..., 2].astype(jnp.int32)
    i3 = x[..., 3].astype(jnp.int32)
    u = jnp.take(emb_u, iu, axis=0)
    s1 = jnp.take(emb_s1, i1, axis=0)
    s2 = jnp.take(emb_s2, i2, axis=0)
    s3 = jnp.take(emb_s3, i3, axis=0)
    cu = jnp.concatenate([u, s1, s2, s3], axis=-1)
    h1 = jax.nn.selu(cu @ fc1_w.T + fc1_b)
    mu = h1 @ fc21_w.T + fc21_b
    logvar = h1 @ fc22_w.T + fc22_b  # computed but unused in eval (rho = mu)
    rho = mu
    idis = x[..., 4].astype(jnp.int32)
    h = jnp.take(dis_emb, idis, axis=0)
    con = jnp.stack([x[..., 5], x[..., 6]], axis=-1)
    h = h + con @ con_w.T + con_b
    h = h + rho
    t = x[..., 7]
    div_term = math.sqrt(1.0 / D)
    enc = div_term * jnp.cos(t[..., None] * omega.reshape(1, 1, -1) + ce_bias.reshape(1, 1, -1))
    h = h + enc
    return h

if __name__ == "__main__":
    import jax
    _d = setup_inputs()
    print(jax.jit(kernel)(*tuple(_d.values())))

</pallas_src>

<mosaic_0001>
#map = affine_map<(d0, d1) -> (0, 0)>
#map1 = affine_map<(d0, d1) -> (0)>
module attributes {stable_mosaic.version = 14 : i64} {
  func.func @k(%arg0: i32, %arg1: i32, %arg2: memref<100000x64xf32, #tpu.memory_space<hbm>>, %arg3: memref<100000x32xf32, #tpu.memory_space<hbm>>, %arg4: memref<100000x16xf32, #tpu.memory_space<hbm>>, %arg5: memref<51200xi32, #tpu.memory_space<hbm>>, %arg6: memref<51200xi32, #tpu.memory_space<hbm>>, %arg7: memref<51200xi32, #tpu.memory_space<hbm>>, %arg8: memref<10240x64xf32, #tpu.memory_space<hbm>>, %arg9: memref<10240x32xf32, #tpu.memory_space<hbm>>, %arg10: memref<10240x16xf32, #tpu.memory_space<hbm>>, %arg11: memref<320xi32, #tpu.memory_space<vmem>>, %arg12: memref<320xi32, #tpu.memory_space<vmem>>, %arg13: memref<320xi32, #tpu.memory_space<vmem>>, %arg14: memref<64x64xf32, #tpu.memory_space<vmem>>, %arg15: memref<64x32xf32, #tpu.memory_space<vmem>>, %arg16: memref<64x16xf32, #tpu.memory_space<vmem>>, %arg17: memref<!tpu.dma_semaphore, #tpu.memory_space<semaphore_mem>>) attributes {dimension_semantics = [#tpu.dimension_semantics<core_parallel>, #tpu.dimension_semantics<subcore_parallel>], iteration_bounds = array<i64: 2, 16>, scalar_prefetch = 0 : i64, scratch_operands = 7 : i64, tpu.core_type = #tpu.core_type<sc_vector_subcore>, window_params = [{transform_indices = #map}, {transform_indices = #map}, {transform_indices = #map}, {transform_indices = #map1}, {transform_indices = #map1}, {transform_indices = #map1}, {transform_indices = #map}, {transform_indices = #map}, {transform_indices = #map}]} {
    %mul3A = arith.constant 2 : i32
    %mul3A_0 = arith.muli %arg1, %mul3A : i32
    %add3A = arith.addi %mul3A_0, %arg0 : i32
    %mul3A_1 = arith.constant 320 : i32
    %mul3A_2 = arith.muli %add3A, %mul3A_1 : i32
    %add3A_3 = arith.constant 0 : i32
    %add3A_4 = arith.addi %add3A_3, %mul3A_2 : i32
    "tpu.region"() ({
      %run_scoped3A = tpu.sem_alloc : memref<!tpu.dma_semaphore, #tpu.memory_space<semaphore_mem>>
      %dma_start3A = tpu.memref_slice %arg5[%add3A_4] : memref<51200xi32, #tpu.memory_space<hbm>> -> memref<320xi32, #tpu.memory_space<hbm>>
      %dma_start3A_15 = tpu.memref_slice %arg5[%add3A_4] : memref<51200xi32, #tpu.memory_space<hbm>> -> memref<320xi32, #tpu.memory_space<hbm>>
      tpu.enqueue_dma source(%dma_start3A_15 : memref<320xi32, #tpu.memory_space<hbm>>) target(%arg11 : memref<320xi32, #tpu.memory_space<vmem>>) target_semaphore(%run_scoped3A : memref<!tpu.dma_semaphore, #tpu.memory_space<semaphore_mem>>)
      %dma_wait3A = tpu.memref_slice %arg5[%add3A_4] : memref<51200xi32, #tpu.memory_space<hbm>> -> memref<320xi32, #tpu.memory_space<hbm>>
      %dma_wait3A_16 = tpu.memref_slice %arg5[%add3A_4] : memref<51200xi32, #tpu.memory_space<hbm>> -> memref<320xi32, #tpu.memory_space<hbm>>
      tpu.wait_dma2 semaphore(%run_scoped3A : memref<!tpu.dma_semaphore, #tpu.memory_space<semaphore_mem>>) src(%dma_wait3A_16 : memref<320xi32, #tpu.memory_space<hbm>>) dst(%arg11 : memref<320xi32, #tpu.memory_space<vmem>>)
      tpu.yield
    }) : () -> ()
    %add3A_5 = arith.constant 0 : i32
    %add3A_6 = arith.addi %add3A_5, %mul3A_2 : i32
    "tpu.region"() ({
      %run_scoped3A = tpu.sem_alloc : memref<!tpu.dma_semaphore, #tpu.memory_space<semaphore_mem>>
      %dma_start3A = tpu.memref_slice %arg6[%add3A_6] : memref<51200xi32, #tpu.memory_space<hbm>> -> memref<320xi32, #tpu.memory_space<hbm>>
      %dma_start3A_15 = tpu.memref_slice %arg6[%add3A_6] : memref<51200xi32, #tpu.memory_space<hbm>> -> memref<320xi32, #tpu.memory_space<hbm>>
      tpu.enqueue_dma source(%dma_start3A_15 : memref<320xi32, #tpu.memory_space<hbm>>) target(%arg12 : memref<320xi32, #tpu.memory_space<vmem>>) target_semaphore(%run_scoped3A : memref<!tpu.dma_semaphore, #tpu.memory_space<semaphore_mem>>)
      %dma_wait3A = tpu.memref_slice %arg6[%add3A_6] : memref<51200xi32, #tpu.memory_space<hbm>> -> memref<320xi32, #tpu.memory_space<hbm>>
      %dma_wait3A_16 = tpu.memref_slice %arg6[%add3A_6] : memref<51200xi32, #tpu.memory_space<hbm>> -> memref<320xi32, #tpu.memory_space<hbm>>
      tpu.wait_dma2 semaphore(%run_scoped3A : memref<!tpu.dma_semaphore, #tpu.memory_space<semaphore_mem>>) src(%dma_wait3A_16 : memref<320xi32, #tpu.memory_space<hbm>>) dst(%arg12 : memref<320xi32, #tpu.memory_space<vmem>>)
      tpu.yield
    }) : () -> ()
    %add3A_7 = arith.constant 0 : i32
    %add3A_8 = arith.addi %add3A_7, %mul3A_2 : i32
    "tpu.region"() ({
      %run_scoped3A = tpu.sem_alloc : memref<!tpu.dma_semaphore, #tpu.memory_space<semaphore_mem>>
      %dma_start3A = tpu.memref_slice %arg7[%add3A_8] : memref<51200xi32, #tpu.memory_space<hbm>> -> memref<320xi32, #tpu.memory_space<hbm>>
      %dma_start3A_15 = tpu.memref_slice %arg7[%add3A_8] : memref<51200xi32, #tpu.memory_space<hbm>> -> memref<320xi32, #tpu.memory_space<hbm>>
      tpu.enqueue_dma source(%dma_start3A_15 : memref<320xi32, #tpu.memory_space<hbm>>) target(%arg13 : memref<320xi32, #tpu.memory_space<vmem>>) target_semaphore(%run_scoped3A : memref<!tpu.dma_semaphore, #tpu.memory_space<semaphore_mem>>)
      %dma_wait3A = tpu.memref_slice %arg7[%add3A_8] : memref<51200xi32, #tpu.memory_space<hbm>> -> memref<320xi32, #tpu.memory_space<hbm>>
      %dma_wait3A_16 = tpu.memref_slice %arg7[%add3A_8] : memref<51200xi32, #tpu.memory_space<hbm>> -> memref<320xi32, #tpu.memory_space<hbm>>
      tpu.wait_dma2 semaphore(%run_scoped3A : memref<!tpu.dma_semaphore, #tpu.memory_space<semaphore_mem>>) src(%dma_wait3A_16 : memref<320xi32, #tpu.memory_space<hbm>>) dst(%arg13 : memref<320xi32, #tpu.memory_space<vmem>>)
      tpu.yield
    }) : () -> ()
    %scan3A = arith.constant 0 : i32
    %scan3A_9 = arith.constant 0 : i32
    %scan3A_10 = arith.constant 5 : i32
    %scan3A_11 = arith.addi %scan3A_9, %scan3A_10 : i32
    %scan3A_12 = arith.constant 1 : i32
    %scan3A_13 = scf.for %scan3A_15 = %scan3A_9 to %scan3A_11 step %scan3A_12 iter_args(%scan3A_16 = %scan3A) -> (i32)  : i32 {
      %mul3A_17 = arith.constant 64 : i32
      %mul3A_18 = arith.muli %scan3A_15, %mul3A_17 : i32
      %dma_start3A = tpu.memref_slice %arg11[%mul3A_18] : memref<320xi32, #tpu.memory_space<vmem>> -> memref<64xi32, #tpu.memory_space<vmem>>
      %dma_start3A_19 = arith.constant 0 : i32
      %dma_start3A_20 = arith.constant 0 : i32
      %dma_start3A_21 = tpu.memref_slice %arg2[%dma_start3A_19, %dma_start3A_20] : memref<100000x64xf32, #tpu.memory_space<hbm>> -> memref<100000x64xf32, #tpu.memory_space<hbm>>
      tpu.enqueue_indirect_dma source(%dma_start3A_21 : memref<100000x64xf32, #tpu.memory_space<hbm>>) target(%arg14 : memref<64x64xf32, #tpu.memory_space<vmem>>) offsets(%dma_start3A : memref<64xi32, #tpu.memory_space<vmem>>) semaphore(%arg17 : memref<!tpu.dma_semaphore, #tpu.memory_space<semaphore_mem>>)
      %dma_start3A_22 = tpu.memref_slice %arg12[%mul3A_18] : memref<320xi32, #tpu.memory_space<vmem>> -> memref<64xi32, #tpu.memory_space<vmem>>
      %dma_start3A_23 = arith.constant 0 : i32
      %dma_start3A_24 = arith.constant 0 : i32
      %dma_start3A_25 = tpu.memref_slice %arg3[%dma_start3A_23, %dma_start3A_24] : memref<100000x32xf32, #tpu.memory_space<hbm>> -> memref<100000x32xf32, #tpu.memory_space<hbm>>
      tpu.enqueue_indirect_dma source(%dma_start3A_25 : memref<100000x32xf32, #tpu.memory_space<hbm>>) target(%arg15 : memref<64x32xf32, #tpu.memory_space<vmem>>) offsets(%dma_start3A_22 : memref<64xi32, #tpu.memory_space<vmem>>) semaphore(%arg17 : memref<!tpu.dma_semaphore, #tpu.memory_space<semaphore_mem>>)
      %dma_start3A_26 = tpu.memref_slice %arg13[%mul3A_18] : memref<320xi32, #tpu.memory_space<vmem>> -> memref<64xi32, #tpu.memory_space<vmem>>
      %dma_start3A_27 = arith.constant 0 : i32
      %dma_start3A_28 = arith.constant 0 : i32
      %dma_start3A_29 = tpu.memref_slice %arg4[%dma_start3A_27, %dma_start3A_28] : memref<100000x16xf32, #tpu.memory_space<hbm>> -> memref<100000x16xf32, #tpu.memory_space<hbm>>
      tpu.enqueue_indirect_dma source(%dma_start3A_29 : memref<100000x16xf32, #tpu.memory_space<hbm>>) target(%arg16 : memref<64x16xf32, #tpu.memory_space<vmem>>) offsets(%dma_start3A_26 : memref<64xi32, #tpu.memory_space<vmem>>) semaphore(%arg17 : memref<!tpu.dma_semaphore, #tpu.memory_space<semaphore_mem>>)
      %dma_wait3A = tpu.memref_slice %arg11[%mul3A_18] : memref<320xi32, #tpu.memory_space<vmem>> -> memref<64xi32, #tpu.memory_space<vmem>>
      %dma_wait3A_30 = arith.constant 0 : i32
      %dma_wait3A_31 = arith.constant 0 : i32
      %dma_wait3A_32 = tpu.memref_slice %arg2[%dma_wait3A_30, %dma_wait3A_31] : memref<100000x64xf32, #tpu.memory_space<hbm>> -> memref<100000x64xf32, #tpu.memory_space<hbm>>
      tpu.wait_indirect_dma semaphore(%arg17 : memref<!tpu.dma_semaphore, #tpu.memory_space<semaphore_mem>>) src(%dma_wait3A_32 : memref<100000x64xf32, #tpu.memory_space<hbm>>) dst(%arg14 : memref<64x64xf32, #tpu.memory_space<vmem>>)
      %dma_wait3A_33 = tpu.memref_slice %arg12[%mul3A_18] : memref<320xi32, #tpu.memory_space<vmem>> -> memref<64xi32, #tpu.memory_space<vmem>>
      %dma_wait3A_34 = arith.constant 0 : i32
      %dma_wait3A_35 = arith.constant 0 : i32
      %dma_wait3A_36 = tpu.memref_slice %arg3[%dma_wait3A_34, %dma_wait3A_35] : memref<100000x32xf32, #tpu.memory_space<hbm>> -> memref<100000x32xf32, #tpu.memory_space<hbm>>
      tpu.wait_indirect_dma semaphore(%arg17 : memref<!tpu.dma_semaphore, #tpu.memory_space<semaphore_mem>>) src(%dma_wait3A_36 : memref<100000x32xf32, #tpu.memory_space<hbm>>) dst(%arg15 : memref<64x32xf32, #tpu.memory_space<vmem>>)
      %dma_wait3A_37 = tpu.memref_slice %arg13[%mul3A_18] : memref<320xi32, #tpu.memory_space<vmem>> -> memref<64xi32, #tpu.memory_space<vmem>>
      %dma_wait3A_38 = arith.constant 0 : i32
      %dma_wait3A_39 = arith.constant 0 : i32
      %dma_wait3A_40 = tpu.memref_slice %arg4[%dma_wait3A_38, %dma_wait3A_39] : memref<100000x16xf32, #tpu.memory_space<hbm>> -> memref<100000x16xf32, #tpu.memory_space<hbm>>
      tpu.wait_indirect_dma semaphore(%arg17 : memref<!tpu.dma_semaphore, #tpu.memory_space<semaphore_mem>>) src(%dma_wait3A_40 : memref<100000x16xf32, #tpu.memory_space<hbm>>) dst(%arg16 : memref<64x16xf32, #tpu.memory_space<vmem>>)
      %add3A_41 = arith.addi %mul3A_2, %mul3A_18 : i32
      "tpu.region"() ({
        %run_scoped3A = tpu.sem_alloc : memref<!tpu.dma_semaphore, #tpu.memory_space<semaphore_mem>>
        %dma_start3A_45 = arith.constant 0 : i32
        %dma_start3A_46 = tpu.memref_slice %arg8[%add3A_41, %dma_start3A_45] : memref<10240x64xf32, #tpu.memory_space<hbm>> -> memref<64x64xf32, #tpu.memory_space<hbm>>
        %dma_start3A_47 = arith.constant 0 : i32
        %dma_start3A_48 = tpu.memref_slice %arg8[%add3A_41, %dma_start3A_47] : memref<10240x64xf32, #tpu.memory_space<hbm>> -> memref<64x64xf32, #tpu.memory_space<hbm>>
        tpu.enqueue_dma source(%arg14 : memref<64x64xf32, #tpu.memory_space<vmem>>) target(%dma_start3A_48 : memref<64x64xf32, #tpu.memory_space<hbm>>) target_semaphore(%run_scoped3A : memref<!tpu.dma_semaphore, #tpu.memory_space<semaphore_mem>>)
        %dma_wait3A_49 = arith.constant 0 : i32
        %dma_wait3A_50 = tpu.memref_slice %arg8[%add3A_41, %dma_wait3A_49] : memref<10240x64xf32, #tpu.memory_space<hbm>> -> memref<64x64xf32, #tpu.memory_space<hbm>>
        %dma_wait3A_51 = arith.constant 0 : i32
        %dma_wait3A_52 = tpu.memref_slice %arg8[%add3A_41, %dma_wait3A_51] : memref<10240x64xf32, #tpu.memory_space<hbm>> -> memref<64x64xf32, #tpu.memory_space<hbm>>
        tpu.wait_dma2 semaphore(%run_scoped3A : memref<!tpu.dma_semaphore, #tpu.memory_space<semaphore_mem>>) src(%arg14 : memref<64x64xf32, #tpu.memory_space<vmem>>) dst(%dma_wait3A_52 : memref<64x64xf32, #tpu.memory_space<hbm>>)
        tpu.yield
      }) : () -> ()
      %add3A_42 = arith.addi %mul3A_2, %mul3A_18 : i32
      "tpu.region"() ({
        %run_scoped3A = tpu.sem_alloc : memref<!tpu.dma_semaphore, #tpu.memory_space<semaphore_mem>>
        %dma_start3A_45 = arith.constant 0 : i32
        %dma_start3A_46 = tpu.memref_slice %arg9[%add3A_42, %dma_start3A_45] : memref<10240x32xf32, #tpu.memory_space<hbm>> -> memref<64x32xf32, #tpu.memory_space<hbm>>
        %dma_start3A_47 = arith.constant 0 : i32
        %dma_start3A_48 = tpu.memref_slice %arg9[%add3A_42, %dma_start3A_47] : memref<10240x32xf32, #tpu.memory_space<hbm>> -> memref<64x32xf32, #tpu.memory_space<hbm>>
        tpu.enqueue_dma source(%arg15 : memref<64x32xf32, #tpu.memory_space<vmem>>) target(%dma_start3A_48 : memref<64x32xf32, #tpu.memory_space<hbm>>) target_semaphore(%run_scoped3A : memref<!tpu.dma_semaphore, #tpu.memory_space<semaphore_mem>>)
        %dma_wait3A_49 = arith.constant 0 : i32
        %dma_wait3A_50 = tpu.memref_slice %arg9[%add3A_42, %dma_wait3A_49] : memref<10240x32xf32, #tpu.memory_space<hbm>> -> memref<64x32xf32, #tpu.memory_space<hbm>>
        %dma_wait3A_51 = arith.constant 0 : i32
        %dma_wait3A_52 = tpu.memref_slice %arg9[%add3A_42, %dma_wait3A_51] : memref<10240x32xf32, #tpu.memory_space<hbm>> -> memref<64x32xf32, #tpu.memory_space<hbm>>
        tpu.wait_dma2 semaphore(%run_scoped3A : memref<!tpu.dma_semaphore, #tpu.memory_space<semaphore_mem>>) src(%arg15 : memref<64x32xf32, #tpu.memory_space<vmem>>) dst(%dma_wait3A_52 : memref<64x32xf32, #tpu.memory_space<hbm>>)
        tpu.yield
      }) : () -> ()
      %add3A_43 = arith.addi %mul3A_2, %mul3A_18 : i32
      "tpu.region"() ({
        %run_scoped3A = tpu.sem_alloc : memref<!tpu.dma_semaphore, #tpu.memory_space<semaphore_mem>>
        %dma_start3A_45 = arith.constant 0 : i32
        %dma_start3A_46 = tpu.memref_slice %arg10[%add3A_43, %dma_start3A_45] : memref<10240x16xf32, #tpu.memory_space<hbm>> -> memref<64x16xf32, #tpu.memory_space<hbm>>
        %dma_start3A_47 = arith.constant 0 : i32
        %dma_start3A_48 = tpu.memref_slice %arg10[%add3A_43, %dma_start3A_47] : memref<10240x16xf32, #tpu.memory_space<hbm>> -> memref<64x16xf32, #tpu.memory_space<hbm>>
        tpu.enqueue_dma source(%arg16 : memref<64x16xf32, #tpu.memory_space<vmem>>) target(%dma_start3A_48 : memref<64x16xf32, #tpu.memory_space<hbm>>) target_semaphore(%run_scoped3A : memref<!tpu.dma_semaphore, #tpu.memory_space<semaphore_mem>>)
        %dma_wait3A_49 = arith.constant 0 : i32
        %dma_wait3A_50 = tpu.memref_slice %arg10[%add3A_43, %dma_wait3A_49] : memref<10240x16xf32, #tpu.memory_space<hbm>> -> memref<64x16xf32, #tpu.memory_space<hbm>>
        %dma_wait3A_51 = arith.constant 0 : i32
        %dma_wait3A_52 = tpu.memref_slice %arg10[%add3A_43, %dma_wait3A_51] : memref<10240x16xf32, #tpu.memory_space<hbm>> -> memref<64x16xf32, #tpu.memory_space<hbm>>
        tpu.wait_dma2 semaphore(%run_scoped3A : memref<!tpu.dma_semaphore, #tpu.memory_space<semaphore_mem>>) src(%arg16 : memref<64x16xf32, #tpu.memory_space<vmem>>) dst(%dma_wait3A_52 : memref<64x16xf32, #tpu.memory_space<hbm>>)
        tpu.yield
      }) : () -> ()
      %scan3A_44 = arith.constant 0 : i32
      scf.yield %scan3A_44 : i32
    }
    %scan3A_14 = arith.constant 5 : i32
    return
  }
}

#map = affine_map<(d0, d1) -> (0, 0)>
#map1 = affine_map<(d0, d1) -> (0)>
module attributes {stable_mosaic.version = 14 : i64} {
  func.func @k(%arg0: i32, %arg1: i32, %arg2: memref<100000x64xf32, #tpu.memory_space<hbm>>, %arg3: memref<100000x32xf32, #tpu.memory_space<hbm>>, %arg4: memref<100000x16xf32, #tpu.memory_space<hbm>>, %arg5: memref<51200xi32, #tpu.memory_space<hbm>>, %arg6: memref<51200xi32, #tpu.memory_space<hbm>>, %arg7: memref<51200xi32, #tpu.memory_space<hbm>>, %arg8: memref<10240x64xf32, #tpu.memory_space<hbm>>, %arg9: memref<10240x32xf32, #tpu.memory_space<hbm>>, %arg10: memref<10240x16xf32, #tpu.memory_space<hbm>>, %arg11: memref<320xi32, #tpu.memory_space<vmem>>, %arg12: memref<320xi32, #tpu.memory_space<vmem>>, %arg13: memref<320xi32, #tpu.memory_space<vmem>>, %arg14: memref<64x64xf32, #tpu.memory_space<vmem>>, %arg15: memref<64x32xf32, #tpu.memory_space<vmem>>, %arg16: memref<64x16xf32, #tpu.memory_space<vmem>>, %arg17: memref<!tpu.dma_semaphore, #tpu.memory_space<semaphore_mem>>) attributes {dimension_semantics = [#tpu.dimension_semantics<core_parallel>, #tpu.dimension_semantics<subcore_parallel>], iteration_bounds = array<i64: 2, 16>, scalar_prefetch = 0 : i64, scratch_operands = 7 : i64, tpu.core_type = #tpu.core_type<sc_vector_subcore>, window_params = [{transform_indices = #map}, {transform_indices = #map}, {transform_indices = #map}, {transform_indices = #map1}, {transform_indices = #map1}, {transform_indices = #map1}, {transform_indices = #map}, {transform_indices = #map}, {transform_indices = #map}]} {
    %mul3A = arith.constant 2 : i32
    %mul3A_0 = arith.muli %arg1, %mul3A : i32
    %add3A = arith.addi %mul3A_0, %arg0 : i32
    %mul3A_1 = arith.constant 320 : i32
    %mul3A_2 = arith.muli %add3A, %mul3A_1 : i32
    %add3A_3 = arith.constant 20480 : i32
    %add3A_4 = arith.addi %add3A_3, %mul3A_2 : i32
    "tpu.region"() ({
      %run_scoped3A = tpu.sem_alloc : memref<!tpu.dma_semaphore, #tpu.memory_space<semaphore_mem>>
      %dma_start3A = tpu.memref_slice %arg5[%add3A_4] : memref<51200xi32, #tpu.memory_space<hbm>> -> memref<320xi32, #tpu.memory_space<hbm>>
      %dma_start3A_15 = tpu.memref_slice %arg5[%add3A_4] : memref<51200xi32, #tpu.memory_space<hbm>> -> memref<320xi32, #tpu.memory_space<hbm>>
      tpu.enqueue_dma source(%dma_start3A_15 : memref<320xi32, #tpu.memory_space<hbm>>) target(%arg11 : memref<320xi32, #tpu.memory_space<vmem>>) target_semaphore(%run_scoped3A : memref<!tpu.dma_semaphore, #tpu.memory_space<semaphore_mem>>)
      %dma_wait3A = tpu.memref_slice %arg5[%add3A_4] : memref<51200xi32, #tpu.memory_space<hbm>> -> memref<320xi32, #tpu.memory_space<hbm>>
      %dma_wait3A_16 = tpu.memref_slice %arg5[%add3A_4] : memref<51200xi32, #tpu.memory_space<hbm>> -> memref<320xi32, #tpu.memory_space<hbm>>
      tpu.wait_dma2 semaphore(%run_scoped3A : memref<!tpu.dma_semaphore, #tpu.memory_space<semaphore_mem>>) src(%dma_wait3A_16 : memref<320xi32, #tpu.memory_space<hbm>>) dst(%arg11 : memref<320xi32, #tpu.memory_space<vmem>>)
      tpu.yield
    }) : () -> ()
    %add3A_5 = arith.constant 20480 : i32
    %add3A_6 = arith.addi %add3A_5, %mul3A_2 : i32
    "tpu.region"() ({
      %run_scoped3A = tpu.sem_alloc : memref<!tpu.dma_semaphore, #tpu.memory_space<semaphore_mem>>
      %dma_start3A = tpu.memref_slice %arg6[%add3A_6] : memref<51200xi32, #tpu.memory_space<hbm>> -> memref<320xi32, #tpu.memory_space<hbm>>
      %dma_start3A_15 = tpu.memref_slice %arg6[%add3A_6] : memref<51200xi32, #tpu.memory_space<hbm>> -> memref<320xi32, #tpu.memory_space<hbm>>
      tpu.enqueue_dma source(%dma_start3A_15 : memref<320xi32, #tpu.memory_space<hbm>>) target(%arg12 : memref<320xi32, #tpu.memory_space<vmem>>) target_semaphore(%run_scoped3A : memref<!tpu.dma_semaphore, #tpu.memory_space<semaphore_mem>>)
      %dma_wait3A = tpu.memref_slice %arg6[%add3A_6] : memref<51200xi32, #tpu.memory_space<hbm>> -> memref<320xi32, #tpu.memory_space<hbm>>
      %dma_wait3A_16 = tpu.memref_slice %arg6[%add3A_6] : memref<51200xi32, #tpu.memory_space<hbm>> -> memref<320xi32, #tpu.memory_space<hbm>>
      tpu.wait_dma2 semaphore(%run_scoped3A : memref<!tpu.dma_semaphore, #tpu.memory_space<semaphore_mem>>) src(%dma_wait3A_16 : memref<320xi32, #tpu.memory_space<hbm>>) dst(%arg12 : memref<320xi32, #tpu.memory_space<vmem>>)
      tpu.yield
    }) : () -> ()
    %add3A_7 = arith.constant 20480 : i32
    %add3A_8 = arith.addi %add3A_7, %mul3A_2 : i32
    "tpu.region"() ({
      %run_scoped3A = tpu.sem_alloc : memref<!tpu.dma_semaphore, #tpu.memory_space<semaphore_mem>>
      %dma_start3A = tpu.memref_slice %arg7[%add3A_8] : memref<51200xi32, #tpu.memory_space<hbm>> -> memref<320xi32, #tpu.memory_space<hbm>>
      %dma_start3A_15 = tpu.memref_slice %arg7[%add3A_8] : memref<51200xi32, #tpu.memory_space<hbm>> -> memref<320xi32, #tpu.memory_space<hbm>>
      tpu.enqueue_dma source(%dma_start3A_15 : memref<320xi32, #tpu.memory_space<hbm>>) target(%arg13 : memref<320xi32, #tpu.memory_space<vmem>>) target_semaphore(%run_scoped3A : memref<!tpu.dma_semaphore, #tpu.memory_space<semaphore_mem>>)
      %dma_wait3A = tpu.memref_slice %arg7[%add3A_8] : memref<51200xi32, #tpu.memory_space<hbm>> -> memref<320xi32, #tpu.memory_space<hbm>>
      %dma_wait3A_16 = tpu.memref_slice %arg7[%add3A_8] : memref<51200xi32, #tpu.memory_space<hbm>> -> memref<320xi32, #tpu.memory_space<hbm>>
      tpu.wait_dma2 semaphore(%run_scoped3A : memref<!tpu.dma_semaphore, #tpu.memory_space<semaphore_mem>>) src(%dma_wait3A_16 : memref<320xi32, #tpu.memory_space<hbm>>) dst(%arg13 : memref<320xi32, #tpu.memory_space<vmem>>)
      tpu.yield
    }) : () -> ()
    %scan3A = arith.constant 0 : i32
    %scan3A_9 = arith.constant 0 : i32
    %scan3A_10 = arith.constant 5 : i32
    %scan3A_11 = arith.addi %scan3A_9, %scan3A_10 : i32
    %scan3A_12 = arith.constant 1 : i32
    %scan3A_13 = scf.for %scan3A_15 = %scan3A_9 to %scan3A_11 step %scan3A_12 iter_args(%scan3A_16 = %scan3A) -> (i32)  : i32 {
      %mul3A_17 = arith.constant 64 : i32
      %mul3A_18 = arith.muli %scan3A_15, %mul3A_17 : i32
      %dma_start3A = tpu.memref_slice %arg11[%mul3A_18] : memref<320xi32, #tpu.memory_space<vmem>> -> memref<64xi32, #tpu.memory_space<vmem>>
      %dma_start3A_19 = arith.constant 0 : i32
      %dma_start3A_20 = arith.constant 0 : i32
      %dma_start3A_21 = tpu.memref_slice %arg2[%dma_start3A_19, %dma_start3A_20] : memref<100000x64xf32, #tpu.memory_space<hbm>> -> memref<100000x64xf32, #tpu.memory_space<hbm>>
      tpu.enqueue_indirect_dma source(%dma_start3A_21 : memref<100000x64xf32, #tpu.memory_space<hbm>>) target(%arg14 : memref<64x64xf32, #tpu.memory_space<vmem>>) offsets(%dma_start3A : memref<64xi32, #tpu.memory_space<vmem>>) semaphore(%arg17 : memref<!tpu.dma_semaphore, #tpu.memory_space<semaphore_mem>>)
      %dma_start3A_22 = tpu.memref_slice %arg12[%mul3A_18] : memref<320xi32, #tpu.memory_space<vmem>> -> memref<64xi32, #tpu.memory_space<vmem>>
      %dma_start3A_23 = arith.constant 0 : i32
      %dma_start3A_24 = arith.constant 0 : i32
      %dma_start3A_25 = tpu.memref_slice %arg3[%dma_start3A_23, %dma_start3A_24] : memref<100000x32xf32, #tpu.memory_space<hbm>> -> memref<100000x32xf32, #tpu.memory_space<hbm>>
      tpu.enqueue_indirect_dma source(%dma_start3A_25 : memref<100000x32xf32, #tpu.memory_space<hbm>>) target(%arg15 : memref<64x32xf32, #tpu.memory_space<vmem>>) offsets(%dma_start3A_22 : memref<64xi32, #tpu.memory_space<vmem>>) semaphore(%arg17 : memref<!tpu.dma_semaphore, #tpu.memory_space<semaphore_mem>>)
      %dma_start3A_26 = tpu.memref_slice %arg13[%mul3A_18] : memref<320xi32, #tpu.memory_space<vmem>> -> memref<64xi32, #tpu.memory_space<vmem>>
      %dma_start3A_27 = arith.constant 0 : i32
      %dma_start3A_28 = arith.constant 0 : i32
      %dma_start3A_29 = tpu.memref_slice %arg4[%dma_start3A_27, %dma_start3A_28] : memref<100000x16xf32, #tpu.memory_space<hbm>> -> memref<100000x16xf32, #tpu.memory_space<hbm>>
      tpu.enqueue_indirect_dma source(%dma_start3A_29 : memref<100000x16xf32, #tpu.memory_space<hbm>>) target(%arg16 : memref<64x16xf32, #tpu.memory_space<vmem>>) offsets(%dma_start3A_26 : memref<64xi32, #tpu.memory_space<vmem>>) semaphore(%arg17 : memref<!tpu.dma_semaphore, #tpu.memory_space<semaphore_mem>>)
      %dma_wait3A = tpu.memref_slice %arg11[%mul3A_18] : memref<320xi32, #tpu.memory_space<vmem>> -> memref<64xi32, #tpu.memory_space<vmem>>
      %dma_wait3A_30 = arith.constant 0 : i32
      %dma_wait3A_31 = arith.constant 0 : i32
      %dma_wait3A_32 = tpu.memref_slice %arg2[%dma_wait3A_30, %dma_wait3A_31] : memref<100000x64xf32, #tpu.memory_space<hbm>> -> memref<100000x64xf32, #tpu.memory_space<hbm>>
      tpu.wait_indirect_dma semaphore(%arg17 : memref<!tpu.dma_semaphore, #tpu.memory_space<semaphore_mem>>) src(%dma_wait3A_32 : memref<100000x64xf32, #tpu.memory_space<hbm>>) dst(%arg14 : memref<64x64xf32, #tpu.memory_space<vmem>>)
      %dma_wait3A_33 = tpu.memref_slice %arg12[%mul3A_18] : memref<320xi32, #tpu.memory_space<vmem>> -> memref<64xi32, #tpu.memory_space<vmem>>
      %dma_wait3A_34 = arith.constant 0 : i32
      %dma_wait3A_35 = arith.constant 0 : i32
      %dma_wait3A_36 = tpu.memref_slice %arg3[%dma_wait3A_34, %dma_wait3A_35] : memref<100000x32xf32, #tpu.memory_space<hbm>> -> memref<100000x32xf32, #tpu.memory_space<hbm>>
      tpu.wait_indirect_dma semaphore(%arg17 : memref<!tpu.dma_semaphore, #tpu.memory_space<semaphore_mem>>) src(%dma_wait3A_36 : memref<100000x32xf32, #tpu.memory_space<hbm>>) dst(%arg15 : memref<64x32xf32, #tpu.memory_space<vmem>>)
      %dma_wait3A_37 = tpu.memref_slice %arg13[%mul3A_18] : memref<320xi32, #tpu.memory_space<vmem>> -> memref<64xi32, #tpu.memory_space<vmem>>
      %dma_wait3A_38 = arith.constant 0 : i32
      %dma_wait3A_39 = arith.constant 0 : i32
      %dma_wait3A_40 = tpu.memref_slice %arg4[%dma_wait3A_38, %dma_wait3A_39] : memref<100000x16xf32, #tpu.memory_space<hbm>> -> memref<100000x16xf32, #tpu.memory_space<hbm>>
      tpu.wait_indirect_dma semaphore(%arg17 : memref<!tpu.dma_semaphore, #tpu.memory_space<semaphore_mem>>) src(%dma_wait3A_40 : memref<100000x16xf32, #tpu.memory_space<hbm>>) dst(%arg16 : memref<64x16xf32, #tpu.memory_space<vmem>>)
      %add3A_41 = arith.addi %mul3A_2, %mul3A_18 : i32
      "tpu.region"() ({
        %run_scoped3A = tpu.sem_alloc : memref<!tpu.dma_semaphore, #tpu.memory_space<semaphore_mem>>
        %dma_start3A_45 = arith.constant 0 : i32
        %dma_start3A_46 = tpu.memref_slice %arg8[%add3A_41, %dma_start3A_45] : memref<10240x64xf32, #tpu.memory_space<hbm>> -> memref<64x64xf32, #tpu.memory_space<hbm>>
        %dma_start3A_47 = arith.constant 0 : i32
        %dma_start3A_48 = tpu.memref_slice %arg8[%add3A_41, %dma_start3A_47] : memref<10240x64xf32, #tpu.memory_space<hbm>> -> memref<64x64xf32, #tpu.memory_space<hbm>>
        tpu.enqueue_dma source(%arg14 : memref<64x64xf32, #tpu.memory_space<vmem>>) target(%dma_start3A_48 : memref<64x64xf32, #tpu.memory_space<hbm>>) target_semaphore(%run_scoped3A : memref<!tpu.dma_semaphore, #tpu.memory_space<semaphore_mem>>)
        %dma_wait3A_49 = arith.constant 0 : i32
        %dma_wait3A_50 = tpu.memref_slice %arg8[%add3A_41, %dma_wait3A_49] : memref<10240x64xf32, #tpu.memory_space<hbm>> -> memref<64x64xf32, #tpu.memory_space<hbm>>
        %dma_wait3A_51 = arith.constant 0 : i32
        %dma_wait3A_52 = tpu.memref_slice %arg8[%add3A_41, %dma_wait3A_51] : memref<10240x64xf32, #tpu.memory_space<hbm>> -> memref<64x64xf32, #tpu.memory_space<hbm>>
        tpu.wait_dma2 semaphore(%run_scoped3A : memref<!tpu.dma_semaphore, #tpu.memory_space<semaphore_mem>>) src(%arg14 : memref<64x64xf32, #tpu.memory_space<vmem>>) dst(%dma_wait3A_52 : memref<64x64xf32, #tpu.memory_space<hbm>>)
        tpu.yield
      }) : () -> ()
      %add3A_42 = arith.addi %mul3A_2, %mul3A_18 : i32
      "tpu.region"() ({
        %run_scoped3A = tpu.sem_alloc : memref<!tpu.dma_semaphore, #tpu.memory_space<semaphore_mem>>
        %dma_start3A_45 = arith.constant 0 : i32
        %dma_start3A_46 = tpu.memref_slice %arg9[%add3A_42, %dma_start3A_45] : memref<10240x32xf32, #tpu.memory_space<hbm>> -> memref<64x32xf32, #tpu.memory_space<hbm>>
        %dma_start3A_47 = arith.constant 0 : i32
        %dma_start3A_48 = tpu.memref_slice %arg9[%add3A_42, %dma_start3A_47] : memref<10240x32xf32, #tpu.memory_space<hbm>> -> memref<64x32xf32, #tpu.memory_space<hbm>>
        tpu.enqueue_dma source(%arg15 : memref<64x32xf32, #tpu.memory_space<vmem>>) target(%dma_start3A_48 : memref<64x32xf32, #tpu.memory_space<hbm>>) target_semaphore(%run_scoped3A : memref<!tpu.dma_semaphore, #tpu.memory_space<semaphore_mem>>)
        %dma_wait3A_49 = arith.constant 0 : i32
        %dma_wait3A_50 = tpu.memref_slice %arg9[%add3A_42, %dma_wait3A_49] : memref<10240x32xf32, #tpu.memory_space<hbm>> -> memref<64x32xf32, #tpu.memory_space<hbm>>
        %dma_wait3A_51 = arith.constant 0 : i32
        %dma_wait3A_52 = tpu.memref_slice %arg9[%add3A_42, %dma_wait3A_51] : memref<10240x32xf32, #tpu.memory_space<hbm>> -> memref<64x32xf32, #tpu.memory_space<hbm>>
        tpu.wait_dma2 semaphore(%run_scoped3A : memref<!tpu.dma_semaphore, #tpu.memory_space<semaphore_mem>>) src(%arg15 : memref<64x32xf32, #tpu.memory_space<vmem>>) dst(%dma_wait3A_52 : memref<64x32xf32, #tpu.memory_space<hbm>>)
        tpu.yield
      }) : () -> ()
      %add3A_43 = arith.addi %mul3A_2, %mul3A_18 : i32
      "tpu.region"() ({
        %run_scoped3A = tpu.sem_alloc : memref<!tpu.dma_semaphore, #tpu.memory_space<semaphore_mem>>
        %dma_start3A_45 = arith.constant 0 : i32
        %dma_start3A_46 = tpu.memref_slice %arg10[%add3A_43, %dma_start3A_45] : memref<10240x16xf32, #tpu.memory_space<hbm>> -> memref<64x16xf32, #tpu.memory_space<hbm>>
        %dma_start3A_47 = arith.constant 0 : i32
        %dma_start3A_48 = tpu.memref_slice %arg10[%add3A_43, %dma_start3A_47] : memref<10240x16xf32, #tpu.memory_space<hbm>> -> memref<64x16xf32, #tpu.memory_space<hbm>>
        tpu.enqueue_dma source(%arg16 : memref<64x16xf32, #tpu.memory_space<vmem>>) target(%dma_start3A_48 : memref<64x16xf32, #tpu.memory_space<hbm>>) target_semaphore(%run_scoped3A : memref<!tpu.dma_semaphore, #tpu.memory_space<semaphore_mem>>)
        %dma_wait3A_49 = arith.constant 0 : i32
        %dma_wait3A_50 = tpu.memref_slice %arg10[%add3A_43, %dma_wait3A_49] : memref<10240x16xf32, #tpu.memory_space<hbm>> -> memref<64x16xf32, #tpu.memory_space<hbm>>
        %dma_wait3A_51 = arith.constant 0 : i32
        %dma_wait3A_52 = tpu.memref_slice %arg10[%add3A_43, %dma_wait3A_51] : memref<10240x16xf32, #tpu.memory_space<hbm>> -> memref<64x16xf32, #tpu.memory_space<hbm>>
        tpu.wait_dma2 semaphore(%run_scoped3A : memref<!tpu.dma_semaphore, #tpu.memory_space<semaphore_mem>>) src(%arg16 : memref<64x16xf32, #tpu.memory_space<vmem>>) dst(%dma_wait3A_52 : memref<64x16xf32, #tpu.memory_space<hbm>>)
        tpu.yield
      }) : () -> ()
      %scan3A_44 = arith.constant 0 : i32
      scf.yield %scan3A_44 : i32
    }
    %scan3A_14 = arith.constant 5 : i32
    return
  }
}

#map = affine_map<(d0, d1) -> (0, 0)>
#map1 = affine_map<(d0, d1) -> (0)>
module attributes {stable_mosaic.version = 14 : i64} {
  func.func @k(%arg0: i32, %arg1: i32, %arg2: memref<100000x64xf32, #tpu.memory_space<hbm>>, %arg3: memref<100000x32xf32, #tpu.memory_space<hbm>>, %arg4: memref<100000x16xf32, #tpu.memory_space<hbm>>, %arg5: memref<51200xi32, #tpu.memory_space<hbm>>, %arg6: memref<51200xi32, #tpu.memory_space<hbm>>, %arg7: memref<51200xi32, #tpu.memory_space<hbm>>, %arg8: memref<10240x64xf32, #tpu.memory_space<hbm>>, %arg9: memref<10240x32xf32, #tpu.memory_space<hbm>>, %arg10: memref<10240x16xf32, #tpu.memory_space<hbm>>, %arg11: memref<320xi32, #tpu.memory_space<vmem>>, %arg12: memref<320xi32, #tpu.memory_space<vmem>>, %arg13: memref<320xi32, #tpu.memory_space<vmem>>, %arg14: memref<64x64xf32, #tpu.memory_space<vmem>>, %arg15: memref<64x32xf32, #tpu.memory_space<vmem>>, %arg16: memref<64x16xf32, #tpu.memory_space<vmem>>, %arg17: memref<!tpu.dma_semaphore, #tpu.memory_space<semaphore_mem>>) attributes {dimension_semantics = [#tpu.dimension_semantics<core_parallel>, #tpu.dimension_semantics<subcore_parallel>], iteration_bounds = array<i64: 2, 16>, scalar_prefetch = 0 : i64, scratch_operands = 7 : i64, tpu.core_type = #tpu.core_type<sc_vector_subcore>, window_params = [{transform_indices = #map}, {transform_indices = #map}, {transform_indices = #map}, {transform_indices = #map1}, {transform_indices = #map1}, {transform_indices = #map1}, {transform_indices = #map}, {transform_indices = #map}, {transform_indices = #map}]} {
    %mul3A = arith.constant 2 : i32
    %mul3A_0 = arith.muli %arg1, %mul3A : i32
    %add3A = arith.addi %mul3A_0, %arg0 : i32
    %mul3A_1 = arith.constant 320 : i32
    %mul3A_2 = arith.muli %add3A, %mul3A_1 : i32
    %add3A_3 = arith.constant 10240 : i32
    %add3A_4 = arith.addi %add3A_3, %mul3A_2 : i32
    "tpu.region"() ({
      %run_scoped3A = tpu.sem_alloc : memref<!tpu.dma_semaphore, #tpu.memory_space<semaphore_mem>>
      %dma_start3A = tpu.memref_slice %arg5[%add3A_4] : memref<51200xi32, #tpu.memory_space<hbm>> -> memref<320xi32, #tpu.memory_space<hbm>>
      %dma_start3A_15 = tpu.memref_slice %arg5[%add3A_4] : memref<51200xi32, #tpu.memory_space<hbm>> -> memref<320xi32, #tpu.memory_space<hbm>>
      tpu.enqueue_dma source(%dma_start3A_15 : memref<320xi32, #tpu.memory_space<hbm>>) target(%arg11 : memref<320xi32, #tpu.memory_space<vmem>>) target_semaphore(%run_scoped3A : memref<!tpu.dma_semaphore, #tpu.memory_space<semaphore_mem>>)
      %dma_wait3A = tpu.memref_slice %arg5[%add3A_4] : memref<51200xi32, #tpu.memory_space<hbm>> -> memref<320xi32, #tpu.memory_space<hbm>>
      %dma_wait3A_16 = tpu.memref_slice %arg5[%add3A_4] : memref<51200xi32, #tpu.memory_space<hbm>> -> memref<320xi32, #tpu.memory_space<hbm>>
      tpu.wait_dma2 semaphore(%run_scoped3A : memref<!tpu.dma_semaphore, #tpu.memory_space<semaphore_mem>>) src(%dma_wait3A_16 : memref<320xi32, #tpu.memory_space<hbm>>) dst(%arg11 : memref<320xi32, #tpu.memory_space<vmem>>)
      tpu.yield
    }) : () -> ()
    %add3A_5 = arith.constant 10240 : i32
    %add3A_6 = arith.addi %add3A_5, %mul3A_2 : i32
    "tpu.region"() ({
      %run_scoped3A = tpu.sem_alloc : memref<!tpu.dma_semaphore, #tpu.memory_space<semaphore_mem>>
      %dma_start3A = tpu.memref_slice %arg6[%add3A_6] : memref<51200xi32, #tpu.memory_space<hbm>> -> memref<320xi32, #tpu.memory_space<hbm>>
      %dma_start3A_15 = tpu.memref_slice %arg6[%add3A_6] : memref<51200xi32, #tpu.memory_space<hbm>> -> memref<320xi32, #tpu.memory_space<hbm>>
      tpu.enqueue_dma source(%dma_start3A_15 : memref<320xi32, #tpu.memory_space<hbm>>) target(%arg12 : memref<320xi32, #tpu.memory_space<vmem>>) target_semaphore(%run_scoped3A : memref<!tpu.dma_semaphore, #tpu.memory_space<semaphore_mem>>)
      %dma_wait3A = tpu.memref_slice %arg6[%add3A_6] : memref<51200xi32, #tpu.memory_space<hbm>> -> memref<320xi32, #tpu.memory_space<hbm>>
      %dma_wait3A_16 = tpu.memref_slice %arg6[%add3A_6] : memref<51200xi32, #tpu.memory_space<hbm>> -> memref<320xi32, #tpu.memory_space<hbm>>
      tpu.wait_dma2 semaphore(%run_scoped3A : memref<!tpu.dma_semaphore, #tpu.memory_space<semaphore_mem>>) src(%dma_wait3A_16 : memref<320xi32, #tpu.memory_space<hbm>>) dst(%arg12 : memref<320xi32, #tpu.memory_space<vmem>>)
      tpu.yield
    }) : () -> ()
    %add3A_7 = arith.constant 10240 : i32
    %add3A_8 = arith.addi %add3A_7, %mul3A_2 : i32
    "tpu.region"() ({
      %run_scoped3A = tpu.sem_alloc : memref<!tpu.dma_semaphore, #tpu.memory_space<semaphore_mem>>
      %dma_start3A = tpu.memref_slice %arg7[%add3A_8] : memref<51200xi32, #tpu.memory_space<hbm>> -> memref<320xi32, #tpu.memory_space<hbm>>
      %dma_start3A_15 = tpu.memref_slice %arg7[%add3A_8] : memref<51200xi32, #tpu.memory_space<hbm>> -> memref<320xi32, #tpu.memory_space<hbm>>
      tpu.enqueue_dma source(%dma_start3A_15 : memref<320xi32, #tpu.memory_space<hbm>>) target(%arg13 : memref<320xi32, #tpu.memory_space<vmem>>) target_semaphore(%run_scoped3A : memref<!tpu.dma_semaphore, #tpu.memory_space<semaphore_mem>>)
      %dma_wait3A = tpu.memref_slice %arg7[%add3A_8] : memref<51200xi32, #tpu.memory_space<hbm>> -> memref<320xi32, #tpu.memory_space<hbm>>
      %dma_wait3A_16 = tpu.memref_slice %arg7[%add3A_8] : memref<51200xi32, #tpu.memory_space<hbm>> -> memref<320xi32, #tpu.memory_space<hbm>>
      tpu.wait_dma2 semaphore(%run_scoped3A : memref<!tpu.dma_semaphore, #tpu.memory_space<semaphore_mem>>) src(%dma_wait3A_16 : memref<320xi32, #tpu.memory_space<hbm>>) dst(%arg13 : memref<320xi32, #tpu.memory_space<vmem>>)
      tpu.yield
    }) : () -> ()
    %scan3A = arith.constant 0 : i32
    %scan3A_9 = arith.constant 0 : i32
    %scan3A_10 = arith.constant 5 : i32
    %scan3A_11 = arith.addi %scan3A_9, %scan3A_10 : i32
    %scan3A_12 = arith.constant 1 : i32
    %scan3A_13 = scf.for %scan3A_15 = %scan3A_9 to %scan3A_11 step %scan3A_12 iter_args(%scan3A_16 = %scan3A) -> (i32)  : i32 {
      %mul3A_17 = arith.constant 64 : i32
      %mul3A_18 = arith.muli %scan3A_15, %mul3A_17 : i32
      %dma_start3A = tpu.memref_slice %arg11[%mul3A_18] : memref<320xi32, #tpu.memory_space<vmem>> -> memref<64xi32, #tpu.memory_space<vmem>>
      %dma_start3A_19 = arith.constant 0 : i32
      %dma_start3A_20 = arith.constant 0 : i32
      %dma_start3A_21 = tpu.memref_slice %arg2[%dma_start3A_19, %dma_start3A_20] : memref<100000x64xf32, #tpu.memory_space<hbm>> -> memref<100000x64xf32, #tpu.memory_space<hbm>>
      tpu.enqueue_indirect_dma source(%dma_start3A_21 : memref<100000x64xf32, #tpu.memory_space<hbm>>) target(%arg14 : memref<64x64xf32, #tpu.memory_space<vmem>>) offsets(%dma_start3A : memref<64xi32, #tpu.memory_space<vmem>>) semaphore(%arg17 : memref<!tpu.dma_semaphore, #tpu.memory_space<semaphore_mem>>)
      %dma_start3A_22 = tpu.memref_slice %arg12[%mul3A_18] : memref<320xi32, #tpu.memory_space<vmem>> -> memref<64xi32, #tpu.memory_space<vmem>>
      %dma_start3A_23 = arith.constant 0 : i32
      %dma_start3A_24 = arith.constant 0 : i32
      %dma_start3A_25 = tpu.memref_slice %arg3[%dma_start3A_23, %dma_start3A_24] : memref<100000x32xf32, #tpu.memory_space<hbm>> -> memref<100000x32xf32, #tpu.memory_space<hbm>>
      tpu.enqueue_indirect_dma source(%dma_start3A_25 : memref<100000x32xf32, #tpu.memory_space<hbm>>) target(%arg15 : memref<64x32xf32, #tpu.memory_space<vmem>>) offsets(%dma_start3A_22 : memref<64xi32, #tpu.memory_space<vmem>>) semaphore(%arg17 : memref<!tpu.dma_semaphore, #tpu.memory_space<semaphore_mem>>)
      %dma_start3A_26 = tpu.memref_slice %arg13[%mul3A_18] : memref<320xi32, #tpu.memory_space<vmem>> -> memref<64xi32, #tpu.memory_space<vmem>>
      %dma_start3A_27 = arith.constant 0 : i32
      %dma_start3A_28 = arith.constant 0 : i32
      %dma_start3A_29 = tpu.memref_slice %arg4[%dma_start3A_27, %dma_start3A_28] : memref<100000x16xf32, #tpu.memory_space<hbm>> -> memref<100000x16xf32, #tpu.memory_space<hbm>>
      tpu.enqueue_indirect_dma source(%dma_start3A_29 : memref<100000x16xf32, #tpu.memory_space<hbm>>) target(%arg16 : memref<64x16xf32, #tpu.memory_space<vmem>>) offsets(%dma_start3A_26 : memref<64xi32, #tpu.memory_space<vmem>>) semaphore(%arg17 : memref<!tpu.dma_semaphore, #tpu.memory_space<semaphore_mem>>)
      %dma_wait3A = tpu.memref_slice %arg11[%mul3A_18] : memref<320xi32, #tpu.memory_space<vmem>> -> memref<64xi32, #tpu.memory_space<vmem>>
      %dma_wait3A_30 = arith.constant 0 : i32
      %dma_wait3A_31 = arith.constant 0 : i32
      %dma_wait3A_32 = tpu.memref_slice %arg2[%dma_wait3A_30, %dma_wait3A_31] : memref<100000x64xf32, #tpu.memory_space<hbm>> -> memref<100000x64xf32, #tpu.memory_space<hbm>>
      tpu.wait_indirect_dma semaphore(%arg17 : memref<!tpu.dma_semaphore, #tpu.memory_space<semaphore_mem>>) src(%dma_wait3A_32 : memref<100000x64xf32, #tpu.memory_space<hbm>>) dst(%arg14 : memref<64x64xf32, #tpu.memory_space<vmem>>)
      %dma_wait3A_33 = tpu.memref_slice %arg12[%mul3A_18] : memref<320xi32, #tpu.memory_space<vmem>> -> memref<64xi32, #tpu.memory_space<vmem>>
      %dma_wait3A_34 = arith.constant 0 : i32
      %dma_wait3A_35 = arith.constant 0 : i32
      %dma_wait3A_36 = tpu.memref_slice %arg3[%dma_wait3A_34, %dma_wait3A_35] : memref<100000x32xf32, #tpu.memory_space<hbm>> -> memref<100000x32xf32, #tpu.memory_space<hbm>>
      tpu.wait_indirect_dma semaphore(%arg17 : memref<!tpu.dma_semaphore, #tpu.memory_space<semaphore_mem>>) src(%dma_wait3A_36 : memref<100000x32xf32, #tpu.memory_space<hbm>>) dst(%arg15 : memref<64x32xf32, #tpu.memory_space<vmem>>)
      %dma_wait3A_37 = tpu.memref_slice %arg13[%mul3A_18] : memref<320xi32, #tpu.memory_space<vmem>> -> memref<64xi32, #tpu.memory_space<vmem>>
      %dma_wait3A_38 = arith.constant 0 : i32
      %dma_wait3A_39 = arith.constant 0 : i32
      %dma_wait3A_40 = tpu.memref_slice %arg4[%dma_wait3A_38, %dma_wait3A_39] : memref<100000x16xf32, #tpu.memory_space<hbm>> -> memref<100000x16xf32, #tpu.memory_space<hbm>>
      tpu.wait_indirect_dma semaphore(%arg17 : memref<!tpu.dma_semaphore, #tpu.memory_space<semaphore_mem>>) src(%dma_wait3A_40 : memref<100000x16xf32, #tpu.memory_space<hbm>>) dst(%arg16 : memref<64x16xf32, #tpu.memory_space<vmem>>)
      %add3A_41 = arith.addi %mul3A_2, %mul3A_18 : i32
      "tpu.region"() ({
        %run_scoped3A = tpu.sem_alloc : memref<!tpu.dma_semaphore, #tpu.memory_space<semaphore_mem>>
        %dma_start3A_45 = arith.constant 0 : i32
        %dma_start3A_46 = tpu.memref_slice %arg8[%add3A_41, %dma_start3A_45] : memref<10240x64xf32, #tpu.memory_space<hbm>> -> memref<64x64xf32, #tpu.memory_space<hbm>>
        %dma_start3A_47 = arith.constant 0 : i32
        %dma_start3A_48 = tpu.memref_slice %arg8[%add3A_41, %dma_start3A_47] : memref<10240x64xf32, #tpu.memory_space<hbm>> -> memref<64x64xf32, #tpu.memory_space<hbm>>
        tpu.enqueue_dma source(%arg14 : memref<64x64xf32, #tpu.memory_space<vmem>>) target(%dma_start3A_48 : memref<64x64xf32, #tpu.memory_space<hbm>>) target_semaphore(%run_scoped3A : memref<!tpu.dma_semaphore, #tpu.memory_space<semaphore_mem>>)
        %dma_wait3A_49 = arith.constant 0 : i32
        %dma_wait3A_50 = tpu.memref_slice %arg8[%add3A_41, %dma_wait3A_49] : memref<10240x64xf32, #tpu.memory_space<hbm>> -> memref<64x64xf32, #tpu.memory_space<hbm>>
        %dma_wait3A_51 = arith.constant 0 : i32
        %dma_wait3A_52 = tpu.memref_slice %arg8[%add3A_41, %dma_wait3A_51] : memref<10240x64xf32, #tpu.memory_space<hbm>> -> memref<64x64xf32, #tpu.memory_space<hbm>>
        tpu.wait_dma2 semaphore(%run_scoped3A : memref<!tpu.dma_semaphore, #tpu.memory_space<semaphore_mem>>) src(%arg14 : memref<64x64xf32, #tpu.memory_space<vmem>>) dst(%dma_wait3A_52 : memref<64x64xf32, #tpu.memory_space<hbm>>)
        tpu.yield
      }) : () -> ()
      %add3A_42 = arith.addi %mul3A_2, %mul3A_18 : i32
      "tpu.region"() ({
        %run_scoped3A = tpu.sem_alloc : memref<!tpu.dma_semaphore, #tpu.memory_space<semaphore_mem>>
        %dma_start3A_45 = arith.constant 0 : i32
        %dma_start3A_46 = tpu.memref_slice %arg9[%add3A_42, %dma_start3A_45] : memref<10240x32xf32, #tpu.memory_space<hbm>> -> memref<64x32xf32, #tpu.memory_space<hbm>>
        %dma_start3A_47 = arith.constant 0 : i32
        %dma_start3A_48 = tpu.memref_slice %arg9[%add3A_42, %dma_start3A_47] : memref<10240x32xf32, #tpu.memory_space<hbm>> -> memref<64x32xf32, #tpu.memory_space<hbm>>
        tpu.enqueue_dma source(%arg15 : memref<64x32xf32, #tpu.memory_space<vmem>>) target(%dma_start3A_48 : memref<64x32xf32, #tpu.memory_space<hbm>>) target_semaphore(%run_scoped3A : memref<!tpu.dma_semaphore, #tpu.memory_space<semaphore_mem>>)
        %dma_wait3A_49 = arith.constant 0 : i32
        %dma_wait3A_50 = tpu.memref_slice %arg9[%add3A_42, %dma_wait3A_49] : memref<10240x32xf32, #tpu.memory_space<hbm>> -> memref<64x32xf32, #tpu.memory_space<hbm>>
        %dma_wait3A_51 = arith.constant 0 : i32
        %dma_wait3A_52 = tpu.memref_slice %arg9[%add3A_42, %dma_wait3A_51] : memref<10240x32xf32, #tpu.memory_space<hbm>> -> memref<64x32xf32, #tpu.memory_space<hbm>>
        tpu.wait_dma2 semaphore(%run_scoped3A : memref<!tpu.dma_semaphore, #tpu.memory_space<semaphore_mem>>) src(%arg15 : memref<64x32xf32, #tpu.memory_space<vmem>>) dst(%dma_wait3A_52 : memref<64x32xf32, #tpu.memory_space<hbm>>)
        tpu.yield
      }) : () -> ()
      %add3A_43 = arith.addi %mul3A_2, %mul3A_18 : i32
      "tpu.region"() ({
        %run_scoped3A = tpu.sem_alloc : memref<!tpu.dma_semaphore, #tpu.memory_space<semaphore_mem>>
        %dma_start3A_45 = arith.constant 0 : i32
        %dma_start3A_46 = tpu.memref_slice %arg10[%add3A_43, %dma_start3A_45] : memref<10240x16xf32, #tpu.memory_space<hbm>> -> memref<64x16xf32, #tpu.memory_space<hbm>>
        %dma_start3A_47 = arith.constant 0 : i32
        %dma_start3A_48 = tpu.memref_slice %arg10[%add3A_43, %dma_start3A_47] : memref<10240x16xf32, #tpu.memory_space<hbm>> -> memref<64x16xf32, #tpu.memory_space<hbm>>
        tpu.enqueue_dma source(%arg16 : memref<64x16xf32, #tpu.memory_space<vmem>>) target(%dma_start3A_48 : memref<64x16xf32, #tpu.memory_space<hbm>>) target_semaphore(%run_scoped3A : memref<!tpu.dma_semaphore, #tpu.memory_space<semaphore_mem>>)
        %dma_wait3A_49 = arith.constant 0 : i32
        %dma_wait3A_50 = tpu.memref_slice %arg10[%add3A_43, %dma_wait3A_49] : memref<10240x16xf32, #tpu.memory_space<hbm>> -> memref<64x16xf32, #tpu.memory_space<hbm>>
        %dma_wait3A_51 = arith.constant 0 : i32
        %dma_wait3A_52 = tpu.memref_slice %arg10[%add3A_43, %dma_wait3A_51] : memref<10240x16xf32, #tpu.memory_space<hbm>> -> memref<64x16xf32, #tpu.memory_space<hbm>>
        tpu.wait_dma2 semaphore(%run_scoped3A : memref<!tpu.dma_semaphore, #tpu.memory_space<semaphore_mem>>) src(%arg16 : memref<64x16xf32, #tpu.memory_space<vmem>>) dst(%dma_wait3A_52 : memref<64x16xf32, #tpu.memory_space<hbm>>)
        tpu.yield
      }) : () -> ()
      %scan3A_44 = arith.constant 0 : i32
      scf.yield %scan3A_44 : i32
    }
    %scan3A_14 = arith.constant 5 : i32
    return
  }
}

#map = affine_map<(d0, d1) -> (0, 0)>
#map1 = affine_map<(d0, d1) -> (0)>
module attributes {stable_mosaic.version = 14 : i64} {
  func.func @k(%arg0: i32, %arg1: i32, %arg2: memref<100000x64xf32, #tpu.memory_space<hbm>>, %arg3: memref<100000x32xf32, #tpu.memory_space<hbm>>, %arg4: memref<100000x16xf32, #tpu.memory_space<hbm>>, %arg5: memref<51200xi32, #tpu.memory_space<hbm>>, %arg6: memref<51200xi32, #tpu.memory_space<hbm>>, %arg7: memref<51200xi32, #tpu.memory_space<hbm>>, %arg8: memref<10240x64xf32, #tpu.memory_space<hbm>>, %arg9: memref<10240x32xf32, #tpu.memory_space<hbm>>, %arg10: memref<10240x16xf32, #tpu.memory_space<hbm>>, %arg11: memref<320xi32, #tpu.memory_space<vmem>>, %arg12: memref<320xi32, #tpu.memory_space<vmem>>, %arg13: memref<320xi32, #tpu.memory_space<vmem>>, %arg14: memref<64x64xf32, #tpu.memory_space<vmem>>, %arg15: memref<64x32xf32, #tpu.memory_space<vmem>>, %arg16: memref<64x16xf32, #tpu.memory_space<vmem>>, %arg17: memref<!tpu.dma_semaphore, #tpu.memory_space<semaphore_mem>>) attributes {dimension_semantics = [#tpu.dimension_semantics<core_parallel>, #tpu.dimension_semantics<subcore_parallel>], iteration_bounds = array<i64: 2, 16>, scalar_prefetch = 0 : i64, scratch_operands = 7 : i64, tpu.core_type = #tpu.core_type<sc_vector_subcore>, window_params = [{transform_indices = #map}, {transform_indices = #map}, {transform_indices = #map}, {transform_indices = #map1}, {transform_indices = #map1}, {transform_indices = #map1}, {transform_indices = #map}, {transform_indices = #map}, {transform_indices = #map}]} {
    %mul3A = arith.constant 2 : i32
    %mul3A_0 = arith.muli %arg1, %mul3A : i32
    %add3A = arith.addi %mul3A_0, %arg0 : i32
    %mul3A_1 = arith.constant 320 : i32
    %mul3A_2 = arith.muli %add3A, %mul3A_1 : i32
    %add3A_3 = arith.constant 30720 : i32
    %add3A_4 = arith.addi %add3A_3, %mul3A_2 : i32
    "tpu.region"() ({
      %run_scoped3A = tpu.sem_alloc : memref<!tpu.dma_semaphore, #tpu.memory_space<semaphore_mem>>
      %dma_start3A = tpu.memref_slice %arg5[%add3A_4] : memref<51200xi32, #tpu.memory_space<hbm>> -> memref<320xi32, #tpu.memory_space<hbm>>
      %dma_start3A_15 = tpu.memref_slice %arg5[%add3A_4] : memref<51200xi32, #tpu.memory_space<hbm>> -> memref<320xi32, #tpu.memory_space<hbm>>
      tpu.enqueue_dma source(%dma_start3A_15 : memref<320xi32, #tpu.memory_space<hbm>>) target(%arg11 : memref<320xi32, #tpu.memory_space<vmem>>) target_semaphore(%run_scoped3A : memref<!tpu.dma_semaphore, #tpu.memory_space<semaphore_mem>>)
      %dma_wait3A = tpu.memref_slice %arg5[%add3A_4] : memref<51200xi32, #tpu.memory_space<hbm>> -> memref<320xi32, #tpu.memory_space<hbm>>
      %dma_wait3A_16 = tpu.memref_slice %arg5[%add3A_4] : memref<51200xi32, #tpu.memory_space<hbm>> -> memref<320xi32, #tpu.memory_space<hbm>>
      tpu.wait_dma2 semaphore(%run_scoped3A : memref<!tpu.dma_semaphore, #tpu.memory_space<semaphore_mem>>) src(%dma_wait3A_16 : memref<320xi32, #tpu.memory_space<hbm>>) dst(%arg11 : memref<320xi32, #tpu.memory_space<vmem>>)
      tpu.yield
    }) : () -> ()
    %add3A_5 = arith.constant 30720 : i32
    %add3A_6 = arith.addi %add3A_5, %mul3A_2 : i32
    "tpu.region"() ({
      %run_scoped3A = tpu.sem_alloc : memref<!tpu.dma_semaphore, #tpu.memory_space<semaphore_mem>>
      %dma_start3A = tpu.memref_slice %arg6[%add3A_6] : memref<51200xi32, #tpu.memory_space<hbm>> -> memref<320xi32, #tpu.memory_space<hbm>>
      %dma_start3A_15 = tpu.memref_slice %arg6[%add3A_6] : memref<51200xi32, #tpu.memory_space<hbm>> -> memref<320xi32, #tpu.memory_space<hbm>>
      tpu.enqueue_dma source(%dma_start3A_15 : memref<320xi32, #tpu.memory_space<hbm>>) target(%arg12 : memref<320xi32, #tpu.memory_space<vmem>>) target_semaphore(%run_scoped3A : memref<!tpu.dma_semaphore, #tpu.memory_space<semaphore_mem>>)
      %dma_wait3A = tpu.memref_slice %arg6[%add3A_6] : memref<51200xi32, #tpu.memory_space<hbm>> -> memref<320xi32, #tpu.memory_space<hbm>>
      %dma_wait3A_16 = tpu.memref_slice %arg6[%add3A_6] : memref<51200xi32, #tpu.memory_space<hbm>> -> memref<320xi32, #tpu.memory_space<hbm>>
      tpu.wait_dma2 semaphore(%run_scoped3A : memref<!tpu.dma_semaphore, #tpu.memory_space<semaphore_mem>>) src(%dma_wait3A_16 : memref<320xi32, #tpu.memory_space<hbm>>) dst(%arg12 : memref<320xi32, #tpu.memory_space<vmem>>)
      tpu.yield
    }) : () -> ()
    %add3A_7 = arith.constant 30720 : i32
    %add3A_8 = arith.addi %add3A_7, %mul3A_2 : i32
    "tpu.region"() ({
      %run_scoped3A = tpu.sem_alloc : memref<!tpu.dma_semaphore, #tpu.memory_space<semaphore_mem>>
      %dma_start3A = tpu.memref_slice %arg7[%add3A_8] : memref<51200xi32, #tpu.memory_space<hbm>> -> memref<320xi32, #tpu.memory_space<hbm>>
      %dma_start3A_15 = tpu.memref_slice %arg7[%add3A_8] : memref<51200xi32, #tpu.memory_space<hbm>> -> memref<320xi32, #tpu.memory_space<hbm>>
      tpu.enqueue_dma source(%dma_start3A_15 : memref<320xi32, #tpu.memory_space<hbm>>) target(%arg13 : memref<320xi32, #tpu.memory_space<vmem>>) target_semaphore(%run_scoped3A : memref<!tpu.dma_semaphore, #tpu.memory_space<semaphore_mem>>)
      %dma_wait3A = tpu.memref_slice %arg7[%add3A_8] : memref<51200xi32, #tpu.memory_space<hbm>> -> memref<320xi32, #tpu.memory_space<hbm>>
      %dma_wait3A_16 = tpu.memref_slice %arg7[%add3A_8] : memref<51200xi32, #tpu.memory_space<hbm>> -> memref<320xi32, #tpu.memory_space<hbm>>
      tpu.wait_dma2 semaphore(%run_scoped3A : memref<!tpu.dma_semaphore, #tpu.memory_space<semaphore_mem>>) src(%dma_wait3A_16 : memref<320xi32, #tpu.memory_space<hbm>>) dst(%arg13 : memref<320xi32, #tpu.memory_space<vmem>>)
      tpu.yield
    }) : () -> ()
    %scan3A = arith.constant 0 : i32
    %scan3A_9 = arith.constant 0 : i32
    %scan3A_10 = arith.constant 5 : i32
    %scan3A_11 = arith.addi %scan3A_9, %scan3A_10 : i32
    %scan3A_12 = arith.constant 1 : i32
    %scan3A_13 = scf.for %scan3A_15 = %scan3A_9 to %scan3A_11 step %scan3A_12 iter_args(%scan3A_16 = %scan3A) -> (i32)  : i32 {
      %mul3A_17 = arith.constant 64 : i32
      %mul3A_18 = arith.muli %scan3A_15, %mul3A_17 : i32
      %dma_start3A = tpu.memref_slice %arg11[%mul3A_18] : memref<320xi32, #tpu.memory_space<vmem>> -> memref<64xi32, #tpu.memory_space<vmem>>
      %dma_start3A_19 = arith.constant 0 : i32
      %dma_start3A_20 = arith.constant 0 : i32
      %dma_start3A_21 = tpu.memref_slice %arg2[%dma_start3A_19, %dma_start3A_20] : memref<100000x64xf32, #tpu.memory_space<hbm>> -> memref<100000x64xf32, #tpu.memory_space<hbm>>
      tpu.enqueue_indirect_dma source(%dma_start3A_21 : memref<100000x64xf32, #tpu.memory_space<hbm>>) target(%arg14 : memref<64x64xf32, #tpu.memory_space<vmem>>) offsets(%dma_start3A : memref<64xi32, #tpu.memory_space<vmem>>) semaphore(%arg17 : memref<!tpu.dma_semaphore, #tpu.memory_space<semaphore_mem>>)
      %dma_start3A_22 = tpu.memref_slice %arg12[%mul3A_18] : memref<320xi32, #tpu.memory_space<vmem>> -> memref<64xi32, #tpu.memory_space<vmem>>
      %dma_start3A_23 = arith.constant 0 : i32
      %dma_start3A_24 = arith.constant 0 : i32
      %dma_start3A_25 = tpu.memref_slice %arg3[%dma_start3A_23, %dma_start3A_24] : memref<100000x32xf32, #tpu.memory_space<hbm>> -> memref<100000x32xf32, #tpu.memory_space<hbm>>
      tpu.enqueue_indirect_dma source(%dma_start3A_25 : memref<100000x32xf32, #tpu.memory_space<hbm>>) target(%arg15 : memref<64x32xf32, #tpu.memory_space<vmem>>) offsets(%dma_start3A_22 : memref<64xi32, #tpu.memory_space<vmem>>) semaphore(%arg17 : memref<!tpu.dma_semaphore, #tpu.memory_space<semaphore_mem>>)
      %dma_start3A_26 = tpu.memref_slice %arg13[%mul3A_18] : memref<320xi32, #tpu.memory_space<vmem>> -> memref<64xi32, #tpu.memory_space<vmem>>
      %dma_start3A_27 = arith.constant 0 : i32
      %dma_start3A_28 = arith.constant 0 : i32
      %dma_start3A_29 = tpu.memref_slice %arg4[%dma_start3A_27, %dma_start3A_28] : memref<100000x16xf32, #tpu.memory_space<hbm>> -> memref<100000x16xf32, #tpu.memory_space<hbm>>
      tpu.enqueue_indirect_dma source(%dma_start3A_29 : memref<100000x16xf32, #tpu.memory_space<hbm>>) target(%arg16 : memref<64x16xf32, #tpu.memory_space<vmem>>) offsets(%dma_start3A_26 : memref<64xi32, #tpu.memory_space<vmem>>) semaphore(%arg17 : memref<!tpu.dma_semaphore, #tpu.memory_space<semaphore_mem>>)
      %dma_wait3A = tpu.memref_slice %arg11[%mul3A_18] : memref<320xi32, #tpu.memory_space<vmem>> -> memref<64xi32, #tpu.memory_space<vmem>>
      %dma_wait3A_30 = arith.constant 0 : i32
      %dma_wait3A_31 = arith.constant 0 : i32
      %dma_wait3A_32 = tpu.memref_slice %arg2[%dma_wait3A_30, %dma_wait3A_31] : memref<100000x64xf32, #tpu.memory_space<hbm>> -> memref<100000x64xf32, #tpu.memory_space<hbm>>
      tpu.wait_indirect_dma semaphore(%arg17 : memref<!tpu.dma_semaphore, #tpu.memory_space<semaphore_mem>>) src(%dma_wait3A_32 : memref<100000x64xf32, #tpu.memory_space<hbm>>) dst(%arg14 : memref<64x64xf32, #tpu.memory_space<vmem>>)
      %dma_wait3A_33 = tpu.memref_slice %arg12[%mul3A_18] : memref<320xi32, #tpu.memory_space<vmem>> -> memref<64xi32, #tpu.memory_space<vmem>>
      %dma_wait3A_34 = arith.constant 0 : i32
      %dma_wait3A_35 = arith.constant 0 : i32
      %dma_wait3A_36 = tpu.memref_slice %arg3[%dma_wait3A_34, %dma_wait3A_35] : memref<100000x32xf32, #tpu.memory_space<hbm>> -> memref<100000x32xf32, #tpu.memory_space<hbm>>
      tpu.wait_indirect_dma semaphore(%arg17 : memref<!tpu.dma_semaphore, #tpu.memory_space<semaphore_mem>>) src(%dma_wait3A_36 : memref<100000x32xf32, #tpu.memory_space<hbm>>) dst(%arg15 : memref<64x32xf32, #tpu.memory_space<vmem>>)
      %dma_wait3A_37 = tpu.memref_slice %arg13[%mul3A_18] : memref<320xi32, #tpu.memory_space<vmem>> -> memref<64xi32, #tpu.memory_space<vmem>>
      %dma_wait3A_38 = arith.constant 0 : i32
      %dma_wait3A_39 = arith.constant 0 : i32
      %dma_wait3A_40 = tpu.memref_slice %arg4[%dma_wait3A_38, %dma_wait3A_39] : memref<100000x16xf32, #tpu.memory_space<hbm>> -> memref<100000x16xf32, #tpu.memory_space<hbm>>
      tpu.wait_indirect_dma semaphore(%arg17 : memref<!tpu.dma_semaphore, #tpu.memory_space<semaphore_mem>>) src(%dma_wait3A_40 : memref<100000x16xf32, #tpu.memory_space<hbm>>) dst(%arg16 : memref<64x16xf32, #tpu.memory_space<vmem>>)
      %add3A_41 = arith.addi %mul3A_2, %mul3A_18 : i32
      "tpu.region"() ({
        %run_scoped3A = tpu.sem_alloc : memref<!tpu.dma_semaphore, #tpu.memory_space<semaphore_mem>>
        %dma_start3A_45 = arith.constant 0 : i32
        %dma_start3A_46 = tpu.memref_slice %arg8[%add3A_41, %dma_start3A_45] : memref<10240x64xf32, #tpu.memory_space<hbm>> -> memref<64x64xf32, #tpu.memory_space<hbm>>
        %dma_start3A_47 = arith.constant 0 : i32
        %dma_start3A_48 = tpu.memref_slice %arg8[%add3A_41, %dma_start3A_47] : memref<10240x64xf32, #tpu.memory_space<hbm>> -> memref<64x64xf32, #tpu.memory_space<hbm>>
        tpu.enqueue_dma source(%arg14 : memref<64x64xf32, #tpu.memory_space<vmem>>) target(%dma_start3A_48 : memref<64x64xf32, #tpu.memory_space<hbm>>) target_semaphore(%run_scoped3A : memref<!tpu.dma_semaphore, #tpu.memory_space<semaphore_mem>>)
        %dma_wait3A_49 = arith.constant 0 : i32
        %dma_wait3A_50 = tpu.memref_slice %arg8[%add3A_41, %dma_wait3A_49] : memref<10240x64xf32, #tpu.memory_space<hbm>> -> memref<64x64xf32, #tpu.memory_space<hbm>>
        %dma_wait3A_51 = arith.constant 0 : i32
        %dma_wait3A_52 = tpu.memref_slice %arg8[%add3A_41, %dma_wait3A_51] : memref<10240x64xf32, #tpu.memory_space<hbm>> -> memref<64x64xf32, #tpu.memory_space<hbm>>
        tpu.wait_dma2 semaphore(%run_scoped3A : memref<!tpu.dma_semaphore, #tpu.memory_space<semaphore_mem>>) src(%arg14 : memref<64x64xf32, #tpu.memory_space<vmem>>) dst(%dma_wait3A_52 : memref<64x64xf32, #tpu.memory_space<hbm>>)
        tpu.yield
      }) : () -> ()
      %add3A_42 = arith.addi %mul3A_2, %mul3A_18 : i32
      "tpu.region"() ({
        %run_scoped3A = tpu.sem_alloc : memref<!tpu.dma_semaphore, #tpu.memory_space<semaphore_mem>>
        %dma_start3A_45 = arith.constant 0 : i32
        %dma_start3A_46 = tpu.memref_slice %arg9[%add3A_42, %dma_start3A_45] : memref<10240x32xf32, #tpu.memory_space<hbm>> -> memref<64x32xf32, #tpu.memory_space<hbm>>
        %dma_start3A_47 = arith.constant 0 : i32
        %dma_start3A_48 = tpu.memref_slice %arg9[%add3A_42, %dma_start3A_47] : memref<10240x32xf32, #tpu.memory_space<hbm>> -> memref<64x32xf32, #tpu.memory_space<hbm>>
        tpu.enqueue_dma source(%arg15 : memref<64x32xf32, #tpu.memory_space<vmem>>) target(%dma_start3A_48 : memref<64x32xf32, #tpu.memory_space<hbm>>) target_semaphore(%run_scoped3A : memref<!tpu.dma_semaphore, #tpu.memory_space<semaphore_mem>>)
        %dma_wait3A_49 = arith.constant 0 : i32
        %dma_wait3A_50 = tpu.memref_slice %arg9[%add3A_42, %dma_wait3A_49] : memref<10240x32xf32, #tpu.memory_space<hbm>> -> memref<64x32xf32, #tpu.memory_space<hbm>>
        %dma_wait3A_51 = arith.constant 0 : i32
        %dma_wait3A_52 = tpu.memref_slice %arg9[%add3A_42, %dma_wait3A_51] : memref<10240x32xf32, #tpu.memory_space<hbm>> -> memref<64x32xf32, #tpu.memory_space<hbm>>
        tpu.wait_dma2 semaphore(%run_scoped3A : memref<!tpu.dma_semaphore, #tpu.memory_space<semaphore_mem>>) src(%arg15 : memref<64x32xf32, #tpu.memory_space<vmem>>) dst(%dma_wait3A_52 : memref<64x32xf32, #tpu.memory_space<hbm>>)
        tpu.yield
      }) : () -> ()
      %add3A_43 = arith.addi %mul3A_2, %mul3A_18 : i32
      "tpu.region"() ({
        %run_scoped3A = tpu.sem_alloc : memref<!tpu.dma_semaphore, #tpu.memory_space<semaphore_mem>>
        %dma_start3A_45 = arith.constant 0 : i32
        %dma_start3A_46 = tpu.memref_slice %arg10[%add3A_43, %dma_start3A_45] : memref<10240x16xf32, #tpu.memory_space<hbm>> -> memref<64x16xf32, #tpu.memory_space<hbm>>
        %dma_start3A_47 = arith.constant 0 : i32
        %dma_start3A_48 = tpu.memref_slice %arg10[%add3A_43, %dma_start3A_47] : memref<10240x16xf32, #tpu.memory_space<hbm>> -> memref<64x16xf32, #tpu.memory_space<hbm>>
        tpu.enqueue_dma source(%arg16 : memref<64x16xf32, #tpu.memory_space<vmem>>) target(%dma_start3A_48 : memref<64x16xf32, #tpu.memory_space<hbm>>) target_semaphore(%run_scoped3A : memref<!tpu.dma_semaphore, #tpu.memory_space<semaphore_mem>>)
        %dma_wait3A_49 = arith.constant 0 : i32
        %dma_wait3A_50 = tpu.memref_slice %arg10[%add3A_43, %dma_wait3A_49] : memref<10240x16xf32, #tpu.memory_space<hbm>> -> memref<64x16xf32, #tpu.memory_space<hbm>>
        %dma_wait3A_51 = arith.constant 0 : i32
        %dma_wait3A_52 = tpu.memref_slice %arg10[%add3A_43, %dma_wait3A_51] : memref<10240x16xf32, #tpu.memory_space<hbm>> -> memref<64x16xf32, #tpu.memory_space<hbm>>
        tpu.wait_dma2 semaphore(%run_scoped3A : memref<!tpu.dma_semaphore, #tpu.memory_space<semaphore_mem>>) src(%arg16 : memref<64x16xf32, #tpu.memory_space<vmem>>) dst(%dma_wait3A_52 : memref<64x16xf32, #tpu.memory_space<hbm>>)
        tpu.yield
      }) : () -> ()
      %scan3A_44 = arith.constant 0 : i32
      scf.yield %scan3A_44 : i32
    }
    %scan3A_14 = arith.constant 5 : i32
    return
  }
}

#map = affine_map<(d0, d1) -> (0, 0)>
#map1 = affine_map<(d0, d1) -> (0)>
module attributes {stable_mosaic.version = 14 : i64} {
  func.func @k(%arg0: i32, %arg1: i32, %arg2: memref<100000x64xf32, #tpu.memory_space<hbm>>, %arg3: memref<100000x32xf32, #tpu.memory_space<hbm>>, %arg4: memref<100000x16xf32, #tpu.memory_space<hbm>>, %arg5: memref<51200xi32, #tpu.memory_space<hbm>>, %arg6: memref<51200xi32, #tpu.memory_space<hbm>>, %arg7: memref<51200xi32, #tpu.memory_space<hbm>>, %arg8: memref<10240x64xf32, #tpu.memory_space<hbm>>, %arg9: memref<10240x32xf32, #tpu.memory_space<hbm>>, %arg10: memref<10240x16xf32, #tpu.memory_space<hbm>>, %arg11: memref<320xi32, #tpu.memory_space<vmem>>, %arg12: memref<320xi32, #tpu.memory_space<vmem>>, %arg13: memref<320xi32, #tpu.memory_space<vmem>>, %arg14: memref<64x64xf32, #tpu.memory_space<vmem>>, %arg15: memref<64x32xf32, #tpu.memory_space<vmem>>, %arg16: memref<64x16xf32, #tpu.memory_space<vmem>>, %arg17: memref<!tpu.dma_semaphore, #tpu.memory_space<semaphore_mem>>) attributes {dimension_semantics = [#tpu.dimension_semantics<core_parallel>, #tpu.dimension_semantics<subcore_parallel>], iteration_bounds = array<i64: 2, 16>, scalar_prefetch = 0 : i64, scratch_operands = 7 : i64, tpu.core_type = #tpu.core_type<sc_vector_subcore>, window_params = [{transform_indices = #map}, {transform_indices = #map}, {transform_indices = #map}, {transform_indices = #map1}, {transform_indices = #map1}, {transform_indices = #map1}, {transform_indices = #map}, {transform_indices = #map}, {transform_indices = #map}]} {
    %mul3A = arith.constant 2 : i32
    %mul3A_0 = arith.muli %arg1, %mul3A : i32
    %add3A = arith.addi %mul3A_0, %arg0 : i32
    %mul3A_1 = arith.constant 320 : i32
    %mul3A_2 = arith.muli %add3A, %mul3A_1 : i32
    %add3A_3 = arith.constant 40960 : i32
    %add3A_4 = arith.addi %add3A_3, %mul3A_2 : i32
    "tpu.region"() ({
      %run_scoped3A = tpu.sem_alloc : memref<!tpu.dma_semaphore, #tpu.memory_space<semaphore_mem>>
      %dma_start3A = tpu.memref_slice %arg5[%add3A_4] : memref<51200xi32, #tpu.memory_space<hbm>> -> memref<320xi32, #tpu.memory_space<hbm>>
      %dma_start3A_15 = tpu.memref_slice %arg5[%add3A_4] : memref<51200xi32, #tpu.memory_space<hbm>> -> memref<320xi32, #tpu.memory_space<hbm>>
      tpu.enqueue_dma source(%dma_start3A_15 : memref<320xi32, #tpu.memory_space<hbm>>) target(%arg11 : memref<320xi32, #tpu.memory_space<vmem>>) target_semaphore(%run_scoped3A : memref<!tpu.dma_semaphore, #tpu.memory_space<semaphore_mem>>)
      %dma_wait3A = tpu.memref_slice %arg5[%add3A_4] : memref<51200xi32, #tpu.memory_space<hbm>> -> memref<320xi32, #tpu.memory_space<hbm>>
      %dma_wait3A_16 = tpu.memref_slice %arg5[%add3A_4] : memref<51200xi32, #tpu.memory_space<hbm>> -> memref<320xi32, #tpu.memory_space<hbm>>
      tpu.wait_dma2 semaphore(%run_scoped3A : memref<!tpu.dma_semaphore, #tpu.memory_space<semaphore_mem>>) src(%dma_wait3A_16 : memref<320xi32, #tpu.memory_space<hbm>>) dst(%arg11 : memref<320xi32, #tpu.memory_space<vmem>>)
      tpu.yield
    }) : () -> ()
    %add3A_5 = arith.constant 40960 : i32
    %add3A_6 = arith.addi %add3A_5, %mul3A_2 : i32
    "tpu.region"() ({
      %run_scoped3A = tpu.sem_alloc : memref<!tpu.dma_semaphore, #tpu.memory_space<semaphore_mem>>
      %dma_start3A = tpu.memref_slice %arg6[%add3A_6] : memref<51200xi32, #tpu.memory_space<hbm>> -> memref<320xi32, #tpu.memory_space<hbm>>
      %dma_start3A_15 = tpu.memref_slice %arg6[%add3A_6] : memref<51200xi32, #tpu.memory_space<hbm>> -> memref<320xi32, #tpu.memory_space<hbm>>
      tpu.enqueue_dma source(%dma_start3A_15 : memref<320xi32, #tpu.memory_space<hbm>>) target(%arg12 : memref<320xi32, #tpu.memory_space<vmem>>) target_semaphore(%run_scoped3A : memref<!tpu.dma_semaphore, #tpu.memory_space<semaphore_mem>>)
      %dma_wait3A = tpu.memref_slice %arg6[%add3A_6] : memref<51200xi32, #tpu.memory_space<hbm>> -> memref<320xi32, #tpu.memory_space<hbm>>
      %dma_wait3A_16 = tpu.memref_slice %arg6[%add3A_6] : memref<51200xi32, #tpu.memory_space<hbm>> -> memref<320xi32, #tpu.memory_space<hbm>>
      tpu.wait_dma2 semaphore(%run_scoped3A : memref<!tpu.dma_semaphore, #tpu.memory_space<semaphore_mem>>) src(%dma_wait3A_16 : memref<320xi32, #tpu.memory_space<hbm>>) dst(%arg12 : memref<320xi32, #tpu.memory_space<vmem>>)
      tpu.yield
    }) : () -> ()
    %add3A_7 = arith.constant 40960 : i32
    %add3A_8 = arith.addi %add3A_7, %mul3A_2 : i32
    "tpu.region"() ({
      %run_scoped3A = tpu.sem_alloc : memref<!tpu.dma_semaphore, #tpu.memory_space<semaphore_mem>>
      %dma_start3A = tpu.memref_slice %arg7[%add3A_8] : memref<51200xi32, #tpu.memory_space<hbm>> -> memref<320xi32, #tpu.memory_space<hbm>>
      %dma_start3A_15 = tpu.memref_slice %arg7[%add3A_8] : memref<51200xi32, #tpu.memory_space<hbm>> -> memref<320xi32, #tpu.memory_space<hbm>>
      tpu.enqueue_dma source(%dma_start3A_15 : memref<320xi32, #tpu.memory_space<hbm>>) target(%arg13 : memref<320xi32, #tpu.memory_space<vmem>>) target_semaphore(%run_scoped3A : memref<!tpu.dma_semaphore, #tpu.memory_space<semaphore_mem>>)
      %dma_wait3A = tpu.memref_slice %arg7[%add3A_8] : memref<51200xi32, #tpu.memory_space<hbm>> -> memref<320xi32, #tpu.memory_space<hbm>>
      %dma_wait3A_16 = tpu.memref_slice %arg7[%add3A_8] : memref<51200xi32, #tpu.memory_space<hbm>> -> memref<320xi32, #tpu.memory_space<hbm>>
      tpu.wait_dma2 semaphore(%run_scoped3A : memref<!tpu.dma_semaphore, #tpu.memory_space<semaphore_mem>>) src(%dma_wait3A_16 : memref<320xi32, #tpu.memory_space<hbm>>) dst(%arg13 : memref<320xi32, #tpu.memory_space<vmem>>)
      tpu.yield
    }) : () -> ()
    %scan3A = arith.constant 0 : i32
    %scan3A_9 = arith.constant 0 : i32
    %scan3A_10 = arith.constant 5 : i32
    %scan3A_11 = arith.addi %scan3A_9, %scan3A_10 : i32
    %scan3A_12 = arith.constant 1 : i32
    %scan3A_13 = scf.for %scan3A_15 = %scan3A_9 to %scan3A_11 step %scan3A_12 iter_args(%scan3A_16 = %scan3A) -> (i32)  : i32 {
      %mul3A_17 = arith.constant 64 : i32
      %mul3A_18 = arith.muli %scan3A_15, %mul3A_17 : i32
      %dma_start3A = tpu.memref_slice %arg11[%mul3A_18] : memref<320xi32, #tpu.memory_space<vmem>> -> memref<64xi32, #tpu.memory_space<vmem>>
      %dma_start3A_19 = arith.constant 0 : i32
      %dma_start3A_20 = arith.constant 0 : i32
      %dma_start3A_21 = tpu.memref_slice %arg2[%dma_start3A_19, %dma_start3A_20] : memref<100000x64xf32, #tpu.memory_space<hbm>> -> memref<100000x64xf32, #tpu.memory_space<hbm>>
      tpu.enqueue_indirect_dma source(%dma_start3A_21 : memref<100000x64xf32, #tpu.memory_space<hbm>>) target(%arg14 : memref<64x64xf32, #tpu.memory_space<vmem>>) offsets(%dma_start3A : memref<64xi32, #tpu.memory_space<vmem>>) semaphore(%arg17 : memref<!tpu.dma_semaphore, #tpu.memory_space<semaphore_mem>>)
      %dma_start3A_22 = tpu.memref_slice %arg12[%mul3A_18] : memref<320xi32, #tpu.memory_space<vmem>> -> memref<64xi32, #tpu.memory_space<vmem>>
      %dma_start3A_23 = arith.constant 0 : i32
      %dma_start3A_24 = arith.constant 0 : i32
      %dma_start3A_25 = tpu.memref_slice %arg3[%dma_start3A_23, %dma_start3A_24] : memref<100000x32xf32, #tpu.memory_space<hbm>> -> memref<100000x32xf32, #tpu.memory_space<hbm>>
      tpu.enqueue_indirect_dma source(%dma_start3A_25 : memref<100000x32xf32, #tpu.memory_space<hbm>>) target(%arg15 : memref<64x32xf32, #tpu.memory_space<vmem>>) offsets(%dma_start3A_22 : memref<64xi32, #tpu.memory_space<vmem>>) semaphore(%arg17 : memref<!tpu.dma_semaphore, #tpu.memory_space<semaphore_mem>>)
      %dma_start3A_26 = tpu.memref_slice %arg13[%mul3A_18] : memref<320xi32, #tpu.memory_space<vmem>> -> memref<64xi32, #tpu.memory_space<vmem>>
      %dma_start3A_27 = arith.constant 0 : i32
      %dma_start3A_28 = arith.constant 0 : i32
      %dma_start3A_29 = tpu.memref_slice %arg4[%dma_start3A_27, %dma_start3A_28] : memref<100000x16xf32, #tpu.memory_space<hbm>> -> memref<100000x16xf32, #tpu.memory_space<hbm>>
      tpu.enqueue_indirect_dma source(%dma_start3A_29 : memref<100000x16xf32, #tpu.memory_space<hbm>>) target(%arg16 : memref<64x16xf32, #tpu.memory_space<vmem>>) offsets(%dma_start3A_26 : memref<64xi32, #tpu.memory_space<vmem>>) semaphore(%arg17 : memref<!tpu.dma_semaphore, #tpu.memory_space<semaphore_mem>>)
      %dma_wait3A = tpu.memref_slice %arg11[%mul3A_18] : memref<320xi32, #tpu.memory_space<vmem>> -> memref<64xi32, #tpu.memory_space<vmem>>
      %dma_wait3A_30 = arith.constant 0 : i32
      %dma_wait3A_31 = arith.constant 0 : i32
      %dma_wait3A_32 = tpu.memref_slice %arg2[%dma_wait3A_30, %dma_wait3A_31] : memref<100000x64xf32, #tpu.memory_space<hbm>> -> memref<100000x64xf32, #tpu.memory_space<hbm>>
      tpu.wait_indirect_dma semaphore(%arg17 : memref<!tpu.dma_semaphore, #tpu.memory_space<semaphore_mem>>) src(%dma_wait3A_32 : memref<100000x64xf32, #tpu.memory_space<hbm>>) dst(%arg14 : memref<64x64xf32, #tpu.memory_space<vmem>>)
      %dma_wait3A_33 = tpu.memref_slice %arg12[%mul3A_18] : memref<320xi32, #tpu.memory_space<vmem>> -> memref<64xi32, #tpu.memory_space<vmem>>
      %dma_wait3A_34 = arith.constant 0 : i32
      %dma_wait3A_35 = arith.constant 0 : i32
      %dma_wait3A_36 = tpu.memref_slice %arg3[%dma_wait3A_34, %dma_wait3A_35] : memref<100000x32xf32, #tpu.memory_space<hbm>> -> memref<100000x32xf32, #tpu.memory_space<hbm>>
      tpu.wait_indirect_dma semaphore(%arg17 : memref<!tpu.dma_semaphore, #tpu.memory_space<semaphore_mem>>) src(%dma_wait3A_36 : memref<100000x32xf32, #tpu.memory_space<hbm>>) dst(%arg15 : memref<64x32xf32, #tpu.memory_space<vmem>>)
      %dma_wait3A_37 = tpu.memref_slice %arg13[%mul3A_18] : memref<320xi32, #tpu.memory_space<vmem>> -> memref<64xi32, #tpu.memory_space<vmem>>
      %dma_wait3A_38 = arith.constant 0 : i32
      %dma_wait3A_39 = arith.constant 0 : i32
      %dma_wait3A_40 = tpu.memref_slice %arg4[%dma_wait3A_38, %dma_wait3A_39] : memref<100000x16xf32, #tpu.memory_space<hbm>> -> memref<100000x16xf32, #tpu.memory_space<hbm>>
      tpu.wait_indirect_dma semaphore(%arg17 : memref<!tpu.dma_semaphore, #tpu.memory_space<semaphore_mem>>) src(%dma_wait3A_40 : memref<100000x16xf32, #tpu.memory_space<hbm>>) dst(%arg16 : memref<64x16xf32, #tpu.memory_space<vmem>>)
      %add3A_41 = arith.addi %mul3A_2, %mul3A_18 : i32
      "tpu.region"() ({
        %run_scoped3A = tpu.sem_alloc : memref<!tpu.dma_semaphore, #tpu.memory_space<semaphore_mem>>
        %dma_start3A_45 = arith.constant 0 : i32
        %dma_start3A_46 = tpu.memref_slice %arg8[%add3A_41, %dma_start3A_45] : memref<10240x64xf32, #tpu.memory_space<hbm>> -> memref<64x64xf32, #tpu.memory_space<hbm>>
        %dma_start3A_47 = arith.constant 0 : i32
        %dma_start3A_48 = tpu.memref_slice %arg8[%add3A_41, %dma_start3A_47] : memref<10240x64xf32, #tpu.memory_space<hbm>> -> memref<64x64xf32, #tpu.memory_space<hbm>>
        tpu.enqueue_dma source(%arg14 : memref<64x64xf32, #tpu.memory_space<vmem>>) target(%dma_start3A_48 : memref<64x64xf32, #tpu.memory_space<hbm>>) target_semaphore(%run_scoped3A : memref<!tpu.dma_semaphore, #tpu.memory_space<semaphore_mem>>)
        %dma_wait3A_49 = arith.constant 0 : i32
        %dma_wait3A_50 = tpu.memref_slice %arg8[%add3A_41, %dma_wait3A_49] : memref<10240x64xf32, #tpu.memory_space<hbm>> -> memref<64x64xf32, #tpu.memory_space<hbm>>
        %dma_wait3A_51 = arith.constant 0 : i32
        %dma_wait3A_52 = tpu.memref_slice %arg8[%add3A_41, %dma_wait3A_51] : memref<10240x64xf32, #tpu.memory_space<hbm>> -> memref<64x64xf32, #tpu.memory_space<hbm>>
        tpu.wait_dma2 semaphore(%run_scoped3A : memref<!tpu.dma_semaphore, #tpu.memory_space<semaphore_mem>>) src(%arg14 : memref<64x64xf32, #tpu.memory_space<vmem>>) dst(%dma_wait3A_52 : memref<64x64xf32, #tpu.memory_space<hbm>>)
        tpu.yield
      }) : () -> ()
      %add3A_42 = arith.addi %mul3A_2, %mul3A_18 : i32
      "tpu.region"() ({
        %run_scoped3A = tpu.sem_alloc : memref<!tpu.dma_semaphore, #tpu.memory_space<semaphore_mem>>
        %dma_start3A_45 = arith.constant 0 : i32
        %dma_start3A_46 = tpu.memref_slice %arg9[%add3A_42, %dma_start3A_45] : memref<10240x32xf32, #tpu.memory_space<hbm>> -> memref<64x32xf32, #tpu.memory_space<hbm>>
        %dma_start3A_47 = arith.constant 0 : i32
        %dma_start3A_48 = tpu.memref_slice %arg9[%add3A_42, %dma_start3A_47] : memref<10240x32xf32, #tpu.memory_space<hbm>> -> memref<64x32xf32, #tpu.memory_space<hbm>>
        tpu.enqueue_dma source(%arg15 : memref<64x32xf32, #tpu.memory_space<vmem>>) target(%dma_start3A_48 : memref<64x32xf32, #tpu.memory_space<hbm>>) target_semaphore(%run_scoped3A : memref<!tpu.dma_semaphore, #tpu.memory_space<semaphore_mem>>)
        %dma_wait3A_49 = arith.constant 0 : i32
        %dma_wait3A_50 = tpu.memref_slice %arg9[%add3A_42, %dma_wait3A_49] : memref<10240x32xf32, #tpu.memory_space<hbm>> -> memref<64x32xf32, #tpu.memory_space<hbm>>
        %dma_wait3A_51 = arith.constant 0 : i32
        %dma_wait3A_52 = tpu.memref_slice %arg9[%add3A_42, %dma_wait3A_51] : memref<10240x32xf32, #tpu.memory_space<hbm>> -> memref<64x32xf32, #tpu.memory_space<hbm>>
        tpu.wait_dma2 semaphore(%run_scoped3A : memref<!tpu.dma_semaphore, #tpu.memory_space<semaphore_mem>>) src(%arg15 : memref<64x32xf32, #tpu.memory_space<vmem>>) dst(%dma_wait3A_52 : memref<64x32xf32, #tpu.memory_space<hbm>>)
        tpu.yield
      }) : () -> ()
      %add3A_43 = arith.addi %mul3A_2, %mul3A_18 : i32
      "tpu.region"() ({
        %run_scoped3A = tpu.sem_alloc : memref<!tpu.dma_semaphore, #tpu.memory_space<semaphore_mem>>
        %dma_start3A_45 = arith.constant 0 : i32
        %dma_start3A_46 = tpu.memref_slice %arg10[%add3A_43, %dma_start3A_45] : memref<10240x16xf32, #tpu.memory_space<hbm>> -> memref<64x16xf32, #tpu.memory_space<hbm>>
        %dma_start3A_47 = arith.constant 0 : i32
        %dma_start3A_48 = tpu.memref_slice %arg10[%add3A_43, %dma_start3A_47] : memref<10240x16xf32, #tpu.memory_space<hbm>> -> memref<64x16xf32, #tpu.memory_space<hbm>>
        tpu.enqueue_dma source(%arg16 : memref<64x16xf32, #tpu.memory_space<vmem>>) target(%dma_start3A_48 : memref<64x16xf32, #tpu.memory_space<hbm>>) target_semaphore(%run_scoped3A : memref<!tpu.dma_semaphore, #tpu.memory_space<semaphore_mem>>)
        %dma_wait3A_49 = arith.constant 0 : i32
        %dma_wait3A_50 = tpu.memref_slice %arg10[%add3A_43, %dma_wait3A_49] : memref<10240x16xf32, #tpu.memory_space<hbm>> -> memref<64x16xf32, #tpu.memory_space<hbm>>
        %dma_wait3A_51 = arith.constant 0 : i32
        %dma_wait3A_52 = tpu.memref_slice %arg10[%add3A_43, %dma_wait3A_51] : memref<10240x16xf32, #tpu.memory_space<hbm>> -> memref<64x16xf32, #tpu.memory_space<hbm>>
        tpu.wait_dma2 semaphore(%run_scoped3A : memref<!tpu.dma_semaphore, #tpu.memory_space<semaphore_mem>>) src(%arg16 : memref<64x16xf32, #tpu.memory_space<vmem>>) dst(%dma_wait3A_52 : memref<64x16xf32, #tpu.memory_space<hbm>>)
        tpu.yield
      }) : () -> ()
      %scan3A_44 = arith.constant 0 : i32
      scf.yield %scan3A_44 : i32
    }
    %scan3A_14 = arith.constant 5 : i32
    return
  }
}

#map = affine_map<(d0, d1) -> (0, 0)>
#map1 = affine_map<(d0, d1) -> (0)>
module attributes {stable_mosaic.version = 14 : i64} {
  func.func @k(%arg0: i32, %arg1: i32, %arg2: memref<100000x128xf32, #tpu.memory_space<hbm>>, %arg3: memref<100000x768xf32, #tpu.memory_space<hbm>>, %arg4: memref<51200xi32, #tpu.memory_space<hbm>>, %arg5: memref<51200xi32, #tpu.memory_space<hbm>>, %arg6: memref<10240x128xf32, #tpu.memory_space<hbm>>, %arg7: memref<10240x768xf32, #tpu.memory_space<hbm>>, %arg8: memref<320xi32, #tpu.memory_space<vmem>>, %arg9: memref<320xi32, #tpu.memory_space<vmem>>, %arg10: memref<64x128xf32, #tpu.memory_space<vmem>>, %arg11: memref<64x768xf32, #tpu.memory_space<vmem>>, %arg12: memref<!tpu.dma_semaphore, #tpu.memory_space<semaphore_mem>>) attributes {dimension_semantics = [#tpu.dimension_semantics<core_parallel>, #tpu.dimension_semantics<subcore_parallel>], iteration_bounds = array<i64: 2, 16>, scalar_prefetch = 0 : i64, scratch_operands = 5 : i64, tpu.core_type = #tpu.core_type<sc_vector_subcore>, window_params = [{transform_indices = #map}, {transform_indices = #map}, {transform_indices = #map1}, {transform_indices = #map1}, {transform_indices = #map}, {transform_indices = #map}]} {
    %mul3A = arith.constant 2 : i32
    %mul3A_0 = arith.muli %arg1, %mul3A : i32
    %add3A = arith.addi %mul3A_0, %arg0 : i32
    %mul3A_1 = arith.constant 320 : i32
    %mul3A_2 = arith.muli %add3A, %mul3A_1 : i32
    %add3A_3 = arith.constant 0 : i32
    %add3A_4 = arith.addi %add3A_3, %mul3A_2 : i32
    "tpu.region"() ({
      %run_scoped3A = tpu.sem_alloc : memref<!tpu.dma_semaphore, #tpu.memory_space<semaphore_mem>>
      %dma_start3A = tpu.memref_slice %arg4[%add3A_4] : memref<51200xi32, #tpu.memory_space<hbm>> -> memref<320xi32, #tpu.memory_space<hbm>>
      %dma_start3A_13 = tpu.memref_slice %arg4[%add3A_4] : memref<51200xi32, #tpu.memory_space<hbm>> -> memref<320xi32, #tpu.memory_space<hbm>>
      tpu.enqueue_dma source(%dma_start3A_13 : memref<320xi32, #tpu.memory_space<hbm>>) target(%arg8 : memref<320xi32, #tpu.memory_space<vmem>>) target_semaphore(%run_scoped3A : memref<!tpu.dma_semaphore, #tpu.memory_space<semaphore_mem>>)
      %dma_wait3A = tpu.memref_slice %arg4[%add3A_4] : memref<51200xi32, #tpu.memory_space<hbm>> -> memref<320xi32, #tpu.memory_space<hbm>>
      %dma_wait3A_14 = tpu.memref_slice %arg4[%add3A_4] : memref<51200xi32, #tpu.memory_space<hbm>> -> memref<320xi32, #tpu.memory_space<hbm>>
      tpu.wait_dma2 semaphore(%run_scoped3A : memref<!tpu.dma_semaphore, #tpu.memory_space<semaphore_mem>>) src(%dma_wait3A_14 : memref<320xi32, #tpu.memory_space<hbm>>) dst(%arg8 : memref<320xi32, #tpu.memory_space<vmem>>)
      tpu.yield
    }) : () -> ()
    %add3A_5 = arith.constant 0 : i32
    %add3A_6 = arith.addi %add3A_5, %mul3A_2 : i32
    "tpu.region"() ({
      %run_scoped3A = tpu.sem_alloc : memref<!tpu.dma_semaphore, #tpu.memory_space<semaphore_mem>>
      %dma_start3A = tpu.memref_slice %arg5[%add3A_6] : memref<51200xi32, #tpu.memory_space<hbm>> -> memref<320xi32, #tpu.memory_space<hbm>>
      %dma_start3A_13 = tpu.memref_slice %arg5[%add3A_6] : memref<51200xi32, #tpu.memory_space<hbm>> -> memref<320xi32, #tpu.memory_space<hbm>>
      tpu.enqueue_dma source(%dma_start3A_13 : memref<320xi32, #tpu.memory_space<hbm>>) target(%arg9 : memref<320xi32, #tpu.memory_space<vmem>>) target_semaphore(%run_scoped3A : memref<!tpu.dma_semaphore, #tpu.memory_space<semaphore_mem>>)
      %dma_wait3A = tpu.memref_slice %arg5[%add3A_6] : memref<51200xi32, #tpu.memory_space<hbm>> -> memref<320xi32, #tpu.memory_space<hbm>>
      %dma_wait3A_14 = tpu.memref_slice %arg5[%add3A_6] : memref<51200xi32, #tpu.memory_space<hbm>> -> memref<320xi32, #tpu.memory_space<hbm>>
      tpu.wait_dma2 semaphore(%run_scoped3A : memref<!tpu.dma_semaphore, #tpu.memory_space<semaphore_mem>>) src(%dma_wait3A_14 : memref<320xi32, #tpu.memory_space<hbm>>) dst(%arg9 : memref<320xi32, #tpu.memory_space<vmem>>)
      tpu.yield
    }) : () -> ()
    %scan3A = arith.constant 0 : i32
    %scan3A_7 = arith.constant 0 : i32
    %scan3A_8 = arith.constant 5 : i32
    %scan3A_9 = arith.addi %scan3A_7, %scan3A_8 : i32
    %scan3A_10 = arith.constant 1 : i32
    %scan3A_11 = scf.for %scan3A_13 = %scan3A_7 to %scan3A_9 step %scan3A_10 iter_args(%scan3A_14 = %scan3A) -> (i32)  : i32 {
      %mul3A_15 = arith.constant 64 : i32
      %mul3A_16 = arith.muli %scan3A_13, %mul3A_15 : i32
      %dma_start3A = tpu.memref_slice %arg8[%mul3A_16] : memref<320xi32, #tpu.memory_space<vmem>> -> memref<64xi32, #tpu.memory_space<vmem>>
      %dma_start3A_17 = arith.constant 0 : i32
      %dma_start3A_18 = arith.constant 0 : i32
      %dma_start3A_19 = tpu.memref_slice %arg2[%dma_start3A_17, %dma_start3A_18] : memref<100000x128xf32, #tpu.memory_space<hbm>> -> memref<100000x128xf32, #tpu.memory_space<hbm>>
      tpu.enqueue_indirect_dma source(%dma_start3A_19 : memref<100000x128xf32, #tpu.memory_space<hbm>>) target(%arg10 : memref<64x128xf32, #tpu.memory_space<vmem>>) offsets(%dma_start3A : memref<64xi32, #tpu.memory_space<vmem>>) semaphore(%arg12 : memref<!tpu.dma_semaphore, #tpu.memory_space<semaphore_mem>>)
      %dma_start3A_20 = tpu.memref_slice %arg9[%mul3A_16] : memref<320xi32, #tpu.memory_space<vmem>> -> memref<64xi32, #tpu.memory_space<vmem>>
      %dma_start3A_21 = arith.constant 0 : i32
      %dma_start3A_22 = arith.constant 0 : i32
      %dma_start3A_23 = tpu.memref_slice %arg3[%dma_start3A_21, %dma_start3A_22] : memref<100000x768xf32, #tpu.memory_space<hbm>> -> memref<100000x768xf32, #tpu.memory_space<hbm>>
      tpu.enqueue_indirect_dma source(%dma_start3A_23 : memref<100000x768xf32, #tpu.memory_space<hbm>>) target(%arg11 : memref<64x768xf32, #tpu.memory_space<vmem>>) offsets(%dma_start3A_20 : memref<64xi32, #tpu.memory_space<vmem>>) semaphore(%arg12 : memref<!tpu.dma_semaphore, #tpu.memory_space<semaphore_mem>>)
      %dma_wait3A = tpu.memref_slice %arg8[%mul3A_16] : memref<320xi32, #tpu.memory_space<vmem>> -> memref<64xi32, #tpu.memory_space<vmem>>
      %dma_wait3A_24 = arith.constant 0 : i32
      %dma_wait3A_25 = arith.constant 0 : i32
      %dma_wait3A_26 = tpu.memref_slice %arg2[%dma_wait3A_24, %dma_wait3A_25] : memref<100000x128xf32, #tpu.memory_space<hbm>> -> memref<100000x128xf32, #tpu.memory_space<hbm>>
      tpu.wait_indirect_dma semaphore(%arg12 : memref<!tpu.dma_semaphore, #tpu.memory_space<semaphore_mem>>) src(%dma_wait3A_26 : memref<100000x128xf32, #tpu.memory_space<hbm>>) dst(%arg10 : memref<64x128xf32, #tpu.memory_space<vmem>>)
      %dma_wait3A_27 = tpu.memref_slice %arg9[%mul3A_16] : memref<320xi32, #tpu.memory_space<vmem>> -> memref<64xi32, #tpu.memory_space<vmem>>
      %dma_wait3A_28 = arith.constant 0 : i32
      %dma_wait3A_29 = arith.constant 0 : i32
      %dma_wait3A_30 = tpu.memref_slice %arg3[%dma_wait3A_28, %dma_wait3A_29] : memref<100000x768xf32, #tpu.memory_space<hbm>> -> memref<100000x768xf32, #tpu.memory_space<hbm>>
      tpu.wait_indirect_dma semaphore(%arg12 : memref<!tpu.dma_semaphore, #tpu.memory_space<semaphore_mem>>) src(%dma_wait3A_30 : memref<100000x768xf32, #tpu.memory_space<hbm>>) dst(%arg11 : memref<64x768xf32, #tpu.memory_space<vmem>>)
      %add3A_31 = arith.addi %mul3A_2, %mul3A_16 : i32
      "tpu.region"() ({
        %run_scoped3A = tpu.sem_alloc : memref<!tpu.dma_semaphore, #tpu.memory_space<semaphore_mem>>
        %dma_start3A_34 = arith.constant 0 : i32
        %dma_start3A_35 = tpu.memref_slice %arg6[%add3A_31, %dma_start3A_34] : memref<10240x128xf32, #tpu.memory_space<hbm>> -> memref<64x128xf32, #tpu.memory_space<hbm>>
        %dma_start3A_36 = arith.constant 0 : i32
        %dma_start3A_37 = tpu.memref_slice %arg6[%add3A_31, %dma_start3A_36] : memref<10240x128xf32, #tpu.memory_space<hbm>> -> memref<64x128xf32, #tpu.memory_space<hbm>>
        tpu.enqueue_dma source(%arg10 : memref<64x128xf32, #tpu.memory_space<vmem>>) target(%dma_start3A_37 : memref<64x128xf32, #tpu.memory_space<hbm>>) target_semaphore(%run_scoped3A : memref<!tpu.dma_semaphore, #tpu.memory_space<semaphore_mem>>)
        %dma_wait3A_38 = arith.constant 0 : i32
        %dma_wait3A_39 = tpu.memref_slice %arg6[%add3A_31, %dma_wait3A_38] : memref<10240x128xf32, #tpu.memory_space<hbm>> -> memref<64x128xf32, #tpu.memory_space<hbm>>
        %dma_wait3A_40 = arith.constant 0 : i32
        %dma_wait3A_41 = tpu.memref_slice %arg6[%add3A_31, %dma_wait3A_40] : memref<10240x128xf32, #tpu.memory_space<hbm>> -> memref<64x128xf32, #tpu.memory_space<hbm>>
        tpu.wait_dma2 semaphore(%run_scoped3A : memref<!tpu.dma_semaphore, #tpu.memory_space<semaphore_mem>>) src(%arg10 : memref<64x128xf32, #tpu.memory_space<vmem>>) dst(%dma_wait3A_41 : memref<64x128xf32, #tpu.memory_space<hbm>>)
        tpu.yield
      }) : () -> ()
      %add3A_32 = arith.addi %mul3A_2, %mul3A_16 : i32
      "tpu.region"() ({
        %run_scoped3A = tpu.sem_alloc : memref<!tpu.dma_semaphore, #tpu.memory_space<semaphore_mem>>
        %dma_start3A_34 = arith.constant 0 : i32
        %dma_start3A_35 = tpu.memref_slice %arg7[%add3A_32, %dma_start3A_34] : memref<10240x768xf32, #tpu.memory_space<hbm>> -> memref<64x768xf32, #tpu.memory_space<hbm>>
        %dma_start3A_36 = arith.constant 0 : i32
        %dma_start3A_37 = tpu.memref_slice %arg7[%add3A_32, %dma_start3A_36] : memref<10240x768xf32, #tpu.memory_space<hbm>> -> memref<64x768xf32, #tpu.memory_space<hbm>>
        tpu.enqueue_dma source(%arg11 : memref<64x768xf32, #tpu.memory_space<vmem>>) target(%dma_start3A_37 : memref<64x768xf32, #tpu.memory_space<hbm>>) target_semaphore(%run_scoped3A : memref<!tpu.dma_semaphore, #tpu.memory_space<semaphore_mem>>)
        %dma_wait3A_38 = arith.constant 0 : i32
        %dma_wait3A_39 = tpu.memref_slice %arg7[%add3A_32, %dma_wait3A_38] : memref<10240x768xf32, #tpu.memory_space<hbm>> -> memref<64x768xf32, #tpu.memory_space<hbm>>
        %dma_wait3A_40 = arith.constant 0 : i32
        %dma_wait3A_41 = tpu.memref_slice %arg7[%add3A_32, %dma_wait3A_40] : memref<10240x768xf32, #tpu.memory_space<hbm>> -> memref<64x768xf32, #tpu.memory_space<hbm>>
        tpu.wait_dma2 semaphore(%run_scoped3A : memref<!tpu.dma_semaphore, #tpu.memory_space<semaphore_mem>>) src(%arg11 : memref<64x768xf32, #tpu.memory_space<vmem>>) dst(%dma_wait3A_41 : memref<64x768xf32, #tpu.memory_space<hbm>>)
        tpu.yield
      }) : () -> ()
      %scan3A_33 = arith.constant 0 : i32
      scf.yield %scan3A_33 : i32
    }
    %scan3A_12 = arith.constant 5 : i32
    return
  }
}

#map = affine_map<(d0, d1) -> (0, 0)>
#map1 = affine_map<(d0, d1) -> (0)>
module attributes {stable_mosaic.version = 14 : i64} {
  func.func @k(%arg0: i32, %arg1: i32, %arg2: memref<100000x128xf32, #tpu.memory_space<hbm>>, %arg3: memref<100000x768xf32, #tpu.memory_space<hbm>>, %arg4: memref<51200xi32, #tpu.memory_space<hbm>>, %arg5: memref<51200xi32, #tpu.memory_space<hbm>>, %arg6: memref<10240x128xf32, #tpu.memory_space<hbm>>, %arg7: memref<10240x768xf32, #tpu.memory_space<hbm>>, %arg8: memref<320xi32, #tpu.memory_space<vmem>>, %arg9: memref<320xi32, #tpu.memory_space<vmem>>, %arg10: memref<64x128xf32, #tpu.memory_space<vmem>>, %arg11: memref<64x768xf32, #tpu.memory_space<vmem>>, %arg12: memref<!tpu.dma_semaphore, #tpu.memory_space<semaphore_mem>>) attributes {dimension_semantics = [#tpu.dimension_semantics<core_parallel>, #tpu.dimension_semantics<subcore_parallel>], iteration_bounds = array<i64: 2, 16>, scalar_prefetch = 0 : i64, scratch_operands = 5 : i64, tpu.core_type = #tpu.core_type<sc_vector_subcore>, window_params = [{transform_indices = #map}, {transform_indices = #map}, {transform_indices = #map1}, {transform_indices = #map1}, {transform_indices = #map}, {transform_indices = #map}]} {
    %mul3A = arith.constant 2 : i32
    %mul3A_0 = arith.muli %arg1, %mul3A : i32
    %add3A = arith.addi %mul3A_0, %arg0 : i32
    %mul3A_1 = arith.constant 320 : i32
    %mul3A_2 = arith.muli %add3A, %mul3A_1 : i32
    %add3A_3 = arith.constant 10240 : i32
    %add3A_4 = arith.addi %add3A_3, %mul3A_2 : i32
    "tpu.region"() ({
      %run_scoped3A = tpu.sem_alloc : memref<!tpu.dma_semaphore, #tpu.memory_space<semaphore_mem>>
      %dma_start3A = tpu.memref_slice %arg4[%add3A_4] : memref<51200xi32, #tpu.memory_space<hbm>> -> memref<320xi32, #tpu.memory_space<hbm>>
      %dma_start3A_13 = tpu.memref_slice %arg4[%add3A_4] : memref<51200xi32, #tpu.memory_space<hbm>> -> memref<320xi32, #tpu.memory_space<hbm>>
      tpu.enqueue_dma source(%dma_start3A_13 : memref<320xi32, #tpu.memory_space<hbm>>) target(%arg8 : memref<320xi32, #tpu.memory_space<vmem>>) target_semaphore(%run_scoped3A : memref<!tpu.dma_semaphore, #tpu.memory_space<semaphore_mem>>)
      %dma_wait3A = tpu.memref_slice %arg4[%add3A_4] : memref<51200xi32, #tpu.memory_space<hbm>> -> memref<320xi32, #tpu.memory_space<hbm>>
      %dma_wait3A_14 = tpu.memref_slice %arg4[%add3A_4] : memref<51200xi32, #tpu.memory_space<hbm>> -> memref<320xi32, #tpu.memory_space<hbm>>
      tpu.wait_dma2 semaphore(%run_scoped3A : memref<!tpu.dma_semaphore, #tpu.memory_space<semaphore_mem>>) src(%dma_wait3A_14 : memref<320xi32, #tpu.memory_space<hbm>>) dst(%arg8 : memref<320xi32, #tpu.memory_space<vmem>>)
      tpu.yield
    }) : () -> ()
    %add3A_5 = arith.constant 10240 : i32
    %add3A_6 = arith.addi %add3A_5, %mul3A_2 : i32
    "tpu.region"() ({
      %run_scoped3A = tpu.sem_alloc : memref<!tpu.dma_semaphore, #tpu.memory_space<semaphore_mem>>
      %dma_start3A = tpu.memref_slice %arg5[%add3A_6] : memref<51200xi32, #tpu.memory_space<hbm>> -> memref<320xi32, #tpu.memory_space<hbm>>
      %dma_start3A_13 = tpu.memref_slice %arg5[%add3A_6] : memref<51200xi32, #tpu.memory_space<hbm>> -> memref<320xi32, #tpu.memory_space<hbm>>
      tpu.enqueue_dma source(%dma_start3A_13 : memref<320xi32, #tpu.memory_space<hbm>>) target(%arg9 : memref<320xi32, #tpu.memory_space<vmem>>) target_semaphore(%run_scoped3A : memref<!tpu.dma_semaphore, #tpu.memory_space<semaphore_mem>>)
      %dma_wait3A = tpu.memref_slice %arg5[%add3A_6] : memref<51200xi32, #tpu.memory_space<hbm>> -> memref<320xi32, #tpu.memory_space<hbm>>
      %dma_wait3A_14 = tpu.memref_slice %arg5[%add3A_6] : memref<51200xi32, #tpu.memory_space<hbm>> -> memref<320xi32, #tpu.memory_space<hbm>>
      tpu.wait_dma2 semaphore(%run_scoped3A : memref<!tpu.dma_semaphore, #tpu.memory_space<semaphore_mem>>) src(%dma_wait3A_14 : memref<320xi32, #tpu.memory_space<hbm>>) dst(%arg9 : memref<320xi32, #tpu.memory_space<vmem>>)
      tpu.yield
    }) : () -> ()
    %scan3A = arith.constant 0 : i32
    %scan3A_7 = arith.constant 0 : i32
    %scan3A_8 = arith.constant 5 : i32
    %scan3A_9 = arith.addi %scan3A_7, %scan3A_8 : i32
    %scan3A_10 = arith.constant 1 : i32
    %scan3A_11 = scf.for %scan3A_13 = %scan3A_7 to %scan3A_9 step %scan3A_10 iter_args(%scan3A_14 = %scan3A) -> (i32)  : i32 {
      %mul3A_15 = arith.constant 64 : i32
      %mul3A_16 = arith.muli %scan3A_13, %mul3A_15 : i32
      %dma_start3A = tpu.memref_slice %arg8[%mul3A_16] : memref<320xi32, #tpu.memory_space<vmem>> -> memref<64xi32, #tpu.memory_space<vmem>>
      %dma_start3A_17 = arith.constant 0 : i32
      %dma_start3A_18 = arith.constant 0 : i32
      %dma_start3A_19 = tpu.memref_slice %arg2[%dma_start3A_17, %dma_start3A_18] : memref<100000x128xf32, #tpu.memory_space<hbm>> -> memref<100000x128xf32, #tpu.memory_space<hbm>>
      tpu.enqueue_indirect_dma source(%dma_start3A_19 : memref<100000x128xf32, #tpu.memory_space<hbm>>) target(%arg10 : memref<64x128xf32, #tpu.memory_space<vmem>>) offsets(%dma_start3A : memref<64xi32, #tpu.memory_space<vmem>>) semaphore(%arg12 : memref<!tpu.dma_semaphore, #tpu.memory_space<semaphore_mem>>)
      %dma_start3A_20 = tpu.memref_slice %arg9[%mul3A_16] : memref<320xi32, #tpu.memory_space<vmem>> -> memref<64xi32, #tpu.memory_space<vmem>>
      %dma_start3A_21 = arith.constant 0 : i32
      %dma_start3A_22 = arith.constant 0 : i32
      %dma_start3A_23 = tpu.memref_slice %arg3[%dma_start3A_21, %dma_start3A_22] : memref<100000x768xf32, #tpu.memory_space<hbm>> -> memref<100000x768xf32, #tpu.memory_space<hbm>>
      tpu.enqueue_indirect_dma source(%dma_start3A_23 : memref<100000x768xf32, #tpu.memory_space<hbm>>) target(%arg11 : memref<64x768xf32, #tpu.memory_space<vmem>>) offsets(%dma_start3A_20 : memref<64xi32, #tpu.memory_space<vmem>>) semaphore(%arg12 : memref<!tpu.dma_semaphore, #tpu.memory_space<semaphore_mem>>)
      %dma_wait3A = tpu.memref_slice %arg8[%mul3A_16] : memref<320xi32, #tpu.memory_space<vmem>> -> memref<64xi32, #tpu.memory_space<vmem>>
      %dma_wait3A_24 = arith.constant 0 : i32
      %dma_wait3A_25 = arith.constant 0 : i32
      %dma_wait3A_26 = tpu.memref_slice %arg2[%dma_wait3A_24, %dma_wait3A_25] : memref<100000x128xf32, #tpu.memory_space<hbm>> -> memref<100000x128xf32, #tpu.memory_space<hbm>>
      tpu.wait_indirect_dma semaphore(%arg12 : memref<!tpu.dma_semaphore, #tpu.memory_space<semaphore_mem>>) src(%dma_wait3A_26 : memref<100000x128xf32, #tpu.memory_space<hbm>>) dst(%arg10 : memref<64x128xf32, #tpu.memory_space<vmem>>)
      %dma_wait3A_27 = tpu.memref_slice %arg9[%mul3A_16] : memref<320xi32, #tpu.memory_space<vmem>> -> memref<64xi32, #tpu.memory_space<vmem>>
      %dma_wait3A_28 = arith.constant 0 : i32
      %dma_wait3A_29 = arith.constant 0 : i32
      %dma_wait3A_30 = tpu.memref_slice %arg3[%dma_wait3A_28, %dma_wait3A_29] : memref<100000x768xf32, #tpu.memory_space<hbm>> -> memref<100000x768xf32, #tpu.memory_space<hbm>>
      tpu.wait_indirect_dma semaphore(%arg12 : memref<!tpu.dma_semaphore, #tpu.memory_space<semaphore_mem>>) src(%dma_wait3A_30 : memref<100000x768xf32, #tpu.memory_space<hbm>>) dst(%arg11 : memref<64x768xf32, #tpu.memory_space<vmem>>)
      %add3A_31 = arith.addi %mul3A_2, %mul3A_16 : i32
      "tpu.region"() ({
        %run_scoped3A = tpu.sem_alloc : memref<!tpu.dma_semaphore, #tpu.memory_space<semaphore_mem>>
        %dma_start3A_34 = arith.constant 0 : i32
        %dma_start3A_35 = tpu.memref_slice %arg6[%add3A_31, %dma_start3A_34] : memref<10240x128xf32, #tpu.memory_space<hbm>> -> memref<64x128xf32, #tpu.memory_space<hbm>>
        %dma_start3A_36 = arith.constant 0 : i32
        %dma_start3A_37 = tpu.memref_slice %arg6[%add3A_31, %dma_start3A_36] : memref<10240x128xf32, #tpu.memory_space<hbm>> -> memref<64x128xf32, #tpu.memory_space<hbm>>
        tpu.enqueue_dma source(%arg10 : memref<64x128xf32, #tpu.memory_space<vmem>>) target(%dma_start3A_37 : memref<64x128xf32, #tpu.memory_space<hbm>>) target_semaphore(%run_scoped3A : memref<!tpu.dma_semaphore, #tpu.memory_space<semaphore_mem>>)
        %dma_wait3A_38 = arith.constant 0 : i32
        %dma_wait3A_39 = tpu.memref_slice %arg6[%add3A_31, %dma_wait3A_38] : memref<10240x128xf32, #tpu.memory_space<hbm>> -> memref<64x128xf32, #tpu.memory_space<hbm>>
        %dma_wait3A_40 = arith.constant 0 : i32
        %dma_wait3A_41 = tpu.memref_slice %arg6[%add3A_31, %dma_wait3A_40] : memref<10240x128xf32, #tpu.memory_space<hbm>> -> memref<64x128xf32, #tpu.memory_space<hbm>>
        tpu.wait_dma2 semaphore(%run_scoped3A : memref<!tpu.dma_semaphore, #tpu.memory_space<semaphore_mem>>) src(%arg10 : memref<64x128xf32, #tpu.memory_space<vmem>>) dst(%dma_wait3A_41 : memref<64x128xf32, #tpu.memory_space<hbm>>)
        tpu.yield
      }) : () -> ()
      %add3A_32 = arith.addi %mul3A_2, %mul3A_16 : i32
      "tpu.region"() ({
        %run_scoped3A = tpu.sem_alloc : memref<!tpu.dma_semaphore, #tpu.memory_space<semaphore_mem>>
        %dma_start3A_34 = arith.constant 0 : i32
        %dma_start3A_35 = tpu.memref_slice %arg7[%add3A_32, %dma_start3A_34] : memref<10240x768xf32, #tpu.memory_space<hbm>> -> memref<64x768xf32, #tpu.memory_space<hbm>>
        %dma_start3A_36 = arith.constant 0 : i32
        %dma_start3A_37 = tpu.memref_slice %arg7[%add3A_32, %dma_start3A_36] : memref<10240x768xf32, #tpu.memory_space<hbm>> -> memref<64x768xf32, #tpu.memory_space<hbm>>
        tpu.enqueue_dma source(%arg11 : memref<64x768xf32, #tpu.memory_space<vmem>>) target(%dma_start3A_37 : memref<64x768xf32, #tpu.memory_space<hbm>>) target_semaphore(%run_scoped3A : memref<!tpu.dma_semaphore, #tpu.memory_space<semaphore_mem>>)
        %dma_wait3A_38 = arith.constant 0 : i32
        %dma_wait3A_39 = tpu.memref_slice %arg7[%add3A_32, %dma_wait3A_38] : memref<10240x768xf32, #tpu.memory_space<hbm>> -> memref<64x768xf32, #tpu.memory_space<hbm>>
        %dma_wait3A_40 = arith.constant 0 : i32
        %dma_wait3A_41 = tpu.memref_slice %arg7[%add3A_32, %dma_wait3A_40] : memref<10240x768xf32, #tpu.memory_space<hbm>> -> memref<64x768xf32, #tpu.memory_space<hbm>>
        tpu.wait_dma2 semaphore(%run_scoped3A : memref<!tpu.dma_semaphore, #tpu.memory_space<semaphore_mem>>) src(%arg11 : memref<64x768xf32, #tpu.memory_space<vmem>>) dst(%dma_wait3A_41 : memref<64x768xf32, #tpu.memory_space<hbm>>)
        tpu.yield
      }) : () -> ()
      %scan3A_33 = arith.constant 0 : i32
      scf.yield %scan3A_33 : i32
    }
    %scan3A_12 = arith.constant 5 : i32
    return
  }
}

#map = affine_map<(d0, d1) -> (0, 0)>
#map1 = affine_map<(d0, d1) -> (0)>
module attributes {stable_mosaic.version = 14 : i64} {
  func.func @k(%arg0: i32, %arg1: i32, %arg2: memref<100000x128xf32, #tpu.memory_space<hbm>>, %arg3: memref<100000x768xf32, #tpu.memory_space<hbm>>, %arg4: memref<51200xi32, #tpu.memory_space<hbm>>, %arg5: memref<51200xi32, #tpu.memory_space<hbm>>, %arg6: memref<10240x128xf32, #tpu.memory_space<hbm>>, %arg7: memref<10240x768xf32, #tpu.memory_space<hbm>>, %arg8: memref<320xi32, #tpu.memory_space<vmem>>, %arg9: memref<320xi32, #tpu.memory_space<vmem>>, %arg10: memref<64x128xf32, #tpu.memory_space<vmem>>, %arg11: memref<64x768xf32, #tpu.memory_space<vmem>>, %arg12: memref<!tpu.dma_semaphore, #tpu.memory_space<semaphore_mem>>) attributes {dimension_semantics = [#tpu.dimension_semantics<core_parallel>, #tpu.dimension_semantics<subcore_parallel>], iteration_bounds = array<i64: 2, 16>, scalar_prefetch = 0 : i64, scratch_operands = 5 : i64, tpu.core_type = #tpu.core_type<sc_vector_subcore>, window_params = [{transform_indices = #map}, {transform_indices = #map}, {transform_indices = #map1}, {transform_indices = #map1}, {transform_indices = #map}, {transform_indices = #map}]} {
    %mul3A = arith.constant 2 : i32
    %mul3A_0 = arith.muli %arg1, %mul3A : i32
    %add3A = arith.addi %mul3A_0, %arg0 : i32
    %mul3A_1 = arith.constant 320 : i32
    %mul3A_2 = arith.muli %add3A, %mul3A_1 : i32
    %add3A_3 = arith.constant 20480 : i32
    %add3A_4 = arith.addi %add3A_3, %mul3A_2 : i32
    "tpu.region"() ({
      %run_scoped3A = tpu.sem_alloc : memref<!tpu.dma_semaphore, #tpu.memory_space<semaphore_mem>>
      %dma_start3A = tpu.memref_slice %arg4[%add3A_4] : memref<51200xi32, #tpu.memory_space<hbm>> -> memref<320xi32, #tpu.memory_space<hbm>>
      %dma_start3A_13 = tpu.memref_slice %arg4[%add3A_4] : memref<51200xi32, #tpu.memory_space<hbm>> -> memref<320xi32, #tpu.memory_space<hbm>>
      tpu.enqueue_dma source(%dma_start3A_13 : memref<320xi32, #tpu.memory_space<hbm>>) target(%arg8 : memref<320xi32, #tpu.memory_space<vmem>>) target_semaphore(%run_scoped3A : memref<!tpu.dma_semaphore, #tpu.memory_space<semaphore_mem>>)
      %dma_wait3A = tpu.memref_slice %arg4[%add3A_4] : memref<51200xi32, #tpu.memory_space<hbm>> -> memref<320xi32, #tpu.memory_space<hbm>>
      %dma_wait3A_14 = tpu.memref_slice %arg4[%add3A_4] : memref<51200xi32, #tpu.memory_space<hbm>> -> memref<320xi32, #tpu.memory_space<hbm>>
      tpu.wait_dma2 semaphore(%run_scoped3A : memref<!tpu.dma_semaphore, #tpu.memory_space<semaphore_mem>>) src(%dma_wait3A_14 : memref<320xi32, #tpu.memory_space<hbm>>) dst(%arg8 : memref<320xi32, #tpu.memory_space<vmem>>)
      tpu.yield
    }) : () -> ()
    %add3A_5 = arith.constant 20480 : i32
    %add3A_6 = arith.addi %add3A_5, %mul3A_2 : i32
    "tpu.region"() ({
      %run_scoped3A = tpu.sem_alloc : memref<!tpu.dma_semaphore, #tpu.memory_space<semaphore_mem>>
      %dma_start3A = tpu.memref_slice %arg5[%add3A_6] : memref<51200xi32, #tpu.memory_space<hbm>> -> memref<320xi32, #tpu.memory_space<hbm>>
      %dma_start3A_13 = tpu.memref_slice %arg5[%add3A_6] : memref<51200xi32, #tpu.memory_space<hbm>> -> memref<320xi32, #tpu.memory_space<hbm>>
      tpu.enqueue_dma source(%dma_start3A_13 : memref<320xi32, #tpu.memory_space<hbm>>) target(%arg9 : memref<320xi32, #tpu.memory_space<vmem>>) target_semaphore(%run_scoped3A : memref<!tpu.dma_semaphore, #tpu.memory_space<semaphore_mem>>)
      %dma_wait3A = tpu.memref_slice %arg5[%add3A_6] : memref<51200xi32, #tpu.memory_space<hbm>> -> memref<320xi32, #tpu.memory_space<hbm>>
      %dma_wait3A_14 = tpu.memref_slice %arg5[%add3A_6] : memref<51200xi32, #tpu.memory_space<hbm>> -> memref<320xi32, #tpu.memory_space<hbm>>
      tpu.wait_dma2 semaphore(%run_scoped3A : memref<!tpu.dma_semaphore, #tpu.memory_space<semaphore_mem>>) src(%dma_wait3A_14 : memref<320xi32, #tpu.memory_space<hbm>>) dst(%arg9 : memref<320xi32, #tpu.memory_space<vmem>>)
      tpu.yield
    }) : () -> ()
    %scan3A = arith.constant 0 : i32
    %scan3A_7 = arith.constant 0 : i32
    %scan3A_8 = arith.constant 5 : i32
    %scan3A_9 = arith.addi %scan3A_7, %scan3A_8 : i32
    %scan3A_10 = arith.constant 1 : i32
    %scan3A_11 = scf.for %scan3A_13 = %scan3A_7 to %scan3A_9 step %scan3A_10 iter_args(%scan3A_14 = %scan3A) -> (i32)  : i32 {
      %mul3A_15 = arith.constant 64 : i32
      %mul3A_16 = arith.muli %scan3A_13, %mul3A_15 : i32
      %dma_start3A = tpu.memref_slice %arg8[%mul3A_16] : memref<320xi32, #tpu.memory_space<vmem>> -> memref<64xi32, #tpu.memory_space<vmem>>
      %dma_start3A_17 = arith.constant 0 : i32
      %dma_start3A_18 = arith.constant 0 : i32
      %dma_start3A_19 = tpu.memref_slice %arg2[%dma_start3A_17, %dma_start3A_18] : memref<100000x128xf32, #tpu.memory_space<hbm>> -> memref<100000x128xf32, #tpu.memory_space<hbm>>
      tpu.enqueue_indirect_dma source(%dma_start3A_19 : memref<100000x128xf32, #tpu.memory_space<hbm>>) target(%arg10 : memref<64x128xf32, #tpu.memory_space<vmem>>) offsets(%dma_start3A : memref<64xi32, #tpu.memory_space<vmem>>) semaphore(%arg12 : memref<!tpu.dma_semaphore, #tpu.memory_space<semaphore_mem>>)
      %dma_start3A_20 = tpu.memref_slice %arg9[%mul3A_16] : memref<320xi32, #tpu.memory_space<vmem>> -> memref<64xi32, #tpu.memory_space<vmem>>
      %dma_start3A_21 = arith.constant 0 : i32
      %dma_start3A_22 = arith.constant 0 : i32
      %dma_start3A_23 = tpu.memref_slice %arg3[%dma_start3A_21, %dma_start3A_22] : memref<100000x768xf32, #tpu.memory_space<hbm>> -> memref<100000x768xf32, #tpu.memory_space<hbm>>
      tpu.enqueue_indirect_dma source(%dma_start3A_23 : memref<100000x768xf32, #tpu.memory_space<hbm>>) target(%arg11 : memref<64x768xf32, #tpu.memory_space<vmem>>) offsets(%dma_start3A_20 : memref<64xi32, #tpu.memory_space<vmem>>) semaphore(%arg12 : memref<!tpu.dma_semaphore, #tpu.memory_space<semaphore_mem>>)
      %dma_wait3A = tpu.memref_slice %arg8[%mul3A_16] : memref<320xi32, #tpu.memory_space<vmem>> -> memref<64xi32, #tpu.memory_space<vmem>>
      %dma_wait3A_24 = arith.constant 0 : i32
      %dma_wait3A_25 = arith.constant 0 : i32
      %dma_wait3A_26 = tpu.memref_slice %arg2[%dma_wait3A_24, %dma_wait3A_25] : memref<100000x128xf32, #tpu.memory_space<hbm>> -> memref<100000x128xf32, #tpu.memory_space<hbm>>
      tpu.wait_indirect_dma semaphore(%arg12 : memref<!tpu.dma_semaphore, #tpu.memory_space<semaphore_mem>>) src(%dma_wait3A_26 : memref<100000x128xf32, #tpu.memory_space<hbm>>) dst(%arg10 : memref<64x128xf32, #tpu.memory_space<vmem>>)
      %dma_wait3A_27 = tpu.memref_slice %arg9[%mul3A_16] : memref<320xi32, #tpu.memory_space<vmem>> -> memref<64xi32, #tpu.memory_space<vmem>>
      %dma_wait3A_28 = arith.constant 0 : i32
      %dma_wait3A_29 = arith.constant 0 : i32
      %dma_wait3A_30 = tpu.memref_slice %arg3[%dma_wait3A_28, %dma_wait3A_29] : memref<100000x768xf32, #tpu.memory_space<hbm>> -> memref<100000x768xf32, #tpu.memory_space<hbm>>
      tpu.wait_indirect_dma semaphore(%arg12 : memref<!tpu.dma_semaphore, #tpu.memory_space<semaphore_mem>>) src(%dma_wait3A_30 : memref<100000x768xf32, #tpu.memory_space<hbm>>) dst(%arg11 : memref<64x768xf32, #tpu.memory_space<vmem>>)
      %add3A_31 = arith.addi %mul3A_2, %mul3A_16 : i32
      "tpu.region"() ({
        %run_scoped3A = tpu.sem_alloc : memref<!tpu.dma_semaphore, #tpu.memory_space<semaphore_mem>>
        %dma_start3A_34 = arith.constant 0 : i32
        %dma_start3A_35 = tpu.memref_slice %arg6[%add3A_31, %dma_start3A_34] : memref<10240x128xf32, #tpu.memory_space<hbm>> -> memref<64x128xf32, #tpu.memory_space<hbm>>
        %dma_start3A_36 = arith.constant 0 : i32
        %dma_start3A_37 = tpu.memref_slice %arg6[%add3A_31, %dma_start3A_36] : memref<10240x128xf32, #tpu.memory_space<hbm>> -> memref<64x128xf32, #tpu.memory_space<hbm>>
        tpu.enqueue_dma source(%arg10 : memref<64x128xf32, #tpu.memory_space<vmem>>) target(%dma_start3A_37 : memref<64x128xf32, #tpu.memory_space<hbm>>) target_semaphore(%run_scoped3A : memref<!tpu.dma_semaphore, #tpu.memory_space<semaphore_mem>>)
        %dma_wait3A_38 = arith.constant 0 : i32
        %dma_wait3A_39 = tpu.memref_slice %arg6[%add3A_31, %dma_wait3A_38] : memref<10240x128xf32, #tpu.memory_space<hbm>> -> memref<64x128xf32, #tpu.memory_space<hbm>>
        %dma_wait3A_40 = arith.constant 0 : i32
        %dma_wait3A_41 = tpu.memref_slice %arg6[%add3A_31, %dma_wait3A_40] : memref<10240x128xf32, #tpu.memory_space<hbm>> -> memref<64x128xf32, #tpu.memory_space<hbm>>
        tpu.wait_dma2 semaphore(%run_scoped3A : memref<!tpu.dma_semaphore, #tpu.memory_space<semaphore_mem>>) src(%arg10 : memref<64x128xf32, #tpu.memory_space<vmem>>) dst(%dma_wait3A_41 : memref<64x128xf32, #tpu.memory_space<hbm>>)
        tpu.yield
      }) : () -> ()
      %add3A_32 = arith.addi %mul3A_2, %mul3A_16 : i32
      "tpu.region"() ({
        %run_scoped3A = tpu.sem_alloc : memref<!tpu.dma_semaphore, #tpu.memory_space<semaphore_mem>>
        %dma_start3A_34 = arith.constant 0 : i32
        %dma_start3A_35 = tpu.memref_slice %arg7[%add3A_32, %dma_start3A_34] : memref<10240x768xf32, #tpu.memory_space<hbm>> -> memref<64x768xf32, #tpu.memory_space<hbm>>
        %dma_start3A_36 = arith.constant 0 : i32
        %dma_start3A_37 = tpu.memref_slice %arg7[%add3A_32, %dma_start3A_36] : memref<10240x768xf32, #tpu.memory_space<hbm>> -> memref<64x768xf32, #tpu.memory_space<hbm>>
        tpu.enqueue_dma source(%arg11 : memref<64x768xf32, #tpu.memory_space<vmem>>) target(%dma_start3A_37 : memref<64x768xf32, #tpu.memory_space<hbm>>) target_semaphore(%run_scoped3A : memref<!tpu.dma_semaphore, #tpu.memory_space<semaphore_mem>>)
        %dma_wait3A_38 = arith.constant 0 : i32
        %dma_wait3A_39 = tpu.memref_slice %arg7[%add3A_32, %dma_wait3A_38] : memref<10240x768xf32, #tpu.memory_space<hbm>> -> memref<64x768xf32, #tpu.memory_space<hbm>>
        %dma_wait3A_40 = arith.constant 0 : i32
        %dma_wait3A_41 = tpu.memref_slice %arg7[%add3A_32, %dma_wait3A_40] : memref<10240x768xf32, #tpu.memory_space<hbm>> -> memref<64x768xf32, #tpu.memory_space<hbm>>
        tpu.wait_dma2 semaphore(%run_scoped3A : memref<!tpu.dma_semaphore, #tpu.memory_space<semaphore_mem>>) src(%arg11 : memref<64x768xf32, #tpu.memory_space<vmem>>) dst(%dma_wait3A_41 : memref<64x768xf32, #tpu.memory_space<hbm>>)
        tpu.yield
      }) : () -> ()
      %scan3A_33 = arith.constant 0 : i32
      scf.yield %scan3A_33 : i32
    }
    %scan3A_12 = arith.constant 5 : i32
    return
  }
}

#map = affine_map<(d0, d1) -> (0, 0)>
#map1 = affine_map<(d0, d1) -> (0)>
module attributes {stable_mosaic.version = 14 : i64} {
  func.func @k(%arg0: i32, %arg1: i32, %arg2: memref<100000x128xf32, #tpu.memory_space<hbm>>, %arg3: memref<100000x768xf32, #tpu.memory_space<hbm>>, %arg4: memref<51200xi32, #tpu.memory_space<hbm>>, %arg5: memref<51200xi32, #tpu.memory_space<hbm>>, %arg6: memref<10240x128xf32, #tpu.memory_space<hbm>>, %arg7: memref<10240x768xf32, #tpu.memory_space<hbm>>, %arg8: memref<320xi32, #tpu.memory_space<vmem>>, %arg9: memref<320xi32, #tpu.memory_space<vmem>>, %arg10: memref<64x128xf32, #tpu.memory_space<vmem>>, %arg11: memref<64x768xf32, #tpu.memory_space<vmem>>, %arg12: memref<!tpu.dma_semaphore, #tpu.memory_space<semaphore_mem>>) attributes {dimension_semantics = [#tpu.dimension_semantics<core_parallel>, #tpu.dimension_semantics<subcore_parallel>], iteration_bounds = array<i64: 2, 16>, scalar_prefetch = 0 : i64, scratch_operands = 5 : i64, tpu.core_type = #tpu.core_type<sc_vector_subcore>, window_params = [{transform_indices = #map}, {transform_indices = #map}, {transform_indices = #map1}, {transform_indices = #map1}, {transform_indices = #map}, {transform_indices = #map}]} {
    %mul3A = arith.constant 2 : i32
    %mul3A_0 = arith.muli %arg1, %mul3A : i32
    %add3A = arith.addi %mul3A_0, %arg0 : i32
    %mul3A_1 = arith.constant 320 : i32
    %mul3A_2 = arith.muli %add3A, %mul3A_1 : i32
    %add3A_3 = arith.constant 30720 : i32
    %add3A_4 = arith.addi %add3A_3, %mul3A_2 : i32
    "tpu.region"() ({
      %run_scoped3A = tpu.sem_alloc : memref<!tpu.dma_semaphore, #tpu.memory_space<semaphore_mem>>
      %dma_start3A = tpu.memref_slice %arg4[%add3A_4] : memref<51200xi32, #tpu.memory_space<hbm>> -> memref<320xi32, #tpu.memory_space<hbm>>
      %dma_start3A_13 = tpu.memref_slice %arg4[%add3A_4] : memref<51200xi32, #tpu.memory_space<hbm>> -> memref<320xi32, #tpu.memory_space<hbm>>
      tpu.enqueue_dma source(%dma_start3A_13 : memref<320xi32, #tpu.memory_space<hbm>>) target(%arg8 : memref<320xi32, #tpu.memory_space<vmem>>) target_semaphore(%run_scoped3A : memref<!tpu.dma_semaphore, #tpu.memory_space<semaphore_mem>>)
      %dma_wait3A = tpu.memref_slice %arg4[%add3A_4] : memref<51200xi32, #tpu.memory_space<hbm>> -> memref<320xi32, #tpu.memory_space<hbm>>
      %dma_wait3A_14 = tpu.memref_slice %arg4[%add3A_4] : memref<51200xi32, #tpu.memory_space<hbm>> -> memref<320xi32, #tpu.memory_space<hbm>>
      tpu.wait_dma2 semaphore(%run_scoped3A : memref<!tpu.dma_semaphore, #tpu.memory_space<semaphore_mem>>) src(%dma_wait3A_14 : memref<320xi32, #tpu.memory_space<hbm>>) dst(%arg8 : memref<320xi32, #tpu.memory_space<vmem>>)
      tpu.yield
    }) : () -> ()
    %add3A_5 = arith.constant 30720 : i32
    %add3A_6 = arith.addi %add3A_5, %mul3A_2 : i32
    "tpu.region"() ({
      %run_scoped3A = tpu.sem_alloc : memref<!tpu.dma_semaphore, #tpu.memory_space<semaphore_mem>>
      %dma_start3A = tpu.memref_slice %arg5[%add3A_6] : memref<51200xi32, #tpu.memory_space<hbm>> -> memref<320xi32, #tpu.memory_space<hbm>>
      %dma_start3A_13 = tpu.memref_slice %arg5[%add3A_6] : memref<51200xi32, #tpu.memory_space<hbm>> -> memref<320xi32, #tpu.memory_space<hbm>>
      tpu.enqueue_dma source(%dma_start3A_13 : memref<320xi32, #tpu.memory_space<hbm>>) target(%arg9 : memref<320xi32, #tpu.memory_space<vmem>>) target_semaphore(%run_scoped3A : memref<!tpu.dma_semaphore, #tpu.memory_space<semaphore_mem>>)
      %dma_wait3A = tpu.memref_slice %arg5[%add3A_6] : memref<51200xi32, #tpu.memory_space<hbm>> -> memref<320xi32, #tpu.memory_space<hbm>>
      %dma_wait3A_14 = tpu.memref_slice %arg5[%add3A_6] : memref<51200xi32, #tpu.memory_space<hbm>> -> memref<320xi32, #tpu.memory_space<hbm>>
      tpu.wait_dma2 semaphore(%run_scoped3A : memref<!tpu.dma_semaphore, #tpu.memory_space<semaphore_mem>>) src(%dma_wait3A_14 : memref<320xi32, #tpu.memory_space<hbm>>) dst(%arg9 : memref<320xi32, #tpu.memory_space<vmem>>)
      tpu.yield
    }) : () -> ()
    %scan3A = arith.constant 0 : i32
    %scan3A_7 = arith.constant 0 : i32
    %scan3A_8 = arith.constant 5 : i32
    %scan3A_9 = arith.addi %scan3A_7, %scan3A_8 : i32
    %scan3A_10 = arith.constant 1 : i32
    %scan3A_11 = scf.for %scan3A_13 = %scan3A_7 to %scan3A_9 step %scan3A_10 iter_args(%scan3A_14 = %scan3A) -> (i32)  : i32 {
      %mul3A_15 = arith.constant 64 : i32
      %mul3A_16 = arith.muli %scan3A_13, %mul3A_15 : i32
      %dma_start3A = tpu.memref_slice %arg8[%mul3A_16] : memref<320xi32, #tpu.memory_space<vmem>> -> memref<64xi32, #tpu.memory_space<vmem>>
      %dma_start3A_17 = arith.constant 0 : i32
      %dma_start3A_18 = arith.constant 0 : i32
      %dma_start3A_19 = tpu.memref_slice %arg2[%dma_start3A_17, %dma_start3A_18] : memref<100000x128xf32, #tpu.memory_space<hbm>> -> memref<100000x128xf32, #tpu.memory_space<hbm>>
      tpu.enqueue_indirect_dma source(%dma_start3A_19 : memref<100000x128xf32, #tpu.memory_space<hbm>>) target(%arg10 : memref<64x128xf32, #tpu.memory_space<vmem>>) offsets(%dma_start3A : memref<64xi32, #tpu.memory_space<vmem>>) semaphore(%arg12 : memref<!tpu.dma_semaphore, #tpu.memory_space<semaphore_mem>>)
      %dma_start3A_20 = tpu.memref_slice %arg9[%mul3A_16] : memref<320xi32, #tpu.memory_space<vmem>> -> memref<64xi32, #tpu.memory_space<vmem>>
      %dma_start3A_21 = arith.constant 0 : i32
      %dma_start3A_22 = arith.constant 0 : i32
      %dma_start3A_23 = tpu.memref_slice %arg3[%dma_start3A_21, %dma_start3A_22] : memref<100000x768xf32, #tpu.memory_space<hbm>> -> memref<100000x768xf32, #tpu.memory_space<hbm>>
      tpu.enqueue_indirect_dma source(%dma_start3A_23 : memref<100000x768xf32, #tpu.memory_space<hbm>>) target(%arg11 : memref<64x768xf32, #tpu.memory_space<vmem>>) offsets(%dma_start3A_20 : memref<64xi32, #tpu.memory_space<vmem>>) semaphore(%arg12 : memref<!tpu.dma_semaphore, #tpu.memory_space<semaphore_mem>>)
      %dma_wait3A = tpu.memref_slice %arg8[%mul3A_16] : memref<320xi32, #tpu.memory_space<vmem>> -> memref<64xi32, #tpu.memory_space<vmem>>
      %dma_wait3A_24 = arith.constant 0 : i32
      %dma_wait3A_25 = arith.constant 0 : i32
      %dma_wait3A_26 = tpu.memref_slice %arg2[%dma_wait3A_24, %dma_wait3A_25] : memref<100000x128xf32, #tpu.memory_space<hbm>> -> memref<100000x128xf32, #tpu.memory_space<hbm>>
      tpu.wait_indirect_dma semaphore(%arg12 : memref<!tpu.dma_semaphore, #tpu.memory_space<semaphore_mem>>) src(%dma_wait3A_26 : memref<100000x128xf32, #tpu.memory_space<hbm>>) dst(%arg10 : memref<64x128xf32, #tpu.memory_space<vmem>>)
      %dma_wait3A_27 = tpu.memref_slice %arg9[%mul3A_16] : memref<320xi32, #tpu.memory_space<vmem>> -> memref<64xi32, #tpu.memory_space<vmem>>
      %dma_wait3A_28 = arith.constant 0 : i32
      %dma_wait3A_29 = arith.constant 0 : i32
      %dma_wait3A_30 = tpu.memref_slice %arg3[%dma_wait3A_28, %dma_wait3A_29] : memref<100000x768xf32, #tpu.memory_space<hbm>> -> memref<100000x768xf32, #tpu.memory_space<hbm>>
      tpu.wait_indirect_dma semaphore(%arg12 : memref<!tpu.dma_semaphore, #tpu.memory_space<semaphore_mem>>) src(%dma_wait3A_30 : memref<100000x768xf32, #tpu.memory_space<hbm>>) dst(%arg11 : memref<64x768xf32, #tpu.memory_space<vmem>>)
      %add3A_31 = arith.addi %mul3A_2, %mul3A_16 : i32
      "tpu.region"() ({
        %run_scoped3A = tpu.sem_alloc : memref<!tpu.dma_semaphore, #tpu.memory_space<semaphore_mem>>
        %dma_start3A_34 = arith.constant 0 : i32
        %dma_start3A_35 = tpu.memref_slice %arg6[%add3A_31, %dma_start3A_34] : memref<10240x128xf32, #tpu.memory_space<hbm>> -> memref<64x128xf32, #tpu.memory_space<hbm>>
        %dma_start3A_36 = arith.constant 0 : i32
        %dma_start3A_37 = tpu.memref_slice %arg6[%add3A_31, %dma_start3A_36] : memref<10240x128xf32, #tpu.memory_space<hbm>> -> memref<64x128xf32, #tpu.memory_space<hbm>>
        tpu.enqueue_dma source(%arg10 : memref<64x128xf32, #tpu.memory_space<vmem>>) target(%dma_start3A_37 : memref<64x128xf32, #tpu.memory_space<hbm>>) target_semaphore(%run_scoped3A : memref<!tpu.dma_semaphore, #tpu.memory_space<semaphore_mem>>)
        %dma_wait3A_38 = arith.constant 0 : i32
        %dma_wait3A_39 = tpu.memref_slice %arg6[%add3A_31, %dma_wait3A_38] : memref<10240x128xf32, #tpu.memory_space<hbm>> -> memref<64x128xf32, #tpu.memory_space<hbm>>
        %dma_wait3A_40 = arith.constant 0 : i32
        %dma_wait3A_41 = tpu.memref_slice %arg6[%add3A_31, %dma_wait3A_40] : memref<10240x128xf32, #tpu.memory_space<hbm>> -> memref<64x128xf32, #tpu.memory_space<hbm>>
        tpu.wait_dma2 semaphore(%run_scoped3A : memref<!tpu.dma_semaphore, #tpu.memory_space<semaphore_mem>>) src(%arg10 : memref<64x128xf32, #tpu.memory_space<vmem>>) dst(%dma_wait3A_41 : memref<64x128xf32, #tpu.memory_space<hbm>>)
        tpu.yield
      }) : () -> ()
      %add3A_32 = arith.addi %mul3A_2, %mul3A_16 : i32
      "tpu.region"() ({
        %run_scoped3A = tpu.sem_alloc : memref<!tpu.dma_semaphore, #tpu.memory_space<semaphore_mem>>
        %dma_start3A_34 = arith.constant 0 : i32
        %dma_start3A_35 = tpu.memref_slice %arg7[%add3A_32, %dma_start3A_34] : memref<10240x768xf32, #tpu.memory_space<hbm>> -> memref<64x768xf32, #tpu.memory_space<hbm>>
        %dma_start3A_36 = arith.constant 0 : i32
        %dma_start3A_37 = tpu.memref_slice %arg7[%add3A_32, %dma_start3A_36] : memref<10240x768xf32, #tpu.memory_space<hbm>> -> memref<64x768xf32, #tpu.memory_space<hbm>>
        tpu.enqueue_dma source(%arg11 : memref<64x768xf32, #tpu.memory_space<vmem>>) target(%dma_start3A_37 : memref<64x768xf32, #tpu.memory_space<hbm>>) target_semaphore(%run_scoped3A : memref<!tpu.dma_semaphore, #tpu.memory_space<semaphore_mem>>)
        %dma_wait3A_38 = arith.constant 0 : i32
        %dma_wait3A_39 = tpu.memref_slice %arg7[%add3A_32, %dma_wait3A_38] : memref<10240x768xf32, #tpu.memory_space<hbm>> -> memref<64x768xf32, #tpu.memory_space<hbm>>
        %dma_wait3A_40 = arith.constant 0 : i32
        %dma_wait3A_41 = tpu.memref_slice %arg7[%add3A_32, %dma_wait3A_40] : memref<10240x768xf32, #tpu.memory_space<hbm>> -> memref<64x768xf32, #tpu.memory_space<hbm>>
        tpu.wait_dma2 semaphore(%run_scoped3A : memref<!tpu.dma_semaphore, #tpu.memory_space<semaphore_mem>>) src(%arg11 : memref<64x768xf32, #tpu.memory_space<vmem>>) dst(%dma_wait3A_41 : memref<64x768xf32, #tpu.memory_space<hbm>>)
        tpu.yield
      }) : () -> ()
      %scan3A_33 = arith.constant 0 : i32
      scf.yield %scan3A_33 : i32
    }
    %scan3A_12 = arith.constant 5 : i32
    return
  }
}

#map = affine_map<(d0, d1) -> (0, 0)>
#map1 = affine_map<(d0, d1) -> (0)>
module attributes {stable_mosaic.version = 14 : i64} {
  func.func @k(%arg0: i32, %arg1: i32, %arg2: memref<100000x128xf32, #tpu.memory_space<hbm>>, %arg3: memref<100000x768xf32, #tpu.memory_space<hbm>>, %arg4: memref<51200xi32, #tpu.memory_space<hbm>>, %arg5: memref<51200xi32, #tpu.memory_space<hbm>>, %arg6: memref<10240x128xf32, #tpu.memory_space<hbm>>, %arg7: memref<10240x768xf32, #tpu.memory_space<hbm>>, %arg8: memref<320xi32, #tpu.memory_space<vmem>>, %arg9: memref<320xi32, #tpu.memory_space<vmem>>, %arg10: memref<64x128xf32, #tpu.memory_space<vmem>>, %arg11: memref<64x768xf32, #tpu.memory_space<vmem>>, %arg12: memref<!tpu.dma_semaphore, #tpu.memory_space<semaphore_mem>>) attributes {dimension_semantics = [#tpu.dimension_semantics<core_parallel>, #tpu.dimension_semantics<subcore_parallel>], iteration_bounds = array<i64: 2, 16>, scalar_prefetch = 0 : i64, scratch_operands = 5 : i64, tpu.core_type = #tpu.core_type<sc_vector_subcore>, window_params = [{transform_indices = #map}, {transform_indices = #map}, {transform_indices = #map1}, {transform_indices = #map1}, {transform_indices = #map}, {transform_indices = #map}]} {
    %mul3A = arith.constant 2 : i32
    %mul3A_0 = arith.muli %arg1, %mul3A : i32
    %add3A = arith.addi %mul3A_0, %arg0 : i32
    %mul3A_1 = arith.constant 320 : i32
    %mul3A_2 = arith.muli %add3A, %mul3A_1 : i32
    %add3A_3 = arith.constant 40960 : i32
    %add3A_4 = arith.addi %add3A_3, %mul3A_2 : i32
    "tpu.region"() ({
      %run_scoped3A = tpu.sem_alloc : memref<!tpu.dma_semaphore, #tpu.memory_space<semaphore_mem>>
      %dma_start3A = tpu.memref_slice %arg4[%add3A_4] : memref<51200xi32, #tpu.memory_space<hbm>> -> memref<320xi32, #tpu.memory_space<hbm>>
      %dma_start3A_13 = tpu.memref_slice %arg4[%add3A_4] : memref<51200xi32, #tpu.memory_space<hbm>> -> memref<320xi32, #tpu.memory_space<hbm>>
      tpu.enqueue_dma source(%dma_start3A_13 : memref<320xi32, #tpu.memory_space<hbm>>) target(%arg8 : memref<320xi32, #tpu.memory_space<vmem>>) target_semaphore(%run_scoped3A : memref<!tpu.dma_semaphore, #tpu.memory_space<semaphore_mem>>)
      %dma_wait3A = tpu.memref_slice %arg4[%add3A_4] : memref<51200xi32, #tpu.memory_space<hbm>> -> memref<320xi32, #tpu.memory_space<hbm>>
      %dma_wait3A_14 = tpu.memref_slice %arg4[%add3A_4] : memref<51200xi32, #tpu.memory_space<hbm>> -> memref<320xi32, #tpu.memory_space<hbm>>
      tpu.wait_dma2 semaphore(%run_scoped3A : memref<!tpu.dma_semaphore, #tpu.memory_space<semaphore_mem>>) src(%dma_wait3A_14 : memref<320xi32, #tpu.memory_space<hbm>>) dst(%arg8 : memref<320xi32, #tpu.memory_space<vmem>>)
      tpu.yield
    }) : () -> ()
    %add3A_5 = arith.constant 40960 : i32
    %add3A_6 = arith.addi %add3A_5, %mul3A_2 : i32
    "tpu.region"() ({
      %run_scoped3A = tpu.sem_alloc : memref<!tpu.dma_semaphore, #tpu.memory_space<semaphore_mem>>
      %dma_start3A = tpu.memref_slice %arg5[%add3A_6] : memref<51200xi32, #tpu.memory_space<hbm>> -> memref<320xi32, #tpu.memory_space<hbm>>
      %dma_start3A_13 = tpu.memref_slice %arg5[%add3A_6] : memref<51200xi32, #tpu.memory_space<hbm>> -> memref<320xi32, #tpu.memory_space<hbm>>
      tpu.enqueue_dma source(%dma_start3A_13 : memref<320xi32, #tpu.memory_space<hbm>>) target(%arg9 : memref<320xi32, #tpu.memory_space<vmem>>) target_semaphore(%run_scoped3A : memref<!tpu.dma_semaphore, #tpu.memory_space<semaphore_mem>>)
      %dma_wait3A = tpu.memref_slice %arg5[%add3A_6] : memref<51200xi32, #tpu.memory_space<hbm>> -> memref<320xi32, #tpu.memory_space<hbm>>
      %dma_wait3A_14 = tpu.memref_slice %arg5[%add3A_6] : memref<51200xi32, #tpu.memory_space<hbm>> -> memref<320xi32, #tpu.memory_space<hbm>>
      tpu.wait_dma2 semaphore(%run_scoped3A : memref<!tpu.dma_semaphore, #tpu.memory_space<semaphore_mem>>) src(%dma_wait3A_14 : memref<320xi32, #tpu.memory_space<hbm>>) dst(%arg9 : memref<320xi32, #tpu.memory_space<vmem>>)
      tpu.yield
    }) : () -> ()
    %scan3A = arith.constant 0 : i32
    %scan3A_7 = arith.constant 0 : i32
    %scan3A_8 = arith.constant 5 : i32
    %scan3A_9 = arith.addi %scan3A_7, %scan3A_8 : i32
    %scan3A_10 = arith.constant 1 : i32
    %scan3A_11 = scf.for %scan3A_13 = %scan3A_7 to %scan3A_9 step %scan3A_10 iter_args(%scan3A_14 = %scan3A) -> (i32)  : i32 {
      %mul3A_15 = arith.constant 64 : i32
      %mul3A_16 = arith.muli %scan3A_13, %mul3A_15 : i32
      %dma_start3A = tpu.memref_slice %arg8[%mul3A_16] : memref<320xi32, #tpu.memory_space<vmem>> -> memref<64xi32, #tpu.memory_space<vmem>>
      %dma_start3A_17 = arith.constant 0 : i32
      %dma_start3A_18 = arith.constant 0 : i32
      %dma_start3A_19 = tpu.memref_slice %arg2[%dma_start3A_17, %dma_start3A_18] : memref<100000x128xf32, #tpu.memory_space<hbm>> -> memref<100000x128xf32, #tpu.memory_space<hbm>>
      tpu.enqueue_indirect_dma source(%dma_start3A_19 : memref<100000x128xf32, #tpu.memory_space<hbm>>) target(%arg10 : memref<64x128xf32, #tpu.memory_space<vmem>>) offsets(%dma_start3A : memref<64xi32, #tpu.memory_space<vmem>>) semaphore(%arg12 : memref<!tpu.dma_semaphore, #tpu.memory_space<semaphore_mem>>)
      %dma_start3A_20 = tpu.memref_slice %arg9[%mul3A_16] : memref<320xi32, #tpu.memory_space<vmem>> -> memref<64xi32, #tpu.memory_space<vmem>>
      %dma_start3A_21 = arith.constant 0 : i32
      %dma_start3A_22 = arith.constant 0 : i32
      %dma_start3A_23 = tpu.memref_slice %arg3[%dma_start3A_21, %dma_start3A_22] : memref<100000x768xf32, #tpu.memory_space<hbm>> -> memref<100000x768xf32, #tpu.memory_space<hbm>>
      tpu.enqueue_indirect_dma source(%dma_start3A_23 : memref<100000x768xf32, #tpu.memory_space<hbm>>) target(%arg11 : memref<64x768xf32, #tpu.memory_space<vmem>>) offsets(%dma_start3A_20 : memref<64xi32, #tpu.memory_space<vmem>>) semaphore(%arg12 : memref<!tpu.dma_semaphore, #tpu.memory_space<semaphore_mem>>)
      %dma_wait3A = tpu.memref_slice %arg8[%mul3A_16] : memref<320xi32, #tpu.memory_space<vmem>> -> memref<64xi32, #tpu.memory_space<vmem>>
      %dma_wait3A_24 = arith.constant 0 : i32
      %dma_wait3A_25 = arith.constant 0 : i32
      %dma_wait3A_26 = tpu.memref_slice %arg2[%dma_wait3A_24, %dma_wait3A_25] : memref<100000x128xf32, #tpu.memory_space<hbm>> -> memref<100000x128xf32, #tpu.memory_space<hbm>>
      tpu.wait_indirect_dma semaphore(%arg12 : memref<!tpu.dma_semaphore, #tpu.memory_space<semaphore_mem>>) src(%dma_wait3A_26 : memref<100000x128xf32, #tpu.memory_space<hbm>>) dst(%arg10 : memref<64x128xf32, #tpu.memory_space<vmem>>)
      %dma_wait3A_27 = tpu.memref_slice %arg9[%mul3A_16] : memref<320xi32, #tpu.memory_space<vmem>> -> memref<64xi32, #tpu.memory_space<vmem>>
      %dma_wait3A_28 = arith.constant 0 : i32
      %dma_wait3A_29 = arith.constant 0 : i32
      %dma_wait3A_30 = tpu.memref_slice %arg3[%dma_wait3A_28, %dma_wait3A_29] : memref<100000x768xf32, #tpu.memory_space<hbm>> -> memref<100000x768xf32, #tpu.memory_space<hbm>>
      tpu.wait_indirect_dma semaphore(%arg12 : memref<!tpu.dma_semaphore, #tpu.memory_space<semaphore_mem>>) src(%dma_wait3A_30 : memref<100000x768xf32, #tpu.memory_space<hbm>>) dst(%arg11 : memref<64x768xf32, #tpu.memory_space<vmem>>)
      %add3A_31 = arith.addi %mul3A_2, %mul3A_16 : i32
      "tpu.region"() ({
        %run_scoped3A = tpu.sem_alloc : memref<!tpu.dma_semaphore, #tpu.memory_space<semaphore_mem>>
        %dma_start3A_34 = arith.constant 0 : i32
        %dma_start3A_35 = tpu.memref_slice %arg6[%add3A_31, %dma_start3A_34] : memref<10240x128xf32, #tpu.memory_space<hbm>> -> memref<64x128xf32, #tpu.memory_space<hbm>>
        %dma_start3A_36 = arith.constant 0 : i32
        %dma_start3A_37 = tpu.memref_slice %arg6[%add3A_31, %dma_start3A_36] : memref<10240x128xf32, #tpu.memory_space<hbm>> -> memref<64x128xf32, #tpu.memory_space<hbm>>
        tpu.enqueue_dma source(%arg10 : memref<64x128xf32, #tpu.memory_space<vmem>>) target(%dma_start3A_37 : memref<64x128xf32, #tpu.memory_space<hbm>>) target_semaphore(%run_scoped3A : memref<!tpu.dma_semaphore, #tpu.memory_space<semaphore_mem>>)
        %dma_wait3A_38 = arith.constant 0 : i32
        %dma_wait3A_39 = tpu.memref_slice %arg6[%add3A_31, %dma_wait3A_38] : memref<10240x128xf32, #tpu.memory_space<hbm>> -> memref<64x128xf32, #tpu.memory_space<hbm>>
        %dma_wait3A_40 = arith.constant 0 : i32
        %dma_wait3A_41 = tpu.memref_slice %arg6[%add3A_31, %dma_wait3A_40] : memref<10240x128xf32, #tpu.memory_space<hbm>> -> memref<64x128xf32, #tpu.memory_space<hbm>>
        tpu.wait_dma2 semaphore(%run_scoped3A : memref<!tpu.dma_semaphore, #tpu.memory_space<semaphore_mem>>) src(%arg10 : memref<64x128xf32, #tpu.memory_space<vmem>>) dst(%dma_wait3A_41 : memref<64x128xf32, #tpu.memory_space<hbm>>)
        tpu.yield
      }) : () -> ()
      %add3A_32 = arith.addi %mul3A_2, %mul3A_16 : i32
      "tpu.region"() ({
        %run_scoped3A = tpu.sem_alloc : memref<!tpu.dma_semaphore, #tpu.memory_space<semaphore_mem>>
        %dma_start3A_34 = arith.constant 0 : i32
        %dma_start3A_35 = tpu.memref_slice %arg7[%add3A_32, %dma_start3A_34] : memref<10240x768xf32, #tpu.memory_space<hbm>> -> memref<64x768xf32, #tpu.memory_space<hbm>>
        %dma_start3A_36 = arith.constant 0 : i32
        %dma_start3A_37 = tpu.memref_slice %arg7[%add3A_32, %dma_start3A_36] : memref<10240x768xf32, #tpu.memory_space<hbm>> -> memref<64x768xf32, #tpu.memory_space<hbm>>
        tpu.enqueue_dma source(%arg11 : memref<64x768xf32, #tpu.memory_space<vmem>>) target(%dma_start3A_37 : memref<64x768xf32, #tpu.memory_space<hbm>>) target_semaphore(%run_scoped3A : memref<!tpu.dma_semaphore, #tpu.memory_space<semaphore_mem>>)
        %dma_wait3A_38 = arith.constant 0 : i32
        %dma_wait3A_39 = tpu.memref_slice %arg7[%add3A_32, %dma_wait3A_38] : memref<10240x768xf32, #tpu.memory_space<hbm>> -> memref<64x768xf32, #tpu.memory_space<hbm>>
        %dma_wait3A_40 = arith.constant 0 : i32
        %dma_wait3A_41 = tpu.memref_slice %arg7[%add3A_32, %dma_wait3A_40] : memref<10240x768xf32, #tpu.memory_space<hbm>> -> memref<64x768xf32, #tpu.memory_space<hbm>>
        tpu.wait_dma2 semaphore(%run_scoped3A : memref<!tpu.dma_semaphore, #tpu.memory_space<semaphore_mem>>) src(%arg11 : memref<64x768xf32, #tpu.memory_space<vmem>>) dst(%dma_wait3A_41 : memref<64x768xf32, #tpu.memory_space<hbm>>)
        tpu.yield
      }) : () -> ()
      %scan3A_33 = arith.constant 0 : i32
      scf.yield %scan3A_33 : i32
    }
    %scan3A_12 = arith.constant 5 : i32
    return
  }
}

module attributes {stable_mosaic.version = 14 : i64} {
  func.func @_tc_combine_body(%arg0: i32, %arg1: memref<1024x128xf32, #tpu.memory_space<vmem>>, %arg2: memref<1024x64xf32, #tpu.memory_space<vmem>>, %arg3: memref<1024x32xf32, #tpu.memory_space<vmem>>, %arg4: memref<1024x16xf32, #tpu.memory_space<vmem>>, %arg5: memref<1024x768xf32, #tpu.memory_space<vmem>>, %arg6: memref<1x1024x8xf32, #tpu.memory_space<vmem>>, %arg7: memref<128x512xbf16, #tpu.memory_space<vmem>>, %arg8: memref<64x512xbf16, #tpu.memory_space<vmem>>, %arg9: memref<32x512xbf16, #tpu.memory_space<vmem>>, %arg10: memref<16x512xbf16, #tpu.memory_space<vmem>>, %arg11: memref<1x512xf32, #tpu.memory_space<vmem>>, %arg12: memref<512x768xbf16, #tpu.memory_space<vmem>>, %arg13: memref<1x768xf32, #tpu.memory_space<vmem>>, %arg14: memref<2x768xf32, #tpu.memory_space<vmem>>, %arg15: memref<1x768xf32, #tpu.memory_space<vmem>>, %arg16: memref<1x768xf32, #tpu.memory_space<vmem>>, %arg17: memref<1x768xf32, #tpu.memory_space<vmem>>, %arg18: memref<1x1024x768xf32, #tpu.memory_space<vmem>>) attributes {dimension_semantics = [#tpu.dimension_semantics<arbitrary>], iteration_bounds = array<i64: 10>, scalar_prefetch = 0 : i64, scratch_operands = 0 : i64, tpu.core_type = #tpu.core_type<tc>, window_params = [{transform_indices = @transform_0, window_bounds = array<i64: 1024, 128>}, {transform_indices = @transform_1, window_bounds = array<i64: 1024, 64>}, {transform_indices = @transform_2, window_bounds = array<i64: 1024, 32>}, {transform_indices = @transform_3, window_bounds = array<i64: 1024, 16>}, {transform_indices = @transform_4, window_bounds = array<i64: 1024, 768>}, {transform_indices = @transform_5, window_bounds = array<i64: 1, 1024, 8>}, {pipeline_mode = #tpu.pipeline_mode<synchronous>, transform_indices = @transform_6, window_bounds = array<i64: 128, 512>}, {pipeline_mode = #tpu.pipeline_mode<synchronous>, transform_indices = @transform_7, window_bounds = array<i64: 64, 512>}, {pipeline_mode = #tpu.pipeline_mode<synchronous>, transform_indices = @transform_8, window_bounds = array<i64: 32, 512>}, {pipeline_mode = #tpu.pipeline_mode<synchronous>, transform_indices = @transform_9, window_bounds = array<i64: 16, 512>}, {pipeline_mode = #tpu.pipeline_mode<synchronous>, transform_indices = @transform_10, window_bounds = array<i64: 1, 512>}, {pipeline_mode = #tpu.pipeline_mode<synchronous>, transform_indices = @transform_11, window_bounds = array<i64: 512, 768>}, {pipeline_mode = #tpu.pipeline_mode<synchronous>, transform_indices = @transform_12, window_bounds = array<i64: 1, 768>}, {pipeline_mode = #tpu.pipeline_mode<synchronous>, transform_indices = @transform_13, window_bounds = array<i64: 2, 768>}, {pipeline_mode = #tpu.pipeline_mode<synchronous>, transform_indices = @transform_14, window_bounds = array<i64: 1, 768>}, {pipeline_mode = #tpu.pipeline_mode<synchronous>, transform_indices = @transform_15, window_bounds = array<i64: 1, 768>}, {pipeline_mode = #tpu.pipeline_mode<synchronous>, transform_indices = @transform_16, window_bounds = array<i64: 1, 768>}, {transform_indices = @transform_17, window_bounds = array<i64: 1, 1024, 768>}]} {
    %get3A = arith.constant 0 : index
    %get3A_0 = arith.constant 0 : index
    %get3A_1 = arith.constant 0 : index
    %get3A_2 = vector.load %arg6[%get3A, %get3A_0, %get3A_1] : memref<1x1024x8xf32, #tpu.memory_space<vmem>>, vector<1x1024x8xf32>
    %reshape3A = vector.shape_cast %get3A_2 : vector<1x1024x8xf32> to vector<1024x8xf32>
    %get3A_3 = arith.constant 0 : index
    %get3A_4 = arith.constant 0 : index
    %get3A_5 = vector.load %arg1[%get3A_3, %get3A_4] : memref<1024x128xf32, #tpu.memory_space<vmem>>, vector<1024x128xf32>
    %convert_element_type3A = arith.truncf %get3A_5 : vector<1024x128xf32> to vector<1024x128xbf16>
    %get3A_6 = arith.constant 0 : index
    %get3A_7 = arith.constant 0 : index
    %get3A_8 = vector.load %arg7[%get3A_6, %get3A_7] : memref<128x512xbf16, #tpu.memory_space<vmem>>, vector<128x512xbf16>
    %dot_general3A = arith.constant dense<0.000000e+00> : vector<1024x512xf32>
    %dot_general3A_9 = tpu.matmul %convert_element_type3A, %get3A_8, %dot_general3A {dimension_numbers = #tpu.dot_dimension_numbers<[1], [0], [0], [1], [0, 0, 1, 1], [], []>, transpose_lhs_hint = false} : vector<1024x128xbf16>, vector<128x512xbf16>, vector<1024x512xf32> -> vector<1024x512xf32>
    %get3A_10 = arith.constant 0 : index
    %get3A_11 = arith.constant 0 : index
    %get3A_12 = vector.load %arg2[%get3A_10, %get3A_11] : memref<1024x64xf32, #tpu.memory_space<vmem>>, vector<1024x64xf32>
    %convert_element_type3A_13 = arith.truncf %get3A_12 : vector<1024x64xf32> to vector<1024x64xbf16>
    %get3A_14 = arith.constant 0 : index
    %get3A_15 = arith.constant 0 : index
    %get3A_16 = vector.load %arg8[%get3A_14, %get3A_15] : memref<64x512xbf16, #tpu.memory_space<vmem>>, vector<64x512xbf16>
    %dot_general3A_17 = arith.constant dense<0.000000e+00> : vector<1024x512xf32>
    %dot_general3A_18 = tpu.matmul %convert_element_type3A_13, %get3A_16, %dot_general3A_17 {dimension_numbers = #tpu.dot_dimension_numbers<[1], [0], [0], [1], [0, 0, 1, 1], [], []>, transpose_lhs_hint = false} : vector<1024x64xbf16>, vector<64x512xbf16>, vector<1024x512xf32> -> vector<1024x512xf32>
    %add3A = arith.addf %dot_general3A_9, %dot_general3A_18 : vector<1024x512xf32>
    %get3A_19 = arith.constant 0 : index
    %get3A_20 = arith.constant 0 : index
    %get3A_21 = vector.load %arg3[%get3A_19, %get3A_20] : memref<1024x32xf32, #tpu.memory_space<vmem>>, vector<1024x32xf32>
    %convert_element_type3A_22 = arith.truncf %get3A_21 : vector<1024x32xf32> to vector<1024x32xbf16>
    %get3A_23 = arith.constant 0 : index
    %get3A_24 = arith.constant 0 : index
    %get3A_25 = vector.load %arg9[%get3A_23, %get3A_24] : memref<32x512xbf16, #tpu.memory_space<vmem>>, vector<32x512xbf16>
    %dot_general3A_26 = arith.constant dense<0.000000e+00> : vector<1024x512xf32>
    %dot_general3A_27 = tpu.matmul %convert_element_type3A_22, %get3A_25, %dot_general3A_26 {dimension_numbers = #tpu.dot_dimension_numbers<[1], [0], [0], [1], [0, 0, 1, 1], [], []>, transpose_lhs_hint = false} : vector<1024x32xbf16>, vector<32x512xbf16>, vector<1024x512xf32> -> vector<1024x512xf32>
    %add3A_28 = arith.addf %add3A, %dot_general3A_27 : vector<1024x512xf32>
    %get3A_29 = arith.constant 0 : index
    %get3A_30 = arith.constant 0 : index
    %get3A_31 = vector.load %arg4[%get3A_29, %get3A_30] : memref<1024x16xf32, #tpu.memory_space<vmem>>, vector<1024x16xf32>
    %convert_element_type3A_32 = arith.truncf %get3A_31 : vector<1024x16xf32> to vector<1024x16xbf16>
    %get3A_33 = arith.constant 0 : index
    %get3A_34 = arith.constant 0 : index
    %get3A_35 = vector.load %arg10[%get3A_33, %get3A_34] : memref<16x512xbf16, #tpu.memory_space<vmem>>, vector<16x512xbf16>
    %dot_general3A_36 = arith.constant dense<0.000000e+00> : vector<1024x512xf32>
    %dot_general3A_37 = tpu.matmul %convert_element_type3A_32, %get3A_35, %dot_general3A_36 {dimension_numbers = #tpu.dot_dimension_numbers<[1], [0], [0], [1], [0, 0, 1, 1], [], []>, transpose_lhs_hint = false} : vector<1024x16xbf16>, vector<16x512xbf16>, vector<1024x512xf32> -> vector<1024x512xf32>
    %add3A_38 = arith.addf %add3A_28, %dot_general3A_37 : vector<1024x512xf32>
    %get3A_39 = arith.constant 0 : index
    %get3A_40 = arith.constant 0 : index
    %get3A_41 = vector.load %arg11[%get3A_39, %get3A_40] : memref<1x512xf32, #tpu.memory_space<vmem>>, vector<1x512xf32>
    %add3A_42 = vector.broadcast %get3A_41 : vector<1x512xf32> to vector<1024x512xf32>
    %add3A_43 = arith.addf %add3A_38, %add3A_42 : vector<1024x512xf32>
    %gt3A = arith.constant 0.000000e+00 : f32
    %gt3A_44 = vector.broadcast %gt3A : f32 to vector<1024x512xf32>
    %gt3A_45 = arith.cmpf ogt, %add3A_43, %gt3A_44 : vector<1024x512xf32>
    %exp3A = math.exp %add3A_43 : vector<1024x512xf32>
    %sub3A = arith.constant 1.000000e+00 : f32
    %sub3A_46 = vector.broadcast %sub3A : f32 to vector<1024x512xf32>
    %sub3A_47 = arith.subf %exp3A, %sub3A_46 : vector<1024x512xf32>
    %mul3A = arith.constant 1.67326319 : f32
    %mul3A_48 = vector.broadcast %mul3A : f32 to vector<1024x512xf32>
    %mul3A_49 = arith.mulf %mul3A_48, %sub3A_47 : vector<1024x512xf32>
    %select_n3A = arith.select %gt3A_45, %add3A_43, %mul3A_49 : vector<1024x512xi1>, vector<1024x512xf32>
    %mul3A_50 = arith.constant 1.05070102 : f32
    %mul3A_51 = vector.broadcast %mul3A_50 : f32 to vector<1024x512xf32>
    %mul3A_52 = arith.mulf %mul3A_51, %select_n3A : vector<1024x512xf32>
    %convert_element_type3A_53 = arith.truncf %mul3A_52 : vector<1024x512xf32> to vector<1024x512xbf16>
    %get3A_54 = arith.constant 0 : index
    %get3A_55 = arith.constant 0 : index
    %get3A_56 = vector.load %arg12[%get3A_54, %get3A_55] : memref<512x768xbf16, #tpu.memory_space<vmem>>, vector<512x768xbf16>
    %dot_general3A_57 = arith.constant dense<0.000000e+00> : vector<1024x768xf32>
    %dot_general3A_58 = tpu.matmul %convert_element_type3A_53, %get3A_56, %dot_general3A_57 {dimension_numbers = #tpu.dot_dimension_numbers<[1], [0], [0], [1], [0, 0, 1, 1], [], []>, transpose_lhs_hint = false} : vector<1024x512xbf16>, vector<512x768xbf16>, vector<1024x768xf32> -> vector<1024x768xf32>
    %get3A_59 = arith.constant 0 : index
    %get3A_60 = arith.constant 0 : index
    %get3A_61 = vector.load %arg13[%get3A_59, %get3A_60] : memref<1x768xf32, #tpu.memory_space<vmem>>, vector<1x768xf32>
    %add3A_62 = vector.broadcast %get3A_61 : vector<1x768xf32> to vector<1024x768xf32>
    %add3A_63 = arith.addf %dot_general3A_58, %add3A_62 : vector<1024x768xf32>
    %slice3A = vector.extract_strided_slice %reshape3A {offsets = [0, 5], sizes = [1024, 1], strides = [1, 1]} : vector<1024x8xf32> to vector<1024x1xf32>
    %slice3A_64 = vector.extract_strided_slice %reshape3A {offsets = [0, 6], sizes = [1024, 1], strides = [1, 1]} : vector<1024x8xf32> to vector<1024x1xf32>
    %slice3A_65 = vector.extract_strided_slice %reshape3A {offsets = [0, 7], sizes = [1024, 1], strides = [1, 1]} : vector<1024x8xf32> to vector<1024x1xf32>
    %get3A_66 = arith.constant 0 : index
    %get3A_67 = arith.constant 0 : index
    %get3A_68 = vector.load %arg14[%get3A_66, %get3A_67] : memref<2x768xf32, #tpu.memory_space<vmem>>, vector<1x768xf32>
    %mul3A_69 = vector.broadcast %slice3A : vector<1024x1xf32> to vector<1024x768xf32>
    %mul3A_70 = vector.broadcast %get3A_68 : vector<1x768xf32> to vector<1024x768xf32>
    %mul3A_71 = arith.mulf %mul3A_69, %mul3A_70 : vector<1024x768xf32>
    %get3A_72 = arith.constant 1 : index
    %get3A_73 = arith.constant 0 : index
    %get3A_74 = vector.load %arg14[%get3A_72, %get3A_73] : memref<2x768xf32, #tpu.memory_space<vmem>>, vector<1x768xf32>
    %mul3A_75 = vector.broadcast %slice3A_64 : vector<1024x1xf32> to vector<1024x768xf32>
    %mul3A_76 = vector.broadcast %get3A_74 : vector<1x768xf32> to vector<1024x768xf32>
    %mul3A_77 = arith.mulf %mul3A_75, %mul3A_76 : vector<1024x768xf32>
    %add3A_78 = arith.addf %mul3A_71, %mul3A_77 : vector<1024x768xf32>
    %get3A_79 = arith.constant 0 : index
    %get3A_80 = arith.constant 0 : index
    %get3A_81 = vector.load %arg15[%get3A_79, %get3A_80] : memref<1x768xf32, #tpu.memory_space<vmem>>, vector<1x768xf32>
    %add3A_82 = vector.broadcast %get3A_81 : vector<1x768xf32> to vector<1024x768xf32>
    %add3A_83 = arith.addf %add3A_78, %add3A_82 : vector<1024x768xf32>
    %get3A_84 = arith.constant 0 : index
    %get3A_85 = arith.constant 0 : index
    %get3A_86 = vector.load %arg16[%get3A_84, %get3A_85] : memref<1x768xf32, #tpu.memory_space<vmem>>, vector<1x768xf32>
    %mul3A_87 = vector.broadcast %slice3A_65 : vector<1024x1xf32> to vector<1024x768xf32>
    %mul3A_88 = vector.broadcast %get3A_86 : vector<1x768xf32> to vector<1024x768xf32>
    %mul3A_89 = arith.mulf %mul3A_87, %mul3A_88 : vector<1024x768xf32>
    %get3A_90 = arith.constant 0 : index
    %get3A_91 = arith.constant 0 : index
    %get3A_92 = vector.load %arg17[%get3A_90, %get3A_91] : memref<1x768xf32, #tpu.memory_space<vmem>>, vector<1x768xf32>
    %add3A_93 = vector.broadcast %get3A_92 : vector<1x768xf32> to vector<1024x768xf32>
    %add3A_94 = arith.addf %mul3A_89, %add3A_93 : vector<1024x768xf32>
    %add3A_95 = arith.constant 5.000000e-01 : f32
    %add3A_96 = vector.broadcast %add3A_95 : f32 to vector<1024x768xf32>
    %add3A_97 = arith.addf %add3A_94, %add3A_96 : vector<1024x768xf32>
    %floor3A = math.floor %add3A_97 : vector<1024x768xf32>
    %sub3A_98 = arith.subf %add3A_94, %floor3A : vector<1024x768xf32>
    %mul3A_99 = arith.mulf %sub3A_98, %sub3A_98 : vector<1024x768xf32>
    %broadcast_in_dim3A = arith.constant 6.57556581 : f32
    %broadcast_in_dim3A_100 = vector.broadcast %broadcast_in_dim3A : f32 to vector<1024x768xf32>
    %mul3A_101 = arith.mulf %broadcast_in_dim3A_100, %mul3A_99 : vector<1024x768xf32>
    %add3A_102 = arith.constant -26.0004978 : f32
    %add3A_103 = vector.broadcast %add3A_102 : f32 to vector<1024x768xf32>
    %add3A_104 = arith.addf %mul3A_101, %add3A_103 : vector<1024x768xf32>
    %mul3A_105 = arith.mulf %add3A_104, %mul3A_99 : vector<1024x768xf32>
    %add3A_106 = arith.constant 60.1762237 : f32
    %add3A_107 = vector.broadcast %add3A_106 : f32 to vector<1024x768xf32>
    %add3A_108 = arith.addf %mul3A_105, %add3A_107 : vector<1024x768xf32>
    %mul3A_109 = arith.mulf %add3A_108, %mul3A_99 : vector<1024x768xf32>
    %add3A_110 = arith.constant -85.4511642 : f32
    %add3A_111 = vector.broadcast %add3A_110 : f32 to vector<1024x768xf32>
    %add3A_112 = arith.addf %mul3A_109, %add3A_111 : vector<1024x768xf32>
    %mul3A_113 = arith.mulf %add3A_112, %mul3A_99 : vector<1024x768xf32>
    %add3A_114 = arith.constant 64.9391708 : f32
    %add3A_115 = vector.broadcast %add3A_114 : f32 to vector<1024x768xf32>
    %add3A_116 = arith.addf %mul3A_113, %add3A_115 : vector<1024x768xf32>
    %mul3A_117 = arith.mulf %add3A_116, %mul3A_99 : vector<1024x768xf32>
    %add3A_118 = arith.constant -19.7392063 : f32
    %add3A_119 = vector.broadcast %add3A_118 : f32 to vector<1024x768xf32>
    %add3A_120 = arith.addf %mul3A_117, %add3A_119 : vector<1024x768xf32>
    %mul3A_121 = arith.mulf %add3A_120, %mul3A_99 : vector<1024x768xf32>
    %add3A_122 = arith.constant 1.000000e+00 : f32
    %add3A_123 = vector.broadcast %add3A_122 : f32 to vector<1024x768xf32>
    %add3A_124 = arith.addf %mul3A_121, %add3A_123 : vector<1024x768xf32>
    %get3A_125 = arith.constant 0 : index
    %get3A_126 = arith.constant 0 : index
    %get3A_127 = vector.load %arg5[%get3A_125, %get3A_126] : memref<1024x768xf32, #tpu.memory_space<vmem>>, vector<1024x768xf32>
    %add3A_128 = arith.addf %get3A_127, %add3A_83 : vector<1024x768xf32>
    %add3A_129 = arith.addf %add3A_128, %add3A_63 : vector<1024x768xf32>
    %mul3A_130 = arith.constant 0.0360843912 : f32
    %mul3A_131 = vector.broadcast %mul3A_130 : f32 to vector<1024x768xf32>
    %mul3A_132 = arith.mulf %mul3A_131, %add3A_124 : vector<1024x768xf32>
    %add3A_133 = arith.addf %add3A_129, %mul3A_132 : vector<1024x768xf32>
    %reshape3A_134 = vector.shape_cast %add3A_133 : vector<1024x768xf32> to vector<1x1024x768xf32>
    %swap3A = arith.constant 0 : index
    %swap3A_135 = arith.constant 0 : index
    %swap3A_136 = arith.constant 0 : index
    %swap3A_137 = vector.load %arg18[%swap3A, %swap3A_135, %swap3A_136] : memref<1x1024x768xf32, #tpu.memory_space<vmem>>, vector<1x1024x768xf32>
    tpu.vector_store %arg18[%swap3A, %swap3A_135, %swap3A_136], %reshape3A_134 {strides = array<i32>} : memref<1x1024x768xf32, #tpu.memory_space<vmem>>, vector<1x1024x768xf32>,
    return
  }
  func.func @transform_0(%arg0: i32) -> (i32, i32) {
    %c0_i32 = arith.constant 0 : i32
    %c0_i32_0 = arith.constant 0 : i32
    return %arg0, %c0_i32 : i32, i32
  }
  func.func @transform_1(%arg0: i32) -> (i32, i32) {
    %c0_i32 = arith.constant 0 : i32
    %c0_i32_0 = arith.constant 0 : i32
    return %arg0, %c0_i32 : i32, i32
  }
  func.func @transform_2(%arg0: i32) -> (i32, i32) {
    %c0_i32 = arith.constant 0 : i32
    %c0_i32_0 = arith.constant 0 : i32
    return %arg0, %c0_i32 : i32, i32
  }
  func.func @transform_3(%arg0: i32) -> (i32, i32) {
    %c0_i32 = arith.constant 0 : i32
    %c0_i32_0 = arith.constant 0 : i32
    return %arg0, %c0_i32 : i32, i32
  }
  func.func @transform_4(%arg0: i32) -> (i32, i32) {
    %c0_i32 = arith.constant 0 : i32
    %c0_i32_0 = arith.constant 0 : i32
    return %arg0, %c0_i32 : i32, i32
  }
  func.func @transform_5(%arg0: i32) -> (i32, i32, i32) {
    %add3A = arith.constant 0 : i32
    %add3A_0 = arith.addi %add3A, %arg0 : i32
    %c0_i32 = arith.constant 0 : i32
    %c0_i32_1 = arith.constant 0 : i32
    %c0_i32_2 = arith.constant 0 : i32
    return %add3A_0, %c0_i32, %c0_i32_1 : i32, i32, i32
  }
  func.func @transform_6(%arg0: i32) -> (i32, i32) {
    %c0_i32 = arith.constant 0 : i32
    %c0_i32_0 = arith.constant 0 : i32
    %c0_i32_1 = arith.constant 0 : i32
    return %c0_i32, %c0_i32_0 : i32, i32
  }
  func.func @transform_7(%arg0: i32) -> (i32, i32) {
    %c0_i32 = arith.constant 0 : i32
    %c0_i32_0 = arith.constant 0 : i32
    %c0_i32_1 = arith.constant 0 : i32
    return %c0_i32, %c0_i32_0 : i32, i32
  }
  func.func @transform_8(%arg0: i32) -> (i32, i32) {
    %c0_i32 = arith.constant 0 : i32
    %c0_i32_0 = arith.constant 0 : i32
    %c0_i32_1 = arith.constant 0 : i32
    return %c0_i32, %c0_i32_0 : i32, i32
  }
  func.func @transform_9(%arg0: i32) -> (i32, i32) {
    %c0_i32 = arith.constant 0 : i32
    %c0_i32_0 = arith.constant 0 : i32
    %c0_i32_1 = arith.constant 0 : i32
    return %c0_i32, %c0_i32_0 : i32, i32
  }
  func.func @transform_10(%arg0: i32) -> (i32, i32) {
    %c0_i32 = arith.constant 0 : i32
    %c0_i32_0 = arith.constant 0 : i32
    %c0_i32_1 = arith.constant 0 : i32
    return %c0_i32, %c0_i32_0 : i32, i32
  }
  func.func @transform_11(%arg0: i32) -> (i32, i32) {
    %c0_i32 = arith.constant 0 : i32
    %c0_i32_0 = arith.constant 0 : i32
    %c0_i32_1 = arith.constant 0 : i32
    return %c0_i32, %c0_i32_0 : i32, i32
  }
  func.func @transform_12(%arg0: i32) -> (i32, i32) {
    %c0_i32 = arith.constant 0 : i32
    %c0_i32_0 = arith.constant 0 : i32
    %c0_i32_1 = arith.constant 0 : i32
    return %c0_i32, %c0_i32_0 : i32, i32
  }
  func.func @transform_13(%arg0: i32) -> (i32, i32) {
    %c0_i32 = arith.constant 0 : i32
    %c0_i32_0 = arith.constant 0 : i32
    %c0_i32_1 = arith.constant 0 : i32
    return %c0_i32, %c0_i32_0 : i32, i32
  }
  func.func @transform_14(%arg0: i32) -> (i32, i32) {
    %c0_i32 = arith.constant 0 : i32
    %c0_i32_0 = arith.constant 0 : i32
    %c0_i32_1 = arith.constant 0 : i32
    return %c0_i32, %c0_i32_0 : i32, i32
  }
  func.func @transform_15(%arg0: i32) -> (i32, i32) {
    %c0_i32 = arith.constant 0 : i32
    %c0_i32_0 = arith.constant 0 : i32
    %c0_i32_1 = arith.constant 0 : i32
    return %c0_i32, %c0_i32_0 : i32, i32
  }
  func.func @transform_16(%arg0: i32) -> (i32, i32) {
    %c0_i32 = arith.constant 0 : i32
    %c0_i32_0 = arith.constant 0 : i32
    %c0_i32_1 = arith.constant 0 : i32
    return %c0_i32, %c0_i32_0 : i32, i32
  }
  func.func @transform_17(%arg0: i32) -> (i32, i32, i32) {
    %add3A = arith.constant 0 : i32
    %add3A_0 = arith.addi %add3A, %arg0 : i32
    %c0_i32 = arith.constant 0 : i32
    %c0_i32_1 = arith.constant 0 : i32
    %c0_i32_2 = arith.constant 0 : i32
    return %add3A_0, %c0_i32, %c0_i32_1 : i32, i32, i32
  }
}

module attributes {stable_mosaic.version = 14 : i64} {
  func.func @_lambda_(%arg0: i32, %arg1: memref<50x1024x768xf32, #tpu.memory_space<any>>, %arg2: memref<1024x128xf32, #tpu.memory_space<vmem>>, %arg3: memref<1024x64xf32, #tpu.memory_space<vmem>>, %arg4: memref<1024x32xf32, #tpu.memory_space<vmem>>, %arg5: memref<1024x16xf32, #tpu.memory_space<vmem>>, %arg6: memref<1024x768xf32, #tpu.memory_space<vmem>>, %arg7: memref<1x1024x8xf32, #tpu.memory_space<vmem>>, %arg8: memref<128x512xbf16, #tpu.memory_space<vmem>>, %arg9: memref<64x512xbf16, #tpu.memory_space<vmem>>, %arg10: memref<32x512xbf16, #tpu.memory_space<vmem>>, %arg11: memref<16x512xbf16, #tpu.memory_space<vmem>>, %arg12: memref<1x512xf32, #tpu.memory_space<vmem>>, %arg13: memref<512x768xbf16, #tpu.memory_space<vmem>>, %arg14: memref<1x768xf32, #tpu.memory_space<vmem>>, %arg15: memref<2x768xf32, #tpu.memory_space<vmem>>, %arg16: memref<1x768xf32, #tpu.memory_space<vmem>>, %arg17: memref<1x768xf32, #tpu.memory_space<vmem>>, %arg18: memref<1x768xf32, #tpu.memory_space<vmem>>, %arg19: memref<1x1024x768xf32, #tpu.memory_space<vmem>>) attributes {dimension_semantics = [#tpu.dimension_semantics<arbitrary>], iteration_bounds = array<i64: 10>, scalar_prefetch = 0 : i64, scratch_operands = 0 : i64, tpu.core_type = #tpu.core_type<tc>, window_params = [{}, {transform_indices = @transform_1, window_bounds = array<i64: 1024, 128>}, {transform_indices = @transform_2, window_bounds = array<i64: 1024, 64>}, {transform_indices = @transform_3, window_bounds = array<i64: 1024, 32>}, {transform_indices = @transform_4, window_bounds = array<i64: 1024, 16>}, {transform_indices = @transform_5, window_bounds = array<i64: 1024, 768>}, {transform_indices = @transform_6, window_bounds = array<i64: 1, 1024, 8>}, {pipeline_mode = #tpu.pipeline_mode<synchronous>, transform_indices = @transform_7, window_bounds = array<i64: 128, 512>}, {pipeline_mode = #tpu.pipeline_mode<synchronous>, transform_indices = @transform_8, window_bounds = array<i64: 64, 512>}, {pipeline_mode = #tpu.pipeline_mode<synchronous>, transform_indices = @transform_9, window_bounds = array<i64: 32, 512>}, {pipeline_mode = #tpu.pipeline_mode<synchronous>, transform_indices = @transform_10, window_bounds = array<i64: 16, 512>}, {pipeline_mode = #tpu.pipeline_mode<synchronous>, transform_indices = @transform_11, window_bounds = array<i64: 1, 512>}, {pipeline_mode = #tpu.pipeline_mode<synchronous>, transform_indices = @transform_12, window_bounds = array<i64: 512, 768>}, {pipeline_mode = #tpu.pipeline_mode<synchronous>, transform_indices = @transform_13, window_bounds = array<i64: 1, 768>}, {pipeline_mode = #tpu.pipeline_mode<synchronous>, transform_indices = @transform_14, window_bounds = array<i64: 2, 768>}, {pipeline_mode = #tpu.pipeline_mode<synchronous>, transform_indices = @transform_15, window_bounds = array<i64: 1, 768>}, {pipeline_mode = #tpu.pipeline_mode<synchronous>, transform_indices = @transform_16, window_bounds = array<i64: 1, 768>}, {pipeline_mode = #tpu.pipeline_mode<synchronous>, transform_indices = @transform_17, window_bounds = array<i64: 1, 768>}, {transform_indices = @transform_18, window_bounds = array<i64: 1, 1024, 768>}]} {
    %get3A = arith.constant 0 : index
    %get3A_0 = arith.constant 0 : index
    %get3A_1 = arith.constant 0 : index
    %get3A_2 = vector.load %arg7[%get3A, %get3A_0, %get3A_1] : memref<1x1024x8xf32, #tpu.memory_space<vmem>>, vector<1x1024x8xf32>
    %reshape3A = vector.shape_cast %get3A_2 : vector<1x1024x8xf32> to vector<1024x8xf32>
    %get3A_3 = arith.constant 0 : index
    %get3A_4 = arith.constant 0 : index
    %get3A_5 = vector.load %arg2[%get3A_3, %get3A_4] : memref<1024x128xf32, #tpu.memory_space<vmem>>, vector<1024x128xf32>
    %convert_element_type3A = arith.truncf %get3A_5 : vector<1024x128xf32> to vector<1024x128xbf16>
    %get3A_6 = arith.constant 0 : index
    %get3A_7 = arith.constant 0 : index
    %get3A_8 = vector.load %arg8[%get3A_6, %get3A_7] : memref<128x512xbf16, #tpu.memory_space<vmem>>, vector<128x512xbf16>
    %dot_general3A = arith.constant dense<0.000000e+00> : vector<1024x512xf32>
    %dot_general3A_9 = tpu.matmul %convert_element_type3A, %get3A_8, %dot_general3A {dimension_numbers = #tpu.dot_dimension_numbers<[1], [0], [0], [1], [0, 0, 1, 1], [], []>, transpose_lhs_hint = false} : vector<1024x128xbf16>, vector<128x512xbf16>, vector<1024x512xf32> -> vector<1024x512xf32>
    %get3A_10 = arith.constant 0 : index
    %get3A_11 = arith.constant 0 : index
    %get3A_12 = vector.load %arg3[%get3A_10, %get3A_11] : memref<1024x64xf32, #tpu.memory_space<vmem>>, vector<1024x64xf32>
    %convert_element_type3A_13 = arith.truncf %get3A_12 : vector<1024x64xf32> to vector<1024x64xbf16>
    %get3A_14 = arith.constant 0 : index
    %get3A_15 = arith.constant 0 : index
    %get3A_16 = vector.load %arg9[%get3A_14, %get3A_15] : memref<64x512xbf16, #tpu.memory_space<vmem>>, vector<64x512xbf16>
    %dot_general3A_17 = arith.constant dense<0.000000e+00> : vector<1024x512xf32>
    %dot_general3A_18 = tpu.matmul %convert_element_type3A_13, %get3A_16, %dot_general3A_17 {dimension_numbers = #tpu.dot_dimension_numbers<[1], [0], [0], [1], [0, 0, 1, 1], [], []>, transpose_lhs_hint = false} : vector<1024x64xbf16>, vector<64x512xbf16>, vector<1024x512xf32> -> vector<1024x512xf32>
    %add3A = arith.addf %dot_general3A_9, %dot_general3A_18 : vector<1024x512xf32>
    %get3A_19 = arith.constant 0 : index
    %get3A_20 = arith.constant 0 : index
    %get3A_21 = vector.load %arg4[%get3A_19, %get3A_20] : memref<1024x32xf32, #tpu.memory_space<vmem>>, vector<1024x32xf32>
    %convert_element_type3A_22 = arith.truncf %get3A_21 : vector<1024x32xf32> to vector<1024x32xbf16>
    %get3A_23 = arith.constant 0 : index
    %get3A_24 = arith.constant 0 : index
    %get3A_25 = vector.load %arg10[%get3A_23, %get3A_24] : memref<32x512xbf16, #tpu.memory_space<vmem>>, vector<32x512xbf16>
    %dot_general3A_26 = arith.constant dense<0.000000e+00> : vector<1024x512xf32>
    %dot_general3A_27 = tpu.matmul %convert_element_type3A_22, %get3A_25, %dot_general3A_26 {dimension_numbers = #tpu.dot_dimension_numbers<[1], [0], [0], [1], [0, 0, 1, 1], [], []>, transpose_lhs_hint = false} : vector<1024x32xbf16>, vector<32x512xbf16>, vector<1024x512xf32> -> vector<1024x512xf32>
    %add3A_28 = arith.addf %add3A, %dot_general3A_27 : vector<1024x512xf32>
    %get3A_29 = arith.constant 0 : index
    %get3A_30 = arith.constant 0 : index
    %get3A_31 = vector.load %arg5[%get3A_29, %get3A_30] : memref<1024x16xf32, #tpu.memory_space<vmem>>, vector<1024x16xf32>
    %convert_element_type3A_32 = arith.truncf %get3A_31 : vector<1024x16xf32> to vector<1024x16xbf16>
    %get3A_33 = arith.constant 0 : index
    %get3A_34 = arith.constant 0 : index
    %get3A_35 = vector.load %arg11[%get3A_33, %get3A_34] : memref<16x512xbf16, #tpu.memory_space<vmem>>, vector<16x512xbf16>
    %dot_general3A_36 = arith.constant dense<0.000000e+00> : vector<1024x512xf32>
    %dot_general3A_37 = tpu.matmul %convert_element_type3A_32, %get3A_35, %dot_general3A_36 {dimension_numbers = #tpu.dot_dimension_numbers<[1], [0], [0], [1], [0, 0, 1, 1], [], []>, transpose_lhs_hint = false} : vector<1024x16xbf16>, vector<16x512xbf16>, vector<1024x512xf32> -> vector<1024x512xf32>
    %add3A_38 = arith.addf %add3A_28, %dot_general3A_37 : vector<1024x512xf32>
    %get3A_39 = arith.constant 0 : index
    %get3A_40 = arith.constant 0 : index
    %get3A_41 = vector.load %arg12[%get3A_39, %get3A_40] : memref<1x512xf32, #tpu.memory_space<vmem>>, vector<1x512xf32>
    %add3A_42 = vector.broadcast %get3A_41 : vector<1x512xf32> to vector<1024x512xf32>
    %add3A_43 = arith.addf %add3A_38, %add3A_42 : vector<1024x512xf32>
    %gt3A = arith.constant 0.000000e+00 : f32
    %gt3A_44 = vector.broadcast %gt3A : f32 to vector<1024x512xf32>
    %gt3A_45 = arith.cmpf ogt, %add3A_43, %gt3A_44 : vector<1024x512xf32>
    %exp3A = math.exp %add3A_43 : vector<1024x512xf32>
    %sub3A = arith.constant 1.000000e+00 : f32
    %sub3A_46 = vector.broadcast %sub3A : f32 to vector<1024x512xf32>
    %sub3A_47 = arith.subf %exp3A, %sub3A_46 : vector<1024x512xf32>
    %mul3A = arith.constant 1.67326319 : f32
    %mul3A_48 = vector.broadcast %mul3A : f32 to vector<1024x512xf32>
    %mul3A_49 = arith.mulf %mul3A_48, %sub3A_47 : vector<1024x512xf32>
    %select_n3A = arith.select %gt3A_45, %add3A_43, %mul3A_49 : vector<1024x512xi1>, vector<1024x512xf32>
    %mul3A_50 = arith.constant 1.05070102 : f32
    %mul3A_51 = vector.broadcast %mul3A_50 : f32 to vector<1024x512xf32>
    %mul3A_52 = arith.mulf %mul3A_51, %select_n3A : vector<1024x512xf32>
    %convert_element_type3A_53 = arith.truncf %mul3A_52 : vector<1024x512xf32> to vector<1024x512xbf16>
    %get3A_54 = arith.constant 0 : index
    %get3A_55 = arith.constant 0 : index
    %get3A_56 = vector.load %arg13[%get3A_54, %get3A_55] : memref<512x768xbf16, #tpu.memory_space<vmem>>, vector<512x768xbf16>
    %dot_general3A_57 = arith.constant dense<0.000000e+00> : vector<1024x768xf32>
    %dot_general3A_58 = tpu.matmul %convert_element_type3A_53, %get3A_56, %dot_general3A_57 {dimension_numbers = #tpu.dot_dimension_numbers<[1], [0], [0], [1], [0, 0, 1, 1], [], []>, transpose_lhs_hint = false} : vector<1024x512xbf16>, vector<512x768xbf16>, vector<1024x768xf32> -> vector<1024x768xf32>
    %get3A_59 = arith.constant 0 : index
    %get3A_60 = arith.constant 0 : index
    %get3A_61 = vector.load %arg14[%get3A_59, %get3A_60] : memref<1x768xf32, #tpu.memory_space<vmem>>, vector<1x768xf32>
    %add3A_62 = vector.broadcast %get3A_61 : vector<1x768xf32> to vector<1024x768xf32>
    %add3A_63 = arith.addf %dot_general3A_58, %add3A_62 : vector<1024x768xf32>
    %slice3A = vector.extract_strided_slice %reshape3A {offsets = [0, 5], sizes = [1024, 1], strides = [1, 1]} : vector<1024x8xf32> to vector<1024x1xf32>
    %slice3A_64 = vector.extract_strided_slice %reshape3A {offsets = [0, 6], sizes = [1024, 1], strides = [1, 1]} : vector<1024x8xf32> to vector<1024x1xf32>
    %slice3A_65 = vector.extract_strided_slice %reshape3A {offsets = [0, 7], sizes = [1024, 1], strides = [1, 1]} : vector<1024x8xf32> to vector<1024x1xf32>
    %get3A_66 = arith.constant 0 : index
    %get3A_67 = arith.constant 0 : index
    %get3A_68 = vector.load %arg15[%get3A_66, %get3A_67] : memref<2x768xf32, #tpu.memory_space<vmem>>, vector<1x768xf32>
    %mul3A_69 = vector.broadcast %slice3A : vector<1024x1xf32> to vector<1024x768xf32>
    %mul3A_70 = vector.broadcast %get3A_68 : vector<1x768xf32> to vector<1024x768xf32>
    %mul3A_71 = arith.mulf %mul3A_69, %mul3A_70 : vector<1024x768xf32>
    %get3A_72 = arith.constant 1 : index
    %get3A_73 = arith.constant 0 : index
    %get3A_74 = vector.load %arg15[%get3A_72, %get3A_73] : memref<2x768xf32, #tpu.memory_space<vmem>>, vector<1x768xf32>
    %mul3A_75 = vector.broadcast %slice3A_64 : vector<1024x1xf32> to vector<1024x768xf32>
    %mul3A_76 = vector.broadcast %get3A_74 : vector<1x768xf32> to vector<1024x768xf32>
    %mul3A_77 = arith.mulf %mul3A_75, %mul3A_76 : vector<1024x768xf32>
    %add3A_78 = arith.addf %mul3A_71, %mul3A_77 : vector<1024x768xf32>
    %get3A_79 = arith.constant 0 : index
    %get3A_80 = arith.constant 0 : index
    %get3A_81 = vector.load %arg16[%get3A_79, %get3A_80] : memref<1x768xf32, #tpu.memory_space<vmem>>, vector<1x768xf32>
    %add3A_82 = vector.broadcast %get3A_81 : vector<1x768xf32> to vector<1024x768xf32>
    %add3A_83 = arith.addf %add3A_78, %add3A_82 : vector<1024x768xf32>
    %get3A_84 = arith.constant 0 : index
    %get3A_85 = arith.constant 0 : index
    %get3A_86 = vector.load %arg17[%get3A_84, %get3A_85] : memref<1x768xf32, #tpu.memory_space<vmem>>, vector<1x768xf32>
    %mul3A_87 = vector.broadcast %slice3A_65 : vector<1024x1xf32> to vector<1024x768xf32>
    %mul3A_88 = vector.broadcast %get3A_86 : vector<1x768xf32> to vector<1024x768xf32>
    %mul3A_89 = arith.mulf %mul3A_87, %mul3A_88 : vector<1024x768xf32>
    %get3A_90 = arith.constant 0 : index
    %get3A_91 = arith.constant 0 : index
    %get3A_92 = vector.load %arg18[%get3A_90, %get3A_91] : memref<1x768xf32, #tpu.memory_space<vmem>>, vector<1x768xf32>
    %add3A_93 = vector.broadcast %get3A_92 : vector<1x768xf32> to vector<1024x768xf32>
    %add3A_94 = arith.addf %mul3A_89, %add3A_93 : vector<1024x768xf32>
    %add3A_95 = arith.constant 5.000000e-01 : f32
    %add3A_96 = vector.broadcast %add3A_95 : f32 to vector<1024x768xf32>
    %add3A_97 = arith.addf %add3A_94, %add3A_96 : vector<1024x768xf32>
    %floor3A = math.floor %add3A_97 : vector<1024x768xf32>
    %sub3A_98 = arith.subf %add3A_94, %floor3A : vector<1024x768xf32>
    %mul3A_99 = arith.mulf %sub3A_98, %sub3A_98 : vector<1024x768xf32>
    %broadcast_in_dim3A = arith.constant 6.57556581 : f32
    %broadcast_in_dim3A_100 = vector.broadcast %broadcast_in_dim3A : f32 to vector<1024x768xf32>
    %mul3A_101 = arith.mulf %broadcast_in_dim3A_100, %mul3A_99 : vector<1024x768xf32>
    %add3A_102 = arith.constant -26.0004978 : f32
    %add3A_103 = vector.broadcast %add3A_102 : f32 to vector<1024x768xf32>
    %add3A_104 = arith.addf %mul3A_101, %add3A_103 : vector<1024x768xf32>
    %mul3A_105 = arith.mulf %add3A_104, %mul3A_99 : vector<1024x768xf32>
    %add3A_106 = arith.constant 60.1762237 : f32
    %add3A_107 = vector.broadcast %add3A_106 : f32 to vector<1024x768xf32>
    %add3A_108 = arith.addf %mul3A_105, %add3A_107 : vector<1024x768xf32>
    %mul3A_109 = arith.mulf %add3A_108, %mul3A_99 : vector<1024x768xf32>
    %add3A_110 = arith.constant -85.4511642 : f32
    %add3A_111 = vector.broadcast %add3A_110 : f32 to vector<1024x768xf32>
    %add3A_112 = arith.addf %mul3A_109, %add3A_111 : vector<1024x768xf32>
    %mul3A_113 = arith.mulf %add3A_112, %mul3A_99 : vector<1024x768xf32>
    %add3A_114 = arith.constant 64.9391708 : f32
    %add3A_115 = vector.broadcast %add3A_114 : f32 to vector<1024x768xf32>
    %add3A_116 = arith.addf %mul3A_113, %add3A_115 : vector<1024x768xf32>
    %mul3A_117 = arith.mulf %add3A_116, %mul3A_99 : vector<1024x768xf32>
    %add3A_118 = arith.constant -19.7392063 : f32
    %add3A_119 = vector.broadcast %add3A_118 : f32 to vector<1024x768xf32>
    %add3A_120 = arith.addf %mul3A_117, %add3A_119 : vector<1024x768xf32>
    %mul3A_121 = arith.mulf %add3A_120, %mul3A_99 : vector<1024x768xf32>
    %add3A_122 = arith.constant 1.000000e+00 : f32
    %add3A_123 = vector.broadcast %add3A_122 : f32 to vector<1024x768xf32>
    %add3A_124 = arith.addf %mul3A_121, %add3A_123 : vector<1024x768xf32>
    %get3A_125 = arith.constant 0 : index
    %get3A_126 = arith.constant 0 : index
    %get3A_127 = vector.load %arg6[%get3A_125, %get3A_126] : memref<1024x768xf32, #tpu.memory_space<vmem>>, vector<1024x768xf32>
    %add3A_128 = arith.addf %get3A_127, %add3A_83 : vector<1024x768xf32>
    %add3A_129 = arith.addf %add3A_128, %add3A_63 : vector<1024x768xf32>
    %mul3A_130 = arith.constant 0.0360843912 : f32
    %mul3A_131 = vector.broadcast %mul3A_130 : f32 to vector<1024x768xf32>
    %mul3A_132 = arith.mulf %mul3A_131, %add3A_124 : vector<1024x768xf32>
    %add3A_133 = arith.addf %add3A_129, %mul3A_132 : vector<1024x768xf32>
    %reshape3A_134 = vector.shape_cast %add3A_133 : vector<1024x768xf32> to vector<1x1024x768xf32>
    %swap3A = arith.constant 0 : index
    %swap3A_135 = arith.constant 0 : index
    %swap3A_136 = arith.constant 0 : index
    %swap3A_137 = vector.load %arg19[%swap3A, %swap3A_135, %swap3A_136] : memref<1x1024x768xf32, #tpu.memory_space<vmem>>, vector<1x1024x768xf32>
    tpu.vector_store %arg19[%swap3A, %swap3A_135, %swap3A_136], %reshape3A_134 {strides = array<i32>} : memref<1x1024x768xf32, #tpu.memory_space<vmem>>, vector<1x1024x768xf32>,
    return
  }
  func.func @transform_1(%arg0: i32) -> (i32, i32) {
    %c0_i32 = arith.constant 0 : i32
    %c0_i32_0 = arith.constant 0 : i32
    return %arg0, %c0_i32 : i32, i32
  }
  func.func @transform_2(%arg0: i32) -> (i32, i32) {
    %c0_i32 = arith.constant 0 : i32
    %c0_i32_0 = arith.constant 0 : i32
    return %arg0, %c0_i32 : i32, i32
  }
  func.func @transform_3(%arg0: i32) -> (i32, i32) {
    %c0_i32 = arith.constant 0 : i32
    %c0_i32_0 = arith.constant 0 : i32
    return %arg0, %c0_i32 : i32, i32
  }
  func.func @transform_4(%arg0: i32) -> (i32, i32) {
    %c0_i32 = arith.constant 0 : i32
    %c0_i32_0 = arith.constant 0 : i32
    return %arg0, %c0_i32 : i32, i32
  }
  func.func @transform_5(%arg0: i32) -> (i32, i32) {
    %c0_i32 = arith.constant 0 : i32
    %c0_i32_0 = arith.constant 0 : i32
    return %arg0, %c0_i32 : i32, i32
  }
  func.func @transform_6(%arg0: i32) -> (i32, i32, i32) {
    %add3A = arith.constant 10 : i32
    %add3A_0 = arith.addi %add3A, %arg0 : i32
    %c0_i32 = arith.constant 0 : i32
    %c0_i32_1 = arith.constant 0 : i32
    %c0_i32_2 = arith.constant 0 : i32
    return %add3A_0, %c0_i32, %c0_i32_1 : i32, i32, i32
  }
  func.func @transform_7(%arg0: i32) -> (i32, i32) {
    %c0_i32 = arith.constant 0 : i32
    %c0_i32_0 = arith.constant 0 : i32
    %c0_i32_1 = arith.constant 0 : i32
    return %c0_i32, %c0_i32_0 : i32, i32
  }
  func.func @transform_8(%arg0: i32) -> (i32, i32) {
    %c0_i32 = arith.constant 0 : i32
    %c0_i32_0 = arith.constant 0 : i32
    %c0_i32_1 = arith.constant 0 : i32
    return %c0_i32, %c0_i32_0 : i32, i32
  }
  func.func @transform_9(%arg0: i32) -> (i32, i32) {
    %c0_i32 = arith.constant 0 : i32
    %c0_i32_0 = arith.constant 0 : i32
    %c0_i32_1 = arith.constant 0 : i32
    return %c0_i32, %c0_i32_0 : i32, i32
  }
  func.func @transform_10(%arg0: i32) -> (i32, i32) {
    %c0_i32 = arith.constant 0 : i32
    %c0_i32_0 = arith.constant 0 : i32
    %c0_i32_1 = arith.constant 0 : i32
    return %c0_i32, %c0_i32_0 : i32, i32
  }
  func.func @transform_11(%arg0: i32) -> (i32, i32) {
    %c0_i32 = arith.constant 0 : i32
    %c0_i32_0 = arith.constant 0 : i32
    %c0_i32_1 = arith.constant 0 : i32
    return %c0_i32, %c0_i32_0 : i32, i32
  }
  func.func @transform_12(%arg0: i32) -> (i32, i32) {
    %c0_i32 = arith.constant 0 : i32
    %c0_i32_0 = arith.constant 0 : i32
    %c0_i32_1 = arith.constant 0 : i32
    return %c0_i32, %c0_i32_0 : i32, i32
  }
  func.func @transform_13(%arg0: i32) -> (i32, i32) {
    %c0_i32 = arith.constant 0 : i32
    %c0_i32_0 = arith.constant 0 : i32
    %c0_i32_1 = arith.constant 0 : i32
    return %c0_i32, %c0_i32_0 : i32, i32
  }
  func.func @transform_14(%arg0: i32) -> (i32, i32) {
    %c0_i32 = arith.constant 0 : i32
    %c0_i32_0 = arith.constant 0 : i32
    %c0_i32_1 = arith.constant 0 : i32
    return %c0_i32, %c0_i32_0 : i32, i32
  }
  func.func @transform_15(%arg0: i32) -> (i32, i32) {
    %c0_i32 = arith.constant 0 : i32
    %c0_i32_0 = arith.constant 0 : i32
    %c0_i32_1 = arith.constant 0 : i32
    return %c0_i32, %c0_i32_0 : i32, i32
  }
  func.func @transform_16(%arg0: i32) -> (i32, i32) {
    %c0_i32 = arith.constant 0 : i32
    %c0_i32_0 = arith.constant 0 : i32
    %c0_i32_1 = arith.constant 0 : i32
    return %c0_i32, %c0_i32_0 : i32, i32
  }
  func.func @transform_17(%arg0: i32) -> (i32, i32) {
    %c0_i32 = arith.constant 0 : i32
    %c0_i32_0 = arith.constant 0 : i32
    %c0_i32_1 = arith.constant 0 : i32
    return %c0_i32, %c0_i32_0 : i32, i32
  }
  func.func @transform_18(%arg0: i32) -> (i32, i32, i32) {
    %add3A = arith.constant 10 : i32
    %add3A_0 = arith.addi %add3A, %arg0 : i32
    %c0_i32 = arith.constant 0 : i32
    %c0_i32_1 = arith.constant 0 : i32
    %c0_i32_2 = arith.constant 0 : i32
    return %add3A_0, %c0_i32, %c0_i32_1 : i32, i32, i32
  }
}

module attributes {stable_mosaic.version = 14 : i64} {
  func.func @_lambda_(%arg0: i32, %arg1: memref<50x1024x768xf32, #tpu.memory_space<any>>, %arg2: memref<1024x128xf32, #tpu.memory_space<vmem>>, %arg3: memref<1024x64xf32, #tpu.memory_space<vmem>>, %arg4: memref<1024x32xf32, #tpu.memory_space<vmem>>, %arg5: memref<1024x16xf32, #tpu.memory_space<vmem>>, %arg6: memref<1024x768xf32, #tpu.memory_space<vmem>>, %arg7: memref<1x1024x8xf32, #tpu.memory_space<vmem>>, %arg8: memref<128x512xbf16, #tpu.memory_space<vmem>>, %arg9: memref<64x512xbf16, #tpu.memory_space<vmem>>, %arg10: memref<32x512xbf16, #tpu.memory_space<vmem>>, %arg11: memref<16x512xbf16, #tpu.memory_space<vmem>>, %arg12: memref<1x512xf32, #tpu.memory_space<vmem>>, %arg13: memref<512x768xbf16, #tpu.memory_space<vmem>>, %arg14: memref<1x768xf32, #tpu.memory_space<vmem>>, %arg15: memref<2x768xf32, #tpu.memory_space<vmem>>, %arg16: memref<1x768xf32, #tpu.memory_space<vmem>>, %arg17: memref<1x768xf32, #tpu.memory_space<vmem>>, %arg18: memref<1x768xf32, #tpu.memory_space<vmem>>, %arg19: memref<1x1024x768xf32, #tpu.memory_space<vmem>>) attributes {dimension_semantics = [#tpu.dimension_semantics<arbitrary>], iteration_bounds = array<i64: 10>, scalar_prefetch = 0 : i64, scratch_operands = 0 : i64, tpu.core_type = #tpu.core_type<tc>, window_params = [{}, {transform_indices = @transform_1, window_bounds = array<i64: 1024, 128>}, {transform_indices = @transform_2, window_bounds = array<i64: 1024, 64>}, {transform_indices = @transform_3, window_bounds = array<i64: 1024, 32>}, {transform_indices = @transform_4, window_bounds = array<i64: 1024, 16>}, {transform_indices = @transform_5, window_bounds = array<i64: 1024, 768>}, {transform_indices = @transform_6, window_bounds = array<i64: 1, 1024, 8>}, {pipeline_mode = #tpu.pipeline_mode<synchronous>, transform_indices = @transform_7, window_bounds = array<i64: 128, 512>}, {pipeline_mode = #tpu.pipeline_mode<synchronous>, transform_indices = @transform_8, window_bounds = array<i64: 64, 512>}, {pipeline_mode = #tpu.pipeline_mode<synchronous>, transform_indices = @transform_9, window_bounds = array<i64: 32, 512>}, {pipeline_mode = #tpu.pipeline_mode<synchronous>, transform_indices = @transform_10, window_bounds = array<i64: 16, 512>}, {pipeline_mode = #tpu.pipeline_mode<synchronous>, transform_indices = @transform_11, window_bounds = array<i64: 1, 512>}, {pipeline_mode = #tpu.pipeline_mode<synchronous>, transform_indices = @transform_12, window_bounds = array<i64: 512, 768>}, {pipeline_mode = #tpu.pipeline_mode<synchronous>, transform_indices = @transform_13, window_bounds = array<i64: 1, 768>}, {pipeline_mode = #tpu.pipeline_mode<synchronous>, transform_indices = @transform_14, window_bounds = array<i64: 2, 768>}, {pipeline_mode = #tpu.pipeline_mode<synchronous>, transform_indices = @transform_15, window_bounds = array<i64: 1, 768>}, {pipeline_mode = #tpu.pipeline_mode<synchronous>, transform_indices = @transform_16, window_bounds = array<i64: 1, 768>}, {pipeline_mode = #tpu.pipeline_mode<synchronous>, transform_indices = @transform_17, window_bounds = array<i64: 1, 768>}, {transform_indices = @transform_18, window_bounds = array<i64: 1, 1024, 768>}]} {
    %get3A = arith.constant 0 : index
    %get3A_0 = arith.constant 0 : index
    %get3A_1 = arith.constant 0 : index
    %get3A_2 = vector.load %arg7[%get3A, %get3A_0, %get3A_1] : memref<1x1024x8xf32, #tpu.memory_space<vmem>>, vector<1x1024x8xf32>
    %reshape3A = vector.shape_cast %get3A_2 : vector<1x1024x8xf32> to vector<1024x8xf32>
    %get3A_3 = arith.constant 0 : index
    %get3A_4 = arith.constant 0 : index
    %get3A_5 = vector.load %arg2[%get3A_3, %get3A_4] : memref<1024x128xf32, #tpu.memory_space<vmem>>, vector<1024x128xf32>
    %convert_element_type3A = arith.truncf %get3A_5 : vector<1024x128xf32> to vector<1024x128xbf16>
    %get3A_6 = arith.constant 0 : index
    %get3A_7 = arith.constant 0 : index
    %get3A_8 = vector.load %arg8[%get3A_6, %get3A_7] : memref<128x512xbf16, #tpu.memory_space<vmem>>, vector<128x512xbf16>
    %dot_general3A = arith.constant dense<0.000000e+00> : vector<1024x512xf32>
    %dot_general3A_9 = tpu.matmul %convert_element_type3A, %get3A_8, %dot_general3A {dimension_numbers = #tpu.dot_dimension_numbers<[1], [0], [0], [1], [0, 0, 1, 1], [], []>, transpose_lhs_hint = false} : vector<1024x128xbf16>, vector<128x512xbf16>, vector<1024x512xf32> -> vector<1024x512xf32>
    %get3A_10 = arith.constant 0 : index
    %get3A_11 = arith.constant 0 : index
    %get3A_12 = vector.load %arg3[%get3A_10, %get3A_11] : memref<1024x64xf32, #tpu.memory_space<vmem>>, vector<1024x64xf32>
    %convert_element_type3A_13 = arith.truncf %get3A_12 : vector<1024x64xf32> to vector<1024x64xbf16>
    %get3A_14 = arith.constant 0 : index
    %get3A_15 = arith.constant 0 : index
    %get3A_16 = vector.load %arg9[%get3A_14, %get3A_15] : memref<64x512xbf16, #tpu.memory_space<vmem>>, vector<64x512xbf16>
    %dot_general3A_17 = arith.constant dense<0.000000e+00> : vector<1024x512xf32>
    %dot_general3A_18 = tpu.matmul %convert_element_type3A_13, %get3A_16, %dot_general3A_17 {dimension_numbers = #tpu.dot_dimension_numbers<[1], [0], [0], [1], [0, 0, 1, 1], [], []>, transpose_lhs_hint = false} : vector<1024x64xbf16>, vector<64x512xbf16>, vector<1024x512xf32> -> vector<1024x512xf32>
    %add3A = arith.addf %dot_general3A_9, %dot_general3A_18 : vector<1024x512xf32>
    %get3A_19 = arith.constant 0 : index
    %get3A_20 = arith.constant 0 : index
    %get3A_21 = vector.load %arg4[%get3A_19, %get3A_20] : memref<1024x32xf32, #tpu.memory_space<vmem>>, vector<1024x32xf32>
    %convert_element_type3A_22 = arith.truncf %get3A_21 : vector<1024x32xf32> to vector<1024x32xbf16>
    %get3A_23 = arith.constant 0 : index
    %get3A_24 = arith.constant 0 : index
    %get3A_25 = vector.load %arg10[%get3A_23, %get3A_24] : memref<32x512xbf16, #tpu.memory_space<vmem>>, vector<32x512xbf16>
    %dot_general3A_26 = arith.constant dense<0.000000e+00> : vector<1024x512xf32>
    %dot_general3A_27 = tpu.matmul %convert_element_type3A_22, %get3A_25, %dot_general3A_26 {dimension_numbers = #tpu.dot_dimension_numbers<[1], [0], [0], [1], [0, 0, 1, 1], [], []>, transpose_lhs_hint = false} : vector<1024x32xbf16>, vector<32x512xbf16>, vector<1024x512xf32> -> vector<1024x512xf32>
    %add3A_28 = arith.addf %add3A, %dot_general3A_27 : vector<1024x512xf32>
    %get3A_29 = arith.constant 0 : index
    %get3A_30 = arith.constant 0 : index
    %get3A_31 = vector.load %arg5[%get3A_29, %get3A_30] : memref<1024x16xf32, #tpu.memory_space<vmem>>, vector<1024x16xf32>
    %convert_element_type3A_32 = arith.truncf %get3A_31 : vector<1024x16xf32> to vector<1024x16xbf16>
    %get3A_33 = arith.constant 0 : index
    %get3A_34 = arith.constant 0 : index
    %get3A_35 = vector.load %arg11[%get3A_33, %get3A_34] : memref<16x512xbf16, #tpu.memory_space<vmem>>, vector<16x512xbf16>
    %dot_general3A_36 = arith.constant dense<0.000000e+00> : vector<1024x512xf32>
    %dot_general3A_37 = tpu.matmul %convert_element_type3A_32, %get3A_35, %dot_general3A_36 {dimension_numbers = #tpu.dot_dimension_numbers<[1], [0], [0], [1], [0, 0, 1, 1], [], []>, transpose_lhs_hint = false} : vector<1024x16xbf16>, vector<16x512xbf16>, vector<1024x512xf32> -> vector<1024x512xf32>
    %add3A_38 = arith.addf %add3A_28, %dot_general3A_37 : vector<1024x512xf32>
    %get3A_39 = arith.constant 0 : index
    %get3A_40 = arith.constant 0 : index
    %get3A_41 = vector.load %arg12[%get3A_39, %get3A_40] : memref<1x512xf32, #tpu.memory_space<vmem>>, vector<1x512xf32>
    %add3A_42 = vector.broadcast %get3A_41 : vector<1x512xf32> to vector<1024x512xf32>
    %add3A_43 = arith.addf %add3A_38, %add3A_42 : vector<1024x512xf32>
    %gt3A = arith.constant 0.000000e+00 : f32
    %gt3A_44 = vector.broadcast %gt3A : f32 to vector<1024x512xf32>
    %gt3A_45 = arith.cmpf ogt, %add3A_43, %gt3A_44 : vector<1024x512xf32>
    %exp3A = math.exp %add3A_43 : vector<1024x512xf32>
    %sub3A = arith.constant 1.000000e+00 : f32
    %sub3A_46 = vector.broadcast %sub3A : f32 to vector<1024x512xf32>
    %sub3A_47 = arith.subf %exp3A, %sub3A_46 : vector<1024x512xf32>
    %mul3A = arith.constant 1.67326319 : f32
    %mul3A_48 = vector.broadcast %mul3A : f32 to vector<1024x512xf32>
    %mul3A_49 = arith.mulf %mul3A_48, %sub3A_47 : vector<1024x512xf32>
    %select_n3A = arith.select %gt3A_45, %add3A_43, %mul3A_49 : vector<1024x512xi1>, vector<1024x512xf32>
    %mul3A_50 = arith.constant 1.05070102 : f32
    %mul3A_51 = vector.broadcast %mul3A_50 : f32 to vector<1024x512xf32>
    %mul3A_52 = arith.mulf %mul3A_51, %select_n3A : vector<1024x512xf32>
    %convert_element_type3A_53 = arith.truncf %mul3A_52 : vector<1024x512xf32> to vector<1024x512xbf16>
    %get3A_54 = arith.constant 0 : index
    %get3A_55 = arith.constant 0 : index
    %get3A_56 = vector.load %arg13[%get3A_54, %get3A_55] : memref<512x768xbf16, #tpu.memory_space<vmem>>, vector<512x768xbf16>
    %dot_general3A_57 = arith.constant dense<0.000000e+00> : vector<1024x768xf32>
    %dot_general3A_58 = tpu.matmul %convert_element_type3A_53, %get3A_56, %dot_general3A_57 {dimension_numbers = #tpu.dot_dimension_numbers<[1], [0], [0], [1], [0, 0, 1, 1], [], []>, transpose_lhs_hint = false} : vector<1024x512xbf16>, vector<512x768xbf16>, vector<1024x768xf32> -> vector<1024x768xf32>
    %get3A_59 = arith.constant 0 : index
    %get3A_60 = arith.constant 0 : index
    %get3A_61 = vector.load %arg14[%get3A_59, %get3A_60] : memref<1x768xf32, #tpu.memory_space<vmem>>, vector<1x768xf32>
    %add3A_62 = vector.broadcast %get3A_61 : vector<1x768xf32> to vector<1024x768xf32>
    %add3A_63 = arith.addf %dot_general3A_58, %add3A_62 : vector<1024x768xf32>
    %slice3A = vector.extract_strided_slice %reshape3A {offsets = [0, 5], sizes = [1024, 1], strides = [1, 1]} : vector<1024x8xf32> to vector<1024x1xf32>
    %slice3A_64 = vector.extract_strided_slice %reshape3A {offsets = [0, 6], sizes = [1024, 1], strides = [1, 1]} : vector<1024x8xf32> to vector<1024x1xf32>
    %slice3A_65 = vector.extract_strided_slice %reshape3A {offsets = [0, 7], sizes = [1024, 1], strides = [1, 1]} : vector<1024x8xf32> to vector<1024x1xf32>
    %get3A_66 = arith.constant 0 : index
    %get3A_67 = arith.constant 0 : index
    %get3A_68 = vector.load %arg15[%get3A_66, %get3A_67] : memref<2x768xf32, #tpu.memory_space<vmem>>, vector<1x768xf32>
    %mul3A_69 = vector.broadcast %slice3A : vector<1024x1xf32> to vector<1024x768xf32>
    %mul3A_70 = vector.broadcast %get3A_68 : vector<1x768xf32> to vector<1024x768xf32>
    %mul3A_71 = arith.mulf %mul3A_69, %mul3A_70 : vector<1024x768xf32>
    %get3A_72 = arith.constant 1 : index
    %get3A_73 = arith.constant 0 : index
    %get3A_74 = vector.load %arg15[%get3A_72, %get3A_73] : memref<2x768xf32, #tpu.memory_space<vmem>>, vector<1x768xf32>
    %mul3A_75 = vector.broadcast %slice3A_64 : vector<1024x1xf32> to vector<1024x768xf32>
    %mul3A_76 = vector.broadcast %get3A_74 : vector<1x768xf32> to vector<1024x768xf32>
    %mul3A_77 = arith.mulf %mul3A_75, %mul3A_76 : vector<1024x768xf32>
    %add3A_78 = arith.addf %mul3A_71, %mul3A_77 : vector<1024x768xf32>
    %get3A_79 = arith.constant 0 : index
    %get3A_80 = arith.constant 0 : index
    %get3A_81 = vector.load %arg16[%get3A_79, %get3A_80] : memref<1x768xf32, #tpu.memory_space<vmem>>, vector<1x768xf32>
    %add3A_82 = vector.broadcast %get3A_81 : vector<1x768xf32> to vector<1024x768xf32>
    %add3A_83 = arith.addf %add3A_78, %add3A_82 : vector<1024x768xf32>
    %get3A_84 = arith.constant 0 : index
    %get3A_85 = arith.constant 0 : index
    %get3A_86 = vector.load %arg17[%get3A_84, %get3A_85] : memref<1x768xf32, #tpu.memory_space<vmem>>, vector<1x768xf32>
    %mul3A_87 = vector.broadcast %slice3A_65 : vector<1024x1xf32> to vector<1024x768xf32>
    %mul3A_88 = vector.broadcast %get3A_86 : vector<1x768xf32> to vector<1024x768xf32>
    %mul3A_89 = arith.mulf %mul3A_87, %mul3A_88 : vector<1024x768xf32>
    %get3A_90 = arith.constant 0 : index
    %get3A_91 = arith.constant 0 : index
    %get3A_92 = vector.load %arg18[%get3A_90, %get3A_91] : memref<1x768xf32, #tpu.memory_space<vmem>>, vector<1x768xf32>
    %add3A_93 = vector.broadcast %get3A_92 : vector<1x768xf32> to vector<1024x768xf32>
    %add3A_94 = arith.addf %mul3A_89, %add3A_93 : vector<1024x768xf32>
    %add3A_95 = arith.constant 5.000000e-01 : f32
    %add3A_96 = vector.broadcast %add3A_95 : f32 to vector<1024x768xf32>
    %add3A_97 = arith.addf %add3A_94, %add3A_96 : vector<1024x768xf32>
    %floor3A = math.floor %add3A_97 : vector<1024x768xf32>
    %sub3A_98 = arith.subf %add3A_94, %floor3A : vector<1024x768xf32>
    %mul3A_99 = arith.mulf %sub3A_98, %sub3A_98 : vector<1024x768xf32>
    %broadcast_in_dim3A = arith.constant 6.57556581 : f32
    %broadcast_in_dim3A_100 = vector.broadcast %broadcast_in_dim3A : f32 to vector<1024x768xf32>
    %mul3A_101 = arith.mulf %broadcast_in_dim3A_100, %mul3A_99 : vector<1024x768xf32>
    %add3A_102 = arith.constant -26.0004978 : f32
    %add3A_103 = vector.broadcast %add3A_102 : f32 to vector<1024x768xf32>
    %add3A_104 = arith.addf %mul3A_101, %add3A_103 : vector<1024x768xf32>
    %mul3A_105 = arith.mulf %add3A_104, %mul3A_99 : vector<1024x768xf32>
    %add3A_106 = arith.constant 60.1762237 : f32
    %add3A_107 = vector.broadcast %add3A_106 : f32 to vector<1024x768xf32>
    %add3A_108 = arith.addf %mul3A_105, %add3A_107 : vector<1024x768xf32>
    %mul3A_109 = arith.mulf %add3A_108, %mul3A_99 : vector<1024x768xf32>
    %add3A_110 = arith.constant -85.4511642 : f32
    %add3A_111 = vector.broadcast %add3A_110 : f32 to vector<1024x768xf32>
    %add3A_112 = arith.addf %mul3A_109, %add3A_111 : vector<1024x768xf32>
    %mul3A_113 = arith.mulf %add3A_112, %mul3A_99 : vector<1024x768xf32>
    %add3A_114 = arith.constant 64.9391708 : f32
    %add3A_115 = vector.broadcast %add3A_114 : f32 to vector<1024x768xf32>
    %add3A_116 = arith.addf %mul3A_113, %add3A_115 : vector<1024x768xf32>
    %mul3A_117 = arith.mulf %add3A_116, %mul3A_99 : vector<1024x768xf32>
    %add3A_118 = arith.constant -19.7392063 : f32
    %add3A_119 = vector.broadcast %add3A_118 : f32 to vector<1024x768xf32>
    %add3A_120 = arith.addf %mul3A_117, %add3A_119 : vector<1024x768xf32>
    %mul3A_121 = arith.mulf %add3A_120, %mul3A_99 : vector<1024x768xf32>
    %add3A_122 = arith.constant 1.000000e+00 : f32
    %add3A_123 = vector.broadcast %add3A_122 : f32 to vector<1024x768xf32>
    %add3A_124 = arith.addf %mul3A_121, %add3A_123 : vector<1024x768xf32>
    %get3A_125 = arith.constant 0 : index
    %get3A_126 = arith.constant 0 : index
    %get3A_127 = vector.load %arg6[%get3A_125, %get3A_126] : memref<1024x768xf32, #tpu.memory_space<vmem>>, vector<1024x768xf32>
    %add3A_128 = arith.addf %get3A_127, %add3A_83 : vector<1024x768xf32>
    %add3A_129 = arith.addf %add3A_128, %add3A_63 : vector<1024x768xf32>
    %mul3A_130 = arith.constant 0.0360843912 : f32
    %mul3A_131 = vector.broadcast %mul3A_130 : f32 to vector<1024x768xf32>
    %mul3A_132 = arith.mulf %mul3A_131, %add3A_124 : vector<1024x768xf32>
    %add3A_133 = arith.addf %add3A_129, %mul3A_132 : vector<1024x768xf32>
    %reshape3A_134 = vector.shape_cast %add3A_133 : vector<1024x768xf32> to vector<1x1024x768xf32>
    %swap3A = arith.constant 0 : index
    %swap3A_135 = arith.constant 0 : index
    %swap3A_136 = arith.constant 0 : index
    %swap3A_137 = vector.load %arg19[%swap3A, %swap3A_135, %swap3A_136] : memref<1x1024x768xf32, #tpu.memory_space<vmem>>, vector<1x1024x768xf32>
    tpu.vector_store %arg19[%swap3A, %swap3A_135, %swap3A_136], %reshape3A_134 {strides = array<i32>} : memref<1x1024x768xf32, #tpu.memory_space<vmem>>, vector<1x1024x768xf32>,
    return
  }
  func.func @transform_1(%arg0: i32) -> (i32, i32) {
    %c0_i32 = arith.constant 0 : i32
    %c0_i32_0 = arith.constant 0 : i32
    return %arg0, %c0_i32 : i32, i32
  }
  func.func @transform_2(%arg0: i32) -> (i32, i32) {
    %c0_i32 = arith.constant 0 : i32
    %c0_i32_0 = arith.constant 0 : i32
    return %arg0, %c0_i32 : i32, i32
  }
  func.func @transform_3(%arg0: i32) -> (i32, i32) {
    %c0_i32 = arith.constant 0 : i32
    %c0_i32_0 = arith.constant 0 : i32
    return %arg0, %c0_i32 : i32, i32
  }
  func.func @transform_4(%arg0: i32) -> (i32, i32) {
    %c0_i32 = arith.constant 0 : i32
    %c0_i32_0 = arith.constant 0 : i32
    return %arg0, %c0_i32 : i32, i32
  }
  func.func @transform_5(%arg0: i32) -> (i32, i32) {
    %c0_i32 = arith.constant 0 : i32
    %c0_i32_0 = arith.constant 0 : i32
    return %arg0, %c0_i32 : i32, i32
  }
  func.func @transform_6(%arg0: i32) -> (i32, i32, i32) {
    %add3A = arith.constant 20 : i32
    %add3A_0 = arith.addi %add3A, %arg0 : i32
    %c0_i32 = arith.constant 0 : i32
    %c0_i32_1 = arith.constant 0 : i32
    %c0_i32_2 = arith.constant 0 : i32
    return %add3A_0, %c0_i32, %c0_i32_1 : i32, i32, i32
  }
  func.func @transform_7(%arg0: i32) -> (i32, i32) {
    %c0_i32 = arith.constant 0 : i32
    %c0_i32_0 = arith.constant 0 : i32
    %c0_i32_1 = arith.constant 0 : i32
    return %c0_i32, %c0_i32_0 : i32, i32
  }
  func.func @transform_8(%arg0: i32) -> (i32, i32) {
    %c0_i32 = arith.constant 0 : i32
    %c0_i32_0 = arith.constant 0 : i32
    %c0_i32_1 = arith.constant 0 : i32
    return %c0_i32, %c0_i32_0 : i32, i32
  }
  func.func @transform_9(%arg0: i32) -> (i32, i32) {
    %c0_i32 = arith.constant 0 : i32
    %c0_i32_0 = arith.constant 0 : i32
    %c0_i32_1 = arith.constant 0 : i32
    return %c0_i32, %c0_i32_0 : i32, i32
  }
  func.func @transform_10(%arg0: i32) -> (i32, i32) {
    %c0_i32 = arith.constant 0 : i32
    %c0_i32_0 = arith.constant 0 : i32
    %c0_i32_1 = arith.constant 0 : i32
    return %c0_i32, %c0_i32_0 : i32, i32
  }
  func.func @transform_11(%arg0: i32) -> (i32, i32) {
    %c0_i32 = arith.constant 0 : i32
    %c0_i32_0 = arith.constant 0 : i32
    %c0_i32_1 = arith.constant 0 : i32
    return %c0_i32, %c0_i32_0 : i32, i32
  }
  func.func @transform_12(%arg0: i32) -> (i32, i32) {
    %c0_i32 = arith.constant 0 : i32
    %c0_i32_0 = arith.constant 0 : i32
    %c0_i32_1 = arith.constant 0 : i32
    return %c0_i32, %c0_i32_0 : i32, i32
  }
  func.func @transform_13(%arg0: i32) -> (i32, i32) {
    %c0_i32 = arith.constant 0 : i32
    %c0_i32_0 = arith.constant 0 : i32
    %c0_i32_1 = arith.constant 0 : i32
    return %c0_i32, %c0_i32_0 : i32, i32
  }
  func.func @transform_14(%arg0: i32) -> (i32, i32) {
    %c0_i32 = arith.constant 0 : i32
    %c0_i32_0 = arith.constant 0 : i32
    %c0_i32_1 = arith.constant 0 : i32
    return %c0_i32, %c0_i32_0 : i32, i32
  }
  func.func @transform_15(%arg0: i32) -> (i32, i32) {
    %c0_i32 = arith.constant 0 : i32
    %c0_i32_0 = arith.constant 0 : i32
    %c0_i32_1 = arith.constant 0 : i32
    return %c0_i32, %c0_i32_0 : i32, i32
  }
  func.func @transform_16(%arg0: i32) -> (i32, i32) {
    %c0_i32 = arith.constant 0 : i32
    %c0_i32_0 = arith.constant 0 : i32
    %c0_i32_1 = arith.constant 0 : i32
    return %c0_i32, %c0_i32_0 : i32, i32
  }
  func.func @transform_17(%arg0: i32) -> (i32, i32) {
    %c0_i32 = arith.constant 0 : i32
    %c0_i32_0 = arith.constant 0 : i32
    %c0_i32_1 = arith.constant 0 : i32
    return %c0_i32, %c0_i32_0 : i32, i32
  }
  func.func @transform_18(%arg0: i32) -> (i32, i32, i32) {
    %add3A = arith.constant 20 : i32
    %add3A_0 = arith.addi %add3A, %arg0 : i32
    %c0_i32 = arith.constant 0 : i32
    %c0_i32_1 = arith.constant 0 : i32
    %c0_i32_2 = arith.constant 0 : i32
    return %add3A_0, %c0_i32, %c0_i32_1 : i32, i32, i32
  }
}

module attributes {stable_mosaic.version = 14 : i64} {
  func.func @_lambda_(%arg0: i32, %arg1: memref<50x1024x768xf32, #tpu.memory_space<any>>, %arg2: memref<1024x128xf32, #tpu.memory_space<vmem>>, %arg3: memref<1024x64xf32, #tpu.memory_space<vmem>>, %arg4: memref<1024x32xf32, #tpu.memory_space<vmem>>, %arg5: memref<1024x16xf32, #tpu.memory_space<vmem>>, %arg6: memref<1024x768xf32, #tpu.memory_space<vmem>>, %arg7: memref<1x1024x8xf32, #tpu.memory_space<vmem>>, %arg8: memref<128x512xbf16, #tpu.memory_space<vmem>>, %arg9: memref<64x512xbf16, #tpu.memory_space<vmem>>, %arg10: memref<32x512xbf16, #tpu.memory_space<vmem>>, %arg11: memref<16x512xbf16, #tpu.memory_space<vmem>>, %arg12: memref<1x512xf32, #tpu.memory_space<vmem>>, %arg13: memref<512x768xbf16, #tpu.memory_space<vmem>>, %arg14: memref<1x768xf32, #tpu.memory_space<vmem>>, %arg15: memref<2x768xf32, #tpu.memory_space<vmem>>, %arg16: memref<1x768xf32, #tpu.memory_space<vmem>>, %arg17: memref<1x768xf32, #tpu.memory_space<vmem>>, %arg18: memref<1x768xf32, #tpu.memory_space<vmem>>, %arg19: memref<1x1024x768xf32, #tpu.memory_space<vmem>>) attributes {dimension_semantics = [#tpu.dimension_semantics<arbitrary>], iteration_bounds = array<i64: 10>, scalar_prefetch = 0 : i64, scratch_operands = 0 : i64, tpu.core_type = #tpu.core_type<tc>, window_params = [{}, {transform_indices = @transform_1, window_bounds = array<i64: 1024, 128>}, {transform_indices = @transform_2, window_bounds = array<i64: 1024, 64>}, {transform_indices = @transform_3, window_bounds = array<i64: 1024, 32>}, {transform_indices = @transform_4, window_bounds = array<i64: 1024, 16>}, {transform_indices = @transform_5, window_bounds = array<i64: 1024, 768>}, {transform_indices = @transform_6, window_bounds = array<i64: 1, 1024, 8>}, {pipeline_mode = #tpu.pipeline_mode<synchronous>, transform_indices = @transform_7, window_bounds = array<i64: 128, 512>}, {pipeline_mode = #tpu.pipeline_mode<synchronous>, transform_indices = @transform_8, window_bounds = array<i64: 64, 512>}, {pipeline_mode = #tpu.pipeline_mode<synchronous>, transform_indices = @transform_9, window_bounds = array<i64: 32, 512>}, {pipeline_mode = #tpu.pipeline_mode<synchronous>, transform_indices = @transform_10, window_bounds = array<i64: 16, 512>}, {pipeline_mode = #tpu.pipeline_mode<synchronous>, transform_indices = @transform_11, window_bounds = array<i64: 1, 512>}, {pipeline_mode = #tpu.pipeline_mode<synchronous>, transform_indices = @transform_12, window_bounds = array<i64: 512, 768>}, {pipeline_mode = #tpu.pipeline_mode<synchronous>, transform_indices = @transform_13, window_bounds = array<i64: 1, 768>}, {pipeline_mode = #tpu.pipeline_mode<synchronous>, transform_indices = @transform_14, window_bounds = array<i64: 2, 768>}, {pipeline_mode = #tpu.pipeline_mode<synchronous>, transform_indices = @transform_15, window_bounds = array<i64: 1, 768>}, {pipeline_mode = #tpu.pipeline_mode<synchronous>, transform_indices = @transform_16, window_bounds = array<i64: 1, 768>}, {pipeline_mode = #tpu.pipeline_mode<synchronous>, transform_indices = @transform_17, window_bounds = array<i64: 1, 768>}, {transform_indices = @transform_18, window_bounds = array<i64: 1, 1024, 768>}]} {
    %get3A = arith.constant 0 : index
    %get3A_0 = arith.constant 0 : index
    %get3A_1 = arith.constant 0 : index
    %get3A_2 = vector.load %arg7[%get3A, %get3A_0, %get3A_1] : memref<1x1024x8xf32, #tpu.memory_space<vmem>>, vector<1x1024x8xf32>
    %reshape3A = vector.shape_cast %get3A_2 : vector<1x1024x8xf32> to vector<1024x8xf32>
    %get3A_3 = arith.constant 0 : index
    %get3A_4 = arith.constant 0 : index
    %get3A_5 = vector.load %arg2[%get3A_3, %get3A_4] : memref<1024x128xf32, #tpu.memory_space<vmem>>, vector<1024x128xf32>
    %convert_element_type3A = arith.truncf %get3A_5 : vector<1024x128xf32> to vector<1024x128xbf16>
    %get3A_6 = arith.constant 0 : index
    %get3A_7 = arith.constant 0 : index
    %get3A_8 = vector.load %arg8[%get3A_6, %get3A_7] : memref<128x512xbf16, #tpu.memory_space<vmem>>, vector<128x512xbf16>
    %dot_general3A = arith.constant dense<0.000000e+00> : vector<1024x512xf32>
    %dot_general3A_9 = tpu.matmul %convert_element_type3A, %get3A_8, %dot_general3A {dimension_numbers = #tpu.dot_dimension_numbers<[1], [0], [0], [1], [0, 0, 1, 1], [], []>, transpose_lhs_hint = false} : vector<1024x128xbf16>, vector<128x512xbf16>, vector<1024x512xf32> -> vector<1024x512xf32>
    %get3A_10 = arith.constant 0 : index
    %get3A_11 = arith.constant 0 : index
    %get3A_12 = vector.load %arg3[%get3A_10, %get3A_11] : memref<1024x64xf32, #tpu.memory_space<vmem>>, vector<1024x64xf32>
    %convert_element_type3A_13 = arith.truncf %get3A_12 : vector<1024x64xf32> to vector<1024x64xbf16>
    %get3A_14 = arith.constant 0 : index
    %get3A_15 = arith.constant 0 : index
    %get3A_16 = vector.load %arg9[%get3A_14, %get3A_15] : memref<64x512xbf16, #tpu.memory_space<vmem>>, vector<64x512xbf16>
    %dot_general3A_17 = arith.constant dense<0.000000e+00> : vector<1024x512xf32>
    %dot_general3A_18 = tpu.matmul %convert_element_type3A_13, %get3A_16, %dot_general3A_17 {dimension_numbers = #tpu.dot_dimension_numbers<[1], [0], [0], [1], [0, 0, 1, 1], [], []>, transpose_lhs_hint = false} : vector<1024x64xbf16>, vector<64x512xbf16>, vector<1024x512xf32> -> vector<1024x512xf32>
    %add3A = arith.addf %dot_general3A_9, %dot_general3A_18 : vector<1024x512xf32>
    %get3A_19 = arith.constant 0 : index
    %get3A_20 = arith.constant 0 : index
    %get3A_21 = vector.load %arg4[%get3A_19, %get3A_20] : memref<1024x32xf32, #tpu.memory_space<vmem>>, vector<1024x32xf32>
    %convert_element_type3A_22 = arith.truncf %get3A_21 : vector<1024x32xf32> to vector<1024x32xbf16>
    %get3A_23 = arith.constant 0 : index
    %get3A_24 = arith.constant 0 : index
    %get3A_25 = vector.load %arg10[%get3A_23, %get3A_24] : memref<32x512xbf16, #tpu.memory_space<vmem>>, vector<32x512xbf16>
    %dot_general3A_26 = arith.constant dense<0.000000e+00> : vector<1024x512xf32>
    %dot_general3A_27 = tpu.matmul %convert_element_type3A_22, %get3A_25, %dot_general3A_26 {dimension_numbers = #tpu.dot_dimension_numbers<[1], [0], [0], [1], [0, 0, 1, 1], [], []>, transpose_lhs_hint = false} : vector<1024x32xbf16>, vector<32x512xbf16>, vector<1024x512xf32> -> vector<1024x512xf32>
    %add3A_28 = arith.addf %add3A, %dot_general3A_27 : vector<1024x512xf32>
    %get3A_29 = arith.constant 0 : index
    %get3A_30 = arith.constant 0 : index
    %get3A_31 = vector.load %arg5[%get3A_29, %get3A_30] : memref<1024x16xf32, #tpu.memory_space<vmem>>, vector<1024x16xf32>
    %convert_element_type3A_32 = arith.truncf %get3A_31 : vector<1024x16xf32> to vector<1024x16xbf16>
    %get3A_33 = arith.constant 0 : index
    %get3A_34 = arith.constant 0 : index
    %get3A_35 = vector.load %arg11[%get3A_33, %get3A_34] : memref<16x512xbf16, #tpu.memory_space<vmem>>, vector<16x512xbf16>
    %dot_general3A_36 = arith.constant dense<0.000000e+00> : vector<1024x512xf32>
    %dot_general3A_37 = tpu.matmul %convert_element_type3A_32, %get3A_35, %dot_general3A_36 {dimension_numbers = #tpu.dot_dimension_numbers<[1], [0], [0], [1], [0, 0, 1, 1], [], []>, transpose_lhs_hint = false} : vector<1024x16xbf16>, vector<16x512xbf16>, vector<1024x512xf32> -> vector<1024x512xf32>
    %add3A_38 = arith.addf %add3A_28, %dot_general3A_37 : vector<1024x512xf32>
    %get3A_39 = arith.constant 0 : index
    %get3A_40 = arith.constant 0 : index
    %get3A_41 = vector.load %arg12[%get3A_39, %get3A_40] : memref<1x512xf32, #tpu.memory_space<vmem>>, vector<1x512xf32>
    %add3A_42 = vector.broadcast %get3A_41 : vector<1x512xf32> to vector<1024x512xf32>
    %add3A_43 = arith.addf %add3A_38, %add3A_42 : vector<1024x512xf32>
    %gt3A = arith.constant 0.000000e+00 : f32
    %gt3A_44 = vector.broadcast %gt3A : f32 to vector<1024x512xf32>
    %gt3A_45 = arith.cmpf ogt, %add3A_43, %gt3A_44 : vector<1024x512xf32>
    %exp3A = math.exp %add3A_43 : vector<1024x512xf32>
    %sub3A = arith.constant 1.000000e+00 : f32
    %sub3A_46 = vector.broadcast %sub3A : f32 to vector<1024x512xf32>
    %sub3A_47 = arith.subf %exp3A, %sub3A_46 : vector<1024x512xf32>
    %mul3A = arith.constant 1.67326319 : f32
    %mul3A_48 = vector.broadcast %mul3A : f32 to vector<1024x512xf32>
    %mul3A_49 = arith.mulf %mul3A_48, %sub3A_47 : vector<1024x512xf32>
    %select_n3A = arith.select %gt3A_45, %add3A_43, %mul3A_49 : vector<1024x512xi1>, vector<1024x512xf32>
    %mul3A_50 = arith.constant 1.05070102 : f32
    %mul3A_51 = vector.broadcast %mul3A_50 : f32 to vector<1024x512xf32>
    %mul3A_52 = arith.mulf %mul3A_51, %select_n3A : vector<1024x512xf32>
    %convert_element_type3A_53 = arith.truncf %mul3A_52 : vector<1024x512xf32> to vector<1024x512xbf16>
    %get3A_54 = arith.constant 0 : index
    %get3A_55 = arith.constant 0 : index
    %get3A_56 = vector.load %arg13[%get3A_54, %get3A_55] : memref<512x768xbf16, #tpu.memory_space<vmem>>, vector<512x768xbf16>
    %dot_general3A_57 = arith.constant dense<0.000000e+00> : vector<1024x768xf32>
    %dot_general3A_58 = tpu.matmul %convert_element_type3A_53, %get3A_56, %dot_general3A_57 {dimension_numbers = #tpu.dot_dimension_numbers<[1], [0], [0], [1], [0, 0, 1, 1], [], []>, transpose_lhs_hint = false} : vector<1024x512xbf16>, vector<512x768xbf16>, vector<1024x768xf32> -> vector<1024x768xf32>
    %get3A_59 = arith.constant 0 : index
    %get3A_60 = arith.constant 0 : index
    %get3A_61 = vector.load %arg14[%get3A_59, %get3A_60] : memref<1x768xf32, #tpu.memory_space<vmem>>, vector<1x768xf32>
    %add3A_62 = vector.broadcast %get3A_61 : vector<1x768xf32> to vector<1024x768xf32>
    %add3A_63 = arith.addf %dot_general3A_58, %add3A_62 : vector<1024x768xf32>
    %slice3A = vector.extract_strided_slice %reshape3A {offsets = [0, 5], sizes = [1024, 1], strides = [1, 1]} : vector<1024x8xf32> to vector<1024x1xf32>
    %slice3A_64 = vector.extract_strided_slice %reshape3A {offsets = [0, 6], sizes = [1024, 1], strides = [1, 1]} : vector<1024x8xf32> to vector<1024x1xf32>
    %slice3A_65 = vector.extract_strided_slice %reshape3A {offsets = [0, 7], sizes = [1024, 1], strides = [1, 1]} : vector<1024x8xf32> to vector<1024x1xf32>
    %get3A_66 = arith.constant 0 : index
    %get3A_67 = arith.constant 0 : index
    %get3A_68 = vector.load %arg15[%get3A_66, %get3A_67] : memref<2x768xf32, #tpu.memory_space<vmem>>, vector<1x768xf32>
    %mul3A_69 = vector.broadcast %slice3A : vector<1024x1xf32> to vector<1024x768xf32>
    %mul3A_70 = vector.broadcast %get3A_68 : vector<1x768xf32> to vector<1024x768xf32>
    %mul3A_71 = arith.mulf %mul3A_69, %mul3A_70 : vector<1024x768xf32>
    %get3A_72 = arith.constant 1 : index
    %get3A_73 = arith.constant 0 : index
    %get3A_74 = vector.load %arg15[%get3A_72, %get3A_73] : memref<2x768xf32, #tpu.memory_space<vmem>>, vector<1x768xf32>
    %mul3A_75 = vector.broadcast %slice3A_64 : vector<1024x1xf32> to vector<1024x768xf32>
    %mul3A_76 = vector.broadcast %get3A_74 : vector<1x768xf32> to vector<1024x768xf32>
    %mul3A_77 = arith.mulf %mul3A_75, %mul3A_76 : vector<1024x768xf32>
    %add3A_78 = arith.addf %mul3A_71, %mul3A_77 : vector<1024x768xf32>
    %get3A_79 = arith.constant 0 : index
    %get3A_80 = arith.constant 0 : index
    %get3A_81 = vector.load %arg16[%get3A_79, %get3A_80] : memref<1x768xf32, #tpu.memory_space<vmem>>, vector<1x768xf32>
    %add3A_82 = vector.broadcast %get3A_81 : vector<1x768xf32> to vector<1024x768xf32>
    %add3A_83 = arith.addf %add3A_78, %add3A_82 : vector<1024x768xf32>
    %get3A_84 = arith.constant 0 : index
    %get3A_85 = arith.constant 0 : index
    %get3A_86 = vector.load %arg17[%get3A_84, %get3A_85] : memref<1x768xf32, #tpu.memory_space<vmem>>, vector<1x768xf32>
    %mul3A_87 = vector.broadcast %slice3A_65 : vector<1024x1xf32> to vector<1024x768xf32>
    %mul3A_88 = vector.broadcast %get3A_86 : vector<1x768xf32> to vector<1024x768xf32>
    %mul3A_89 = arith.mulf %mul3A_87, %mul3A_88 : vector<1024x768xf32>
    %get3A_90 = arith.constant 0 : index
    %get3A_91 = arith.constant 0 : index
    %get3A_92 = vector.load %arg18[%get3A_90, %get3A_91] : memref<1x768xf32, #tpu.memory_space<vmem>>, vector<1x768xf32>
    %add3A_93 = vector.broadcast %get3A_92 : vector<1x768xf32> to vector<1024x768xf32>
    %add3A_94 = arith.addf %mul3A_89, %add3A_93 : vector<1024x768xf32>
    %add3A_95 = arith.constant 5.000000e-01 : f32
    %add3A_96 = vector.broadcast %add3A_95 : f32 to vector<1024x768xf32>
    %add3A_97 = arith.addf %add3A_94, %add3A_96 : vector<1024x768xf32>
    %floor3A = math.floor %add3A_97 : vector<1024x768xf32>
    %sub3A_98 = arith.subf %add3A_94, %floor3A : vector<1024x768xf32>
    %mul3A_99 = arith.mulf %sub3A_98, %sub3A_98 : vector<1024x768xf32>
    %broadcast_in_dim3A = arith.constant 6.57556581 : f32
    %broadcast_in_dim3A_100 = vector.broadcast %broadcast_in_dim3A : f32 to vector<1024x768xf32>
    %mul3A_101 = arith.mulf %broadcast_in_dim3A_100, %mul3A_99 : vector<1024x768xf32>
    %add3A_102 = arith.constant -26.0004978 : f32
    %add3A_103 = vector.broadcast %add3A_102 : f32 to vector<1024x768xf32>
    %add3A_104 = arith.addf %mul3A_101, %add3A_103 : vector<1024x768xf32>
    %mul3A_105 = arith.mulf %add3A_104, %mul3A_99 : vector<1024x768xf32>
    %add3A_106 = arith.constant 60.1762237 : f32
    %add3A_107 = vector.broadcast %add3A_106 : f32 to vector<1024x768xf32>
    %add3A_108 = arith.addf %mul3A_105, %add3A_107 : vector<1024x768xf32>
    %mul3A_109 = arith.mulf %add3A_108, %mul3A_99 : vector<1024x768xf32>
    %add3A_110 = arith.constant -85.4511642 : f32
    %add3A_111 = vector.broadcast %add3A_110 : f32 to vector<1024x768xf32>
    %add3A_112 = arith.addf %mul3A_109, %add3A_111 : vector<1024x768xf32>
    %mul3A_113 = arith.mulf %add3A_112, %mul3A_99 : vector<1024x768xf32>
    %add3A_114 = arith.constant 64.9391708 : f32
    %add3A_115 = vector.broadcast %add3A_114 : f32 to vector<1024x768xf32>
    %add3A_116 = arith.addf %mul3A_113, %add3A_115 : vector<1024x768xf32>
    %mul3A_117 = arith.mulf %add3A_116, %mul3A_99 : vector<1024x768xf32>
    %add3A_118 = arith.constant -19.7392063 : f32
    %add3A_119 = vector.broadcast %add3A_118 : f32 to vector<1024x768xf32>
    %add3A_120 = arith.addf %mul3A_117, %add3A_119 : vector<1024x768xf32>
    %mul3A_121 = arith.mulf %add3A_120, %mul3A_99 : vector<1024x768xf32>
    %add3A_122 = arith.constant 1.000000e+00 : f32
    %add3A_123 = vector.broadcast %add3A_122 : f32 to vector<1024x768xf32>
    %add3A_124 = arith.addf %mul3A_121, %add3A_123 : vector<1024x768xf32>
    %get3A_125 = arith.constant 0 : index
    %get3A_126 = arith.constant 0 : index
    %get3A_127 = vector.load %arg6[%get3A_125, %get3A_126] : memref<1024x768xf32, #tpu.memory_space<vmem>>, vector<1024x768xf32>
    %add3A_128 = arith.addf %get3A_127, %add3A_83 : vector<1024x768xf32>
    %add3A_129 = arith.addf %add3A_128, %add3A_63 : vector<1024x768xf32>
    %mul3A_130 = arith.constant 0.0360843912 : f32
    %mul3A_131 = vector.broadcast %mul3A_130 : f32 to vector<1024x768xf32>
    %mul3A_132 = arith.mulf %mul3A_131, %add3A_124 : vector<1024x768xf32>
    %add3A_133 = arith.addf %add3A_129, %mul3A_132 : vector<1024x768xf32>
    %reshape3A_134 = vector.shape_cast %add3A_133 : vector<1024x768xf32> to vector<1x1024x768xf32>
    %swap3A = arith.constant 0 : index
    %swap3A_135 = arith.constant 0 : index
    %swap3A_136 = arith.constant 0 : index
    %swap3A_137 = vector.load %arg19[%swap3A, %swap3A_135, %swap3A_136] : memref<1x1024x768xf32, #tpu.memory_space<vmem>>, vector<1x1024x768xf32>
    tpu.vector_store %arg19[%swap3A, %swap3A_135, %swap3A_136], %reshape3A_134 {strides = array<i32>} : memref<1x1024x768xf32, #tpu.memory_space<vmem>>, vector<1x1024x768xf32>,
    return
  }
  func.func @transform_1(%arg0: i32) -> (i32, i32) {
    %c0_i32 = arith.constant 0 : i32
    %c0_i32_0 = arith.constant 0 : i32
    return %arg0, %c0_i32 : i32, i32
  }
  func.func @transform_2(%arg0: i32) -> (i32, i32) {
    %c0_i32 = arith.constant 0 : i32
    %c0_i32_0 = arith.constant 0 : i32
    return %arg0, %c0_i32 : i32, i32
  }
  func.func @transform_3(%arg0: i32) -> (i32, i32) {
    %c0_i32 = arith.constant 0 : i32
    %c0_i32_0 = arith.constant 0 : i32
    return %arg0, %c0_i32 : i32, i32
  }
  func.func @transform_4(%arg0: i32) -> (i32, i32) {
    %c0_i32 = arith.constant 0 : i32
    %c0_i32_0 = arith.constant 0 : i32
    return %arg0, %c0_i32 : i32, i32
  }
  func.func @transform_5(%arg0: i32) -> (i32, i32) {
    %c0_i32 = arith.constant 0 : i32
    %c0_i32_0 = arith.constant 0 : i32
    return %arg0, %c0_i32 : i32, i32
  }
  func.func @transform_6(%arg0: i32) -> (i32, i32, i32) {
    %add3A = arith.constant 30 : i32
    %add3A_0 = arith.addi %add3A, %arg0 : i32
    %c0_i32 = arith.constant 0 : i32
    %c0_i32_1 = arith.constant 0 : i32
    %c0_i32_2 = arith.constant 0 : i32
    return %add3A_0, %c0_i32, %c0_i32_1 : i32, i32, i32
  }
  func.func @transform_7(%arg0: i32) -> (i32, i32) {
    %c0_i32 = arith.constant 0 : i32
    %c0_i32_0 = arith.constant 0 : i32
    %c0_i32_1 = arith.constant 0 : i32
    return %c0_i32, %c0_i32_0 : i32, i32
  }
  func.func @transform_8(%arg0: i32) -> (i32, i32) {
    %c0_i32 = arith.constant 0 : i32
    %c0_i32_0 = arith.constant 0 : i32
    %c0_i32_1 = arith.constant 0 : i32
    return %c0_i32, %c0_i32_0 : i32, i32
  }
  func.func @transform_9(%arg0: i32) -> (i32, i32) {
    %c0_i32 = arith.constant 0 : i32
    %c0_i32_0 = arith.constant 0 : i32
    %c0_i32_1 = arith.constant 0 : i32
    return %c0_i32, %c0_i32_0 : i32, i32
  }
  func.func @transform_10(%arg0: i32) -> (i32, i32) {
    %c0_i32 = arith.constant 0 : i32
    %c0_i32_0 = arith.constant 0 : i32
    %c0_i32_1 = arith.constant 0 : i32
    return %c0_i32, %c0_i32_0 : i32, i32
  }
  func.func @transform_11(%arg0: i32) -> (i32, i32) {
    %c0_i32 = arith.constant 0 : i32
    %c0_i32_0 = arith.constant 0 : i32
    %c0_i32_1 = arith.constant 0 : i32
    return %c0_i32, %c0_i32_0 : i32, i32
  }
  func.func @transform_12(%arg0: i32) -> (i32, i32) {
    %c0_i32 = arith.constant 0 : i32
    %c0_i32_0 = arith.constant 0 : i32
    %c0_i32_1 = arith.constant 0 : i32
    return %c0_i32, %c0_i32_0 : i32, i32
  }
  func.func @transform_13(%arg0: i32) -> (i32, i32) {
    %c0_i32 = arith.constant 0 : i32
    %c0_i32_0 = arith.constant 0 : i32
    %c0_i32_1 = arith.constant 0 : i32
    return %c0_i32, %c0_i32_0 : i32, i32
  }
  func.func @transform_14(%arg0: i32) -> (i32, i32) {
    %c0_i32 = arith.constant 0 : i32
    %c0_i32_0 = arith.constant 0 : i32
    %c0_i32_1 = arith.constant 0 : i32
    return %c0_i32, %c0_i32_0 : i32, i32
  }
  func.func @transform_15(%arg0: i32) -> (i32, i32) {
    %c0_i32 = arith.constant 0 : i32
    %c0_i32_0 = arith.constant 0 : i32
    %c0_i32_1 = arith.constant 0 : i32
    return %c0_i32, %c0_i32_0 : i32, i32
  }
  func.func @transform_16(%arg0: i32) -> (i32, i32) {
    %c0_i32 = arith.constant 0 : i32
    %c0_i32_0 = arith.constant 0 : i32
    %c0_i32_1 = arith.constant 0 : i32
    return %c0_i32, %c0_i32_0 : i32, i32
  }
  func.func @transform_17(%arg0: i32) -> (i32, i32) {
    %c0_i32 = arith.constant 0 : i32
    %c0_i32_0 = arith.constant 0 : i32
    %c0_i32_1 = arith.constant 0 : i32
    return %c0_i32, %c0_i32_0 : i32, i32
  }
  func.func @transform_18(%arg0: i32) -> (i32, i32, i32) {
    %add3A = arith.constant 30 : i32
    %add3A_0 = arith.addi %add3A, %arg0 : i32
    %c0_i32 = arith.constant 0 : i32
    %c0_i32_1 = arith.constant 0 : i32
    %c0_i32_2 = arith.constant 0 : i32
    return %add3A_0, %c0_i32, %c0_i32_1 : i32, i32, i32
  }
}

module attributes {stable_mosaic.version = 14 : i64} {
  func.func @_lambda_(%arg0: i32, %arg1: memref<50x1024x768xf32, #tpu.memory_space<any>>, %arg2: memref<1024x128xf32, #tpu.memory_space<vmem>>, %arg3: memref<1024x64xf32, #tpu.memory_space<vmem>>, %arg4: memref<1024x32xf32, #tpu.memory_space<vmem>>, %arg5: memref<1024x16xf32, #tpu.memory_space<vmem>>, %arg6: memref<1024x768xf32, #tpu.memory_space<vmem>>, %arg7: memref<1x1024x8xf32, #tpu.memory_space<vmem>>, %arg8: memref<128x512xbf16, #tpu.memory_space<vmem>>, %arg9: memref<64x512xbf16, #tpu.memory_space<vmem>>, %arg10: memref<32x512xbf16, #tpu.memory_space<vmem>>, %arg11: memref<16x512xbf16, #tpu.memory_space<vmem>>, %arg12: memref<1x512xf32, #tpu.memory_space<vmem>>, %arg13: memref<512x768xbf16, #tpu.memory_space<vmem>>, %arg14: memref<1x768xf32, #tpu.memory_space<vmem>>, %arg15: memref<2x768xf32, #tpu.memory_space<vmem>>, %arg16: memref<1x768xf32, #tpu.memory_space<vmem>>, %arg17: memref<1x768xf32, #tpu.memory_space<vmem>>, %arg18: memref<1x768xf32, #tpu.memory_space<vmem>>, %arg19: memref<1x1024x768xf32, #tpu.memory_space<vmem>>) attributes {dimension_semantics = [#tpu.dimension_semantics<arbitrary>], iteration_bounds = array<i64: 10>, scalar_prefetch = 0 : i64, scratch_operands = 0 : i64, tpu.core_type = #tpu.core_type<tc>, window_params = [{}, {transform_indices = @transform_1, window_bounds = array<i64: 1024, 128>}, {transform_indices = @transform_2, window_bounds = array<i64: 1024, 64>}, {transform_indices = @transform_3, window_bounds = array<i64: 1024, 32>}, {transform_indices = @transform_4, window_bounds = array<i64: 1024, 16>}, {transform_indices = @transform_5, window_bounds = array<i64: 1024, 768>}, {transform_indices = @transform_6, window_bounds = array<i64: 1, 1024, 8>}, {pipeline_mode = #tpu.pipeline_mode<synchronous>, transform_indices = @transform_7, window_bounds = array<i64: 128, 512>}, {pipeline_mode = #tpu.pipeline_mode<synchronous>, transform_indices = @transform_8, window_bounds = array<i64: 64, 512>}, {pipeline_mode = #tpu.pipeline_mode<synchronous>, transform_indices = @transform_9, window_bounds = array<i64: 32, 512>}, {pipeline_mode = #tpu.pipeline_mode<synchronous>, transform_indices = @transform_10, window_bounds = array<i64: 16, 512>}, {pipeline_mode = #tpu.pipeline_mode<synchronous>, transform_indices = @transform_11, window_bounds = array<i64: 1, 512>}, {pipeline_mode = #tpu.pipeline_mode<synchronous>, transform_indices = @transform_12, window_bounds = array<i64: 512, 768>}, {pipeline_mode = #tpu.pipeline_mode<synchronous>, transform_indices = @transform_13, window_bounds = array<i64: 1, 768>}, {pipeline_mode = #tpu.pipeline_mode<synchronous>, transform_indices = @transform_14, window_bounds = array<i64: 2, 768>}, {pipeline_mode = #tpu.pipeline_mode<synchronous>, transform_indices = @transform_15, window_bounds = array<i64: 1, 768>}, {pipeline_mode = #tpu.pipeline_mode<synchronous>, transform_indices = @transform_16, window_bounds = array<i64: 1, 768>}, {pipeline_mode = #tpu.pipeline_mode<synchronous>, transform_indices = @transform_17, window_bounds = array<i64: 1, 768>}, {transform_indices = @transform_18, window_bounds = array<i64: 1, 1024, 768>}]} {
    %get3A = arith.constant 0 : index
    %get3A_0 = arith.constant 0 : index
    %get3A_1 = arith.constant 0 : index
    %get3A_2 = vector.load %arg7[%get3A, %get3A_0, %get3A_1] : memref<1x1024x8xf32, #tpu.memory_space<vmem>>, vector<1x1024x8xf32>
    %reshape3A = vector.shape_cast %get3A_2 : vector<1x1024x8xf32> to vector<1024x8xf32>
    %get3A_3 = arith.constant 0 : index
    %get3A_4 = arith.constant 0 : index
    %get3A_5 = vector.load %arg2[%get3A_3, %get3A_4] : memref<1024x128xf32, #tpu.memory_space<vmem>>, vector<1024x128xf32>
    %convert_element_type3A = arith.truncf %get3A_5 : vector<1024x128xf32> to vector<1024x128xbf16>
    %get3A_6 = arith.constant 0 : index
    %get3A_7 = arith.constant 0 : index
    %get3A_8 = vector.load %arg8[%get3A_6, %get3A_7] : memref<128x512xbf16, #tpu.memory_space<vmem>>, vector<128x512xbf16>
    %dot_general3A = arith.constant dense<0.000000e+00> : vector<1024x512xf32>
    %dot_general3A_9 = tpu.matmul %convert_element_type3A, %get3A_8, %dot_general3A {dimension_numbers = #tpu.dot_dimension_numbers<[1], [0], [0], [1], [0, 0, 1, 1], [], []>, transpose_lhs_hint = false} : vector<1024x128xbf16>, vector<128x512xbf16>, vector<1024x512xf32> -> vector<1024x512xf32>
    %get3A_10 = arith.constant 0 : index
    %get3A_11 = arith.constant 0 : index
    %get3A_12 = vector.load %arg3[%get3A_10, %get3A_11] : memref<1024x64xf32, #tpu.memory_space<vmem>>, vector<1024x64xf32>
    %convert_element_type3A_13 = arith.truncf %get3A_12 : vector<1024x64xf32> to vector<1024x64xbf16>
    %get3A_14 = arith.constant 0 : index
    %get3A_15 = arith.constant 0 : index
    %get3A_16 = vector.load %arg9[%get3A_14, %get3A_15] : memref<64x512xbf16, #tpu.memory_space<vmem>>, vector<64x512xbf16>
    %dot_general3A_17 = arith.constant dense<0.000000e+00> : vector<1024x512xf32>
    %dot_general3A_18 = tpu.matmul %convert_element_type3A_13, %get3A_16, %dot_general3A_17 {dimension_numbers = #tpu.dot_dimension_numbers<[1], [0], [0], [1], [0, 0, 1, 1], [], []>, transpose_lhs_hint = false} : vector<1024x64xbf16>, vector<64x512xbf16>, vector<1024x512xf32> -> vector<1024x512xf32>
    %add3A = arith.addf %dot_general3A_9, %dot_general3A_18 : vector<1024x512xf32>
    %get3A_19 = arith.constant 0 : index
    %get3A_20 = arith.constant 0 : index
    %get3A_21 = vector.load %arg4[%get3A_19, %get3A_20] : memref<1024x32xf32, #tpu.memory_space<vmem>>, vector<1024x32xf32>
    %convert_element_type3A_22 = arith.truncf %get3A_21 : vector<1024x32xf32> to vector<1024x32xbf16>
    %get3A_23 = arith.constant 0 : index
    %get3A_24 = arith.constant 0 : index
    %get3A_25 = vector.load %arg10[%get3A_23, %get3A_24] : memref<32x512xbf16, #tpu.memory_space<vmem>>, vector<32x512xbf16>
    %dot_general3A_26 = arith.constant dense<0.000000e+00> : vector<1024x512xf32>
    %dot_general3A_27 = tpu.matmul %convert_element_type3A_22, %get3A_25, %dot_general3A_26 {dimension_numbers = #tpu.dot_dimension_numbers<[1], [0], [0], [1], [0, 0, 1, 1], [], []>, transpose_lhs_hint = false} : vector<1024x32xbf16>, vector<32x512xbf16>, vector<1024x512xf32> -> vector<1024x512xf32>
    %add3A_28 = arith.addf %add3A, %dot_general3A_27 : vector<1024x512xf32>
    %get3A_29 = arith.constant 0 : index
    %get3A_30 = arith.constant 0 : index
    %get3A_31 = vector.load %arg5[%get3A_29, %get3A_30] : memref<1024x16xf32, #tpu.memory_space<vmem>>, vector<1024x16xf32>
    %convert_element_type3A_32 = arith.truncf %get3A_31 : vector<1024x16xf32> to vector<1024x16xbf16>
    %get3A_33 = arith.constant 0 : index
    %get3A_34 = arith.constant 0 : index
    %get3A_35 = vector.load %arg11[%get3A_33, %get3A_34] : memref<16x512xbf16, #tpu.memory_space<vmem>>, vector<16x512xbf16>
    %dot_general3A_36 = arith.constant dense<0.000000e+00> : vector<1024x512xf32>
    %dot_general3A_37 = tpu.matmul %convert_element_type3A_32, %get3A_35, %dot_general3A_36 {dimension_numbers = #tpu.dot_dimension_numbers<[1], [0], [0], [1], [0, 0, 1, 1], [], []>, transpose_lhs_hint = false} : vector<1024x16xbf16>, vector<16x512xbf16>, vector<1024x512xf32> -> vector<1024x512xf32>
    %add3A_38 = arith.addf %add3A_28, %dot_general3A_37 : vector<1024x512xf32>
    %get3A_39 = arith.constant 0 : index
    %get3A_40 = arith.constant 0 : index
    %get3A_41 = vector.load %arg12[%get3A_39, %get3A_40] : memref<1x512xf32, #tpu.memory_space<vmem>>, vector<1x512xf32>
    %add3A_42 = vector.broadcast %get3A_41 : vector<1x512xf32> to vector<1024x512xf32>
    %add3A_43 = arith.addf %add3A_38, %add3A_42 : vector<1024x512xf32>
    %gt3A = arith.constant 0.000000e+00 : f32
    %gt3A_44 = vector.broadcast %gt3A : f32 to vector<1024x512xf32>
    %gt3A_45 = arith.cmpf ogt, %add3A_43, %gt3A_44 : vector<1024x512xf32>
    %exp3A = math.exp %add3A_43 : vector<1024x512xf32>
    %sub3A = arith.constant 1.000000e+00 : f32
    %sub3A_46 = vector.broadcast %sub3A : f32 to vector<1024x512xf32>
    %sub3A_47 = arith.subf %exp3A, %sub3A_46 : vector<1024x512xf32>
    %mul3A = arith.constant 1.67326319 : f32
    %mul3A_48 = vector.broadcast %mul3A : f32 to vector<1024x512xf32>
    %mul3A_49 = arith.mulf %mul3A_48, %sub3A_47 : vector<1024x512xf32>
    %select_n3A = arith.select %gt3A_45, %add3A_43, %mul3A_49 : vector<1024x512xi1>, vector<1024x512xf32>
    %mul3A_50 = arith.constant 1.05070102 : f32
    %mul3A_51 = vector.broadcast %mul3A_50 : f32 to vector<1024x512xf32>
    %mul3A_52 = arith.mulf %mul3A_51, %select_n3A : vector<1024x512xf32>
    %convert_element_type3A_53 = arith.truncf %mul3A_52 : vector<1024x512xf32> to vector<1024x512xbf16>
    %get3A_54 = arith.constant 0 : index
    %get3A_55 = arith.constant 0 : index
    %get3A_56 = vector.load %arg13[%get3A_54, %get3A_55] : memref<512x768xbf16, #tpu.memory_space<vmem>>, vector<512x768xbf16>
    %dot_general3A_57 = arith.constant dense<0.000000e+00> : vector<1024x768xf32>
    %dot_general3A_58 = tpu.matmul %convert_element_type3A_53, %get3A_56, %dot_general3A_57 {dimension_numbers = #tpu.dot_dimension_numbers<[1], [0], [0], [1], [0, 0, 1, 1], [], []>, transpose_lhs_hint = false} : vector<1024x512xbf16>, vector<512x768xbf16>, vector<1024x768xf32> -> vector<1024x768xf32>
    %get3A_59 = arith.constant 0 : index
    %get3A_60 = arith.constant 0 : index
    %get3A_61 = vector.load %arg14[%get3A_59, %get3A_60] : memref<1x768xf32, #tpu.memory_space<vmem>>, vector<1x768xf32>
    %add3A_62 = vector.broadcast %get3A_61 : vector<1x768xf32> to vector<1024x768xf32>
    %add3A_63 = arith.addf %dot_general3A_58, %add3A_62 : vector<1024x768xf32>
    %slice3A = vector.extract_strided_slice %reshape3A {offsets = [0, 5], sizes = [1024, 1], strides = [1, 1]} : vector<1024x8xf32> to vector<1024x1xf32>
    %slice3A_64 = vector.extract_strided_slice %reshape3A {offsets = [0, 6], sizes = [1024, 1], strides = [1, 1]} : vector<1024x8xf32> to vector<1024x1xf32>
    %slice3A_65 = vector.extract_strided_slice %reshape3A {offsets = [0, 7], sizes = [1024, 1], strides = [1, 1]} : vector<1024x8xf32> to vector<1024x1xf32>
    %get3A_66 = arith.constant 0 : index
    %get3A_67 = arith.constant 0 : index
    %get3A_68 = vector.load %arg15[%get3A_66, %get3A_67] : memref<2x768xf32, #tpu.memory_space<vmem>>, vector<1x768xf32>
    %mul3A_69 = vector.broadcast %slice3A : vector<1024x1xf32> to vector<1024x768xf32>
    %mul3A_70 = vector.broadcast %get3A_68 : vector<1x768xf32> to vector<1024x768xf32>
    %mul3A_71 = arith.mulf %mul3A_69, %mul3A_70 : vector<1024x768xf32>
    %get3A_72 = arith.constant 1 : index
    %get3A_73 = arith.constant 0 : index
    %get3A_74 = vector.load %arg15[%get3A_72, %get3A_73] : memref<2x768xf32, #tpu.memory_space<vmem>>, vector<1x768xf32>
    %mul3A_75 = vector.broadcast %slice3A_64 : vector<1024x1xf32> to vector<1024x768xf32>
    %mul3A_76 = vector.broadcast %get3A_74 : vector<1x768xf32> to vector<1024x768xf32>
    %mul3A_77 = arith.mulf %mul3A_75, %mul3A_76 : vector<1024x768xf32>
    %add3A_78 = arith.addf %mul3A_71, %mul3A_77 : vector<1024x768xf32>
    %get3A_79 = arith.constant 0 : index
    %get3A_80 = arith.constant 0 : index
    %get3A_81 = vector.load %arg16[%get3A_79, %get3A_80] : memref<1x768xf32, #tpu.memory_space<vmem>>, vector<1x768xf32>
    %add3A_82 = vector.broadcast %get3A_81 : vector<1x768xf32> to vector<1024x768xf32>
    %add3A_83 = arith.addf %add3A_78, %add3A_82 : vector<1024x768xf32>
    %get3A_84 = arith.constant 0 : index
    %get3A_85 = arith.constant 0 : index
    %get3A_86 = vector.load %arg17[%get3A_84, %get3A_85] : memref<1x768xf32, #tpu.memory_space<vmem>>, vector<1x768xf32>
    %mul3A_87 = vector.broadcast %slice3A_65 : vector<1024x1xf32> to vector<1024x768xf32>
    %mul3A_88 = vector.broadcast %get3A_86 : vector<1x768xf32> to vector<1024x768xf32>
    %mul3A_89 = arith.mulf %mul3A_87, %mul3A_88 : vector<1024x768xf32>
    %get3A_90 = arith.constant 0 : index
    %get3A_91 = arith.constant 0 : index
    %get3A_92 = vector.load %arg18[%get3A_90, %get3A_91] : memref<1x768xf32, #tpu.memory_space<vmem>>, vector<1x768xf32>
    %add3A_93 = vector.broadcast %get3A_92 : vector<1x768xf32> to vector<1024x768xf32>
    %add3A_94 = arith.addf %mul3A_89, %add3A_93 : vector<1024x768xf32>
    %add3A_95 = arith.constant 5.000000e-01 : f32
    %add3A_96 = vector.broadcast %add3A_95 : f32 to vector<1024x768xf32>
    %add3A_97 = arith.addf %add3A_94, %add3A_96 : vector<1024x768xf32>
    %floor3A = math.floor %add3A_97 : vector<1024x768xf32>
    %sub3A_98 = arith.subf %add3A_94, %floor3A : vector<1024x768xf32>
    %mul3A_99 = arith.mulf %sub3A_98, %sub3A_98 : vector<1024x768xf32>
    %broadcast_in_dim3A = arith.constant 6.57556581 : f32
    %broadcast_in_dim3A_100 = vector.broadcast %broadcast_in_dim3A : f32 to vector<1024x768xf32>
    %mul3A_101 = arith.mulf %broadcast_in_dim3A_100, %mul3A_99 : vector<1024x768xf32>
    %add3A_102 = arith.constant -26.0004978 : f32
    %add3A_103 = vector.broadcast %add3A_102 : f32 to vector<1024x768xf32>
    %add3A_104 = arith.addf %mul3A_101, %add3A_103 : vector<1024x768xf32>
    %mul3A_105 = arith.mulf %add3A_104, %mul3A_99 : vector<1024x768xf32>
    %add3A_106 = arith.constant 60.1762237 : f32
    %add3A_107 = vector.broadcast %add3A_106 : f32 to vector<1024x768xf32>
    %add3A_108 = arith.addf %mul3A_105, %add3A_107 : vector<1024x768xf32>
    %mul3A_109 = arith.mulf %add3A_108, %mul3A_99 : vector<1024x768xf32>
    %add3A_110 = arith.constant -85.4511642 : f32
    %add3A_111 = vector.broadcast %add3A_110 : f32 to vector<1024x768xf32>
    %add3A_112 = arith.addf %mul3A_109, %add3A_111 : vector<1024x768xf32>
    %mul3A_113 = arith.mulf %add3A_112, %mul3A_99 : vector<1024x768xf32>
    %add3A_114 = arith.constant 64.9391708 : f32
    %add3A_115 = vector.broadcast %add3A_114 : f32 to vector<1024x768xf32>
    %add3A_116 = arith.addf %mul3A_113, %add3A_115 : vector<1024x768xf32>
    %mul3A_117 = arith.mulf %add3A_116, %mul3A_99 : vector<1024x768xf32>
    %add3A_118 = arith.constant -19.7392063 : f32
    %add3A_119 = vector.broadcast %add3A_118 : f32 to vector<1024x768xf32>
    %add3A_120 = arith.addf %mul3A_117, %add3A_119 : vector<1024x768xf32>
    %mul3A_121 = arith.mulf %add3A_120, %mul3A_99 : vector<1024x768xf32>
    %add3A_122 = arith.constant 1.000000e+00 : f32
    %add3A_123 = vector.broadcast %add3A_122 : f32 to vector<1024x768xf32>
    %add3A_124 = arith.addf %mul3A_121, %add3A_123 : vector<1024x768xf32>
    %get3A_125 = arith.constant 0 : index
    %get3A_126 = arith.constant 0 : index
    %get3A_127 = vector.load %arg6[%get3A_125, %get3A_126] : memref<1024x768xf32, #tpu.memory_space<vmem>>, vector<1024x768xf32>
    %add3A_128 = arith.addf %get3A_127, %add3A_83 : vector<1024x768xf32>
    %add3A_129 = arith.addf %add3A_128, %add3A_63 : vector<1024x768xf32>
    %mul3A_130 = arith.constant 0.0360843912 : f32
    %mul3A_131 = vector.broadcast %mul3A_130 : f32 to vector<1024x768xf32>
    %mul3A_132 = arith.mulf %mul3A_131, %add3A_124 : vector<1024x768xf32>
    %add3A_133 = arith.addf %add3A_129, %mul3A_132 : vector<1024x768xf32>
    %reshape3A_134 = vector.shape_cast %add3A_133 : vector<1024x768xf32> to vector<1x1024x768xf32>
    %swap3A = arith.constant 0 : index
    %swap3A_135 = arith.constant 0 : index
    %swap3A_136 = arith.constant 0 : index
    %swap3A_137 = vector.load %arg19[%swap3A, %swap3A_135, %swap3A_136] : memref<1x1024x768xf32, #tpu.memory_space<vmem>>, vector<1x1024x768xf32>
    tpu.vector_store %arg19[%swap3A, %swap3A_135, %swap3A_136], %reshape3A_134 {strides = array<i32>} : memref<1x1024x768xf32, #tpu.memory_space<vmem>>, vector<1x1024x768xf32>,
    return
  }
  func.func @transform_1(%arg0: i32) -> (i32, i32) {
    %c0_i32 = arith.constant 0 : i32
    %c0_i32_0 = arith.constant 0 : i32
    return %arg0, %c0_i32 : i32, i32
  }
  func.func @transform_2(%arg0: i32) -> (i32, i32) {
    %c0_i32 = arith.constant 0 : i32
    %c0_i32_0 = arith.constant 0 : i32
    return %arg0, %c0_i32 : i32, i32
  }
  func.func @transform_3(%arg0: i32) -> (i32, i32) {
    %c0_i32 = arith.constant 0 : i32
    %c0_i32_0 = arith.constant 0 : i32
    return %arg0, %c0_i32 : i32, i32
  }
  func.func @transform_4(%arg0: i32) -> (i32, i32) {
    %c0_i32 = arith.constant 0 : i32
    %c0_i32_0 = arith.constant 0 : i32
    return %arg0, %c0_i32 : i32, i32
  }
  func.func @transform_5(%arg0: i32) -> (i32, i32) {
    %c0_i32 = arith.constant 0 : i32
    %c0_i32_0 = arith.constant 0 : i32
    return %arg0, %c0_i32 : i32, i32
  }
  func.func @transform_6(%arg0: i32) -> (i32, i32, i32) {
    %add3A = arith.constant 40 : i32
    %add3A_0 = arith.addi %add3A, %arg0 : i32
    %c0_i32 = arith.constant 0 : i32
    %c0_i32_1 = arith.constant 0 : i32
    %c0_i32_2 = arith.constant 0 : i32
    return %add3A_0, %c0_i32, %c0_i32_1 : i32, i32, i32
  }
  func.func @transform_7(%arg0: i32) -> (i32, i32) {
    %c0_i32 = arith.constant 0 : i32
    %c0_i32_0 = arith.constant 0 : i32
    %c0_i32_1 = arith.constant 0 : i32
    return %c0_i32, %c0_i32_0 : i32, i32
  }
  func.func @transform_8(%arg0: i32) -> (i32, i32) {
    %c0_i32 = arith.constant 0 : i32
    %c0_i32_0 = arith.constant 0 : i32
    %c0_i32_1 = arith.constant 0 : i32
    return %c0_i32, %c0_i32_0 : i32, i32
  }
  func.func @transform_9(%arg0: i32) -> (i32, i32) {
    %c0_i32 = arith.constant 0 : i32
    %c0_i32_0 = arith.constant 0 : i32
    %c0_i32_1 = arith.constant 0 : i32
    return %c0_i32, %c0_i32_0 : i32, i32
  }
  func.func @transform_10(%arg0: i32) -> (i32, i32) {
    %c0_i32 = arith.constant 0 : i32
    %c0_i32_0 = arith.constant 0 : i32
    %c0_i32_1 = arith.constant 0 : i32
    return %c0_i32, %c0_i32_0 : i32, i32
  }
  func.func @transform_11(%arg0: i32) -> (i32, i32) {
    %c0_i32 = arith.constant 0 : i32
    %c0_i32_0 = arith.constant 0 : i32
    %c0_i32_1 = arith.constant 0 : i32
    return %c0_i32, %c0_i32_0 : i32, i32
  }
  func.func @transform_12(%arg0: i32) -> (i32, i32) {
    %c0_i32 = arith.constant 0 : i32
    %c0_i32_0 = arith.constant 0 : i32
    %c0_i32_1 = arith.constant 0 : i32
    return %c0_i32, %c0_i32_0 : i32, i32
  }
  func.func @transform_13(%arg0: i32) -> (i32, i32) {
    %c0_i32 = arith.constant 0 : i32
    %c0_i32_0 = arith.constant 0 : i32
    %c0_i32_1 = arith.constant 0 : i32
    return %c0_i32, %c0_i32_0 : i32, i32
  }
  func.func @transform_14(%arg0: i32) -> (i32, i32) {
    %c0_i32 = arith.constant 0 : i32
    %c0_i32_0 = arith.constant 0 : i32
    %c0_i32_1 = arith.constant 0 : i32
    return %c0_i32, %c0_i32_0 : i32, i32
  }
  func.func @transform_15(%arg0: i32) -> (i32, i32) {
    %c0_i32 = arith.constant 0 : i32
    %c0_i32_0 = arith.constant 0 : i32
    %c0_i32_1 = arith.constant 0 : i32
    return %c0_i32, %c0_i32_0 : i32, i32
  }
  func.func @transform_16(%arg0: i32) -> (i32, i32) {
    %c0_i32 = arith.constant 0 : i32
    %c0_i32_0 = arith.constant 0 : i32
    %c0_i32_1 = arith.constant 0 : i32
    return %c0_i32, %c0_i32_0 : i32, i32
  }
  func.func @transform_17(%arg0: i32) -> (i32, i32) {
    %c0_i32 = arith.constant 0 : i32
    %c0_i32_0 = arith.constant 0 : i32
    %c0_i32_1 = arith.constant 0 : i32
    return %c0_i32, %c0_i32_0 : i32, i32
  }
  func.func @transform_18(%arg0: i32) -> (i32, i32, i32) {
    %add3A = arith.constant 40 : i32
    %add3A_0 = arith.addi %add3A, %arg0 : i32
    %c0_i32 = arith.constant 0 : i32
    %c0_i32_1 = arith.constant 0 : i32
    %c0_i32_2 = arith.constant 0 : i32
    return %add3A_0, %c0_i32, %c0_i32_1 : i32, i32, i32
  }
}

</mosaic_0001>

<sc_bundles>
// kernel: kernel.17.cloned.1.call-start
scs
__scs_entry_jumppad:
0x0: {  	(pc) =	sbr.rel $0x88, $3  }
0x1: {  	(tag) =	ssettag $0x0;
	lr =	simm.s32 $0x1  }
0x2: {  	[smem:$0x3F93] =	sst lr;
	_ =	strace $0xD0000000  }
0x3: {  	_ = 	snop  }
0x4: {  	_ = 	snop  }
0x5: {  	_ = 	snop  }
0x6: {  	_ = 	snop  }
0x7: {  	_ = 	snop  }
__scs_overlays_trampoline_lowered:
0x8: {  	[smem:$0x3FA2] =	sst s0  }
0x9: {  	[smem:$0x3FA3] =	sst s1  }
0xa: {  	[smem:$0x3FA4] =	sst s2  }
0xb: {  	[smem:$0x3FA5] =	sst s3  }
0xc: {  	[smem:$0x3FA6] =	sst s4  }
0xd: {  	[smem:$0x3FA7] =	sst s5  }
0xe: {  	[smem:$0x3FA8] =	sst s6  }
0xf: {  	[smem:$0x3FA9] =	sst s7  }
0x10: {  	[smem:$0x3FAA] =	sst s8  }
0x11: {  	[smem:$0x3FAB] =	sst s9;
	s0 =	simm.s32 @!p0 $0x0  }
0x12: {  	s1 =	sld [smem:$0x3F91];
	s0 =	simm.s32 @p0 $0x1  }
0x13: {  	[smem:$0x3FAC] =	sst s0;
	s0 =	simm.s32 @!p1 $0x0  }
0x14: {  	s2 =	sld [smem:$0x3F90];
	s0 =	simm.s32 @p1 $0x1  }
0x15: {  	[smem:$0x3FAD] =	sst s0;
	s0 =	simm.s32 @!p2 $0x0  }
0x16: {  	s3 =	sld [smem:$0x3FDB];
	s0 =	simm.s32 @p2 $0x1  }
0x17: {  	s4 =	simm.s32 $0x1BF5;
	[smem:$0x3FAF] =	sst s0  }
0x18: {  	s0 =	sld [smem:$0x3F92];
	_ =	swait.ge [sflag:s4], $0x0  }
0x19: {  	s7 =	sld [smem:$0x3F93]  }
0x1a: {  	s8 =	sadd.s32 $0xFFFFE003, lr  }
0x1b: {  	s9 =	sadd.s32 $0xFFFFFEF7, lr;
	s5 =	simm.s32 $0xFFFFFFFF;
	p2 =	slt.u32 s8, $0xFFFFF086  }
0x1c: {  	p1 =	slt.u32 s9, $0xF7A;
	s5 =	simm.s32 @!p2 $0x0  }
0x1d: {  	s5 =	simm.s32 @p1 $0x1;
	p0 =	seq.s32 s7, s2  }
0x1e: {  	s7 =	smul.u32 @!p0 $0xF7A, s2;
	p2 =	seq.s32 @!p0 s5, $0x0  }
0x1f: {  	s9 =	smul.u32 $0xF7A, s1;
	s8 =	simm.s32 @!p0 $0x1BF5;
	p2 =	por !p2, p0  }
0x20: {  	[sflag:s8] =	ssyncset.s32 @!p0 $0xFFFFF086;
	s6 =	sadd.s32 @!p0 s3, s7;
	s7 =	simm.s32 @!p0 $0x108  }
0x21: {  	s3 =	sadd.s32 s3, s9;
	s6 =	sadd.s32 @!p0 $0x88, s6;
	s7 =	simm.s32 @p2 $0x1082  }
0x22: {  	[simem:s7], [sflag:s8] =	dma.local @!p0 [hbm:s6], $0xF7A  }
0x23: {  	s9 =	sor.u32 $0xD0000000, s2;
	s6 =	simm.s32 $0x108;
	_ =	swait.ge @!p0 [sflag:s8], $0x0  }
0x24: {  	s3 =	sadd.s32 $0x88, s3;
	s6 =	simm.s32 @!p1 $0x1082;
	[sflag:s4] =	ssyncset.s32 $0xFFFFF086  }
0x25: {  	[simem:s6], [sflag:s4] =	dma.local [hbm:s3], $0xF7A  }
0x26: {  	[smem:$0x3F93] =	sst s1;
	(tag) =	ssettag s2;
	_ =	strace s9  }
0x27: {  	s1 =	sld [smem:$0x3FA3]  }
0x28: {  	s2 =	sld [smem:$0x3FA4]  }
0x29: {  	s4 =	sld [smem:$0x3FA6]  }
0x2a: {  	p0 =	seq.s32 s5, $0x0;
	s5 =	sld [smem:$0x3FA7]  }
0x2b: {  	s6 =	sld [smem:$0x3FA8]  }
0x2c: {  	s7 =	sld [smem:$0x3FA9]  }
0x2d: {  	s3 =	simm.s32 $0x108;
	s8 =	sld [smem:$0x3FAA]  }
0x2e: {  	s3 =	simm.s32 @!p0 $0x1082;
	s9 =	sld [smem:$0x3FAB]  }
0x2f: {  	lr =	sadd.s32 s0, s3;
	s0 =	sld [smem:$0x3FA2]  }
0x30: {  	s3 =	sld [smem:$0x3FA5]  }
0x31: {  	[smem:$0x3FAE] =	sst s10  }
0x32: {  	s10 =	sld [smem:$0x3FAC];
	_ =	sdelay $0x3  }
0x33: {  	p0 =	seq.s32 s10, $0x1;
	s10 =	sld [smem:$0x3FAE];
	_ =	sdelay $0x3  }
0x34: {  	[smem:$0x3FAE] =	sst s10  }
0x35: {  	s10 =	sld [smem:$0x3FAD];
	_ =	sdelay $0x3  }
0x36: {  	p1 =	seq.s32 s10, $0x1;
	s10 =	sld [smem:$0x3FAE];
	_ =	sdelay $0x3  }
0x37: {  	[smem:$0x3FAE] =	sst s10  }
0x38: {  	s10 =	sld [smem:$0x3FAF]  }
0x39: {  	_ = 	snop;
	(pc) =	sbr.ind lr, $3  }
0x3a: {  	_ = 	snop  }
0x3b: {  	_ = 	snop  }
0x3c: {  	p2 =	seq.s32 s10, $0x1;
	s10 =	sld [smem:$0x3FAE]  }
0x3d: {  	_ =	shalt  }
0x3e: {  	_ =	shalt  }
0x3f: {  	_ =	shalt  }
0x40: {  	_ =	shalt  }
0x41: {  	_ =	shalt  }
0x42: {  	_ =	shalt  }
0x43: {  	_ =	shalt  }
0x44: {  	_ =	shalt  }
0x45: {  	_ =	shalt  }
0x46: {  	_ =	shalt  }
0x47: {  	_ =	shalt  }
0x48: {  	_ =	shalt  }
0x49: {  	_ =	shalt  }
0x4a: {  	_ =	shalt  }
0x4b: {  	_ =	shalt  }
0x4c: {  	_ =	shalt  }
0x4d: {  	_ =	shalt  }
0x4e: {  	_ =	shalt  }
0x4f: {  	_ =	shalt  }
0x50: {  	_ =	shalt  }
0x51: {  	_ =	shalt  }
0x52: {  	_ =	shalt  }
0x53: {  	_ =	shalt  }
0x54: {  	_ =	shalt  }
0x55: {  	_ =	shalt  }
0x56: {  	_ =	shalt  }
0x57: {  	_ =	shalt  }
0x58: {  	_ =	shalt  }
0x59: {  	_ =	shalt  }
0x5a: {  	_ =	shalt  }
0x5b: {  	_ =	shalt  }
0x5c: {  	_ =	shalt  }
0x5d: {  	_ =	shalt  }
0x5e: {  	_ =	shalt  }
0x5f: {  	_ =	shalt  }
0x60: {  	_ =	shalt  }
0x61: {  	_ =	shalt  }
0x62: {  	_ =	shalt  }
0x63: {  	_ =	shalt  }
0x64: {  	_ =	shalt  }
0x65: {  	_ =	shalt  }
0x66: {  	_ =	shalt  }
0x67: {  	_ =	shalt  }
0x68: {  	_ =	shalt  }
0x69: {  	_ =	shalt  }
0x6a: {  	_ =	shalt  }
0x6b: {  	_ =	shalt  }
0x6c: {  	_ =	shalt  }
0x6d: {  	_ =	shalt  }
0x6e: {  	_ =	shalt  }
0x6f: {  	_ =	shalt  }
0x70: {  	_ =	shalt  }
0x71: {  	_ =	shalt  }
0x72: {  	_ =	shalt  }
0x73: {  	_ =	shalt  }
0x74: {  	_ =	shalt  }
0x75: {  	_ =	shalt  }
0x76: {  	_ =	shalt  }
0x77: {  	_ =	shalt  }
0x78: {  	_ =	shalt  }
0x79: {  	_ =	shalt  }
0x7a: {  	_ =	shalt  }
0x7b: {  	_ =	shalt  }
0x7c: {  	_ =	shalt  }
0x7d: {  	_ =	shalt  }
0x7e: {  	_ =	shalt  }
0x7f: {  	_ =	shalt  }
0x80: {  	_ =	shalt  }
0x81: {  	_ =	shalt  }
0x82: {  	_ =	shalt  }
0x83: {  	_ =	shalt  }
0x84: {  	_ =	shalt  }
0x85: {  	_ =	shalt  }
0x86: {  	_ =	shalt  }
0x87: {  	_ =	shalt  }
.Lfunc_end0:
.L_simem_size_0:
called_computation_lowered:
.L_overlay_start_0:
0x88: {  	s2 =	sld [smem:$0x3FD9]  }
0x89: {  	s3 =	sld [smem:$0x3FFE];
	_ =	sdelay $0x1  }
0x8a: {  	s1 =	srdreg.scid  }
0x8b: {  	s0 =	sand.u32 $0x1, s1  }
0x8c: {  	s17 =	sshll.u32 s0, $0xA;
	s2 =	sadd.s32 s3, s2  }
0x8d: {  	s2 =	sadd.s32 s2, s17  }
0x8e: {  	[smem:$0x3FBA] =	sst s2  }
0x8f: {  	_ = 	snop  }
0x90: {  	s4 =	sld [smem:$0x3FC8]  }
0x91: {  	s5 =	sld [smem:$0x3FC0]  }
0x92: {  	s18 =	sld [smem:$0x3FD0];
	(tm) =	ssettm $0x1  }
0x93: {  	s19 =	sld [smem:$0x3FFB];
	_ =	sdelay $0x3  }
0x94: {  	_ =	strace s19  }
0x95: {  	s2 =	sld [smem:$0x3FFC];
	_ =	sdelay $0x3  }
0x96: {  	_ =	strace s2  }
0x97: {  	s2 =	sld [smem:$0x3FFD];
	_ =	sdelay $0x3  }
0x98: {  	_ =	strace s2  }
0x99: {  	_ =	strace $0x8FFFFFFF  }
0x9a: {  	s20 =	sld [smem:$0x3FDB];
	_ =	sdelay $0x1  }
0x9b: {  	s6 =	simm.s32 $_scs_section_size  }
0x9c: {  	s7 =	simm.s32 $_size__tile_overlayer_lowered;
	s8 =	simm.s32 $_tile_overlayer_lowered  }
0x9d: {  	s9 =	simm.s32 $0x1BFF;
	s21 =	sshll.u32 s8, $0x1;
	s6 =	sadd.s32 s6, s20  }
0x9e: {  	s22 =	simm.s32 $0x0;
	s7 =	sshll.u32 s7, $0x1;
	s8 =	sadd.s32 s21, s6  }
0x9f: {  	[timem:s22], [sflag:s9] =	dma.local [hbm:s8], s7  }
0xa0: {  	_ =	swait.ge [sflag:s9], s7  }
0xa1: {  	s7 =	ssub.s32 $0x0, s7;
	[sflag:s9] =	ssyncset.done $0x0  }
0xa2: {  	[sflag:s9] =	ssyncadd.s32 s7;
	_ =	sdelay $0x1  }
0xa3: {  	s23 =	simm.s32 $0x1B8B  }
0xa4: {  	_ =	swait.ge [sflag:s23], $0x1  }
0xa5: {  	[sflag:s23] =	ssyncset.done $0x0  }
0xa6: {  	[sflag:s23] =	ssyncadd.s32 $0xFFFFFFFF  }
0xa7: {  	s7 =	sld [smem:$0x0]  }
0xa8: {  	s8 =	sand.u32 $0xFFFFFFFE, s1  }
0xa9: {  	p0 =	sne.s32 s1, s8  }
0xaa: {  	s8 =	sshll.u32 @p0 s8, $0xE  }
0xab: {  	s8 =	sadd.s32 @p0 $0x11B8D, s8;
	s9 =	sshll.u32 @p0 s7, $0x11  }
0xac: {  	s8 =	sor.u32 @p0 s9, s8  }
0xad: {  	[sflag:s8] =	ssyncadd.remote.s32 @p0 $0x1;
	_ =	sdelay $0x1  }
0xae: {  	s8 =	simm.s32 @p0 $0x1B8D  }
0xaf: {  	_ =	swait.eq @p0 [sflag:s8], $0x1  }
0xb0: {  	[sflag:s8] =	ssyncadd.s32 @p0 $0xFFFFFFFF  }
0xb1: {  	s9 =	sshll.u32 @!p0 s1, $0xE  }
0xb2: {  	s9 =	sor.u32 @!p0 $0x4000, s9;
	s8 =	simm.s32 @!p0 $0x1B8D  }
0xb3: {  	s7 =	sshll.u32 @!p0 s7, $0x11;
	s9 =	sadd.s32 @!p0 $0x11B8D, s9;
	_ =	swait.eq @!p0 [sflag:s8], $0x1  }
0xb4: {  	s7 =	sor.u32 @!p0 s7, s9;
	[sflag:s8] =	ssyncadd.s32 @!p0 $0xFFFFFFFF  }
0xb5: {  	s25 =	simm.s32 $0x1B8E;
	s24 =	sld [smem:$0x3FFE];
	[sflag:s7] =	ssyncadd.remote.s32 @!p0 $0x1  }
0xb6: {  	s26 =	simm.s32 $execute0_lowered;
	[smem:$0x3FD2] =	sst s25  }
0xb7: {  	s8 =	sshll.u32 s26, $0x1;
	_ =	strace $0x80000055;
	[dreg:$0x1] =	wrdreg $0xFFFFFFFF  }
0xb8: {  	s28 =	simm.s32 $_size_execute0_lowered;
	s6 =	sadd.s32 s6, s8;
	[dreg:$0x0] =	wrdreg $0x0  }
0xb9: {  	s8 =	sshll.u32 s28, $0x1;
	[dreg:$0x2] =	wrdreg s6  }
0xba: {  	[dreg:$0x3] =	wrdreg s8  }
0xbb: {  	[dreg:$0x4] =	wrdreg $0xC0  }
0xbc: {  	_ =	task [dreg:s22], $0x5FFFF  }
0xbd: {  	[dreg:$0x1] =	wrdreg $0xFFFFFFFF  }
0xbe: {  	[dreg:$0x0] =	wrdreg $0x60  }
0xbf: {  	[dreg:$0x2] =	wrdreg s4  }
0xc0: {  	[dreg:$0x3] =	wrdreg s5  }
0xc1: {  	[dreg:$0x4] =	wrdreg s24  }
0xc2: {  	[dreg:$0x5] =	wrdreg s18  }
0xc3: {  	[dreg:$0x6] =	wrdreg $0x9  }
0xc4: {  	_ =	task.clear_ibuf [dreg:s22], $0x7FFFF;
	_ =	strace $0x90000055  }
0xc5: {  	s29 =	simm.s32 $0x9;
	_ =	strace $0x80000057  }
0xc6: {  	_ =	swait.ge [sflag:s29], $0x1  }
0xc7: {  	[sflag:s29] =	ssyncadd.s32 $0xFFFFFFFF  }
0xc8: {  	_ =	strace $0x90000057  }
0xc9: {  	_ =	sfence  }
0xca: {  	s30 =	sld [smem:$0x0];
	_ =	sdelay $0x2  }
0xcb: {  	s31 =	sshll.u32 s1, $0xD;
	s1 =	sshrl.u32 s1, $0x2  }
0xcc: {  	s4 =	sand.u32 $0x4000, s31;
	s1 =	sadd.s32 s1, s30  }
0xcd: {  	s0 =	sor.u32 s4, s0;
	s1 =	sshll.u32 s1, $0x11  }
0xce: {  	s0 =	sor.u32 s1, s0  }
0xcf: {  	s0 =	sadd.s32 $0x8F2B, s0  }
0xd0: {  	[sflag:s0] =	ssyncadd.remote.s32 $0x1  }
0xd1: {  	_ =	sfence.sel $0xFFFF  }
0xd2: {  	[dreg:$0x0] =	wrdreg $0xFFFFFFFF;
	(pc) =	sbr.abs _section_cstart, $3  }
0xd3: {  	[dreg:$0x1] =	wrdreg $0xFFFFFFFF  }
0xd4: {  	_ =	task.clear_ibuf [dreg:s22], $0x2FFFF;
	_ =	strace $0x9FFFFFFF  }
0xd5: {  	(tm) =	ssettm $0x7FFFFFFF  }
tec
execute0_lowered:
.L_overlay_start_1:
0x0: {  	(tag) =	ssettag $0x1  }
0x1: {  	s0 =	rddreg [dreg:$0x0]  }
0x2: {  	s16 =	srdreg.scid;
	s1 =	rddreg [dreg:$0x1]  }
0x3: {  	s9 =	stileid.u32;
	s4 =	rddreg [dreg:$0x2]  }
0x4: {  	s5 =	rddreg [dreg:$0x3];
	s19 =	simm.s32 $0x40;
	s20 =	simm.s32 $0x2B00  }
0x5: {  	s21 =	simm.s32 $0x3300;
	s22 =	simm.s32 $0x3B00;
	s23 =	simm.s32 $0x4300  }
0x6: {  	s24 =	simm.s32 $0x4B00;
	s11 =	simm.s32 $0x2;
	s25 =	simm.s32 $0x5300  }
0x7: {  	[dreg:$0x5] =	wrdreg s0;
	s0 =	sand.u32 $0x1, s16;
	s2 =	smul.u32 $0x280, s9  }
0x8: {  	s26 =	simm.s32 $0x5B00;
	s13 =	simm.s32 $0x300;
	s3 =	smul.u32 $0x140, s0  }
0x9: {  	s14 =	simm.s32 $0x2300;
	s15 =	simm.s32 $0x6300;
	s6 =	sshll.u32 s9, $0x1  }
0xa: {  	s9 =	smul.u32 $0x2800, s9;
	s2 =	sadd.s32 s3, s2;
	s3 =	simm.s32 $0x0  }
0xb: {  	s6 =	sor.u32 s0, s6;
	s7 =	ssub.s32 $0x2, s0;
	[smem:$0x7FF] =	sst s3  }
0xc: {  	s0 =	smul.u32 $0x1400, s0;
	_ =	strace $0x80000056;
	[dreg:$0x6] =	wrdreg s19  }
0xd: {  	s28 =	simm.s32 $0xC300;
	s5 =	sadd.s32 s9, s5;
	[dreg:$0x7] =	wrdreg s20  }
0xe: {  	s29 =	simm.s32 $0xCB00;
	s0 =	sadd.s32 s0, s5;
	[dreg:$0x8] =	wrdreg s21  }
0xf: {  	s30 =	simm.s32 $0xD300;
	s31 =	simm.s32 $0xDB00;
	[dreg:$0x11] =	wrdreg s0  }
0x10: {  	s16 =	simm.s32 $0x6B00;
	s8 =	sshrl.u32 s7, $0x1;
	[dreg:$0x9] =	wrdreg s22  }
0x11: {  	s6 =	smul.u32 $0x140, s6;
	s17 =	ssub.s32 s7, s8;
	[dreg:$0xa] =	wrdreg s23  }
0x12: {  	s7 =	sadd.s32 $0x200, s1;
	s2 =	sshrl.u32 s2, $0x3;
	[dreg:$0xb] =	wrdreg s24  }
0x13: {  	s6 =	sshrl.u32 s6, $0x3;
	s2 =	smul.u32 $0x300, s2;
	[dreg:$0xc] =	wrdreg s25  }
0x14: {  	s6 =	sadd.s32 s6, s4;
	[dreg:$0xd] =	wrdreg s26;
	s19 =	simm.s32 $0x8300  }
0x15: {  	s20 =	simm.s32 $0x8B00;
	s21 =	simm.s32 $0x9300;
	s22 =	simm.s32 $0x9B00  }
0x16: {  	s23 =	simm.s32 $0xA300;
	s24 =	simm.s32 $0xAB00;
	s25 =	simm.s32 $0xB300  }
0x17: {  	s26 =	simm.s32 $0xBB00;
	s0 =	simm.s32 $0x0;
	s18 =	sadd.s32 $0xD2C00, s6  }
0x18: {  	s6 =	sadd.s32 $0xD4600, s6;
	s2 =	sadd.s32 s2, s4;
	[dreg:$0xe] =	wrdreg s18  }
0x19: {  	v2 =	vlaneseq.u32;
	[dreg:$0xf] =	wrdreg s6;
	s6 =	sadd.s32 $0x100, s1;
	s4 =	smax.u32 s17, $0x1  }
0x1a: {  	vm0 =	vmmov $0xffff;
	v1 =	vshrl.u32 v2, $0x3;
	s17 =	simm.s32 $0x7300;
	[dreg:$0x10] =	wrdreg s4;
	s2 =	sadd.s32 $0x2E0200, s2  }
0x1b: {  	v0 =	vand.u32 $0x7, v2;
	v2 =	vor.u32 $0x8, v2;
	v1 =	vmul.u32 $0x8, v1;
	s18 =	simm.s32 $0x7B00;
	[dreg:$0x12] =	wrdreg s2;
	s2 =	simm.s32 $0x1  }
.LBB2_1:
0x1c: {  	s4 =	rddreg [dreg:$0xe]  }
0x1d: {  	[tilespmem:s3], [sflag:$0x2] =	stream.linear.gather [hbm4b:s4+s3], $0x140, $0x38;
	[tilespmem:$0xE300] =	vst v63  }
0x1e: {  	_ =	swait.ge [sflag:s11], $0x140  }
0x1f: {  	[sflag:s11] =	ssyncset.done $0x0  }
0x20: {  	s5 =	simm.s32 $0x180;
	s12 =	rddreg [dreg:$0xf];
	[sflag:s11] =	ssyncadd.s32 $0xFFFFFEC0  }
0x21: {  	[tilespmem:s5], [sflag:$0x2] =	stream.linear.gather [hbm4b:s12+s3], $0x140, $0x38;
	[tilespmem:$0xE300] =	vst v63  }
0x22: {  	_ =	swait.ge [sflag:s11], $0x140  }
0x23: {  	[sflag:s11] =	ssyncset.done $0x0;
	s10 =	rddreg [dreg:$0x12]  }
0x24: {  	s5 =	simm.s32 $0x0;
	s9 =	rddreg [dreg:$0x11];
	[sflag:s11] =	ssyncadd.s32 $0xFFFFFEC0  }
.LBB2_2:
0x25: {  	s8 =	rddreg [dreg:$0x5]  }
0x26: {  	s4 =	rddreg [dreg:$0x6];
	s12 =	sshra.s32 s5, $0x2  }
0x27: {  	[tilespmem:s13], [sflag:$0x1] =	stream.indirect.gather [hbm4b:s8+s4], $0x80, s12, s4, $0xb8;
	[tilespmem:$0xE300] =	vst v63  }
0x28: {  	v3 =	vld [tilespmem:s12+$0x180];
	_ =	sdelay $0x4  }
0x29: {  	v4 =	vshrl.u32 v3, $0x3  }
0x2a: {  	v4 =	vmul.u32 $0x30, v4  }
0x2b: {  	v3 =	vand.u32 $0x7, v3  }
0x2c: {  	v3 =	vor.u32 v3, v4  }
0x2d: {  	v4 =	vperm.xlane v3, v0;
	_ =	sdelay $0x1  }
0x2e: {  	v4 =	vadd.s32 v1, v4;
	_ =	sdelay $0x3  }
0x2f: {  	v3 =	vperm.xlane v3, v2  }
0x30: {  	[tilespmem:s14], [sflag:$0x1] =	stream.indirect_vreg.gather [hbm4b:s1+s3], $0x80, v4, vm0, $0xb8;
	[tilespmem:$0xE300] =	vst v63  }
0x31: {  	s4 =	rddreg [dreg:$0x7];
	v3 =	vadd.s32 v1, v3  }
0x32: {  	[tilespmem:s4], [sflag:$0x1] =	stream.indirect_vreg.gather [hbm4b:s6+s3], $0x80, v4, vm0, $0xb8;
	[tilespmem:$0xE300] =	vst v63  }
0x33: {  	s8 =	rddreg [dreg:$0x8]  }
0x34: {  	[tilespmem:s8], [sflag:$0x1] =	stream.indirect_vreg.gather [hbm4b:s7+s3], $0x80, v4, vm0, $0xb8;
	[tilespmem:$0xE300] =	vst v63  }
0x35: {  	s4 =	rddreg [dreg:$0x9]  }
0x36: {  	[tilespmem:s4], [sflag:$0x1] =	stream.indirect_vreg.gather [hbm4b:s1+s3], $0x80, v3, vm0, $0xb8;
	[tilespmem:$0xE300] =	vst v63  }
0x37: {  	s8 =	rddreg [dreg:$0xa]  }
0x38: {  	[tilespmem:s8], [sflag:$0x1] =	stream.indirect_vreg.gather [hbm4b:s6+s3], $0x80, v3, vm0, $0xb8;
	[tilespmem:$0xE300] =	vst v63  }
0x39: {  	s4 =	rddreg [dreg:$0xb]  }
0x3a: {  	[tilespmem:s4], [sflag:$0x1] =	stream.indirect_vreg.gather [hbm4b:s7+s3], $0x80, v3, vm0, $0xb8;
	[tilespmem:$0xE300] =	vst v63  }
0x3b: {  	v3 =	vld [tilespmem:s12+$0x190];
	_ =	sdelay $0x4  }
0x3c: {  	v61 =	vshrl.u32 v3, $0x3  }
0x3d: {  	v4 =	vmul.u32 $0x30, v61  }
0x3e: {  	v3 =	vand.u32 $0x7, v3  }
0x3f: {  	v3 =	vor.u32 v3, v4  }
0x40: {  	v4 =	vperm.xlane v3, v0;
	_ =	sdelay $0x1  }
0x41: {  	v4 =	vadd.s32 v1, v4;
	_ =	sdelay $0x3  }
0x42: {  	s4 =	rddreg [dreg:$0xc];
	v3 =	vperm.xlane v3, v2  }
0x43: {  	[tilespmem:s4], [sflag:$0x1] =	stream.indirect_vreg.gather [hbm4b:s1+s3], $0x80, v4, vm0, $0xb8;
	[tilespmem:$0xE300] =	vst v63  }
0x44: {  	s8 =	rddreg [dreg:$0xd];
	v3 =	vadd.s32 v1, v3  }
0x45: {  	[tilespmem:s8], [sflag:$0x1] =	stream.indirect_vreg.gather [hbm4b:s6+s3], $0x80, v4, vm0, $0xb8;
	[tilespmem:$0xE300] =	vst v63  }
0x46: {  	_ = 	snop  }
0x47: {  	[tilespmem:s15], [sflag:$0x1] =	stream.indirect_vreg.gather [hbm4b:s7+s3], $0x80, v4, vm0, $0xb8;
	[tilespmem:$0xE300] =	vst v63  }
0x48: {  	_ = 	snop  }
0x49: {  	[tilespmem:s16], [sflag:$0x1] =	stream.indirect_vreg.gather [hbm4b:s1+s3], $0x80, v3, vm0, $0xb8;
	[tilespmem:$0xE300] =	vst v63  }
0x4a: {  	_ = 	snop  }
0x4b: {  	[tilespmem:s17], [sflag:$0x1] =	stream.indirect_vreg.gather [hbm4b:s6+s3], $0x80, v3, vm0, $0xb8;
	[tilespmem:$0xE300] =	vst v63  }
0x4c: {  	_ = 	snop  }
0x4d: {  	[tilespmem:s18], [sflag:$0x1] =	stream.indirect_vreg.gather [hbm4b:s7+s3], $0x80, v3, vm0, $0xb8;
	[tilespmem:$0xE300] =	vst v63  }
0x4e: {  	v3 =	vld [tilespmem:s12+$0x1A0];
	_ =	sdelay $0x4  }
0x4f: {  	v62 =	vshrl.u32 v3, $0x3  }
0x50: {  	v4 =	vmul.u32 $0x30, v62  }
0x51: {  	v3 =	vand.u32 $0x7, v3  }
0x52: {  	v3 =	vor.u32 v3, v4  }
0x53: {  	v4 =	vperm.xlane v3, v0;
	_ =	sdelay $0x1  }
0x54: {  	v4 =	vadd.s32 v1, v4;
	_ =	sdelay $0x3  }
0x55: {  	v3 =	vperm.xlane v3, v2  }
0x56: {  	[tilespmem:s19], [sflag:$0x1] =	stream.indirect_vreg.gather [hbm4b:s1+s3], $0x80, v4, vm0, $0xb8;
	[tilespmem:$0xE300] =	vst v63  }
0x57: {  	v3 =	vadd.s32 v1, v3  }
0x58: {  	[tilespmem:s20], [sflag:$0x1] =	stream.indirect_vreg.gather [hbm4b:s6+s3], $0x80, v4, vm0, $0xb8;
	[tilespmem:$0xE300] =	vst v63  }
0x59: {  	_ = 	snop  }
0x5a: {  	[tilespmem:s21], [sflag:$0x1] =	stream.indirect_vreg.gather [hbm4b:s7+s3], $0x80, v4, vm0, $0xb8;
	[tilespmem:$0xE300] =	vst v63  }
0x5b: {  	_ = 	snop  }
0x5c: {  	[tilespmem:s22], [sflag:$0x1] =	stream.indirect_vreg.gather [hbm4b:s1+s3], $0x80, v3, vm0, $0xb8;
	[tilespmem:$0xE300] =	vst v63  }
0x5d: {  	_ = 	snop  }
0x5e: {  	[tilespmem:s23], [sflag:$0x1] =	stream.indirect_vreg.gather [hbm4b:s6+s3], $0x80, v3, vm0, $0xb8;
	[tilespmem:$0xE300] =	vst v63  }
0x5f: {  	_ = 	snop  }
0x60: {  	[tilespmem:s24], [sflag:$0x1] =	stream.indirect_vreg.gather [hbm4b:s7+s3], $0x80, v3, vm0, $0xb8;
	[tilespmem:$0xE300] =	vst v63  }
0x61: {  	v3 =	vld [tilespmem:s12+$0x1B0];
	_ =	sdelay $0x4  }
0x62: {  	v63 =	vshrl.u32 v3, $0x3  }
0x63: {  	v4 =	vmul.u32 $0x30, v63  }
0x64: {  	v3 =	vand.u32 $0x7, v3  }
0x65: {  	v3 =	vor.u32 v3, v4  }
0x66: {  	v4 =	vperm.xlane v3, v0;
	_ =	sdelay $0x1  }
0x67: {  	v4 =	vadd.s32 v1, v4;
	_ =	sdelay $0x3  }
0x68: {  	v3 =	vperm.xlane v3, v2  }
0x69: {  	[tilespmem:s25], [sflag:$0x1] =	stream.indirect_vreg.gather [hbm4b:s1+s3], $0x80, v4, vm0, $0xb8;
	[tilespmem:$0xE300] =	vst v63  }
0x6a: {  	v3 =	vadd.s32 v1, v3  }
0x6b: {  	[tilespmem:s26], [sflag:$0x1] =	stream.indirect_vreg.gather [hbm4b:s6+s3], $0x80, v4, vm0, $0xb8;
	[tilespmem:$0xE300] =	vst v63  }
0x6c: {  	_ = 	snop  }
0x6d: {  	[tilespmem:s28], [sflag:$0x1] =	stream.indirect_vreg.gather [hbm4b:s7+s3], $0x80, v4, vm0, $0xb8;
	[tilespmem:$0xE300] =	vst v63  }
0x6e: {  	_ = 	snop  }
0x6f: {  	[tilespmem:s29], [sflag:$0x1] =	stream.indirect_vreg.gather [hbm4b:s1+s3], $0x80, v3, vm0, $0xb8;
	[tilespmem:$0xE300] =	vst v63  }
0x70: {  	_ = 	snop  }
0x71: {  	[tilespmem:s30], [sflag:$0x1] =	stream.indirect_vreg.gather [hbm4b:s6+s3], $0x80, v3, vm0, $0xb8;
	[tilespmem:$0xE300] =	vst v63  }
0x72: {  	_ = 	snop  }
0x73: {  	[tilespmem:s31], [sflag:$0x1] =	stream.indirect_vreg.gather [hbm4b:s7+s3], $0x80, v3, vm0, $0xb8;
	[tilespmem:$0xE300] =	vst v63  }
0x74: {  	_ =	swait.ge [sflag:s2], $0x2000  }
0x75: {  	[sflag:s2] =	ssyncset.done $0x0  }
0x76: {  	[sflag:s2] =	ssyncadd.s32 $0xFFFFE000  }
0x77: {  	_ =	swait.ge [sflag:s2], $0xC000  }
0x78: {  	[sflag:s2] =	ssyncset.done $0x0  }
0x79: {  	[sflag:s2] =	ssyncadd.s32 $0xFFFF4000  }
0x7a: {  	[hbm4b:s9+s3] =	stream.linear.scatter [tilespmem:s13], [sflag:$0x2], $0x2000, $0x38;
	[tilespmem:$0xE300] =	vst v63  }
0x7b: {  	_ =	swait.ge [sflag:s11], $0x2000  }
0x7c: {  	p0 =	sne.s32 s5, $0x400;
	[sflag:s11] =	ssyncset.done $0x0  }
.Ltmp0:
0x7d: {  	[sflag:s11] =	ssyncadd.s32 $0xFFFFE000;
	(pc) =	sbr.rel @p0 .LBB2_2-.Ltmp0, $4  }
0x7e: {  	[hbm4b:s10+s3] =	stream.linear.scatter [tilespmem:s14], [sflag:$0x2], $0xC000, $0x38;
	[tilespmem:$0xE300] =	vst v63  }
0x7f: {  	_ =	swait.ge [sflag:s11], $0xC000  }
0x80: {  	s5 =	sadd.s32 $0x100, s5;
	[sflag:s11] =	ssyncset.done $0x0  }
0x81: {  	s9 =	sadd.s32 $0x400, s9;
	s10 =	sadd.s32 $0x1800, s10;
	[sflag:s11] =	ssyncadd.s32 $0xFFFF4000  }
0x82: {  	s0 =	sadd.s32 $0x1, s0;
	s4 =	rddreg [dreg:$0x10]  }
0x83: {  	p0 =	sne.s32 s0, s4  }
.Ltmp1:
0x84: {  	_ = 	snop;
	(pc) =	sbr.rel @p0 .LBB2_1-.Ltmp1, $1  }
0x85: {  	_ =	sdelay $0x3  }
0x86: {  	_ =	sfence.sel $0x180000  }
0x87: {  	[bflag:$0x0] =	sbarrier.arrive $0xFFFF  }
0x88: {  	_ =	strace $0x90000056  }
0x89: {  	s0 =	stileid.u32;
	[bflag:$0x2] =	sbarrier.arrive $0xFFFF  }
0x8a: {  	p0 =	sne.s32 s0, $0x0;
	s0 =	rddreg [dreg:$0x4]  }
0x8b: {  	s0 =	sadd.s32 @!p0 $0x100000, s0  }
0x8c: {  	[sflag:s0] =	ssyncadd.tile.s32 @!p0 $0x1;
	_ =	shalt  }
.Lfunc_end2:
_tile_overlayer_lowered:
.L_overlay_start_2:
0x8d: {  	(tag) =	ssettag $0x2  }
0x8e: {  	s0 =	rddreg [dreg:$0x0];
	s2 =	stileid.u32  }
0x8f: {  	s1 =	rddreg [dreg:$0x1];
	p0 =	sne.s32 s2, $0x0  }
0x90: {  	s3 =	rddreg [dreg:$0x2];
	[bflag:$0x3] =	sbarrier.arrive $0xFFFF;
	s2 =	simm.s32 @!p0 $0x1C02  }
0x91: {  	[timem:s3], [sflag:s2] =	dma.local @!p0 [hbm:s0], s1  }
0x92: {  	s0 =	simm.s32 @!p0 $0x2  }
0x93: {  	_ =	swait.ge @!p0 [sflag:s0], s1  }
0x94: {  	s1 =	ssub.s32 @!p0 $0x0, s1;
	[sflag:s0] =	ssyncset.done @!p0 $0x0  }
0x95: {  	[sflag:s0] =	ssyncadd.s32 @!p0 s1  }
0x96: {  	[bflag:$0x3] =	sbarrier.arrive $0xFFFF  }
0x97: {  	_ =	shalt  }

// kernel: kernel.20.cloned.1.call-start
scs
__scs_entry_jumppad:
0x0: {  	(pc) =	sbr.rel $0x88, $3  }
0x1: {  	(tag) =	ssettag $0x0;
	lr =	simm.s32 $0x1  }
0x2: {  	[smem:$0x3F93] =	sst lr;
	_ =	strace $0xD0000000  }
0x3: {  	_ = 	snop  }
0x4: {  	_ = 	snop  }
0x5: {  	_ = 	snop  }
0x6: {  	_ = 	snop  }
0x7: {  	_ = 	snop  }
__scs_overlays_trampoline_lowered:
0x8: {  	[smem:$0x3FA2] =	sst s0  }
0x9: {  	[smem:$0x3FA3] =	sst s1  }
0xa: {  	[smem:$0x3FA4] =	sst s2  }
0xb: {  	[smem:$0x3FA5] =	sst s3  }
0xc: {  	[smem:$0x3FA6] =	sst s4  }
0xd: {  	[smem:$0x3FA7] =	sst s5  }
0xe: {  	[smem:$0x3FA8] =	sst s6  }
0xf: {  	[smem:$0x3FA9] =	sst s7  }
0x10: {  	[smem:$0x3FAA] =	sst s8  }
0x11: {  	[smem:$0x3FAB] =	sst s9;
	s0 =	simm.s32 @!p0 $0x0  }
0x12: {  	s1 =	sld [smem:$0x3F91];
	s0 =	simm.s32 @p0 $0x1  }
0x13: {  	[smem:$0x3FAC] =	sst s0;
	s0 =	simm.s32 @!p1 $0x0  }
0x14: {  	s2 =	sld [smem:$0x3F90];
	s0 =	simm.s32 @p1 $0x1  }
0x15: {  	[smem:$0x3FAD] =	sst s0;
	s0 =	simm.s32 @!p2 $0x0  }
0x16: {  	s3 =	sld [smem:$0x3FDB];
	s0 =	simm.s32 @p2 $0x1  }
0x17: {  	s4 =	simm.s32 $0x1BF5;
	[smem:$0x3FAF] =	sst s0  }
0x18: {  	s0 =	sld [smem:$0x3F92];
	_ =	swait.ge [sflag:s4], $0x0  }
0x19: {  	s7 =	sld [smem:$0x3F93]  }
0x1a: {  	s8 =	sadd.s32 $0xFFFFE003, lr  }
0x1b: {  	s9 =	sadd.s32 $0xFFFFFEF7, lr;
	s5 =	simm.s32 $0xFFFFFFFF;
	p2 =	slt.u32 s8, $0xFFFFF086  }
0x1c: {  	p1 =	slt.u32 s9, $0xF7A;
	s5 =	simm.s32 @!p2 $0x0  }
0x1d: {  	s5 =	simm.s32 @p1 $0x1;
	p0 =	seq.s32 s7, s2  }
0x1e: {  	s7 =	smul.u32 @!p0 $0xF7A, s2;
	p2 =	seq.s32 @!p0 s5, $0x0  }
0x1f: {  	s9 =	smul.u32 $0xF7A, s1;
	s8 =	simm.s32 @!p0 $0x1BF5;
	p2 =	por !p2, p0  }
0x20: {  	[sflag:s8] =	ssyncset.s32 @!p0 $0xFFFFF086;
	s6 =	sadd.s32 @!p0 s3, s7;
	s7 =	simm.s32 @!p0 $0x108  }
0x21: {  	s3 =	sadd.s32 s3, s9;
	s6 =	sadd.s32 @!p0 $0x88, s6;
	s7 =	simm.s32 @p2 $0x1082  }
0x22: {  	[simem:s7], [sflag:s8] =	dma.local @!p0 [hbm:s6], $0xF7A  }
0x23: {  	s9 =	sor.u32 $0xD0000000, s2;
	s6 =	simm.s32 $0x108;
	_ =	swait.ge @!p0 [sflag:s8], $0x0  }
0x24: {  	s3 =	sadd.s32 $0x88, s3;
	s6 =	simm.s32 @!p1 $0x1082;
	[sflag:s4] =	ssyncset.s32 $0xFFFFF086  }
0x25: {  	[simem:s6], [sflag:s4] =	dma.local [hbm:s3], $0xF7A  }
0x26: {  	[smem:$0x3F93] =	sst s1;
	(tag) =	ssettag s2;
	_ =	strace s9  }
0x27: {  	s1 =	sld [smem:$0x3FA3]  }
0x28: {  	s2 =	sld [smem:$0x3FA4]  }
0x29: {  	s4 =	sld [smem:$0x3FA6]  }
0x2a: {  	p0 =	seq.s32 s5, $0x0;
	s5 =	sld [smem:$0x3FA7]  }
0x2b: {  	s6 =	sld [smem:$0x3FA8]  }
0x2c: {  	s7 =	sld [smem:$0x3FA9]  }
0x2d: {  	s3 =	simm.s32 $0x108;
	s8 =	sld [smem:$0x3FAA]  }
0x2e: {  	s3 =	simm.s32 @!p0 $0x1082;
	s9 =	sld [smem:$0x3FAB]  }
0x2f: {  	lr =	sadd.s32 s0, s3;
	s0 =	sld [smem:$0x3FA2]  }
0x30: {  	s3 =	sld [smem:$0x3FA5]  }
0x31: {  	[smem:$0x3FAE] =	sst s10  }
0x32: {  	s10 =	sld [smem:$0x3FAC];
	_ =	sdelay $0x3  }
0x33: {  	p0 =	seq.s32 s10, $0x1;
	s10 =	sld [smem:$0x3FAE];
	_ =	sdelay $0x3  }
0x34: {  	[smem:$0x3FAE] =	sst s10  }
0x35: {  	s10 =	sld [smem:$0x3FAD];
	_ =	sdelay $0x3  }
0x36: {  	p1 =	seq.s32 s10, $0x1;
	s10 =	sld [smem:$0x3FAE];
	_ =	sdelay $0x3  }
0x37: {  	[smem:$0x3FAE] =	sst s10  }
0x38: {  	s10 =	sld [smem:$0x3FAF]  }
0x39: {  	_ = 	snop;
	(pc) =	sbr.ind lr, $3  }
0x3a: {  	_ = 	snop  }
0x3b: {  	_ = 	snop  }
0x3c: {  	p2 =	seq.s32 s10, $0x1;
	s10 =	sld [smem:$0x3FAE]  }
0x3d: {  	_ =	shalt  }
0x3e: {  	_ =	shalt  }
0x3f: {  	_ =	shalt  }
0x40: {  	_ =	shalt  }
0x41: {  	_ =	shalt  }
0x42: {  	_ =	shalt  }
0x43: {  	_ =	shalt  }
0x44: {  	_ =	shalt  }
0x45: {  	_ =	shalt  }
0x46: {  	_ =	shalt  }
0x47: {  	_ =	shalt  }
0x48: {  	_ =	shalt  }
0x49: {  	_ =	shalt  }
0x4a: {  	_ =	shalt  }
0x4b: {  	_ =	shalt  }
0x4c: {  	_ =	shalt  }
0x4d: {  	_ =	shalt  }
0x4e: {  	_ =	shalt  }
0x4f: {  	_ =	shalt  }
0x50: {  	_ =	shalt  }
0x51: {  	_ =	shalt  }
0x52: {  	_ =	shalt  }
0x53: {  	_ =	shalt  }
0x54: {  	_ =	shalt  }
0x55: {  	_ =	shalt  }
0x56: {  	_ =	shalt  }
0x57: {  	_ =	shalt  }
0x58: {  	_ =	shalt  }
0x59: {  	_ =	shalt  }
0x5a: {  	_ =	shalt  }
0x5b: {  	_ =	shalt  }
0x5c: {  	_ =	shalt  }
0x5d: {  	_ =	shalt  }
0x5e: {  	_ =	shalt  }
0x5f: {  	_ =	shalt  }
0x60: {  	_ =	shalt  }
0x61: {  	_ =	shalt  }
0x62: {  	_ =	shalt  }
0x63: {  	_ =	shalt  }
0x64: {  	_ =	shalt  }
0x65: {  	_ =	shalt  }
0x66: {  	_ =	shalt  }
0x67: {  	_ =	shalt  }
0x68: {  	_ =	shalt  }
0x69: {  	_ =	shalt  }
0x6a: {  	_ =	shalt  }
0x6b: {  	_ =	shalt  }
0x6c: {  	_ =	shalt  }
0x6d: {  	_ =	shalt  }
0x6e: {  	_ =	shalt  }
0x6f: {  	_ =	shalt  }
0x70: {  	_ =	shalt  }
0x71: {  	_ =	shalt  }
0x72: {  	_ =	shalt  }
0x73: {  	_ =	shalt  }
0x74: {  	_ =	shalt  }
0x75: {  	_ =	shalt  }
0x76: {  	_ =	shalt  }
0x77: {  	_ =	shalt  }
0x78: {  	_ =	shalt  }
0x79: {  	_ =	shalt  }
0x7a: {  	_ =	shalt  }
0x7b: {  	_ =	shalt  }
0x7c: {  	_ =	shalt  }
0x7d: {  	_ =	shalt  }
0x7e: {  	_ =	shalt  }
0x7f: {  	_ =	shalt  }
0x80: {  	_ =	shalt  }
0x81: {  	_ =	shalt  }
0x82: {  	_ =	shalt  }
0x83: {  	_ =	shalt  }
0x84: {  	_ =	shalt  }
0x85: {  	_ =	shalt  }
0x86: {  	_ =	shalt  }
0x87: {  	_ =	shalt  }
.Lfunc_end0:
.L_simem_size_0:
called_computation.1_lowered:
.L_overlay_start_0:
0x88: {  	s2 =	sld [smem:$0x3FD9]  }
0x89: {  	s3 =	sld [smem:$0x3FFE];
	_ =	sdelay $0x1  }
0x8a: {  	s1 =	srdreg.scid  }
0x8b: {  	s0 =	sand.u32 $0x1, s1  }
0x8c: {  	s16 =	sshll.u32 s0, $0xA;
	s2 =	sadd.s32 s3, s2  }
0x8d: {  	s2 =	sadd.s32 s2, s16  }
0x8e: {  	[smem:$0x3FBA] =	sst s2  }
0x8f: {  	_ = 	snop  }
0x90: {  	(tm) =	ssettm $0x1  }
0x91: {  	s17 =	sld [smem:$0x3FFB];
	_ =	sdelay $0x3  }
0x92: {  	_ =	strace s17  }
0x93: {  	s2 =	sld [smem:$0x3FFC];
	_ =	sdelay $0x3  }
0x94: {  	_ =	strace s2  }
0x95: {  	s2 =	sld [smem:$0x3FFD];
	_ =	sdelay $0x3  }
0x96: {  	_ =	strace s2  }
0x97: {  	_ =	strace $0x8FFFFFFF  }
0x98: {  	s18 =	sld [smem:$0x3FDB];
	_ =	sdelay $0x1  }
0x99: {  	s19 =	simm.s32 $_scs_section_size  }
0x9a: {  	s4 =	simm.s32 $_size__tile_overlayer_lowered;
	s5 =	simm.s32 $_tile_overlayer_lowered  }
0x9b: {  	s22 =	simm.s32 $0x1BFF;
	s21 =	sshll.u32 s5, $0x1;
	s2 =	sadd.s32 s19, s18  }
0x9c: {  	s6 =	simm.s32 $0x0;
	s20 =	sshll.u32 s4, $0x1;
	s4 =	sadd.s32 s21, s2  }
0x9d: {  	[timem:s6], [sflag:s22] =	dma.local [hbm:s4], s20  }
0x9e: {  	_ =	swait.ge [sflag:s22], s20  }
0x9f: {  	s3 =	ssub.s32 $0x0, s20;
	[sflag:s22] =	ssyncset.done $0x0  }
0xa0: {  	[sflag:s22] =	ssyncadd.s32 s3;
	_ =	sdelay $0x1  }
0xa1: {  	s23 =	simm.s32 $0x1B8B  }
0xa2: {  	_ =	swait.ge [sflag:s23], $0x1  }
0xa3: {  	[sflag:s23] =	ssyncset.done $0x0  }
0xa4: {  	s25 =	simm.s32 $0x1B8E;
	s24 =	sld [smem:$0x3FFE];
	[sflag:s23] =	ssyncadd.s32 $0xFFFFFFFF  }
0xa5: {  	s26 =	simm.s32 $execute0_lowered;
	[smem:$0x3FD2] =	sst s25  }
0xa6: {  	s4 =	sshll.u32 s26, $0x1;
	_ =	strace $0x80000046;
	[dreg:$0x1] =	wrdreg $0xFFFFFFFF  }
0xa7: {  	s28 =	simm.s32 $_size_execute0_lowered;
	s2 =	sadd.s32 s2, s4;
	[dreg:$0x0] =	wrdreg $0x0  }
0xa8: {  	s4 =	sshll.u32 s28, $0x1;
	[dreg:$0x2] =	wrdreg s2  }
0xa9: {  	[dreg:$0x3] =	wrdreg s4  }
0xaa: {  	[dreg:$0x4] =	wrdreg $0xC0  }
0xab: {  	_ =	task [dreg:s6], $0x5FFFF  }
0xac: {  	[dreg:$0x1] =	wrdreg $0xFFFFFFFF  }
0xad: {  	[dreg:$0x0] =	wrdreg $0x60  }
0xae: {  	[dreg:$0x2] =	wrdreg s24  }
0xaf: {  	[dreg:$0x3] =	wrdreg $0xA  }
0xb0: {  	_ =	task.clear_ibuf [dreg:s6], $0x4FFFF;
	_ =	strace $0x90000046  }
0xb1: {  	s29 =	simm.s32 $0xA;
	_ =	strace $0x80000048  }
0xb2: {  	_ =	swait.ge [sflag:s29], $0x1  }
0xb3: {  	[sflag:s29] =	ssyncadd.s32 $0xFFFFFFFF  }
0xb4: {  	_ =	strace $0x90000048  }
0xb5: {  	_ =	sfence  }
0xb6: {  	s30 =	sld [smem:$0x0];
	_ =	sdelay $0x2  }
0xb7: {  	s31 =	sshll.u32 s1, $0xD;
	s1 =	sshrl.u32 s1, $0x2  }
0xb8: {  	s3 =	sand.u32 $0x4000, s31;
	s1 =	sadd.s32 s1, s30  }
0xb9: {  	s0 =	sor.u32 s3, s0;
	s1 =	sshll.u32 s1, $0x11  }
0xba: {  	s0 =	sor.u32 s1, s0  }
0xbb: {  	s0 =	sadd.s32 $0x8F2B, s0  }
0xbc: {  	[sflag:s0] =	ssyncadd.remote.s32 $0x1  }
0xbd: {  	_ =	sfence.sel $0xFFFF  }
0xbe: {  	[dreg:$0x0] =	wrdreg $0xFFFFFFFF;
	(pc) =	sbr.abs _section_cstart, $3  }
0xbf: {  	[dreg:$0x1] =	wrdreg $0xFFFFFFFF  }
0xc0: {  	_ =	task.clear_ibuf [dreg:s6], $0x2FFFF;
	_ =	strace $0x9FFFFFFF  }
0xc1: {  	(tm) =	ssettm $0x7FFFFFFF  }
tec
execute0_lowered:
.L_overlay_start_1:
0x0: {  	(tag) =	ssettag $0x1  }
0x1: {  	s6 =	rddreg [dreg:$0x0]  }
0x2: {  	s0 =	rddreg [dreg:$0x1]  }
0x3: {  	s3 =	srdreg.scid;
	s1 =	stileid.u32;
	s2 =	simm.s32 $0x0  }
0x4: {  	s16 =	simm.s32 $0x40;
	s17 =	simm.s32 $0x3C0;
	s9 =	smul.u32 $0x1400, s1  }
0x5: {  	s18 =	simm.s32 $0x13C0;
	s19 =	simm.s32 $0x1BC0;
	s10 =	smul.u32 $0xA00, s1  }
0x6: {  	s20 =	simm.s32 $0x1;
	s7 =	sand.u32 $0x1, s3;
	s28 =	smul.u32 $0x500, s1  }
0x7: {  	s21 =	simm.s32 $0x0;
	s26 =	sshll.u32 s1, $0x1;
	s13 =	smul.u32 $0x280, s7  }
0x8: {  	[smem:$0x7FF] =	sst s2;
	s4 =	sadd.s32 $0x19E800, s6;
	s14 =	smul.u32 $0x500, s7  }
0x9: {  	s5 =	sadd.s32 $0x200400, s6;
	s3 =	sor.u32 s7, s26;
	s15 =	smul.u32 $0xA00, s7  }
0xa: {  	_ =	strace $0x80000047;
	s12 =	ssub.s32 $0x2, s7;
	s8 =	smul.u32 $0x140, s3  }
0xb: {  	s3 =	sadd.s32 $0xDB200, s6;
	s11 =	sadd.s32 s9, s6;
	s29 =	sshrl.u32 s12, $0x1  }
0xc: {  	s10 =	sadd.s32 s10, s6;
	s9 =	sadd.s32 s28, s6;
	s12 =	ssub.s32 s12, s29  }
0xd: {  	s9 =	sadd.s32 s13, s9;
	s30 =	sadd.s32 s14, s10;
	s31 =	sadd.s32 s15, s11  }
0xe: {  	s13 =	simm.s32 $0x2;
	s14 =	simm.s32 $0x140;
	s15 =	simm.s32 $0x280  }
0xf: {  	s8 =	sshrl.u32 s8, $0x3;
	s9 =	sadd.s32 $0x231200, s9;
	s10 =	smax.u32 s12, $0x1  }
0x10: {  	s11 =	sadd.s32 $0x236200, s30;
	s12 =	sadd.s32 $0x240200, s31;
	s8 =	sadd.s32 s8, s6  }
0x11: {  	s6 =	sadd.s32 $0xD9800, s8;
	s7 =	sadd.s32 $0xD7E00, s8;
	s8 =	sadd.s32 $0xD6400, s8  }
.LBB2_1:
0x12: {  	[tilespmem:s2], [sflag:$0x2] =	stream.linear.gather [hbm4b:s6+s2], $0x140, $0x38;
	[tilespmem:$0x1FC0] =	vst v63  }
0x13: {  	_ =	swait.ge [sflag:s13], $0x140  }
0x14: {  	[sflag:s13] =	ssyncset.done $0x0  }
0x15: {  	[sflag:s13] =	ssyncadd.s32 $0xFFFFFEC0  }
0x16: {  	[tilespmem:s14], [sflag:$0x2] =	stream.linear.gather [hbm4b:s7+s2], $0x140, $0x38;
	[tilespmem:$0x1FC0] =	vst v63  }
0x17: {  	_ =	swait.ge [sflag:s13], $0x140  }
0x18: {  	[sflag:s13] =	ssyncset.done $0x0  }
0x19: {  	[sflag:s13] =	ssyncadd.s32 $0xFFFFFEC0  }
0x1a: {  	[tilespmem:s15], [sflag:$0x2] =	stream.linear.gather [hbm4b:s8+s2], $0x140, $0x38;
	[tilespmem:$0x1FC0] =	vst v63  }
0x1b: {  	_ =	swait.ge [sflag:s13], $0x140  }
0x1c: {  	[sflag:s13] =	ssyncset.done $0x0  }
0x1d: {  	s22 =	simm.s32 $0x0;
	[sflag:s13] =	ssyncadd.s32 $0xFFFFFEC0  }
0x1e: {  	[tilespmem:s17], [sflag:$0x1] =	stream.indirect.gather [hbm4b:s3+s16], $0x40, s22, s16, $0xb8;
	[tilespmem:$0x1FC0] =	vst v63  }
0x1f: {  	s29 =	simm.s32 $0x140  }
0x20: {  	[tilespmem:s18], [sflag:$0x1] =	stream.indirect.gather [hbm4b:s4+s16], $0x20, s29, s16, $0xb8;
	[tilespmem:$0x1FC0] =	vst v63  }
0x21: {  	s30 =	simm.s32 $0x280  }
0x22: {  	[tilespmem:s19], [sflag:$0x1] =	stream.indirect.gather [hbm4b:s5+s16], $0x10, s30, s16, $0xb8;
	[tilespmem:$0x1FC0] =	vst v63  }
0x23: {  	_ =	swait.ge [sflag:s20], $0x1000  }
0x24: {  	[sflag:s20] =	ssyncset.done $0x0  }
0x25: {  	[sflag:s20] =	ssyncadd.s32 $0xFFFFF000  }
0x26: {  	_ =	swait.ge [sflag:s20], $0x800  }
0x27: {  	[sflag:s20] =	ssyncset.done $0x0  }
0x28: {  	[sflag:s20] =	ssyncadd.s32 $0xFFFFF800  }
0x29: {  	_ =	swait.ge [sflag:s20], $0x400  }
0x2a: {  	[sflag:s20] =	ssyncset.done $0x0  }
0x2b: {  	[sflag:s20] =	ssyncadd.s32 $0xFFFFFC00  }
0x2c: {  	[hbm4b:s12+s2] =	stream.linear.scatter [tilespmem:s17], [sflag:$0x2], $0x1000, $0x38;
	[tilespmem:$0x1FC0] =	vst v63  }
0x2d: {  	_ =	swait.ge [sflag:s13], $0x1000  }
0x2e: {  	[sflag:s13] =	ssyncset.done $0x0  }
0x2f: {  	s31 =	sadd.s32 $0x0, s11;
	[sflag:s13] =	ssyncadd.s32 $0xFFFFF000  }
0x30: {  	[hbm4b:s31+s2] =	stream.linear.scatter [tilespmem:s18], [sflag:$0x2], $0x800, $0x38;
	[tilespmem:$0x1FC0] =	vst v63  }
0x31: {  	_ =	swait.ge [sflag:s13], $0x800  }
0x32: {  	[sflag:s13] =	ssyncset.done $0x0  }
0x33: {  	[sflag:s13] =	ssyncadd.s32 $0xFFFFF800  }
0x34: {  	[hbm4b:s9+s2] =	stream.linear.scatter [tilespmem:s19], [sflag:$0x2], $0x400, $0x38;
	[tilespmem:$0x1FC0] =	vst v63  }
0x35: {  	s23 =	simm.s32 $0x100;
	s25 =	simm.s32 $0x200;
	_ =	swait.ge [sflag:s13], $0x400  }
0x36: {  	s24 =	sadd.s32 $0x200, s12;
	s22 =	sadd.s32 $0x80, s9;
	[sflag:s13] =	ssyncset.done $0x0  }
.LBB2_2:
0x37: {  	s26 =	sshra.s32 s23, $0x2  }
0x38: {  	[sflag:s13] =	ssyncadd.s32 $0xFFFFFC00;
	s28 =	smov.u32 s25;
	s29 =	sadd.s32 $0x100, s25  }
0x39: {  	[tilespmem:s17], [sflag:$0x1] =	stream.indirect.gather [hbm4b:s3+s16], $0x40, s26, s16, $0xb8;
	[tilespmem:$0x1FC0] =	vst v63  }
0x3a: {  	p0 =	sne.s32 s25, $0x400;
	s25 =	sadd.s32 $0x140, s26  }
0x3b: {  	[tilespmem:s18], [sflag:$0x1] =	stream.indirect.gather [hbm4b:s4+s16], $0x20, s25, s16, $0xb8;
	[tilespmem:$0x1FC0] =	vst v63  }
0x3c: {  	s25 =	sadd.s32 $0x280, s26  }
0x3d: {  	[tilespmem:s19], [sflag:$0x1] =	stream.indirect.gather [hbm4b:s5+s16], $0x10, s25, s16, $0xb8;
	[tilespmem:$0x1FC0] =	vst v63  }
0x3e: {  	_ =	swait.ge [sflag:s20], $0x1000  }
0x3f: {  	[sflag:s20] =	ssyncset.done $0x0  }
0x40: {  	[sflag:s20] =	ssyncadd.s32 $0xFFFFF000  }
0x41: {  	_ =	swait.ge [sflag:s20], $0x800  }
0x42: {  	[sflag:s20] =	ssyncset.done $0x0  }
0x43: {  	[sflag:s20] =	ssyncadd.s32 $0xFFFFF800  }
0x44: {  	_ =	swait.ge [sflag:s20], $0x400  }
0x45: {  	[sflag:s20] =	ssyncset.done $0x0  }
0x46: {  	[sflag:s20] =	ssyncadd.s32 $0xFFFFFC00  }
0x47: {  	[hbm4b:s24+s2] =	stream.linear.scatter [tilespmem:s17], [sflag:$0x2], $0x1000, $0x38;
	[tilespmem:$0x1FC0] =	vst v63  }
0x48: {  	_ =	swait.ge [sflag:s13], $0x1000  }
0x49: {  	[sflag:s13] =	ssyncset.done $0x0  }
0x4a: {  	s25 =	sadd.s32 s23, s11;
	s23 =	smov.u32 s28;
	[sflag:s13] =	ssyncadd.s32 $0xFFFFF000  }
0x4b: {  	[hbm4b:s25+s2] =	stream.linear.scatter [tilespmem:s18], [sflag:$0x2], $0x800, $0x38;
	[tilespmem:$0x1FC0] =	vst v63  }
0x4c: {  	_ =	swait.ge [sflag:s13], $0x800  }
.Ltmp0:
0x4d: {  	[sflag:s13] =	ssyncset.done $0x0;
	(pc) =	sbr.rel @p0 .LBB2_2-.Ltmp0, $4  }
0x4e: {  	[sflag:s13] =	ssyncadd.s32 $0xFFFFF800  }
0x4f: {  	[hbm4b:s22+s2] =	stream.linear.scatter [tilespmem:s19], [sflag:$0x2], $0x400, $0x38;
	[tilespmem:$0x1FC0] =	vst v63  }
0x50: {  	s24 =	sadd.s32 $0x200, s24;
	_ =	swait.ge [sflag:s13], $0x400  }
0x51: {  	s25 =	smov.u32 s29;
	s22 =	sadd.s32 $0x80, s22;
	[sflag:s13] =	ssyncset.done $0x0  }
0x52: {  	s25 =	sshra.s32 s23, $0x2;
	[sflag:s13] =	ssyncadd.s32 $0xFFFFFC00  }
0x53: {  	[tilespmem:s17], [sflag:$0x1] =	stream.indirect.gather [hbm4b:s3+s16], $0x40, s25, s16, $0xb8;
	[tilespmem:$0x1FC0] =	vst v63  }
0x54: {  	s26 =	sadd.s32 $0x140, s25  }
0x55: {  	[tilespmem:s18], [sflag:$0x1] =	stream.indirect.gather [hbm4b:s4+s16], $0x20, s26, s16, $0xb8;
	[tilespmem:$0x1FC0] =	vst v63  }
0x56: {  	s25 =	sadd.s32 $0x280, s25  }
0x57: {  	[tilespmem:s19], [sflag:$0x1] =	stream.indirect.gather [hbm4b:s5+s16], $0x10, s25, s16, $0xb8;
	[tilespmem:$0x1FC0] =	vst v63  }
0x58: {  	_ =	swait.ge [sflag:s20], $0x1000  }
0x59: {  	[sflag:s20] =	ssyncset.done $0x0  }
0x5a: {  	[sflag:s20] =	ssyncadd.s32 $0xFFFFF000  }
0x5b: {  	_ =	swait.ge [sflag:s20], $0x800  }
0x5c: {  	[sflag:s20] =	ssyncset.done $0x0  }
0x5d: {  	[sflag:s20] =	ssyncadd.s32 $0xFFFFF800  }
0x5e: {  	_ =	swait.ge [sflag:s20], $0x400  }
0x5f: {  	[sflag:s20] =	ssyncset.done $0x0  }
0x60: {  	[sflag:s20] =	ssyncadd.s32 $0xFFFFFC00  }
0x61: {  	[hbm4b:s24+s2] =	stream.linear.scatter [tilespmem:s17], [sflag:$0x2], $0x1000, $0x38;
	[tilespmem:$0x1FC0] =	vst v63  }
0x62: {  	_ =	swait.ge [sflag:s13], $0x1000  }
0x63: {  	[sflag:s13] =	ssyncset.done $0x0  }
0x64: {  	s31 =	sadd.s32 s23, s11;
	[sflag:s13] =	ssyncadd.s32 $0xFFFFF000  }
0x65: {  	[hbm4b:s31+s2] =	stream.linear.scatter [tilespmem:s18], [sflag:$0x2], $0x800, $0x38;
	[tilespmem:$0x1FC0] =	vst v63  }
0x66: {  	s21 =	sadd.s32 $0x1, s21;
	_ =	swait.ge [sflag:s13], $0x800  }
0x67: {  	p0 =	sne.s32 s21, s10;
	[sflag:s13] =	ssyncset.done $0x0  }
.Ltmp1:
0x68: {  	[sflag:s13] =	ssyncadd.s32 $0xFFFFF800;
	(pc) =	sbr.rel @p0 .LBB2_1-.Ltmp1, $4  }
0x69: {  	[hbm4b:s22+s2] =	stream.linear.scatter [tilespmem:s19], [sflag:$0x2], $0x400, $0x38;
	[tilespmem:$0x1FC0] =	vst v63  }
0x6a: {  	_ =	swait.ge [sflag:s13], $0x400  }
0x6b: {  	[sflag:s13] =	ssyncset.done $0x0  }
0x6c: {  	[sflag:s13] =	ssyncadd.s32 $0xFFFFFC00  }
0x6d: {  	_ =	sfence.sel $0x180000  }
0x6e: {  	[bflag:$0x0] =	sbarrier.arrive $0xFFFF  }
0x6f: {  	p0 =	sne.s32 s1, $0x0;
	_ =	strace $0x90000047  }
0x70: {  	s0 =	sadd.s32 @!p0 $0x100000, s0;
	[bflag:$0x2] =	sbarrier.arrive $0xFFFF  }
0x71: {  	[sflag:s0] =	ssyncadd.tile.s32 @!p0 $0x1;
	_ =	shalt  }
.Lfunc_end2:
_tile_overlayer_lowered:
.L_overlay_start_2:
0x72: {  	(tag) =	ssettag $0x2  }
0x73: {  	s0 =	rddreg [dreg:$0x0];
	s2 =	stileid.u32  }
0x74: {  	s1 =	rddreg [dreg:$0x1];
	p0 =	sne.s32 s2, $0x0  }
0x75: {  	s3 =	rddreg [dreg:$0x2];
	[bflag:$0x3] =	sbarrier.arrive $0xFFFF;
	s2 =	simm.s32 @!p0 $0x1C02  }
0x76: {  	[timem:s3], [sflag:s2] =	dma.local @!p0 [hbm:s0], s1  }
0x77: {  	s0 =	simm.s32 @!p0 $0x2  }
0x78: {  	_ =	swait.ge @!p0 [sflag:s0], s1  }
0x79: {  	s1 =	ssub.s32 @!p0 $0x0, s1;
	[sflag:s0] =	ssyncset.done @!p0 $0x0  }
0x7a: {  	[sflag:s0] =	ssyncadd.s32 @!p0 s1  }
0x7b: {  	[bflag:$0x3] =	sbarrier.arrive $0xFFFF  }
0x7c: {  	_ =	shalt  }

// kernel: kernel.23.cloned.1.call-start
scs
__scs_entry_jumppad:
0x0: {  	(pc) =	sbr.rel $0x88, $3  }
0x1: {  	(tag) =	ssettag $0x0;
	lr =	simm.s32 $0x1  }
0x2: {  	[smem:$0x3F93] =	sst lr;
	_ =	strace $0xD0000000  }
0x3: {  	_ = 	snop  }
0x4: {  	_ = 	snop  }
0x5: {  	_ = 	snop  }
0x6: {  	_ = 	snop  }
0x7: {  	_ = 	snop  }
__scs_overlays_trampoline_lowered:
0x8: {  	[smem:$0x3FA2] =	sst s0  }
0x9: {  	[smem:$0x3FA3] =	sst s1  }
0xa: {  	[smem:$0x3FA4] =	sst s2  }
0xb: {  	[smem:$0x3FA5] =	sst s3  }
0xc: {  	[smem:$0x3FA6] =	sst s4  }
0xd: {  	[smem:$0x3FA7] =	sst s5  }
0xe: {  	[smem:$0x3FA8] =	sst s6  }
0xf: {  	[smem:$0x3FA9] =	sst s7  }
0x10: {  	[smem:$0x3FAA] =	sst s8  }
0x11: {  	[smem:$0x3FAB] =	sst s9;
	s0 =	simm.s32 @!p0 $0x0  }
0x12: {  	s1 =	sld [smem:$0x3F91];
	s0 =	simm.s32 @p0 $0x1  }
0x13: {  	[smem:$0x3FAC] =	sst s0;
	s0 =	simm.s32 @!p1 $0x0  }
0x14: {  	s2 =	sld [smem:$0x3F90];
	s0 =	simm.s32 @p1 $0x1  }
0x15: {  	[smem:$0x3FAD] =	sst s0;
	s0 =	simm.s32 @!p2 $0x0  }
0x16: {  	s3 =	sld [smem:$0x3FDB];
	s0 =	simm.s32 @p2 $0x1  }
0x17: {  	s4 =	simm.s32 $0x1BF5;
	[smem:$0x3FAF] =	sst s0  }
0x18: {  	s0 =	sld [smem:$0x3F92];
	_ =	swait.ge [sflag:s4], $0x0  }
0x19: {  	s7 =	sld [smem:$0x3F93]  }
0x1a: {  	s8 =	sadd.s32 $0xFFFFE003, lr  }
0x1b: {  	s9 =	sadd.s32 $0xFFFFFEF7, lr;
	s5 =	simm.s32 $0xFFFFFFFF;
	p2 =	slt.u32 s8, $0xFFFFF086  }
0x1c: {  	p1 =	slt.u32 s9, $0xF7A;
	s5 =	simm.s32 @!p2 $0x0  }
0x1d: {  	s5 =	simm.s32 @p1 $0x1;
	p0 =	seq.s32 s7, s2  }
0x1e: {  	s7 =	smul.u32 @!p0 $0xF7A, s2;
	p2 =	seq.s32 @!p0 s5, $0x0  }
0x1f: {  	s9 =	smul.u32 $0xF7A, s1;
	s8 =	simm.s32 @!p0 $0x1BF5;
	p2 =	por !p2, p0  }
0x20: {  	[sflag:s8] =	ssyncset.s32 @!p0 $0xFFFFF086;
	s6 =	sadd.s32 @!p0 s3, s7;
	s7 =	simm.s32 @!p0 $0x108  }
0x21: {  	s3 =	sadd.s32 s3, s9;
	s6 =	sadd.s32 @!p0 $0x88, s6;
	s7 =	simm.s32 @p2 $0x1082  }
0x22: {  	[simem:s7], [sflag:s8] =	dma.local @!p0 [hbm:s6], $0xF7A  }
0x23: {  	s9 =	sor.u32 $0xD0000000, s2;
	s6 =	simm.s32 $0x108;
	_ =	swait.ge @!p0 [sflag:s8], $0x0  }
0x24: {  	s3 =	sadd.s32 $0x88, s3;
	s6 =	simm.s32 @!p1 $0x1082;
	[sflag:s4] =	ssyncset.s32 $0xFFFFF086  }
0x25: {  	[simem:s6], [sflag:s4] =	dma.local [hbm:s3], $0xF7A  }
0x26: {  	[smem:$0x3F93] =	sst s1;
	(tag) =	ssettag s2;
	_ =	strace s9  }
0x27: {  	s1 =	sld [smem:$0x3FA3]  }
0x28: {  	s2 =	sld [smem:$0x3FA4]  }
0x29: {  	s4 =	sld [smem:$0x3FA6]  }
0x2a: {  	p0 =	seq.s32 s5, $0x0;
	s5 =	sld [smem:$0x3FA7]  }
0x2b: {  	s6 =	sld [smem:$0x3FA8]  }
0x2c: {  	s7 =	sld [smem:$0x3FA9]  }
0x2d: {  	s3 =	simm.s32 $0x108;
	s8 =	sld [smem:$0x3FAA]  }
0x2e: {  	s3 =	simm.s32 @!p0 $0x1082;
	s9 =	sld [smem:$0x3FAB]  }
0x2f: {  	lr =	sadd.s32 s0, s3;
	s0 =	sld [smem:$0x3FA2]  }
0x30: {  	s3 =	sld [smem:$0x3FA5]  }
0x31: {  	[smem:$0x3FAE] =	sst s10  }
0x32: {  	s10 =	sld [smem:$0x3FAC];
	_ =	sdelay $0x3  }
0x33: {  	p0 =	seq.s32 s10, $0x1;
	s10 =	sld [smem:$0x3FAE];
	_ =	sdelay $0x3  }
0x34: {  	[smem:$0x3FAE] =	sst s10  }
0x35: {  	s10 =	sld [smem:$0x3FAD];
	_ =	sdelay $0x3  }
0x36: {  	p1 =	seq.s32 s10, $0x1;
	s10 =	sld [smem:$0x3FAE];
	_ =	sdelay $0x3  }
0x37: {  	[smem:$0x3FAE] =	sst s10  }
0x38: {  	s10 =	sld [smem:$0x3FAF]  }
0x39: {  	_ = 	snop;
	(pc) =	sbr.ind lr, $3  }
0x3a: {  	_ = 	snop  }
0x3b: {  	_ = 	snop  }
0x3c: {  	p2 =	seq.s32 s10, $0x1;
	s10 =	sld [smem:$0x3FAE]  }
0x3d: {  	_ =	shalt  }
0x3e: {  	_ =	shalt  }
0x3f: {  	_ =	shalt  }
0x40: {  	_ =	shalt  }
0x41: {  	_ =	shalt  }
0x42: {  	_ =	shalt  }
0x43: {  	_ =	shalt  }
0x44: {  	_ =	shalt  }
0x45: {  	_ =	shalt  }
0x46: {  	_ =	shalt  }
0x47: {  	_ =	shalt  }
0x48: {  	_ =	shalt  }
0x49: {  	_ =	shalt  }
0x4a: {  	_ =	shalt  }
0x4b: {  	_ =	shalt  }
0x4c: {  	_ =	shalt  }
0x4d: {  	_ =	shalt  }
0x4e: {  	_ =	shalt  }
0x4f: {  	_ =	shalt  }
0x50: {  	_ =	shalt  }
0x51: {  	_ =	shalt  }
0x52: {  	_ =	shalt  }
0x53: {  	_ =	shalt  }
0x54: {  	_ =	shalt  }
0x55: {  	_ =	shalt  }
0x56: {  	_ =	shalt  }
0x57: {  	_ =	shalt  }
0x58: {  	_ =	shalt  }
0x59: {  	_ =	shalt  }
0x5a: {  	_ =	shalt  }
0x5b: {  	_ =	shalt  }
0x5c: {  	_ =	shalt  }
0x5d: {  	_ =	shalt  }
0x5e: {  	_ =	shalt  }
0x5f: {  	_ =	shalt  }
0x60: {  	_ =	shalt  }
0x61: {  	_ =	shalt  }
0x62: {  	_ =	shalt  }
0x63: {  	_ =	shalt  }
0x64: {  	_ =	shalt  }
0x65: {  	_ =	shalt  }
0x66: {  	_ =	shalt  }
0x67: {  	_ =	shalt  }
0x68: {  	_ =	shalt  }
0x69: {  	_ =	shalt  }
0x6a: {  	_ =	shalt  }
0x6b: {  	_ =	shalt  }
0x6c: {  	_ =	shalt  }
0x6d: {  	_ =	shalt  }
0x6e: {  	_ =	shalt  }
0x6f: {  	_ =	shalt  }
0x70: {  	_ =	shalt  }
0x71: {  	_ =	shalt  }
0x72: {  	_ =	shalt  }
0x73: {  	_ =	shalt  }
0x74: {  	_ =	shalt  }
0x75: {  	_ =	shalt  }
0x76: {  	_ =	shalt  }
0x77: {  	_ =	shalt  }
0x78: {  	_ =	shalt  }
0x79: {  	_ =	shalt  }
0x7a: {  	_ =	shalt  }
0x7b: {  	_ =	shalt  }
0x7c: {  	_ =	shalt  }
0x7d: {  	_ =	shalt  }
0x7e: {  	_ =	shalt  }
0x7f: {  	_ =	shalt  }
0x80: {  	_ =	shalt  }
0x81: {  	_ =	shalt  }
0x82: {  	_ =	shalt  }
0x83: {  	_ =	shalt  }
0x84: {  	_ =	shalt  }
0x85: {  	_ =	shalt  }
0x86: {  	_ =	shalt  }
0x87: {  	_ =	shalt  }
.Lfunc_end0:
.L_simem_size_0:
called_computation.2_lowered:
.L_overlay_start_0:
0x88: {  	s2 =	sld [smem:$0x3FD9]  }
0x89: {  	s3 =	sld [smem:$0x3FFE];
	_ =	sdelay $0x1  }
0x8a: {  	s1 =	srdreg.scid  }
0x8b: {  	s0 =	sand.u32 $0x1, s1  }
0x8c: {  	s17 =	sshll.u32 s0, $0xA;
	s2 =	sadd.s32 s3, s2  }
0x8d: {  	s2 =	sadd.s32 s2, s17  }
0x8e: {  	[smem:$0x3FBA] =	sst s2  }
0x8f: {  	_ = 	snop  }
0x90: {  	s18 =	sld [smem:$0x3FC8]  }
0x91: {  	s4 =	sld [smem:$0x3FC0];
	(tm) =	ssettm $0x1  }
0x92: {  	s19 =	sld [smem:$0x3FFB];
	_ =	sdelay $0x3  }
0x93: {  	_ =	strace s19  }
0x94: {  	s2 =	sld [smem:$0x3FFC];
	_ =	sdelay $0x3  }
0x95: {  	_ =	strace s2  }
0x96: {  	s2 =	sld [smem:$0x3FFD];
	_ =	sdelay $0x3  }
0x97: {  	_ =	strace s2  }
0x98: {  	_ =	strace $0x8FFFFFFF  }
0x99: {  	s20 =	sld [smem:$0x3FDB];
	_ =	sdelay $0x1  }
0x9a: {  	s5 =	simm.s32 $_scs_section_size  }
0x9b: {  	s6 =	simm.s32 $_size__tile_overlayer_lowered;
	s7 =	simm.s32 $_tile_overlayer_lowered  }
0x9c: {  	s8 =	simm.s32 $0x1BFF;
	s21 =	sshll.u32 s7, $0x1;
	s5 =	sadd.s32 s5, s20  }
0x9d: {  	s22 =	simm.s32 $0x0;
	s6 =	sshll.u32 s6, $0x1;
	s7 =	sadd.s32 s21, s5  }
0x9e: {  	[timem:s22], [sflag:s8] =	dma.local [hbm:s7], s6  }
0x9f: {  	_ =	swait.ge [sflag:s8], s6  }
0xa0: {  	s6 =	ssub.s32 $0x0, s6;
	[sflag:s8] =	ssyncset.done $0x0  }
0xa1: {  	[sflag:s8] =	ssyncadd.s32 s6;
	_ =	sdelay $0x1  }
0xa2: {  	s23 =	simm.s32 $0x1B8B  }
0xa3: {  	_ =	swait.ge [sflag:s23], $0x1  }
0xa4: {  	[sflag:s23] =	ssyncset.done $0x0  }
0xa5: {  	[sflag:s23] =	ssyncadd.s32 $0xFFFFFFFF  }
0xa6: {  	s6 =	sld [smem:$0x0]  }
0xa7: {  	s7 =	sand.u32 $0xFFFFFFFE, s1  }
0xa8: {  	p0 =	sne.s32 s1, s7  }
0xa9: {  	s7 =	sshll.u32 @p0 s7, $0xE  }
0xaa: {  	s7 =	sadd.s32 @p0 $0x11B8D, s7;
	s8 =	sshll.u32 @p0 s6, $0x11  }
0xab: {  	s7 =	sor.u32 @p0 s8, s7  }
0xac: {  	[sflag:s7] =	ssyncadd.remote.s32 @p0 $0x1;
	_ =	sdelay $0x1  }
0xad: {  	s7 =	simm.s32 @p0 $0x1B8D  }
0xae: {  	_ =	swait.eq @p0 [sflag:s7], $0x1  }
0xaf: {  	[sflag:s7] =	ssyncadd.s32 @p0 $0xFFFFFFFF  }
0xb0: {  	s8 =	sshll.u32 @!p0 s1, $0xE  }
0xb1: {  	s8 =	sor.u32 @!p0 $0x4000, s8;
	s7 =	simm.s32 @!p0 $0x1B8D  }
0xb2: {  	s6 =	sshll.u32 @!p0 s6, $0x11;
	s8 =	sadd.s32 @!p0 $0x11B8D, s8;
	_ =	swait.eq @!p0 [sflag:s7], $0x1  }
0xb3: {  	s6 =	sor.u32 @!p0 s6, s8;
	[sflag:s7] =	ssyncadd.s32 @!p0 $0xFFFFFFFF  }
0xb4: {  	s25 =	simm.s32 $0x1B8E;
	s24 =	sld [smem:$0x3FFE];
	[sflag:s6] =	ssyncadd.remote.s32 @!p0 $0x1  }
0xb5: {  	s26 =	simm.s32 $execute0_lowered;
	[smem:$0x3FD2] =	sst s25  }
0xb6: {  	s7 =	sshll.u32 s26, $0x1;
	_ =	strace $0x80000058;
	[dreg:$0x1] =	wrdreg $0xFFFFFFFF  }
0xb7: {  	s28 =	simm.s32 $_size_execute0_lowered;
	s5 =	sadd.s32 s5, s7;
	[dreg:$0x0] =	wrdreg $0x0  }
0xb8: {  	s7 =	sshll.u32 s28, $0x1;
	[dreg:$0x2] =	wrdreg s5  }
0xb9: {  	[dreg:$0x3] =	wrdreg s7  }
0xba: {  	[dreg:$0x4] =	wrdreg $0xC0  }
0xbb: {  	_ =	task [dreg:s22], $0x5FFFF  }
0xbc: {  	[dreg:$0x1] =	wrdreg $0xFFFFFFFF  }
0xbd: {  	[dreg:$0x0] =	wrdreg $0x60  }
0xbe: {  	[dreg:$0x2] =	wrdreg s18  }
0xbf: {  	[dreg:$0x3] =	wrdreg s4  }
0xc0: {  	[dreg:$0x4] =	wrdreg s24  }
0xc1: {  	[dreg:$0x5] =	wrdreg $0xB  }
0xc2: {  	_ =	task.clear_ibuf [dreg:s22], $0x6FFFF;
	_ =	strace $0x90000058  }
0xc3: {  	s29 =	simm.s32 $0xB;
	_ =	strace $0x8000005A  }
0xc4: {  	_ =	swait.ge [sflag:s29], $0x1  }
0xc5: {  	[sflag:s29] =	ssyncadd.s32 $0xFFFFFFFF  }
0xc6: {  	_ =	strace $0x9000005A  }
0xc7: {  	_ =	sfence  }
0xc8: {  	s30 =	sld [smem:$0x0];
	_ =	sdelay $0x2  }
0xc9: {  	s31 =	sshll.u32 s1, $0xD;
	s1 =	sshrl.u32 s1, $0x2  }
0xca: {  	s4 =	sand.u32 $0x4000, s31;
	s1 =	sadd.s32 s1, s30  }
0xcb: {  	s0 =	sor.u32 s4, s0;
	s1 =	sshll.u32 s1, $0x11  }
0xcc: {  	s0 =	sor.u32 s1, s0  }
0xcd: {  	s0 =	sadd.s32 $0x8F2B, s0  }
0xce: {  	[sflag:s0] =	ssyncadd.remote.s32 $0x1  }
0xcf: {  	_ =	sfence.sel $0xFFFF  }
0xd0: {  	[dreg:$0x0] =	wrdreg $0xFFFFFFFF;
	(pc) =	sbr.abs _section_cstart, $3  }
0xd1: {  	[dreg:$0x1] =	wrdreg $0xFFFFFFFF  }
0xd2: {  	_ =	task.clear_ibuf [dreg:s22], $0x2FFFF;
	_ =	strace $0x9FFFFFFF  }
0xd3: {  	(tm) =	ssettm $0x7FFFFFFF  }
tec
execute0_lowered:
.L_overlay_start_1:
0x0: {  	(tag) =	ssettag $0x1  }
0x1: {  	s0 =	rddreg [dreg:$0x0]  }
0x2: {  	s7 =	stileid.u32;
	s2 =	rddreg [dreg:$0x1]  }
0x3: {  	s13 =	srdreg.scid;
	s4 =	rddreg [dreg:$0x2]  }
0x4: {  	s3 =	simm.s32 $0x0;
	s19 =	simm.s32 $0x40;
	s20 =	simm.s32 $0x2B00  }
0x5: {  	s21 =	simm.s32 $0x3300;
	s22 =	simm.s32 $0x3B00;
	s23 =	simm.s32 $0x4300  }
0x6: {  	s24 =	simm.s32 $0x4B00;
	s11 =	simm.s32 $0x2;
	[dreg:$0x4] =	wrdreg s0  }
0x7: {  	s25 =	simm.s32 $0x5300;
	s26 =	simm.s32 $0x5B00;
	[smem:$0x7FF] =	sst s3  }
0x8: {  	s28 =	simm.s32 $0xC300;
	_ =	strace $0x80000059;
	[dreg:$0x5] =	wrdreg s19  }
0x9: {  	s29 =	simm.s32 $0xCB00;
	s30 =	simm.s32 $0xD300;
	[dreg:$0x6] =	wrdreg s20  }
0xa: {  	s31 =	simm.s32 $0xDB00;
	s0 =	sand.u32 $0x1, s13;
	[dreg:$0x7] =	wrdreg s21  }
0xb: {  	s1 =	smul.u32 $0x280, s7;
	s6 =	sshll.u32 s7, $0x1;
	[dreg:$0x8] =	wrdreg s22  }
0xc: {  	s7 =	smul.u32 $0x2800, s7;
	s13 =	simm.s32 $0x300;
	[dreg:$0x9] =	wrdreg s23  }
0xd: {  	s5 =	smul.u32 $0x140, s0;
	s14 =	sor.u32 s0, s6;
	[dreg:$0xa] =	wrdreg s24  }
0xe: {  	s15 =	ssub.s32 $0x2, s0;
	s6 =	sadd.s32 $0x100, s2;
	[dreg:$0xb] =	wrdreg s25  }
0xf: {  	s0 =	smul.u32 $0x1400, s0;
	[dreg:$0xc] =	wrdreg s26;
	s19 =	simm.s32 $0x8300  }
0x10: {  	s20 =	simm.s32 $0x8B00;
	s21 =	simm.s32 $0x9300;
	s22 =	simm.s32 $0x9B00  }
0x11: {  	s23 =	simm.s32 $0xA300;
	s24 =	simm.s32 $0xAB00;
	s25 =	simm.s32 $0xB300  }
0x12: {  	s26 =	simm.s32 $0xBB00;
	s9 =	sadd.s32 s7, s4;
	s16 =	sshrl.u32 s15, $0x1  }
0x13: {  	s7 =	sadd.s32 $0x200, s2;
	s1 =	sadd.s32 s5, s1;
	s5 =	smul.u32 $0x140, s14  }
0x14: {  	s17 =	ssub.s32 s15, s16;
	s0 =	sadd.s32 s0, s9;
	s1 =	sshrl.u32 s1, $0x3  }
0x15: {  	s14 =	simm.s32 $0x2300;
	s0 =	sadd.s32 $0x3D0200, s0;
	s1 =	smul.u32 $0x300, s1  }
0x16: {  	s15 =	simm.s32 $0x6300;
	s5 =	sshrl.u32 s5, $0x3;
	[dreg:$0x10] =	wrdreg s0  }
0x17: {  	s1 =	sadd.s32 s1, s4;
	s4 =	sadd.s32 s4, s5;
	s5 =	smax.u32 s17, $0x1  }
0x18: {  	s16 =	simm.s32 $0x6B00;
	s18 =	sadd.s32 $0xD3100, s4;
	[dreg:$0xf] =	wrdreg s5  }
0x19: {  	v2 =	vlaneseq.u32;
	s0 =	simm.s32 $0x0;
	s4 =	sadd.s32 $0xD4B00, s4;
	[dreg:$0xd] =	wrdreg s18  }
0x1a: {  	vm0 =	vmmov $0xffff;
	v1 =	vshrl.u32 v2, $0x3;
	s17 =	simm.s32 $0x7300;
	s1 =	sadd.s32 $0x3F8200, s1;
	[dreg:$0xe] =	wrdreg s4  }
0x1b: {  	v0 =	vand.u32 $0x7, v2;
	v2 =	vor.u32 $0x8, v2;
	v1 =	vmul.u32 $0x8, v1;
	[dreg:$0x11] =	wrdreg s1;
	s18 =	simm.s32 $0x7B00;
	s1 =	simm.s32 $0x1  }
.LBB2_1:
0x1c: {  	s4 =	rddreg [dreg:$0xd]  }
0x1d: {  	[tilespmem:s3], [sflag:$0x2] =	stream.linear.gather [hbm4b:s4+s3], $0x140, $0x38;
	[tilespmem:$0xE300] =	vst v63  }
0x1e: {  	_ =	swait.ge [sflag:s11], $0x140  }
0x1f: {  	[sflag:s11] =	ssyncset.done $0x0  }
0x20: {  	s5 =	simm.s32 $0x180;
	s12 =	rddreg [dreg:$0xe];
	[sflag:s11] =	ssyncadd.s32 $0xFFFFFEC0  }
0x21: {  	[tilespmem:s5], [sflag:$0x2] =	stream.linear.gather [hbm4b:s12+s3], $0x140, $0x38;
	[tilespmem:$0xE300] =	vst v63  }
0x22: {  	_ =	swait.ge [sflag:s11], $0x140  }
0x23: {  	[sflag:s11] =	ssyncset.done $0x0;
	s10 =	rddreg [dreg:$0x11]  }
0x24: {  	s5 =	simm.s32 $0x0;
	s9 =	rddreg [dreg:$0x10];
	[sflag:s11] =	ssyncadd.s32 $0xFFFFFEC0  }
.LBB2_2:
0x25: {  	s8 =	rddreg [dreg:$0x4]  }
0x26: {  	s4 =	rddreg [dreg:$0x5];
	s12 =	sshra.s32 s5, $0x2  }
0x27: {  	[tilespmem:s13], [sflag:$0x1] =	stream.indirect.gather [hbm4b:s8+s4], $0x80, s12, s4, $0xb8;
	[tilespmem:$0xE300] =	vst v63  }
0x28: {  	v3 =	vld [tilespmem:s12+$0x180];
	_ =	sdelay $0x4  }
0x29: {  	v4 =	vshrl.u32 v3, $0x3  }
0x2a: {  	v4 =	vmul.u32 $0x30, v4  }
0x2b: {  	v3 =	vand.u32 $0x7, v3  }
0x2c: {  	v3 =	vor.u32 v3, v4  }
0x2d: {  	v4 =	vperm.xlane v3, v0;
	_ =	sdelay $0x1  }
0x2e: {  	v4 =	vadd.s32 v1, v4;
	_ =	sdelay $0x3  }
0x2f: {  	v3 =	vperm.xlane v3, v2  }
0x30: {  	[tilespmem:s14], [sflag:$0x1] =	stream.indirect_vreg.gather [hbm4b:s2+s3], $0x80, v4, vm0, $0xb8;
	[tilespmem:$0xE300] =	vst v63  }
0x31: {  	s4 =	rddreg [dreg:$0x6];
	v3 =	vadd.s32 v1, v3  }
0x32: {  	[tilespmem:s4], [sflag:$0x1] =	stream.indirect_vreg.gather [hbm4b:s6+s3], $0x80, v4, vm0, $0xb8;
	[tilespmem:$0xE300] =	vst v63  }
0x33: {  	s8 =	rddreg [dreg:$0x7]  }
0x34: {  	[tilespmem:s8], [sflag:$0x1] =	stream.indirect_vreg.gather [hbm4b:s7+s3], $0x80, v4, vm0, $0xb8;
	[tilespmem:$0xE300] =	vst v63  }
0x35: {  	s4 =	rddreg [dreg:$0x8]  }
0x36: {  	[tilespmem:s4], [sflag:$0x1] =	stream.indirect_vreg.gather [hbm4b:s2+s3], $0x80, v3, vm0, $0xb8;
	[tilespmem:$0xE300] =	vst v63  }
0x37: {  	s8 =	rddreg [dreg:$0x9]  }
0x38: {  	[tilespmem:s8], [sflag:$0x1] =	stream.indirect_vreg.gather [hbm4b:s6+s3], $0x80, v3, vm0, $0xb8;
	[tilespmem:$0xE300] =	vst v63  }
0x39: {  	s4 =	rddreg [dreg:$0xa]  }
0x3a: {  	[tilespmem:s4], [sflag:$0x1] =	stream.indirect_vreg.gather [hbm4b:s7+s3], $0x80, v3, vm0, $0xb8;
	[tilespmem:$0xE300] =	vst v63  }
0x3b: {  	v3 =	vld [tilespmem:s12+$0x190];
	_ =	sdelay $0x4  }
0x3c: {  	v61 =	vshrl.u32 v3, $0x3  }
0x3d: {  	v4 =	vmul.u32 $0x30, v61  }
0x3e: {  	v3 =	vand.u32 $0x7, v3  }
0x3f: {  	v3 =	vor.u32 v3, v4  }
0x40: {  	v4 =	vperm.xlane v3, v0;
	_ =	sdelay $0x1  }
0x41: {  	v4 =	vadd.s32 v1, v4;
	_ =	sdelay $0x3  }
0x42: {  	s4 =	rddreg [dreg:$0xb];
	v3 =	vperm.xlane v3, v2  }
0x43: {  	[tilespmem:s4], [sflag:$0x1] =	stream.indirect_vreg.gather [hbm4b:s2+s3], $0x80, v4, vm0, $0xb8;
	[tilespmem:$0xE300] =	vst v63  }
0x44: {  	s8 =	rddreg [dreg:$0xc];
	v3 =	vadd.s32 v1, v3  }
0x45: {  	[tilespmem:s8], [sflag:$0x1] =	stream.indirect_vreg.gather [hbm4b:s6+s3], $0x80, v4, vm0, $0xb8;
	[tilespmem:$0xE300] =	vst v63  }
0x46: {  	_ = 	snop  }
0x47: {  	[tilespmem:s15], [sflag:$0x1] =	stream.indirect_vreg.gather [hbm4b:s7+s3], $0x80, v4, vm0, $0xb8;
	[tilespmem:$0xE300] =	vst v63  }
0x48: {  	_ = 	snop  }
0x49: {  	[tilespmem:s16], [sflag:$0x1] =	stream.indirect_vreg.gather [hbm4b:s2+s3], $0x80, v3, vm0, $0xb8;
	[tilespmem:$0xE300] =	vst v63  }
0x4a: {  	_ = 	snop  }
0x4b: {  	[tilespmem:s17], [sflag:$0x1] =	stream.indirect_vreg.gather [hbm4b:s6+s3], $0x80, v3, vm0, $0xb8;
	[tilespmem:$0xE300] =	vst v63  }
0x4c: {  	_ = 	snop  }
0x4d: {  	[tilespmem:s18], [sflag:$0x1] =	stream.indirect_vreg.gather [hbm4b:s7+s3], $0x80, v3, vm0, $0xb8;
	[tilespmem:$0xE300] =	vst v63  }
0x4e: {  	v3 =	vld [tilespmem:s12+$0x1A0];
	_ =	sdelay $0x4  }
0x4f: {  	v62 =	vshrl.u32 v3, $0x3  }
0x50: {  	v4 =	vmul.u32 $0x30, v62  }
0x51: {  	v3 =	vand.u32 $0x7, v3  }
0x52: {  	v3 =	vor.u32 v3, v4  }
0x53: {  	v4 =	vperm.xlane v3, v0;
	_ =	sdelay $0x1  }
0x54: {  	v4 =	vadd.s32 v1, v4;
	_ =	sdelay $0x3  }
0x55: {  	v3 =	vperm.xlane v3, v2  }
0x56: {  	[tilespmem:s19], [sflag:$0x1] =	stream.indirect_vreg.gather [hbm4b:s2+s3], $0x80, v4, vm0, $0xb8;
	[tilespmem:$0xE300] =	vst v63  }
0x57: {  	v3 =	vadd.s32 v1, v3  }
0x58: {  	[tilespmem:s20], [sflag:$0x1] =	stream.indirect_vreg.gather [hbm4b:s6+s3], $0x80, v4, vm0, $0xb8;
	[tilespmem:$0xE300] =	vst v63  }
0x59: {  	_ = 	snop  }
0x5a: {  	[tilespmem:s21], [sflag:$0x1] =	stream.indirect_vreg.gather [hbm4b:s7+s3], $0x80, v4, vm0, $0xb8;
	[tilespmem:$0xE300] =	vst v63  }
0x5b: {  	_ = 	snop  }
0x5c: {  	[tilespmem:s22], [sflag:$0x1] =	stream.indirect_vreg.gather [hbm4b:s2+s3], $0x80, v3, vm0, $0xb8;
	[tilespmem:$0xE300] =	vst v63  }
0x5d: {  	_ = 	snop  }
0x5e: {  	[tilespmem:s23], [sflag:$0x1] =	stream.indirect_vreg.gather [hbm4b:s6+s3], $0x80, v3, vm0, $0xb8;
	[tilespmem:$0xE300] =	vst v63  }
0x5f: {  	_ = 	snop  }
0x60: {  	[tilespmem:s24], [sflag:$0x1] =	stream.indirect_vreg.gather [hbm4b:s7+s3], $0x80, v3, vm0, $0xb8;
	[tilespmem:$0xE300] =	vst v63  }
0x61: {  	v3 =	vld [tilespmem:s12+$0x1B0];
	_ =	sdelay $0x4  }
0x62: {  	v63 =	vshrl.u32 v3, $0x3  }
0x63: {  	v4 =	vmul.u32 $0x30, v63  }
0x64: {  	v3 =	vand.u32 $0x7, v3  }
0x65: {  	v3 =	vor.u32 v3, v4  }
0x66: {  	v4 =	vperm.xlane v3, v0;
	_ =	sdelay $0x1  }
0x67: {  	v4 =	vadd.s32 v1, v4;
	_ =	sdelay $0x3  }
0x68: {  	v3 =	vperm.xlane v3, v2  }
0x69: {  	[tilespmem:s25], [sflag:$0x1] =	stream.indirect_vreg.gather [hbm4b:s2+s3], $0x80, v4, vm0, $0xb8;
	[tilespmem:$0xE300] =	vst v63  }
0x6a: {  	v3 =	vadd.s32 v1, v3  }
0x6b: {  	[tilespmem:s26], [sflag:$0x1] =	stream.indirect_vreg.gather [hbm4b:s6+s3], $0x80, v4, vm0, $0xb8;
	[tilespmem:$0xE300] =	vst v63  }
0x6c: {  	_ = 	snop  }
0x6d: {  	[tilespmem:s28], [sflag:$0x1] =	stream.indirect_vreg.gather [hbm4b:s7+s3], $0x80, v4, vm0, $0xb8;
	[tilespmem:$0xE300] =	vst v63  }
0x6e: {  	_ = 	snop  }
0x6f: {  	[tilespmem:s29], [sflag:$0x1] =	stream.indirect_vreg.gather [hbm4b:s2+s3], $0x80, v3, vm0, $0xb8;
	[tilespmem:$0xE300] =	vst v63  }
0x70: {  	_ = 	snop  }
0x71: {  	[tilespmem:s30], [sflag:$0x1] =	stream.indirect_vreg.gather [hbm4b:s6+s3], $0x80, v3, vm0, $0xb8;
	[tilespmem:$0xE300] =	vst v63  }
0x72: {  	_ = 	snop  }
0x73: {  	[tilespmem:s31], [sflag:$0x1] =	stream.indirect_vreg.gather [hbm4b:s7+s3], $0x80, v3, vm0, $0xb8;
	[tilespmem:$0xE300] =	vst v63  }
0x74: {  	_ =	swait.ge [sflag:s1], $0x2000  }
0x75: {  	[sflag:s1] =	ssyncset.done $0x0  }
0x76: {  	[sflag:s1] =	ssyncadd.s32 $0xFFFFE000  }
0x77: {  	_ =	swait.ge [sflag:s1], $0xC000  }
0x78: {  	[sflag:s1] =	ssyncset.done $0x0  }
0x79: {  	[sflag:s1] =	ssyncadd.s32 $0xFFFF4000  }
0x7a: {  	[hbm4b:s9+s3] =	stream.linear.scatter [tilespmem:s13], [sflag:$0x2], $0x2000, $0x38;
	[tilespmem:$0xE300] =	vst v63  }
0x7b: {  	_ =	swait.ge [sflag:s11], $0x2000  }
0x7c: {  	p0 =	sne.s32 s5, $0x400;
	[sflag:s11] =	ssyncset.done $0x0  }
.Ltmp0:
0x7d: {  	[sflag:s11] =	ssyncadd.s32 $0xFFFFE000;
	(pc) =	sbr.rel @p0 .LBB2_2-.Ltmp0, $4  }
0x7e: {  	[hbm4b:s10+s3] =	stream.linear.scatter [tilespmem:s14], [sflag:$0x2], $0xC000, $0x38;
	[tilespmem:$0xE300] =	vst v63  }
0x7f: {  	_ =	swait.ge [sflag:s11], $0xC000  }
0x80: {  	s5 =	sadd.s32 $0x100, s5;
	[sflag:s11] =	ssyncset.done $0x0  }
0x81: {  	s9 =	sadd.s32 $0x400, s9;
	s10 =	sadd.s32 $0x1800, s10;
	[sflag:s11] =	ssyncadd.s32 $0xFFFF4000  }
0x82: {  	s0 =	sadd.s32 $0x1, s0;
	s4 =	rddreg [dreg:$0xf]  }
0x83: {  	p0 =	sne.s32 s0, s4  }
.Ltmp1:
0x84: {  	_ = 	snop;
	(pc) =	sbr.rel @p0 .LBB2_1-.Ltmp1, $1  }
0x85: {  	_ =	sdelay $0x3  }
0x86: {  	_ =	sfence.sel $0x180000  }
0x87: {  	[bflag:$0x0] =	sbarrier.arrive $0xFFFF  }
0x88: {  	_ =	strace $0x90000059  }
0x89: {  	s0 =	stileid.u32;
	[bflag:$0x2] =	sbarrier.arrive $0xFFFF  }
0x8a: {  	p0 =	sne.s32 s0, $0x0;
	s0 =	rddreg [dreg:$0x3]  }
0x8b: {  	s0 =	sadd.s32 @!p0 $0x100000, s0  }
0x8c: {  	[sflag:s0] =	ssyncadd.tile.s32 @!p0 $0x1;
	_ =	shalt  }
.Lfunc_end2:
_tile_overlayer_lowered:
.L_overlay_start_2:
0x8d: {  	(tag) =	ssettag $0x2  }
0x8e: {  	s0 =	rddreg [dreg:$0x0];
	s2 =	stileid.u32  }
0x8f: {  	s1 =	rddreg [dreg:$0x1];
	p0 =	sne.s32 s2, $0x0  }
0x90: {  	s3 =	rddreg [dreg:$0x2];
	[bflag:$0x3] =	sbarrier.arrive $0xFFFF;
	s2 =	simm.s32 @!p0 $0x1C02  }
0x91: {  	[timem:s3], [sflag:s2] =	dma.local @!p0 [hbm:s0], s1  }
0x92: {  	s0 =	simm.s32 @!p0 $0x2  }
0x93: {  	_ =	swait.ge @!p0 [sflag:s0], s1  }
0x94: {  	s1 =	ssub.s32 @!p0 $0x0, s1;
	[sflag:s0] =	ssyncset.done @!p0 $0x0  }
0x95: {  	[sflag:s0] =	ssyncadd.s32 @!p0 s1  }
0x96: {  	[bflag:$0x3] =	sbarrier.arrive $0xFFFF  }
0x97: {  	_ =	shalt  }

// kernel: kernel.26.cloned.1.call-start
scs
__scs_entry_jumppad:
0x0: {  	(pc) =	sbr.rel $0x88, $3  }
0x1: {  	(tag) =	ssettag $0x0;
	lr =	simm.s32 $0x1  }
0x2: {  	[smem:$0x3F93] =	sst lr;
	_ =	strace $0xD0000000  }
0x3: {  	_ = 	snop  }
0x4: {  	_ = 	snop  }
0x5: {  	_ = 	snop  }
0x6: {  	_ = 	snop  }
0x7: {  	_ = 	snop  }
__scs_overlays_trampoline_lowered:
0x8: {  	[smem:$0x3FA2] =	sst s0  }
0x9: {  	[smem:$0x3FA3] =	sst s1  }
0xa: {  	[smem:$0x3FA4] =	sst s2  }
0xb: {  	[smem:$0x3FA5] =	sst s3  }
0xc: {  	[smem:$0x3FA6] =	sst s4  }
0xd: {  	[smem:$0x3FA7] =	sst s5  }
0xe: {  	[smem:$0x3FA8] =	sst s6  }
0xf: {  	[smem:$0x3FA9] =	sst s7  }
0x10: {  	[smem:$0x3FAA] =	sst s8  }
0x11: {  	[smem:$0x3FAB] =	sst s9;
	s0 =	simm.s32 @!p0 $0x0  }
0x12: {  	s1 =	sld [smem:$0x3F91];
	s0 =	simm.s32 @p0 $0x1  }
0x13: {  	[smem:$0x3FAC] =	sst s0;
	s0 =	simm.s32 @!p1 $0x0  }
0x14: {  	s2 =	sld [smem:$0x3F90];
	s0 =	simm.s32 @p1 $0x1  }
0x15: {  	[smem:$0x3FAD] =	sst s0;
	s0 =	simm.s32 @!p2 $0x0  }
0x16: {  	s3 =	sld [smem:$0x3FDB];
	s0 =	simm.s32 @p2 $0x1  }
0x17: {  	s4 =	simm.s32 $0x1BF5;
	[smem:$0x3FAF] =	sst s0  }
0x18: {  	s0 =	sld [smem:$0x3F92];
	_ =	swait.ge [sflag:s4], $0x0  }
0x19: {  	s7 =	sld [smem:$0x3F93]  }
0x1a: {  	s8 =	sadd.s32 $0xFFFFE003, lr  }
0x1b: {  	s9 =	sadd.s32 $0xFFFFFEF7, lr;
	s5 =	simm.s32 $0xFFFFFFFF;
	p2 =	slt.u32 s8, $0xFFFFF086  }
0x1c: {  	p1 =	slt.u32 s9, $0xF7A;
	s5 =	simm.s32 @!p2 $0x0  }
0x1d: {  	s5 =	simm.s32 @p1 $0x1;
	p0 =	seq.s32 s7, s2  }
0x1e: {  	s7 =	smul.u32 @!p0 $0xF7A, s2;
	p2 =	seq.s32 @!p0 s5, $0x0  }
0x1f: {  	s9 =	smul.u32 $0xF7A, s1;
	s8 =	simm.s32 @!p0 $0x1BF5;
	p2 =	por !p2, p0  }
0x20: {  	[sflag:s8] =	ssyncset.s32 @!p0 $0xFFFFF086;
	s6 =	sadd.s32 @!p0 s3, s7;
	s7 =	simm.s32 @!p0 $0x108  }
0x21: {  	s3 =	sadd.s32 s3, s9;
	s6 =	sadd.s32 @!p0 $0x88, s6;
	s7 =	simm.s32 @p2 $0x1082  }
0x22: {  	[simem:s7], [sflag:s8] =	dma.local @!p0 [hbm:s6], $0xF7A  }
0x23: {  	s9 =	sor.u32 $0xD0000000, s2;
	s6 =	simm.s32 $0x108;
	_ =	swait.ge @!p0 [sflag:s8], $0x0  }
0x24: {  	s3 =	sadd.s32 $0x88, s3;
	s6 =	simm.s32 @!p1 $0x1082;
	[sflag:s4] =	ssyncset.s32 $0xFFFFF086  }
0x25: {  	[simem:s6], [sflag:s4] =	dma.local [hbm:s3], $0xF7A  }
0x26: {  	[smem:$0x3F93] =	sst s1;
	(tag) =	ssettag s2;
	_ =	strace s9  }
0x27: {  	s1 =	sld [smem:$0x3FA3]  }
0x28: {  	s2 =	sld [smem:$0x3FA4]  }
0x29: {  	s4 =	sld [smem:$0x3FA6]  }
0x2a: {  	p0 =	seq.s32 s5, $0x0;
	s5 =	sld [smem:$0x3FA7]  }
0x2b: {  	s6 =	sld [smem:$0x3FA8]  }
0x2c: {  	s7 =	sld [smem:$0x3FA9]  }
0x2d: {  	s3 =	simm.s32 $0x108;
	s8 =	sld [smem:$0x3FAA]  }
0x2e: {  	s3 =	simm.s32 @!p0 $0x1082;
	s9 =	sld [smem:$0x3FAB]  }
0x2f: {  	lr =	sadd.s32 s0, s3;
	s0 =	sld [smem:$0x3FA2]  }
0x30: {  	s3 =	sld [smem:$0x3FA5]  }
0x31: {  	[smem:$0x3FAE] =	sst s10  }
0x32: {  	s10 =	sld [smem:$0x3FAC];
	_ =	sdelay $0x3  }
0x33: {  	p0 =	seq.s32 s10, $0x1;
	s10 =	sld [smem:$0x3FAE];
	_ =	sdelay $0x3  }
0x34: {  	[smem:$0x3FAE] =	sst s10  }
0x35: {  	s10 =	sld [smem:$0x3FAD];
	_ =	sdelay $0x3  }
0x36: {  	p1 =	seq.s32 s10, $0x1;
	s10 =	sld [smem:$0x3FAE];
	_ =	sdelay $0x3  }
0x37: {  	[smem:$0x3FAE] =	sst s10  }
0x38: {  	s10 =	sld [smem:$0x3FAF]  }
0x39: {  	_ = 	snop;
	(pc) =	sbr.ind lr, $3  }
0x3a: {  	_ = 	snop  }
0x3b: {  	_ = 	snop  }
0x3c: {  	p2 =	seq.s32 s10, $0x1;
	s10 =	sld [smem:$0x3FAE]  }
0x3d: {  	_ =	shalt  }
0x3e: {  	_ =	shalt  }
0x3f: {  	_ =	shalt  }
0x40: {  	_ =	shalt  }
0x41: {  	_ =	shalt  }
0x42: {  	_ =	shalt  }
0x43: {  	_ =	shalt  }
0x44: {  	_ =	shalt  }
0x45: {  	_ =	shalt  }
0x46: {  	_ =	shalt  }
0x47: {  	_ =	shalt  }
0x48: {  	_ =	shalt  }
0x49: {  	_ =	shalt  }
0x4a: {  	_ =	shalt  }
0x4b: {  	_ =	shalt  }
0x4c: {  	_ =	shalt  }
0x4d: {  	_ =	shalt  }
0x4e: {  	_ =	shalt  }
0x4f: {  	_ =	shalt  }
0x50: {  	_ =	shalt  }
0x51: {  	_ =	shalt  }
0x52: {  	_ =	shalt  }
0x53: {  	_ =	shalt  }
0x54: {  	_ =	shalt  }
0x55: {  	_ =	shalt  }
0x56: {  	_ =	shalt  }
0x57: {  	_ =	shalt  }
0x58: {  	_ =	shalt  }
0x59: {  	_ =	shalt  }
0x5a: {  	_ =	shalt  }
0x5b: {  	_ =	shalt  }
0x5c: {  	_ =	shalt  }
0x5d: {  	_ =	shalt  }
0x5e: {  	_ =	shalt  }
0x5f: {  	_ =	shalt  }
0x60: {  	_ =	shalt  }
0x61: {  	_ =	shalt  }
0x62: {  	_ =	shalt  }
0x63: {  	_ =	shalt  }
0x64: {  	_ =	shalt  }
0x65: {  	_ =	shalt  }
0x66: {  	_ =	shalt  }
0x67: {  	_ =	shalt  }
0x68: {  	_ =	shalt  }
0x69: {  	_ =	shalt  }
0x6a: {  	_ =	shalt  }
0x6b: {  	_ =	shalt  }
0x6c: {  	_ =	shalt  }
0x6d: {  	_ =	shalt  }
0x6e: {  	_ =	shalt  }
0x6f: {  	_ =	shalt  }
0x70: {  	_ =	shalt  }
0x71: {  	_ =	shalt  }
0x72: {  	_ =	shalt  }
0x73: {  	_ =	shalt  }
0x74: {  	_ =	shalt  }
0x75: {  	_ =	shalt  }
0x76: {  	_ =	shalt  }
0x77: {  	_ =	shalt  }
0x78: {  	_ =	shalt  }
0x79: {  	_ =	shalt  }
0x7a: {  	_ =	shalt  }
0x7b: {  	_ =	shalt  }
0x7c: {  	_ =	shalt  }
0x7d: {  	_ =	shalt  }
0x7e: {  	_ =	shalt  }
0x7f: {  	_ =	shalt  }
0x80: {  	_ =	shalt  }
0x81: {  	_ =	shalt  }
0x82: {  	_ =	shalt  }
0x83: {  	_ =	shalt  }
0x84: {  	_ =	shalt  }
0x85: {  	_ =	shalt  }
0x86: {  	_ =	shalt  }
0x87: {  	_ =	shalt  }
.Lfunc_end0:
.L_simem_size_0:
called_computation.3_lowered:
.L_overlay_start_0:
0x88: {  	s2 =	sld [smem:$0x3FD9]  }
0x89: {  	s3 =	sld [smem:$0x3FFE];
	_ =	sdelay $0x1  }
0x8a: {  	s1 =	srdreg.scid  }
0x8b: {  	s0 =	sand.u32 $0x1, s1  }
0x8c: {  	s17 =	sshll.u32 s0, $0xA;
	s2 =	sadd.s32 s3, s2  }
0x8d: {  	s2 =	sadd.s32 s2, s17  }
0x8e: {  	[smem:$0x3FBA] =	sst s2  }
0x8f: {  	_ = 	snop  }
0x90: {  	(tm) =	ssettm $0x1  }
0x91: {  	s18 =	sld [smem:$0x3FFB];
	_ =	sdelay $0x3  }
0x92: {  	_ =	strace s18  }
0x93: {  	s2 =	sld [smem:$0x3FFC];
	_ =	sdelay $0x3  }
0x94: {  	_ =	strace s2  }
0x95: {  	s2 =	sld [smem:$0x3FFD];
	_ =	sdelay $0x3  }
0x96: {  	_ =	strace s2  }
0x97: {  	_ =	strace $0x8FFFFFFF  }
0x98: {  	s19 =	sld [smem:$0x3FDB];
	_ =	sdelay $0x1  }
0x99: {  	s20 =	simm.s32 $_scs_section_size  }
0x9a: {  	s4 =	simm.s32 $_size__tile_overlayer_lowered;
	s5 =	simm.s32 $_tile_overlayer_lowered  }
0x9b: {  	s6 =	simm.s32 $0x1BFF;
	s21 =	sshll.u32 s5, $0x1;
	s3 =	sadd.s32 s20, s19  }
0x9c: {  	s22 =	simm.s32 $0x0;
	s4 =	sshll.u32 s4, $0x1;
	s5 =	sadd.s32 s21, s3  }
0x9d: {  	[timem:s22], [sflag:s6] =	dma.local [hbm:s5], s4  }
0x9e: {  	_ =	swait.ge [sflag:s6], s4  }
0x9f: {  	s4 =	ssub.s32 $0x0, s4;
	[sflag:s6] =	ssyncset.done $0x0  }
0xa0: {  	[sflag:s6] =	ssyncadd.s32 s4;
	_ =	sdelay $0x1  }
0xa1: {  	s23 =	simm.s32 $0x1B8B  }
0xa2: {  	_ =	swait.ge [sflag:s23], $0x1  }
0xa3: {  	[sflag:s23] =	ssyncset.done $0x0  }
0xa4: {  	[sflag:s23] =	ssyncadd.s32 $0xFFFFFFFF  }
0xa5: {  	s4 =	sld [smem:$0x0]  }
0xa6: {  	s5 =	sand.u32 $0xFFFFFFFE, s1  }
0xa7: {  	p0 =	sne.s32 s1, s5  }
0xa8: {  	s5 =	sshll.u32 @p0 s5, $0xE  }
0xa9: {  	s5 =	sadd.s32 @p0 $0x11B8D, s5;
	s6 =	sshll.u32 @p0 s4, $0x11  }
0xaa: {  	s5 =	sor.u32 @p0 s6, s5  }
0xab: {  	[sflag:s5] =	ssyncadd.remote.s32 @p0 $0x1;
	_ =	sdelay $0x1  }
0xac: {  	s5 =	simm.s32 @p0 $0x1B8D  }
0xad: {  	_ =	swait.eq @p0 [sflag:s5], $0x1  }
0xae: {  	[sflag:s5] =	ssyncadd.s32 @p0 $0xFFFFFFFF  }
0xaf: {  	s6 =	sshll.u32 @!p0 s1, $0xE  }
0xb0: {  	s6 =	sor.u32 @!p0 $0x4000, s6;
	s5 =	simm.s32 @!p0 $0x1B8D  }
0xb1: {  	s4 =	sshll.u32 @!p0 s4, $0x11;
	s6 =	sadd.s32 @!p0 $0x11B8D, s6;
	_ =	swait.eq @!p0 [sflag:s5], $0x1  }
0xb2: {  	s4 =	sor.u32 @!p0 s4, s6;
	[sflag:s5] =	ssyncadd.s32 @!p0 $0xFFFFFFFF  }
0xb3: {  	s25 =	simm.s32 $0x1B8E;
	s24 =	sld [smem:$0x3FFE];
	[sflag:s4] =	ssyncadd.remote.s32 @!p0 $0x1  }
0xb4: {  	s26 =	simm.s32 $execute0_lowered;
	[smem:$0x3FD2] =	sst s25  }
0xb5: {  	s5 =	sshll.u32 s26, $0x1;
	_ =	strace $0x80000049;
	[dreg:$0x1] =	wrdreg $0xFFFFFFFF  }
0xb6: {  	s28 =	simm.s32 $_size_execute0_lowered;
	s3 =	sadd.s32 s3, s5;
	[dreg:$0x0] =	wrdreg $0x0  }
0xb7: {  	s5 =	sshll.u32 s28, $0x1;
	[dreg:$0x2] =	wrdreg s3  }
0xb8: {  	[dreg:$0x3] =	wrdreg s5  }
0xb9: {  	[dreg:$0x4] =	wrdreg $0xC0  }
0xba: {  	_ =	task [dreg:s22], $0x5FFFF  }
0xbb: {  	[dreg:$0x1] =	wrdreg $0xFFFFFFFF  }
0xbc: {  	[dreg:$0x0] =	wrdreg $0x60  }
0xbd: {  	[dreg:$0x2] =	wrdreg s24  }
0xbe: {  	[dreg:$0x3] =	wrdreg $0xC  }
0xbf: {  	_ =	task.clear_ibuf [dreg:s22], $0x4FFFF;
	_ =	strace $0x90000049  }
0xc0: {  	s29 =	simm.s32 $0xC;
	_ =	strace $0x8000004B  }
0xc1: {  	_ =	swait.ge [sflag:s29], $0x1  }
0xc2: {  	[sflag:s29] =	ssyncadd.s32 $0xFFFFFFFF  }
0xc3: {  	_ =	strace $0x9000004B  }
0xc4: {  	_ =	sfence  }
0xc5: {  	s30 =	sld [smem:$0x0];
	_ =	sdelay $0x2  }
0xc6: {  	s31 =	sshll.u32 s1, $0xD;
	s1 =	sshrl.u32 s1, $0x2  }
0xc7: {  	s4 =	sand.u32 $0x4000, s31;
	s1 =	sadd.s32 s1, s30  }
0xc8: {  	s0 =	sor.u32 s4, s0;
	s1 =	sshll.u32 s1, $0x11  }
0xc9: {  	s0 =	sor.u32 s1, s0  }
0xca: {  	s0 =	sadd.s32 $0x8F2B, s0  }
0xcb: {  	[sflag:s0] =	ssyncadd.remote.s32 $0x1  }
0xcc: {  	_ =	sfence.sel $0xFFFF  }
0xcd: {  	[dreg:$0x0] =	wrdreg $0xFFFFFFFF;
	(pc) =	sbr.abs _section_cstart, $3  }
0xce: {  	[dreg:$0x1] =	wrdreg $0xFFFFFFFF  }
0xcf: {  	_ =	task.clear_ibuf [dreg:s22], $0x2FFFF;
	_ =	strace $0x9FFFFFFF  }
0xd0: {  	(tm) =	ssettm $0x7FFFFFFF  }
0xd1: {  	_ =	shalt  }
tec
execute0_lowered:
.L_overlay_start_1:
0x0: {  	(tag) =	ssettag $0x1  }
0x1: {  	s6 =	rddreg [dreg:$0x0]  }
0x2: {  	s0 =	rddreg [dreg:$0x1]  }
0x3: {  	s2 =	simm.s32 $0x0;
	s1 =	stileid.u32;
	s3 =	srdreg.scid  }
0x4: {  	s17 =	simm.s32 $0x3C0;
	s18 =	simm.s32 $0x13C0;
	s7 =	smul.u32 $0x1400, s1  }
0x5: {  	s19 =	simm.s32 $0x1BC0;
	s20 =	simm.s32 $0x1;
	s8 =	smul.u32 $0xA00, s1  }
0x6: {  	s21 =	simm.s32 $0x0;
	s9 =	sand.u32 $0x1, s3;
	s10 =	smul.u32 $0x500, s1  }
0x7: {  	[smem:$0x7FF] =	sst s2;
	s3 =	sadd.s32 $0x19E800, s6;
	s29 =	smul.u32 $0x280, s9  }
0x8: {  	s4 =	sshll.u32 s1, $0x1;
	s5 =	sadd.s32 $0x200400, s6;
	s15 =	smul.u32 $0x500, s9  }
0x9: {  	_ =	strace $0x8000004A;
	s11 =	sor.u32 s9, s4;
	s16 =	smul.u32 $0xA00, s9  }
0xa: {  	s4 =	sadd.s32 $0xDB200, s6;
	s26 =	ssub.s32 $0x2, s9;
	s11 =	smul.u32 $0x140, s11  }
0xb: {  	s12 =	sadd.s32 s7, s6;
	s10 =	sadd.s32 s10, s6;
	s14 =	sshrl.u32 s26, $0x1  }
0xc: {  	s13 =	sadd.s32 s8, s6;
	s14 =	ssub.s32 s26, s14;
	s30 =	sadd.s32 s29, s10  }
0xd: {  	s31 =	sadd.s32 s15, s13;
	s12 =	sadd.s32 s16, s12;
	s13 =	simm.s32 $0x2  }
0xe: {  	s15 =	simm.s32 $0x280;
	s16 =	simm.s32 $0x40;
	s28 =	sshrl.u32 s11, $0x3  }
0xf: {  	s9 =	sadd.s32 $0x254200, s30;
	s10 =	smax.u32 s14, $0x1;
	s11 =	sadd.s32 $0x259200, s31  }
0x10: {  	s12 =	sadd.s32 $0x263200, s12;
	s14 =	simm.s32 $0x140;
	s8 =	sadd.s32 s6, s28  }
0x11: {  	s6 =	sadd.s32 $0xD9D00, s8;
	s7 =	sadd.s32 $0xD8300, s8;
	s8 =	sadd.s32 $0xD6900, s8  }
.LBB2_1:
0x12: {  	[tilespmem:s2], [sflag:$0x2] =	stream.linear.gather [hbm4b:s6+s2], $0x140, $0x38;
	[tilespmem:$0x1FC0] =	vst v63  }
0x13: {  	_ =	swait.ge [sflag:s13], $0x140  }
0x14: {  	[sflag:s13] =	ssyncset.done $0x0  }
0x15: {  	[sflag:s13] =	ssyncadd.s32 $0xFFFFFEC0  }
0x16: {  	[tilespmem:s14], [sflag:$0x2] =	stream.linear.gather [hbm4b:s7+s2], $0x140, $0x38;
	[tilespmem:$0x1FC0] =	vst v63  }
0x17: {  	_ =	swait.ge [sflag:s13], $0x140  }
0x18: {  	[sflag:s13] =	ssyncset.done $0x0  }
0x19: {  	[sflag:s13] =	ssyncadd.s32 $0xFFFFFEC0  }
0x1a: {  	[tilespmem:s15], [sflag:$0x2] =	stream.linear.gather [hbm4b:s8+s2], $0x140, $0x38;
	[tilespmem:$0x1FC0] =	vst v63  }
0x1b: {  	_ =	swait.ge [sflag:s13], $0x140  }
0x1c: {  	[sflag:s13] =	ssyncset.done $0x0  }
0x1d: {  	s22 =	simm.s32 $0x0;
	[sflag:s13] =	ssyncadd.s32 $0xFFFFFEC0  }
0x1e: {  	[tilespmem:s17], [sflag:$0x1] =	stream.indirect.gather [hbm4b:s4+s16], $0x40, s22, s16, $0xb8;
	[tilespmem:$0x1FC0] =	vst v63  }
0x1f: {  	s29 =	simm.s32 $0x140  }
0x20: {  	[tilespmem:s18], [sflag:$0x1] =	stream.indirect.gather [hbm4b:s3+s16], $0x20, s29, s16, $0xb8;
	[tilespmem:$0x1FC0] =	vst v63  }
0x21: {  	s30 =	simm.s32 $0x280  }
0x22: {  	[tilespmem:s19], [sflag:$0x1] =	stream.indirect.gather [hbm4b:s5+s16], $0x10, s30, s16, $0xb8;
	[tilespmem:$0x1FC0] =	vst v63  }
0x23: {  	_ =	swait.ge [sflag:s20], $0x1000  }
0x24: {  	[sflag:s20] =	ssyncset.done $0x0  }
0x25: {  	[sflag:s20] =	ssyncadd.s32 $0xFFFFF000  }
0x26: {  	_ =	swait.ge [sflag:s20], $0x800  }
0x27: {  	[sflag:s20] =	ssyncset.done $0x0  }
0x28: {  	[sflag:s20] =	ssyncadd.s32 $0xFFFFF800  }
0x29: {  	_ =	swait.ge [sflag:s20], $0x400  }
0x2a: {  	[sflag:s20] =	ssyncset.done $0x0  }
0x2b: {  	[sflag:s20] =	ssyncadd.s32 $0xFFFFFC00  }
0x2c: {  	[hbm4b:s12+s2] =	stream.linear.scatter [tilespmem:s17], [sflag:$0x2], $0x1000, $0x38;
	[tilespmem:$0x1FC0] =	vst v63  }
0x2d: {  	_ =	swait.ge [sflag:s13], $0x1000  }
0x2e: {  	[sflag:s13] =	ssyncset.done $0x0  }
0x2f: {  	s31 =	sadd.s32 $0x0, s11;
	[sflag:s13] =	ssyncadd.s32 $0xFFFFF000  }
0x30: {  	[hbm4b:s31+s2] =	stream.linear.scatter [tilespmem:s18], [sflag:$0x2], $0x800, $0x38;
	[tilespmem:$0x1FC0] =	vst v63  }
0x31: {  	_ =	swait.ge [sflag:s13], $0x800  }
0x32: {  	[sflag:s13] =	ssyncset.done $0x0  }
0x33: {  	[sflag:s13] =	ssyncadd.s32 $0xFFFFF800  }
0x34: {  	[hbm4b:s9+s2] =	stream.linear.scatter [tilespmem:s19], [sflag:$0x2], $0x400, $0x38;
	[tilespmem:$0x1FC0] =	vst v63  }
0x35: {  	s23 =	simm.s32 $0x100;
	s25 =	simm.s32 $0x200;
	_ =	swait.ge [sflag:s13], $0x400  }
0x36: {  	s24 =	sadd.s32 $0x200, s12;
	s22 =	sadd.s32 $0x80, s9;
	[sflag:s13] =	ssyncset.done $0x0  }
.LBB2_2:
0x37: {  	s26 =	sshra.s32 s23, $0x2  }
0x38: {  	[sflag:s13] =	ssyncadd.s32 $0xFFFFFC00;
	s28 =	smov.u32 s25;
	s29 =	sadd.s32 $0x100, s25  }
0x39: {  	[tilespmem:s17], [sflag:$0x1] =	stream.indirect.gather [hbm4b:s4+s16], $0x40, s26, s16, $0xb8;
	[tilespmem:$0x1FC0] =	vst v63  }
0x3a: {  	p0 =	sne.s32 s25, $0x400;
	s25 =	sadd.s32 $0x140, s26  }
0x3b: {  	[tilespmem:s18], [sflag:$0x1] =	stream.indirect.gather [hbm4b:s3+s16], $0x20, s25, s16, $0xb8;
	[tilespmem:$0x1FC0] =	vst v63  }
0x3c: {  	s25 =	sadd.s32 $0x280, s26  }
0x3d: {  	[tilespmem:s19], [sflag:$0x1] =	stream.indirect.gather [hbm4b:s5+s16], $0x10, s25, s16, $0xb8;
	[tilespmem:$0x1FC0] =	vst v63  }
0x3e: {  	_ =	swait.ge [sflag:s20], $0x1000  }
0x3f: {  	[sflag:s20] =	ssyncset.done $0x0  }
0x40: {  	[sflag:s20] =	ssyncadd.s32 $0xFFFFF000  }
0x41: {  	_ =	swait.ge [sflag:s20], $0x800  }
0x42: {  	[sflag:s20] =	ssyncset.done $0x0  }
0x43: {  	[sflag:s20] =	ssyncadd.s32 $0xFFFFF800  }
0x44: {  	_ =	swait.ge [sflag:s20], $0x400  }
0x45: {  	[sflag:s20] =	ssyncset.done $0x0  }
0x46: {  	[sflag:s20] =	ssyncadd.s32 $0xFFFFFC00  }
0x47: {  	[hbm4b:s24+s2] =	stream.linear.scatter [tilespmem:s17], [sflag:$0x2], $0x1000, $0x38;
	[tilespmem:$0x1FC0] =	vst v63  }
0x48: {  	_ =	swait.ge [sflag:s13], $0x1000  }
0x49: {  	[sflag:s13] =	ssyncset.done $0x0  }
0x4a: {  	s25 =	sadd.s32 s23, s11;
	s23 =	smov.u32 s28;
	[sflag:s13] =	ssyncadd.s32 $0xFFFFF000  }
0x4b: {  	[hbm4b:s25+s2] =	stream.linear.scatter [tilespmem:s18], [sflag:$0x2], $0x800, $0x38;
	[tilespmem:$0x1FC0] =	vst v63  }
0x4c: {  	_ =	swait.ge [sflag:s13], $0x800  }
.Ltmp0:
0x4d: {  	[sflag:s13] =	ssyncset.done $0x0;
	(pc) =	sbr.rel @p0 .LBB2_2-.Ltmp0, $4  }
0x4e: {  	[sflag:s13] =	ssyncadd.s32 $0xFFFFF800  }
0x4f: {  	[hbm4b:s22+s2] =	stream.linear.scatter [tilespmem:s19], [sflag:$0x2], $0x400, $0x38;
	[tilespmem:$0x1FC0] =	vst v63  }
0x50: {  	s24 =	sadd.s32 $0x200, s24;
	_ =	swait.ge [sflag:s13], $0x400  }
0x51: {  	s25 =	smov.u32 s29;
	s22 =	sadd.s32 $0x80, s22;
	[sflag:s13] =	ssyncset.done $0x0  }
0x52: {  	s25 =	sshra.s32 s23, $0x2;
	[sflag:s13] =	ssyncadd.s32 $0xFFFFFC00  }
0x53: {  	[tilespmem:s17], [sflag:$0x1] =	stream.indirect.gather [hbm4b:s4+s16], $0x40, s25, s16, $0xb8;
	[tilespmem:$0x1FC0] =	vst v63  }
0x54: {  	s26 =	sadd.s32 $0x140, s25  }
0x55: {  	[tilespmem:s18], [sflag:$0x1] =	stream.indirect.gather [hbm4b:s3+s16], $0x20, s26, s16, $0xb8;
	[tilespmem:$0x1FC0] =	vst v63  }
0x56: {  	s25 =	sadd.s32 $0x280, s25  }
0x57: {  	[tilespmem:s19], [sflag:$0x1] =	stream.indirect.gather [hbm4b:s5+s16], $0x10, s25, s16, $0xb8;
	[tilespmem:$0x1FC0] =	vst v63  }
0x58: {  	_ =	swait.ge [sflag:s20], $0x1000  }
0x59: {  	[sflag:s20] =	ssyncset.done $0x0  }
0x5a: {  	[sflag:s20] =	ssyncadd.s32 $0xFFFFF000  }
0x5b: {  	_ =	swait.ge [sflag:s20], $0x800  }
0x5c: {  	[sflag:s20] =	ssyncset.done $0x0  }
0x5d: {  	[sflag:s20] =	ssyncadd.s32 $0xFFFFF800  }
0x5e: {  	_ =	swait.ge [sflag:s20], $0x400  }
0x5f: {  	[sflag:s20] =	ssyncset.done $0x0  }
0x60: {  	[sflag:s20] =	ssyncadd.s32 $0xFFFFFC00  }
0x61: {  	[hbm4b:s24+s2] =	stream.linear.scatter [tilespmem:s17], [sflag:$0x2], $0x1000, $0x38;
	[tilespmem:$0x1FC0] =	vst v63  }
0x62: {  	_ =	swait.ge [sflag:s13], $0x1000  }
0x63: {  	[sflag:s13] =	ssyncset.done $0x0  }
0x64: {  	s31 =	sadd.s32 s23, s11;
	[sflag:s13] =	ssyncadd.s32 $0xFFFFF000  }
0x65: {  	[hbm4b:s31+s2] =	stream.linear.scatter [tilespmem:s18], [sflag:$0x2], $0x800, $0x38;
	[tilespmem:$0x1FC0] =	vst v63  }
0x66: {  	s21 =	sadd.s32 $0x1, s21;
	_ =	swait.ge [sflag:s13], $0x800  }
0x67: {  	p0 =	sne.s32 s21, s10;
	[sflag:s13] =	ssyncset.done $0x0  }
.Ltmp1:
0x68: {  	[sflag:s13] =	ssyncadd.s32 $0xFFFFF800;
	(pc) =	sbr.rel @p0 .LBB2_1-.Ltmp1, $4  }
0x69: {  	[hbm4b:s22+s2] =	stream.linear.scatter [tilespmem:s19], [sflag:$0x2], $0x400, $0x38;
	[tilespmem:$0x1FC0] =	vst v63  }
0x6a: {  	_ =	swait.ge [sflag:s13], $0x400  }
0x6b: {  	[sflag:s13] =	ssyncset.done $0x0  }
0x6c: {  	[sflag:s13] =	ssyncadd.s32 $0xFFFFFC00  }
0x6d: {  	_ =	sfence.sel $0x180000  }
0x6e: {  	[bflag:$0x0] =	sbarrier.arrive $0xFFFF  }
0x6f: {  	p0 =	sne.s32 s1, $0x0;
	_ =	strace $0x9000004A  }
0x70: {  	s0 =	sadd.s32 @!p0 $0x100000, s0;
	[bflag:$0x2] =	sbarrier.arrive $0xFFFF  }
0x71: {  	[sflag:s0] =	ssyncadd.tile.s32 @!p0 $0x1;
	_ =	shalt  }
.Lfunc_end2:
_tile_overlayer_lowered:
.L_overlay_start_2:
0x72: {  	(tag) =	ssettag $0x2  }
0x73: {  	s0 =	rddreg [dreg:$0x0];
	s2 =	stileid.u32  }
0x74: {  	s1 =	rddreg [dreg:$0x1];
	p0 =	sne.s32 s2, $0x0  }
0x75: {  	s3 =	rddreg [dreg:$0x2];
	[bflag:$0x3] =	sbarrier.arrive $0xFFFF;
	s2 =	simm.s32 @!p0 $0x1C02  }
0x76: {  	[timem:s3], [sflag:s2] =	dma.local @!p0 [hbm:s0], s1  }
0x77: {  	s0 =	simm.s32 @!p0 $0x2  }
0x78: {  	_ =	swait.ge @!p0 [sflag:s0], s1  }
0x79: {  	s1 =	ssub.s32 @!p0 $0x0, s1;
	[sflag:s0] =	ssyncset.done @!p0 $0x0  }
0x7a: {  	[sflag:s0] =	ssyncadd.s32 @!p0 s1  }
0x7b: {  	[bflag:$0x3] =	sbarrier.arrive $0xFFFF  }
0x7c: {  	_ =	shalt  }

// kernel: kernel.29.cloned.1.call-start
scs
__scs_entry_jumppad:
0x0: {  	(pc) =	sbr.rel $0x88, $3  }
0x1: {  	(tag) =	ssettag $0x0;
	lr =	simm.s32 $0x1  }
0x2: {  	[smem:$0x3F93] =	sst lr;
	_ =	strace $0xD0000000  }
0x3: {  	_ = 	snop  }
0x4: {  	_ = 	snop  }
0x5: {  	_ = 	snop  }
0x6: {  	_ = 	snop  }
0x7: {  	_ = 	snop  }
__scs_overlays_trampoline_lowered:
0x8: {  	[smem:$0x3FA2] =	sst s0  }
0x9: {  	[smem:$0x3FA3] =	sst s1  }
0xa: {  	[smem:$0x3FA4] =	sst s2  }
0xb: {  	[smem:$0x3FA5] =	sst s3  }
0xc: {  	[smem:$0x3FA6] =	sst s4  }
0xd: {  	[smem:$0x3FA7] =	sst s5  }
0xe: {  	[smem:$0x3FA8] =	sst s6  }
0xf: {  	[smem:$0x3FA9] =	sst s7  }
0x10: {  	[smem:$0x3FAA] =	sst s8  }
0x11: {  	[smem:$0x3FAB] =	sst s9;
	s0 =	simm.s32 @!p0 $0x0  }
0x12: {  	s1 =	sld [smem:$0x3F91];
	s0 =	simm.s32 @p0 $0x1  }
0x13: {  	[smem:$0x3FAC] =	sst s0;
	s0 =	simm.s32 @!p1 $0x0  }
0x14: {  	s2 =	sld [smem:$0x3F90];
	s0 =	simm.s32 @p1 $0x1  }
0x15: {  	[smem:$0x3FAD] =	sst s0;
	s0 =	simm.s32 @!p2 $0x0  }
0x16: {  	s3 =	sld [smem:$0x3FDB];
	s0 =	simm.s32 @p2 $0x1  }
0x17: {  	s4 =	simm.s32 $0x1BF5;
	[smem:$0x3FAF] =	sst s0  }
0x18: {  	s0 =	sld [smem:$0x3F92];
	_ =	swait.ge [sflag:s4], $0x0  }
0x19: {  	s7 =	sld [smem:$0x3F93]  }
0x1a: {  	s8 =	sadd.s32 $0xFFFFE003, lr  }
0x1b: {  	s9 =	sadd.s32 $0xFFFFFEF7, lr;
	s5 =	simm.s32 $0xFFFFFFFF;
	p2 =	slt.u32 s8, $0xFFFFF086  }
0x1c: {  	p1 =	slt.u32 s9, $0xF7A;
	s5 =	simm.s32 @!p2 $0x0  }
0x1d: {  	s5 =	simm.s32 @p1 $0x1;
	p0 =	seq.s32 s7, s2  }
0x1e: {  	s7 =	smul.u32 @!p0 $0xF7A, s2;
	p2 =	seq.s32 @!p0 s5, $0x0  }
0x1f: {  	s9 =	smul.u32 $0xF7A, s1;
	s8 =	simm.s32 @!p0 $0x1BF5;
	p2 =	por !p2, p0  }
0x20: {  	[sflag:s8] =	ssyncset.s32 @!p0 $0xFFFFF086;
	s6 =	sadd.s32 @!p0 s3, s7;
	s7 =	simm.s32 @!p0 $0x108  }
0x21: {  	s3 =	sadd.s32 s3, s9;
	s6 =	sadd.s32 @!p0 $0x88, s6;
	s7 =	simm.s32 @p2 $0x1082  }
0x22: {  	[simem:s7], [sflag:s8] =	dma.local @!p0 [hbm:s6], $0xF7A  }
0x23: {  	s9 =	sor.u32 $0xD0000000, s2;
	s6 =	simm.s32 $0x108;
	_ =	swait.ge @!p0 [sflag:s8], $0x0  }
0x24: {  	s3 =	sadd.s32 $0x88, s3;
	s6 =	simm.s32 @!p1 $0x1082;
	[sflag:s4] =	ssyncset.s32 $0xFFFFF086  }
0x25: {  	[simem:s6], [sflag:s4] =	dma.local [hbm:s3], $0xF7A  }
0x26: {  	[smem:$0x3F93] =	sst s1;
	(tag) =	ssettag s2;
	_ =	strace s9  }
0x27: {  	s1 =	sld [smem:$0x3FA3]  }
0x28: {  	s2 =	sld [smem:$0x3FA4]  }
0x29: {  	s4 =	sld [smem:$0x3FA6]  }
0x2a: {  	p0 =	seq.s32 s5, $0x0;
	s5 =	sld [smem:$0x3FA7]  }
0x2b: {  	s6 =	sld [smem:$0x3FA8]  }
0x2c: {  	s7 =	sld [smem:$0x3FA9]  }
0x2d: {  	s3 =	simm.s32 $0x108;
	s8 =	sld [smem:$0x3FAA]  }
0x2e: {  	s3 =	simm.s32 @!p0 $0x1082;
	s9 =	sld [smem:$0x3FAB]  }
0x2f: {  	lr =	sadd.s32 s0, s3;
	s0 =	sld [smem:$0x3FA2]  }
0x30: {  	s3 =	sld [smem:$0x3FA5]  }
0x31: {  	[smem:$0x3FAE] =	sst s10  }
0x32: {  	s10 =	sld [smem:$0x3FAC];
	_ =	sdelay $0x3  }
0x33: {  	p0 =	seq.s32 s10, $0x1;
	s10 =	sld [smem:$0x3FAE];
	_ =	sdelay $0x3  }
0x34: {  	[smem:$0x3FAE] =	sst s10  }
0x35: {  	s10 =	sld [smem:$0x3FAD];
	_ =	sdelay $0x3  }
0x36: {  	p1 =	seq.s32 s10, $0x1;
	s10 =	sld [smem:$0x3FAE];
	_ =	sdelay $0x3  }
0x37: {  	[smem:$0x3FAE] =	sst s10  }
0x38: {  	s10 =	sld [smem:$0x3FAF]  }
0x39: {  	_ = 	snop;
	(pc) =	sbr.ind lr, $3  }
0x3a: {  	_ = 	snop  }
0x3b: {  	_ = 	snop  }
0x3c: {  	p2 =	seq.s32 s10, $0x1;
	s10 =	sld [smem:$0x3FAE]  }
0x3d: {  	_ =	shalt  }
0x3e: {  	_ =	shalt  }
0x3f: {  	_ =	shalt  }
0x40: {  	_ =	shalt  }
0x41: {  	_ =	shalt  }
0x42: {  	_ =	shalt  }
0x43: {  	_ =	shalt  }
0x44: {  	_ =	shalt  }
0x45: {  	_ =	shalt  }
0x46: {  	_ =	shalt  }
0x47: {  	_ =	shalt  }
0x48: {  	_ =	shalt  }
0x49: {  	_ =	shalt  }
0x4a: {  	_ =	shalt  }
0x4b: {  	_ =	shalt  }
0x4c: {  	_ =	shalt  }
0x4d: {  	_ =	shalt  }
0x4e: {  	_ =	shalt  }
0x4f: {  	_ =	shalt  }
0x50: {  	_ =	shalt  }
0x51: {  	_ =	shalt  }
0x52: {  	_ =	shalt  }
0x53: {  	_ =	shalt  }
0x54: {  	_ =	shalt  }
0x55: {  	_ =	shalt  }
0x56: {  	_ =	shalt  }
0x57: {  	_ =	shalt  }
0x58: {  	_ =	shalt  }
0x59: {  	_ =	shalt  }
0x5a: {  	_ =	shalt  }
0x5b: {  	_ =	shalt  }
0x5c: {  	_ =	shalt  }
0x5d: {  	_ =	shalt  }
0x5e: {  	_ =	shalt  }
0x5f: {  	_ =	shalt  }
0x60: {  	_ =	shalt  }
0x61: {  	_ =	shalt  }
0x62: {  	_ =	shalt  }
0x63: {  	_ =	shalt  }
0x64: {  	_ =	shalt  }
0x65: {  	_ =	shalt  }
0x66: {  	_ =	shalt  }
0x67: {  	_ =	shalt  }
0x68: {  	_ =	shalt  }
0x69: {  	_ =	shalt  }
0x6a: {  	_ =	shalt  }
0x6b: {  	_ =	shalt  }
0x6c: {  	_ =	shalt  }
0x6d: {  	_ =	shalt  }
0x6e: {  	_ =	shalt  }
0x6f: {  	_ =	shalt  }
0x70: {  	_ =	shalt  }
0x71: {  	_ =	shalt  }
0x72: {  	_ =	shalt  }
0x73: {  	_ =	shalt  }
0x74: {  	_ =	shalt  }
0x75: {  	_ =	shalt  }
0x76: {  	_ =	shalt  }
0x77: {  	_ =	shalt  }
0x78: {  	_ =	shalt  }
0x79: {  	_ =	shalt  }
0x7a: {  	_ =	shalt  }
0x7b: {  	_ =	shalt  }
0x7c: {  	_ =	shalt  }
0x7d: {  	_ =	shalt  }
0x7e: {  	_ =	shalt  }
0x7f: {  	_ =	shalt  }
0x80: {  	_ =	shalt  }
0x81: {  	_ =	shalt  }
0x82: {  	_ =	shalt  }
0x83: {  	_ =	shalt  }
0x84: {  	_ =	shalt  }
0x85: {  	_ =	shalt  }
0x86: {  	_ =	shalt  }
0x87: {  	_ =	shalt  }
.Lfunc_end0:
.L_simem_size_0:
called_computation.4_lowered:
.L_overlay_start_0:
0x88: {  	s2 =	sld [smem:$0x3FD9]  }
0x89: {  	s3 =	sld [smem:$0x3FFE];
	_ =	sdelay $0x1  }
0x8a: {  	s1 =	srdreg.scid  }
0x8b: {  	s0 =	sand.u32 $0x1, s1  }
0x8c: {  	s17 =	sshll.u32 s0, $0xA;
	s2 =	sadd.s32 s3, s2  }
0x8d: {  	s2 =	sadd.s32 s2, s17  }
0x8e: {  	[smem:$0x3FBA] =	sst s2  }
0x8f: {  	_ = 	snop  }
0x90: {  	s18 =	sld [smem:$0x3FC8]  }
0x91: {  	s4 =	sld [smem:$0x3FC0];
	(tm) =	ssettm $0x1  }
0x92: {  	s19 =	sld [smem:$0x3FFB];
	_ =	sdelay $0x3  }
0x93: {  	_ =	strace s19  }
0x94: {  	s2 =	sld [smem:$0x3FFC];
	_ =	sdelay $0x3  }
0x95: {  	_ =	strace s2  }
0x96: {  	s2 =	sld [smem:$0x3FFD];
	_ =	sdelay $0x3  }
0x97: {  	_ =	strace s2  }
0x98: {  	_ =	strace $0x8FFFFFFF  }
0x99: {  	s20 =	sld [smem:$0x3FDB];
	_ =	sdelay $0x1  }
0x9a: {  	s5 =	simm.s32 $_scs_section_size  }
0x9b: {  	s6 =	simm.s32 $_size__tile_overlayer_lowered;
	s7 =	simm.s32 $_tile_overlayer_lowered  }
0x9c: {  	s8 =	simm.s32 $0x1BFF;
	s21 =	sshll.u32 s7, $0x1;
	s5 =	sadd.s32 s5, s20  }
0x9d: {  	s22 =	simm.s32 $0x0;
	s6 =	sshll.u32 s6, $0x1;
	s7 =	sadd.s32 s21, s5  }
0x9e: {  	[timem:s22], [sflag:s8] =	dma.local [hbm:s7], s6  }
0x9f: {  	_ =	swait.ge [sflag:s8], s6  }
0xa0: {  	s6 =	ssub.s32 $0x0, s6;
	[sflag:s8] =	ssyncset.done $0x0  }
0xa1: {  	[sflag:s8] =	ssyncadd.s32 s6;
	_ =	sdelay $0x1  }
0xa2: {  	s23 =	simm.s32 $0x1B8B  }
0xa3: {  	_ =	swait.ge [sflag:s23], $0x1  }
0xa4: {  	[sflag:s23] =	ssyncset.done $0x0  }
0xa5: {  	[sflag:s23] =	ssyncadd.s32 $0xFFFFFFFF  }
0xa6: {  	s6 =	sld [smem:$0x0]  }
0xa7: {  	s7 =	sand.u32 $0xFFFFFFFE, s1  }
0xa8: {  	p0 =	sne.s32 s1, s7  }
0xa9: {  	s7 =	sshll.u32 @p0 s7, $0xE  }
0xaa: {  	s7 =	sadd.s32 @p0 $0x11B8D, s7;
	s8 =	sshll.u32 @p0 s6, $0x11  }
0xab: {  	s7 =	sor.u32 @p0 s8, s7  }
0xac: {  	[sflag:s7] =	ssyncadd.remote.s32 @p0 $0x1;
	_ =	sdelay $0x1  }
0xad: {  	s7 =	simm.s32 @p0 $0x1B8D  }
0xae: {  	_ =	swait.eq @p0 [sflag:s7], $0x1  }
0xaf: {  	[sflag:s7] =	ssyncadd.s32 @p0 $0xFFFFFFFF  }
0xb0: {  	s8 =	sshll.u32 @!p0 s1, $0xE  }
0xb1: {  	s8 =	sor.u32 @!p0 $0x4000, s8;
	s7 =	simm.s32 @!p0 $0x1B8D  }
0xb2: {  	s6 =	sshll.u32 @!p0 s6, $0x11;
	s8 =	sadd.s32 @!p0 $0x11B8D, s8;
	_ =	swait.eq @!p0 [sflag:s7], $0x1  }
0xb3: {  	s6 =	sor.u32 @!p0 s6, s8;
	[sflag:s7] =	ssyncadd.s32 @!p0 $0xFFFFFFFF  }
0xb4: {  	s25 =	simm.s32 $0x1B8E;
	s24 =	sld [smem:$0x3FFE];
	[sflag:s6] =	ssyncadd.remote.s32 @!p0 $0x1  }
0xb5: {  	s26 =	simm.s32 $execute0_lowered;
	[smem:$0x3FD2] =	sst s25  }
0xb6: {  	s7 =	sshll.u32 s26, $0x1;
	_ =	strace $0x8000005B;
	[dreg:$0x1] =	wrdreg $0xFFFFFFFF  }
0xb7: {  	s28 =	simm.s32 $_size_execute0_lowered;
	s5 =	sadd.s32 s5, s7;
	[dreg:$0x0] =	wrdreg $0x0  }
0xb8: {  	s7 =	sshll.u32 s28, $0x1;
	[dreg:$0x2] =	wrdreg s5  }
0xb9: {  	[dreg:$0x3] =	wrdreg s7  }
0xba: {  	[dreg:$0x4] =	wrdreg $0xC0  }
0xbb: {  	_ =	task [dreg:s22], $0x5FFFF  }
0xbc: {  	[dreg:$0x1] =	wrdreg $0xFFFFFFFF  }
0xbd: {  	[dreg:$0x0] =	wrdreg $0x60  }
0xbe: {  	[dreg:$0x2] =	wrdreg s18  }
0xbf: {  	[dreg:$0x3] =	wrdreg s4  }
0xc0: {  	[dreg:$0x4] =	wrdreg s24  }
0xc1: {  	[dreg:$0x5] =	wrdreg $0xD  }
0xc2: {  	_ =	task.clear_ibuf [dreg:s22], $0x6FFFF;
	_ =	strace $0x9000005B  }
0xc3: {  	s29 =	simm.s32 $0xD;
	_ =	strace $0x8000005D  }
0xc4: {  	_ =	swait.ge [sflag:s29], $0x1  }
0xc5: {  	[sflag:s29] =	ssyncadd.s32 $0xFFFFFFFF  }
0xc6: {  	_ =	strace $0x9000005D  }
0xc7: {  	_ =	sfence  }
0xc8: {  	s30 =	sld [smem:$0x0];
	_ =	sdelay $0x2  }
0xc9: {  	s31 =	sshll.u32 s1, $0xD;
	s1 =	sshrl.u32 s1, $0x2  }
0xca: {  	s4 =	sand.u32 $0x4000, s31;
	s1 =	sadd.s32 s1, s30  }
0xcb: {  	s0 =	sor.u32 s4, s0;
	s1 =	sshll.u32 s1, $0x11  }
0xcc: {  	s0 =	sor.u32 s1, s0  }
0xcd: {  	s0 =	sadd.s32 $0x8F2B, s0  }
0xce: {  	[sflag:s0] =	ssyncadd.remote.s32 $0x1  }
0xcf: {  	_ =	sfence.sel $0xFFFF  }
0xd0: {  	[dreg:$0x0] =	wrdreg $0xFFFFFFFF;
	(pc) =	sbr.abs _section_cstart, $3  }
0xd1: {  	[dreg:$0x1] =	wrdreg $0xFFFFFFFF  }
0xd2: {  	_ =	task.clear_ibuf [dreg:s22], $0x2FFFF;
	_ =	strace $0x9FFFFFFF  }
0xd3: {  	(tm) =	ssettm $0x7FFFFFFF  }
tec
execute0_lowered:
.L_overlay_start_1:
0x0: {  	(tag) =	ssettag $0x1  }
0x1: {  	s0 =	rddreg [dreg:$0x0]  }
0x2: {  	s7 =	stileid.u32;
	s2 =	rddreg [dreg:$0x1]  }
0x3: {  	s13 =	srdreg.scid;
	s4 =	rddreg [dreg:$0x2]  }
0x4: {  	s3 =	simm.s32 $0x0;
	s19 =	simm.s32 $0x40;
	s20 =	simm.s32 $0x2B00  }
0x5: {  	s21 =	simm.s32 $0x3300;
	s22 =	simm.s32 $0x3B00;
	s23 =	simm.s32 $0x4300  }
0x6: {  	s24 =	simm.s32 $0x4B00;
	s11 =	simm.s32 $0x2;
	[dreg:$0x4] =	wrdreg s0  }
0x7: {  	s25 =	simm.s32 $0x5300;
	s26 =	simm.s32 $0x5B00;
	[smem:$0x7FF] =	sst s3  }
0x8: {  	s28 =	simm.s32 $0xC300;
	_ =	strace $0x8000005C;
	[dreg:$0x5] =	wrdreg s19  }
0x9: {  	s29 =	simm.s32 $0xCB00;
	s30 =	simm.s32 $0xD300;
	[dreg:$0x6] =	wrdreg s20  }
0xa: {  	s31 =	simm.s32 $0xDB00;
	s0 =	sand.u32 $0x1, s13;
	[dreg:$0x7] =	wrdreg s21  }
0xb: {  	s1 =	smul.u32 $0x280, s7;
	s6 =	sshll.u32 s7, $0x1;
	[dreg:$0x8] =	wrdreg s22  }
0xc: {  	s7 =	smul.u32 $0x2800, s7;
	s13 =	simm.s32 $0x300;
	[dreg:$0x9] =	wrdreg s23  }
0xd: {  	s5 =	smul.u32 $0x140, s0;
	s14 =	sor.u32 s0, s6;
	[dreg:$0xa] =	wrdreg s24  }
0xe: {  	s15 =	ssub.s32 $0x2, s0;
	s6 =	sadd.s32 $0x100, s2;
	[dreg:$0xb] =	wrdreg s25  }
0xf: {  	s0 =	smul.u32 $0x1400, s0;
	[dreg:$0xc] =	wrdreg s26;
	s19 =	simm.s32 $0x8300  }
0x10: {  	s20 =	simm.s32 $0x8B00;
	s21 =	simm.s32 $0x9300;
	s22 =	simm.s32 $0x9B00  }
0x11: {  	s23 =	simm.s32 $0xA300;
	s24 =	simm.s32 $0xAB00;
	s25 =	simm.s32 $0xB300  }
0x12: {  	s26 =	simm.s32 $0xBB00;
	s9 =	sadd.s32 s7, s4;
	s16 =	sshrl.u32 s15, $0x1  }
0x13: {  	s7 =	sadd.s32 $0x200, s2;
	s1 =	sadd.s32 s5, s1;
	s5 =	smul.u32 $0x140, s14  }
0x14: {  	s17 =	ssub.s32 s15, s16;
	s0 =	sadd.s32 s0, s9;
	s1 =	sshrl.u32 s1, $0x3  }
0x15: {  	s14 =	simm.s32 $0x2300;
	s0 =	sadd.s32 $0x4E8200, s0;
	s1 =	smul.u32 $0x300, s1  }
0x16: {  	s15 =	simm.s32 $0x6300;
	s5 =	sshrl.u32 s5, $0x3;
	[dreg:$0x10] =	wrdreg s0  }
0x17: {  	s1 =	sadd.s32 s1, s4;
	s4 =	sadd.s32 s4, s5;
	s5 =	smax.u32 s17, $0x1  }
0x18: {  	s16 =	simm.s32 $0x6B00;
	s18 =	sadd.s32 $0xD3600, s4;
	[dreg:$0xf] =	wrdreg s5  }
0x19: {  	v2 =	vlaneseq.u32;
	s0 =	simm.s32 $0x0;
	s4 =	sadd.s32 $0xD5000, s4;
	[dreg:$0xd] =	wrdreg s18  }
0x1a: {  	vm0 =	vmmov $0xffff;
	v1 =	vshrl.u32 v2, $0x3;
	s17 =	simm.s32 $0x7300;
	s1 =	sadd.s32 $0x510200, s1;
	[dreg:$0xe] =	wrdreg s4  }
0x1b: {  	v0 =	vand.u32 $0x7, v2;
	v2 =	vor.u32 $0x8, v2;
	v1 =	vmul.u32 $0x8, v1;
	[dreg:$0x11] =	wrdreg s1;
	s18 =	simm.s32 $0x7B00;
	s1 =	simm.s32 $0x1  }
.LBB2_1:
0x1c: {  	s4 =	rddreg [dreg:$0xd]  }
0x1d: {  	[tilespmem:s3], [sflag:$0x2] =	stream.linear.gather [hbm4b:s4+s3], $0x140, $0x38;
	[tilespmem:$0xE300] =	vst v63  }
0x1e: {  	_ =	swait.ge [sflag:s11], $0x140  }
0x1f: {  	[sflag:s11] =	ssyncset.done $0x0  }
0x20: {  	s5 =	simm.s32 $0x180;
	s12 =	rddreg [dreg:$0xe];
	[sflag:s11] =	ssyncadd.s32 $0xFFFFFEC0  }
0x21: {  	[tilespmem:s5], [sflag:$0x2] =	stream.linear.gather [hbm4b:s12+s3], $0x140, $0x38;
	[tilespmem:$0xE300] =	vst v63  }
0x22: {  	_ =	swait.ge [sflag:s11], $0x140  }
0x23: {  	[sflag:s11] =	ssyncset.done $0x0;
	s10 =	rddreg [dreg:$0x11]  }
0x24: {  	s5 =	simm.s32 $0x0;
	s9 =	rddreg [dreg:$0x10];
	[sflag:s11] =	ssyncadd.s32 $0xFFFFFEC0  }
.LBB2_2:
0x25: {  	s8 =	rddreg [dreg:$0x4]  }
0x26: {  	s4 =	rddreg [dreg:$0x5];
	s12 =	sshra.s32 s5, $0x2  }
0x27: {  	[tilespmem:s13], [sflag:$0x1] =	stream.indirect.gather [hbm4b:s8+s4], $0x80, s12, s4, $0xb8;
	[tilespmem:$0xE300] =	vst v63  }
0x28: {  	v3 =	vld [tilespmem:s12+$0x180];
	_ =	sdelay $0x4  }
0x29: {  	v4 =	vshrl.u32 v3, $0x3  }
0x2a: {  	v4 =	vmul.u32 $0x30, v4  }
0x2b: {  	v3 =	vand.u32 $0x7, v3  }
0x2c: {  	v3 =	vor.u32 v3, v4  }
0x2d: {  	v4 =	vperm.xlane v3, v0;
	_ =	sdelay $0x1  }
0x2e: {  	v4 =	vadd.s32 v1, v4;
	_ =	sdelay $0x3  }
0x2f: {  	v3 =	vperm.xlane v3, v2  }
0x30: {  	[tilespmem:s14], [sflag:$0x1] =	stream.indirect_vreg.gather [hbm4b:s2+s3], $0x80, v4, vm0, $0xb8;
	[tilespmem:$0xE300] =	vst v63  }
0x31: {  	s4 =	rddreg [dreg:$0x6];
	v3 =	vadd.s32 v1, v3  }
0x32: {  	[tilespmem:s4], [sflag:$0x1] =	stream.indirect_vreg.gather [hbm4b:s6+s3], $0x80, v4, vm0, $0xb8;
	[tilespmem:$0xE300] =	vst v63  }
0x33: {  	s8 =	rddreg [dreg:$0x7]  }
0x34: {  	[tilespmem:s8], [sflag:$0x1] =	stream.indirect_vreg.gather [hbm4b:s7+s3], $0x80, v4, vm0, $0xb8;
	[tilespmem:$0xE300] =	vst v63  }
0x35: {  	s4 =	rddreg [dreg:$0x8]  }
0x36: {  	[tilespmem:s4], [sflag:$0x1] =	stream.indirect_vreg.gather [hbm4b:s2+s3], $0x80, v3, vm0, $0xb8;
	[tilespmem:$0xE300] =	vst v63  }
0x37: {  	s8 =	rddreg [dreg:$0x9]  }
0x38: {  	[tilespmem:s8], [sflag:$0x1] =	stream.indirect_vreg.gather [hbm4b:s6+s3], $0x80, v3, vm0, $0xb8;
	[tilespmem:$0xE300] =	vst v63  }
0x39: {  	s4 =	rddreg [dreg:$0xa]  }
0x3a: {  	[tilespmem:s4], [sflag:$0x1] =	stream.indirect_vreg.gather [hbm4b:s7+s3], $0x80, v3, vm0, $0xb8;
	[tilespmem:$0xE300] =	vst v63  }
0x3b: {  	v3 =	vld [tilespmem:s12+$0x190];
	_ =	sdelay $0x4  }
0x3c: {  	v61 =	vshrl.u32 v3, $0x3  }
0x3d: {  	v4 =	vmul.u32 $0x30, v61  }
0x3e: {  	v3 =	vand.u32 $0x7, v3  }
0x3f: {  	v3 =	vor.u32 v3, v4  }
0x40: {  	v4 =	vperm.xlane v3, v0;
	_ =	sdelay $0x1  }
0x41: {  	v4 =	vadd.s32 v1, v4;
	_ =	sdelay $0x3  }
0x42: {  	s4 =	rddreg [dreg:$0xb];
	v3 =	vperm.xlane v3, v2  }
0x43: {  	[tilespmem:s4], [sflag:$0x1] =	stream.indirect_vreg.gather [hbm4b:s2+s3], $0x80, v4, vm0, $0xb8;
	[tilespmem:$0xE300] =	vst v63  }
0x44: {  	s8 =	rddreg [dreg:$0xc];
	v3 =	vadd.s32 v1, v3  }
0x45: {  	[tilespmem:s8], [sflag:$0x1] =	stream.indirect_vreg.gather [hbm4b:s6+s3], $0x80, v4, vm0, $0xb8;
	[tilespmem:$0xE300] =	vst v63  }
0x46: {  	_ = 	snop  }
0x47: {  	[tilespmem:s15], [sflag:$0x1] =	stream.indirect_vreg.gather [hbm4b:s7+s3], $0x80, v4, vm0, $0xb8;
	[tilespmem:$0xE300] =	vst v63  }
0x48: {  	_ = 	snop  }
0x49: {  	[tilespmem:s16], [sflag:$0x1] =	stream.indirect_vreg.gather [hbm4b:s2+s3], $0x80, v3, vm0, $0xb8;
	[tilespmem:$0xE300] =	vst v63  }
0x4a: {  	_ = 	snop  }
0x4b: {  	[tilespmem:s17], [sflag:$0x1] =	stream.indirect_vreg.gather [hbm4b:s6+s3], $0x80, v3, vm0, $0xb8;
	[tilespmem:$0xE300] =	vst v63  }
0x4c: {  	_ = 	snop  }
0x4d: {  	[tilespmem:s18], [sflag:$0x1] =	stream.indirect_vreg.gather [hbm4b:s7+s3], $0x80, v3, vm0, $0xb8;
	[tilespmem:$0xE300] =	vst v63  }
0x4e: {  	v3 =	vld [tilespmem:s12+$0x1A0];
	_ =	sdelay $0x4  }
0x4f: {  	v62 =	vshrl.u32 v3, $0x3  }
0x50: {  	v4 =	vmul.u32 $0x30, v62  }
0x51: {  	v3 =	vand.u32 $0x7, v3  }
0x52: {  	v3 =	vor.u32 v3, v4  }
0x53: {  	v4 =	vperm.xlane v3, v0;
	_ =	sdelay $0x1  }
0x54: {  	v4 =	vadd.s32 v1, v4;
	_ =	sdelay $0x3  }
0x55: {  	v3 =	vperm.xlane v3, v2  }
0x56: {  	[tilespmem:s19], [sflag:$0x1] =	stream.indirect_vreg.gather [hbm4b:s2+s3], $0x80, v4, vm0, $0xb8;
	[tilespmem:$0xE300] =	vst v63  }
0x57: {  	v3 =	vadd.s32 v1, v3  }
0x58: {  	[tilespmem:s20], [sflag:$0x1] =	stream.indirect_vreg.gather [hbm4b:s6+s3], $0x80, v4, vm0, $0xb8;
	[tilespmem:$0xE300] =	vst v63  }
0x59: {  	_ = 	snop  }
0x5a: {  	[tilespmem:s21], [sflag:$0x1] =	stream.indirect_vreg.gather [hbm4b:s7+s3], $0x80, v4, vm0, $0xb8;
	[tilespmem:$0xE300] =	vst v63  }
0x5b: {  	_ = 	snop  }
0x5c: {  	[tilespmem:s22], [sflag:$0x1] =	stream.indirect_vreg.gather [hbm4b:s2+s3], $0x80, v3, vm0, $0xb8;
	[tilespmem:$0xE300] =	vst v63  }
0x5d: {  	_ = 	snop  }
0x5e: {  	[tilespmem:s23], [sflag:$0x1] =	stream.indirect_vreg.gather [hbm4b:s6+s3], $0x80, v3, vm0, $0xb8;
	[tilespmem:$0xE300] =	vst v63  }
0x5f: {  	_ = 	snop  }
0x60: {  	[tilespmem:s24], [sflag:$0x1] =	stream.indirect_vreg.gather [hbm4b:s7+s3], $0x80, v3, vm0, $0xb8;
	[tilespmem:$0xE300] =	vst v63  }
0x61: {  	v3 =	vld [tilespmem:s12+$0x1B0];
	_ =	sdelay $0x4  }
0x62: {  	v63 =	vshrl.u32 v3, $0x3  }
0x63: {  	v4 =	vmul.u32 $0x30, v63  }
0x64: {  	v3 =	vand.u32 $0x7, v3  }
0x65: {  	v3 =	vor.u32 v3, v4  }
0x66: {  	v4 =	vperm.xlane v3, v0;
	_ =	sdelay $0x1  }
0x67: {  	v4 =	vadd.s32 v1, v4;
	_ =	sdelay $0x3  }
0x68: {  	v3 =	vperm.xlane v3, v2  }
0x69: {  	[tilespmem:s25], [sflag:$0x1] =	stream.indirect_vreg.gather [hbm4b:s2+s3], $0x80, v4, vm0, $0xb8;
	[tilespmem:$0xE300] =	vst v63  }
0x6a: {  	v3 =	vadd.s32 v1, v3  }
0x6b: {  	[tilespmem:s26], [sflag:$0x1] =	stream.indirect_vreg.gather [hbm4b:s6+s3], $0x80, v4, vm0, $0xb8;
	[tilespmem:$0xE300] =	vst v63  }
0x6c: {  	_ = 	snop  }
0x6d: {  	[tilespmem:s28], [sflag:$0x1] =	stream.indirect_vreg.gather [hbm4b:s7+s3], $0x80, v4, vm0, $0xb8;
	[tilespmem:$0xE300] =	vst v63  }
0x6e: {  	_ = 	snop  }
0x6f: {  	[tilespmem:s29], [sflag:$0x1] =	stream.indirect_vreg.gather [hbm4b:s2+s3], $0x80, v3, vm0, $0xb8;
	[tilespmem:$0xE300] =	vst v63  }
0x70: {  	_ = 	snop  }
0x71: {  	[tilespmem:s30], [sflag:$0x1] =	stream.indirect_vreg.gather [hbm4b:s6+s3], $0x80, v3, vm0, $0xb8;
	[tilespmem:$0xE300] =	vst v63  }
0x72: {  	_ = 	snop  }
0x73: {  	[tilespmem:s31], [sflag:$0x1] =	stream.indirect_vreg.gather [hbm4b:s7+s3], $0x80, v3, vm0, $0xb8;
	[tilespmem:$0xE300] =	vst v63  }
0x74: {  	_ =	swait.ge [sflag:s1], $0x2000  }
0x75: {  	[sflag:s1] =	ssyncset.done $0x0  }
0x76: {  	[sflag:s1] =	ssyncadd.s32 $0xFFFFE000  }
0x77: {  	_ =	swait.ge [sflag:s1], $0xC000  }
0x78: {  	[sflag:s1] =	ssyncset.done $0x0  }
0x79: {  	[sflag:s1] =	ssyncadd.s32 $0xFFFF4000  }
0x7a: {  	[hbm4b:s9+s3] =	stream.linear.scatter [tilespmem:s13], [sflag:$0x2], $0x2000, $0x38;
	[tilespmem:$0xE300] =	vst v63  }
0x7b: {  	_ =	swait.ge [sflag:s11], $0x2000  }
0x7c: {  	p0 =	sne.s32 s5, $0x400;
	[sflag:s11] =	ssyncset.done $0x0  }
.Ltmp0:
0x7d: {  	[sflag:s11] =	ssyncadd.s32 $0xFFFFE000;
	(pc) =	sbr.rel @p0 .LBB2_2-.Ltmp0, $4  }
0x7e: {  	[hbm4b:s10+s3] =	stream.linear.scatter [tilespmem:s14], [sflag:$0x2], $0xC000, $0x38;
	[tilespmem:$0xE300] =	vst v63  }
0x7f: {  	_ =	swait.ge [sflag:s11], $0xC000  }
0x80: {  	s5 =	sadd.s32 $0x100, s5;
	[sflag:s11] =	ssyncset.done $0x0  }
0x81: {  	s9 =	sadd.s32 $0x400, s9;
	s10 =	sadd.s32 $0x1800, s10;
	[sflag:s11] =	ssyncadd.s32 $0xFFFF4000  }
0x82: {  	s0 =	sadd.s32 $0x1, s0;
	s4 =	rddreg [dreg:$0xf]  }
0x83: {  	p0 =	sne.s32 s0, s4  }
.Ltmp1:
0x84: {  	_ = 	snop;
	(pc) =	sbr.rel @p0 .LBB2_1-.Ltmp1, $1  }
0x85: {  	_ =	sdelay $0x3  }
0x86: {  	_ =	sfence.sel $0x180000  }
0x87: {  	[bflag:$0x0] =	sbarrier.arrive $0xFFFF  }
0x88: {  	_ =	strace $0x9000005C  }
0x89: {  	s0 =	stileid.u32;
	[bflag:$0x2] =	sbarrier.arrive $0xFFFF  }
0x8a: {  	p0 =	sne.s32 s0, $0x0;
	s0 =	rddreg [dreg:$0x3]  }
0x8b: {  	s0 =	sadd.s32 @!p0 $0x100000, s0  }
0x8c: {  	[sflag:s0] =	ssyncadd.tile.s32 @!p0 $0x1;
	_ =	shalt  }
.Lfunc_end2:
_tile_overlayer_lowered:
.L_overlay_start_2:
0x8d: {  	(tag) =	ssettag $0x2  }
0x8e: {  	s0 =	rddreg [dreg:$0x0];
	s2 =	stileid.u32  }
0x8f: {  	s1 =	rddreg [dreg:$0x1];
	p0 =	sne.s32 s2, $0x0  }
0x90: {  	s3 =	rddreg [dreg:$0x2];
	[bflag:$0x3] =	sbarrier.arrive $0xFFFF;
	s2 =	simm.s32 @!p0 $0x1C02  }
0x91: {  	[timem:s3], [sflag:s2] =	dma.local @!p0 [hbm:s0], s1  }
0x92: {  	s0 =	simm.s32 @!p0 $0x2  }
0x93: {  	_ =	swait.ge @!p0 [sflag:s0], s1  }
0x94: {  	s1 =	ssub.s32 @!p0 $0x0, s1;
	[sflag:s0] =	ssyncset.done @!p0 $0x0  }
0x95: {  	[sflag:s0] =	ssyncadd.s32 @!p0 s1  }
0x96: {  	[bflag:$0x3] =	sbarrier.arrive $0xFFFF  }
0x97: {  	_ =	shalt  }

// kernel: kernel.32.cloned.1.call-start
scs
__scs_entry_jumppad:
0x0: {  	(pc) =	sbr.rel $0x88, $3  }
0x1: {  	(tag) =	ssettag $0x0;
	lr =	simm.s32 $0x1  }
0x2: {  	[smem:$0x3F93] =	sst lr;
	_ =	strace $0xD0000000  }
0x3: {  	_ = 	snop  }
0x4: {  	_ = 	snop  }
0x5: {  	_ = 	snop  }
0x6: {  	_ = 	snop  }
0x7: {  	_ = 	snop  }
__scs_overlays_trampoline_lowered:
0x8: {  	[smem:$0x3FA2] =	sst s0  }
0x9: {  	[smem:$0x3FA3] =	sst s1  }
0xa: {  	[smem:$0x3FA4] =	sst s2  }
0xb: {  	[smem:$0x3FA5] =	sst s3  }
0xc: {  	[smem:$0x3FA6] =	sst s4  }
0xd: {  	[smem:$0x3FA7] =	sst s5  }
0xe: {  	[smem:$0x3FA8] =	sst s6  }
0xf: {  	[smem:$0x3FA9] =	sst s7  }
0x10: {  	[smem:$0x3FAA] =	sst s8  }
0x11: {  	[smem:$0x3FAB] =	sst s9;
	s0 =	simm.s32 @!p0 $0x0  }
0x12: {  	s1 =	sld [smem:$0x3F91];
	s0 =	simm.s32 @p0 $0x1  }
0x13: {  	[smem:$0x3FAC] =	sst s0;
	s0 =	simm.s32 @!p1 $0x0  }
0x14: {  	s2 =	sld [smem:$0x3F90];
	s0 =	simm.s32 @p1 $0x1  }
0x15: {  	[smem:$0x3FAD] =	sst s0;
	s0 =	simm.s32 @!p2 $0x0  }
0x16: {  	s3 =	sld [smem:$0x3FDB];
	s0 =	simm.s32 @p2 $0x1  }
0x17: {  	s4 =	simm.s32 $0x1BF5;
	[smem:$0x3FAF] =	sst s0  }
0x18: {  	s0 =	sld [smem:$0x3F92];
	_ =	swait.ge [sflag:s4], $0x0  }
0x19: {  	s7 =	sld [smem:$0x3F93]  }
0x1a: {  	s8 =	sadd.s32 $0xFFFFE003, lr  }
0x1b: {  	s9 =	sadd.s32 $0xFFFFFEF7, lr;
	s5 =	simm.s32 $0xFFFFFFFF;
	p2 =	slt.u32 s8, $0xFFFFF086  }
0x1c: {  	p1 =	slt.u32 s9, $0xF7A;
	s5 =	simm.s32 @!p2 $0x0  }
0x1d: {  	s5 =	simm.s32 @p1 $0x1;
	p0 =	seq.s32 s7, s2  }
0x1e: {  	s7 =	smul.u32 @!p0 $0xF7A, s2;
	p2 =	seq.s32 @!p0 s5, $0x0  }
0x1f: {  	s9 =	smul.u32 $0xF7A, s1;
	s8 =	simm.s32 @!p0 $0x1BF5;
	p2 =	por !p2, p0  }
0x20: {  	[sflag:s8] =	ssyncset.s32 @!p0 $0xFFFFF086;
	s6 =	sadd.s32 @!p0 s3, s7;
	s7 =	simm.s32 @!p0 $0x108  }
0x21: {  	s3 =	sadd.s32 s3, s9;
	s6 =	sadd.s32 @!p0 $0x88, s6;
	s7 =	simm.s32 @p2 $0x1082  }
0x22: {  	[simem:s7], [sflag:s8] =	dma.local @!p0 [hbm:s6], $0xF7A  }
0x23: {  	s9 =	sor.u32 $0xD0000000, s2;
	s6 =	simm.s32 $0x108;
	_ =	swait.ge @!p0 [sflag:s8], $0x0  }
0x24: {  	s3 =	sadd.s32 $0x88, s3;
	s6 =	simm.s32 @!p1 $0x1082;
	[sflag:s4] =	ssyncset.s32 $0xFFFFF086  }
0x25: {  	[simem:s6], [sflag:s4] =	dma.local [hbm:s3], $0xF7A  }
0x26: {  	[smem:$0x3F93] =	sst s1;
	(tag) =	ssettag s2;
	_ =	strace s9  }
0x27: {  	s1 =	sld [smem:$0x3FA3]  }
0x28: {  	s2 =	sld [smem:$0x3FA4]  }
0x29: {  	s4 =	sld [smem:$0x3FA6]  }
0x2a: {  	p0 =	seq.s32 s5, $0x0;
	s5 =	sld [smem:$0x3FA7]  }
0x2b: {  	s6 =	sld [smem:$0x3FA8]  }
0x2c: {  	s7 =	sld [smem:$0x3FA9]  }
0x2d: {  	s3 =	simm.s32 $0x108;
	s8 =	sld [smem:$0x3FAA]  }
0x2e: {  	s3 =	simm.s32 @!p0 $0x1082;
	s9 =	sld [smem:$0x3FAB]  }
0x2f: {  	lr =	sadd.s32 s0, s3;
	s0 =	sld [smem:$0x3FA2]  }
0x30: {  	s3 =	sld [smem:$0x3FA5]  }
0x31: {  	[smem:$0x3FAE] =	sst s10  }
0x32: {  	s10 =	sld [smem:$0x3FAC];
	_ =	sdelay $0x3  }
0x33: {  	p0 =	seq.s32 s10, $0x1;
	s10 =	sld [smem:$0x3FAE];
	_ =	sdelay $0x3  }
0x34: {  	[smem:$0x3FAE] =	sst s10  }
0x35: {  	s10 =	sld [smem:$0x3FAD];
	_ =	sdelay $0x3  }
0x36: {  	p1 =	seq.s32 s10, $0x1;
	s10 =	sld [smem:$0x3FAE];
	_ =	sdelay $0x3  }
0x37: {  	[smem:$0x3FAE] =	sst s10  }
0x38: {  	s10 =	sld [smem:$0x3FAF]  }
0x39: {  	_ = 	snop;
	(pc) =	sbr.ind lr, $3  }
0x3a: {  	_ = 	snop  }
0x3b: {  	_ = 	snop  }
0x3c: {  	p2 =	seq.s32 s10, $0x1;
	s10 =	sld [smem:$0x3FAE]  }
0x3d: {  	_ =	shalt  }
0x3e: {  	_ =	shalt  }
0x3f: {  	_ =	shalt  }
0x40: {  	_ =	shalt  }
0x41: {  	_ =	shalt  }
0x42: {  	_ =	shalt  }
0x43: {  	_ =	shalt  }
0x44: {  	_ =	shalt  }
0x45: {  	_ =	shalt  }
0x46: {  	_ =	shalt  }
0x47: {  	_ =	shalt  }
0x48: {  	_ =	shalt  }
0x49: {  	_ =	shalt  }
0x4a: {  	_ =	shalt  }
0x4b: {  	_ =	shalt  }
0x4c: {  	_ =	shalt  }
0x4d: {  	_ =	shalt  }
0x4e: {  	_ =	shalt  }
0x4f: {  	_ =	shalt  }
0x50: {  	_ =	shalt  }
0x51: {  	_ =	shalt  }
0x52: {  	_ =	shalt  }
0x53: {  	_ =	shalt  }
0x54: {  	_ =	shalt  }
0x55: {  	_ =	shalt  }
0x56: {  	_ =	shalt  }
0x57: {  	_ =	shalt  }
0x58: {  	_ =	shalt  }
0x59: {  	_ =	shalt  }
0x5a: {  	_ =	shalt  }
0x5b: {  	_ =	shalt  }
0x5c: {  	_ =	shalt  }
0x5d: {  	_ =	shalt  }
0x5e: {  	_ =	shalt  }
0x5f: {  	_ =	shalt  }
0x60: {  	_ =	shalt  }
0x61: {  	_ =	shalt  }
0x62: {  	_ =	shalt  }
0x63: {  	_ =	shalt  }
0x64: {  	_ =	shalt  }
0x65: {  	_ =	shalt  }
0x66: {  	_ =	shalt  }
0x67: {  	_ =	shalt  }
0x68: {  	_ =	shalt  }
0x69: {  	_ =	shalt  }
0x6a: {  	_ =	shalt  }
0x6b: {  	_ =	shalt  }
0x6c: {  	_ =	shalt  }
0x6d: {  	_ =	shalt  }
0x6e: {  	_ =	shalt  }
0x6f: {  	_ =	shalt  }
0x70: {  	_ =	shalt  }
0x71: {  	_ =	shalt  }
0x72: {  	_ =	shalt  }
0x73: {  	_ =	shalt  }
0x74: {  	_ =	shalt  }
0x75: {  	_ =	shalt  }
0x76: {  	_ =	shalt  }
0x77: {  	_ =	shalt  }
0x78: {  	_ =	shalt  }
0x79: {  	_ =	shalt  }
0x7a: {  	_ =	shalt  }
0x7b: {  	_ =	shalt  }
0x7c: {  	_ =	shalt  }
0x7d: {  	_ =	shalt  }
0x7e: {  	_ =	shalt  }
0x7f: {  	_ =	shalt  }
0x80: {  	_ =	shalt  }
0x81: {  	_ =	shalt  }
0x82: {  	_ =	shalt  }
0x83: {  	_ =	shalt  }
0x84: {  	_ =	shalt  }
0x85: {  	_ =	shalt  }
0x86: {  	_ =	shalt  }
0x87: {  	_ =	shalt  }
.Lfunc_end0:
.L_simem_size_0:
called_computation.5_lowered:
.L_overlay_start_0:
0x88: {  	s2 =	sld [smem:$0x3FD9]  }
0x89: {  	s3 =	sld [smem:$0x3FFE];
	_ =	sdelay $0x1  }
0x8a: {  	s1 =	srdreg.scid  }
0x8b: {  	s0 =	sand.u32 $0x1, s1  }
0x8c: {  	s17 =	sshll.u32 s0, $0xA;
	s2 =	sadd.s32 s3, s2  }
0x8d: {  	s2 =	sadd.s32 s2, s17  }
0x8e: {  	[smem:$0x3FBA] =	sst s2  }
0x8f: {  	_ = 	snop  }
0x90: {  	(tm) =	ssettm $0x1  }
0x91: {  	s18 =	sld [smem:$0x3FFB];
	_ =	sdelay $0x3  }
0x92: {  	_ =	strace s18  }
0x93: {  	s2 =	sld [smem:$0x3FFC];
	_ =	sdelay $0x3  }
0x94: {  	_ =	strace s2  }
0x95: {  	s2 =	sld [smem:$0x3FFD];
	_ =	sdelay $0x3  }
0x96: {  	_ =	strace s2  }
0x97: {  	_ =	strace $0x8FFFFFFF  }
0x98: {  	s19 =	sld [smem:$0x3FDB];
	_ =	sdelay $0x1  }
0x99: {  	s20 =	simm.s32 $_scs_section_size  }
0x9a: {  	s4 =	simm.s32 $_size__tile_overlayer_lowered;
	s5 =	simm.s32 $_tile_overlayer_lowered  }
0x9b: {  	s6 =	simm.s32 $0x1BFF;
	s21 =	sshll.u32 s5, $0x1;
	s3 =	sadd.s32 s20, s19  }
0x9c: {  	s22 =	simm.s32 $0x0;
	s4 =	sshll.u32 s4, $0x1;
	s5 =	sadd.s32 s21, s3  }
0x9d: {  	[timem:s22], [sflag:s6] =	dma.local [hbm:s5], s4  }
0x9e: {  	_ =	swait.ge [sflag:s6], s4  }
0x9f: {  	s4 =	ssub.s32 $0x0, s4;
	[sflag:s6] =	ssyncset.done $0x0  }
0xa0: {  	[sflag:s6] =	ssyncadd.s32 s4;
	_ =	sdelay $0x1  }
0xa1: {  	s23 =	simm.s32 $0x1B8B  }
0xa2: {  	_ =	swait.ge [sflag:s23], $0x1  }
0xa3: {  	[sflag:s23] =	ssyncset.done $0x0  }
0xa4: {  	[sflag:s23] =	ssyncadd.s32 $0xFFFFFFFF  }
0xa5: {  	s4 =	sld [smem:$0x0]  }
0xa6: {  	s5 =	sand.u32 $0xFFFFFFFE, s1  }
0xa7: {  	p0 =	sne.s32 s1, s5  }
0xa8: {  	s5 =	sshll.u32 @p0 s5, $0xE  }
0xa9: {  	s5 =	sadd.s32 @p0 $0x11B8D, s5;
	s6 =	sshll.u32 @p0 s4, $0x11  }
0xaa: {  	s5 =	sor.u32 @p0 s6, s5  }
0xab: {  	[sflag:s5] =	ssyncadd.remote.s32 @p0 $0x1;
	_ =	sdelay $0x1  }
0xac: {  	s5 =	simm.s32 @p0 $0x1B8D  }
0xad: {  	_ =	swait.eq @p0 [sflag:s5], $0x1  }
0xae: {  	[sflag:s5] =	ssyncadd.s32 @p0 $0xFFFFFFFF  }
0xaf: {  	s6 =	sshll.u32 @!p0 s1, $0xE  }
0xb0: {  	s6 =	sor.u32 @!p0 $0x4000, s6;
	s5 =	simm.s32 @!p0 $0x1B8D  }
0xb1: {  	s4 =	sshll.u32 @!p0 s4, $0x11;
	s6 =	sadd.s32 @!p0 $0x11B8D, s6;
	_ =	swait.eq @!p0 [sflag:s5], $0x1  }
0xb2: {  	s4 =	sor.u32 @!p0 s4, s6;
	[sflag:s5] =	ssyncadd.s32 @!p0 $0xFFFFFFFF  }
0xb3: {  	s25 =	simm.s32 $0x1B8E;
	s24 =	sld [smem:$0x3FFE];
	[sflag:s4] =	ssyncadd.remote.s32 @!p0 $0x1  }
0xb4: {  	s26 =	simm.s32 $execute0_lowered;
	[smem:$0x3FD2] =	sst s25  }
0xb5: {  	s5 =	sshll.u32 s26, $0x1;
	_ =	strace $0x8000004C;
	[dreg:$0x1] =	wrdreg $0xFFFFFFFF  }
0xb6: {  	s28 =	simm.s32 $_size_execute0_lowered;
	s3 =	sadd.s32 s3, s5;
	[dreg:$0x0] =	wrdreg $0x0  }
0xb7: {  	s5 =	sshll.u32 s28, $0x1;
	[dreg:$0x2] =	wrdreg s3  }
0xb8: {  	[dreg:$0x3] =	wrdreg s5  }
0xb9: {  	[dreg:$0x4] =	wrdreg $0xC0  }
0xba: {  	_ =	task [dreg:s22], $0x5FFFF  }
0xbb: {  	[dreg:$0x1] =	wrdreg $0xFFFFFFFF  }
0xbc: {  	[dreg:$0x0] =	wrdreg $0x60  }
0xbd: {  	[dreg:$0x2] =	wrdreg s24  }
0xbe: {  	[dreg:$0x3] =	wrdreg $0xE  }
0xbf: {  	_ =	task.clear_ibuf [dreg:s22], $0x4FFFF;
	_ =	strace $0x9000004C  }
0xc0: {  	s29 =	simm.s32 $0xE;
	_ =	strace $0x8000004E  }
0xc1: {  	_ =	swait.ge [sflag:s29], $0x1  }
0xc2: {  	[sflag:s29] =	ssyncadd.s32 $0xFFFFFFFF  }
0xc3: {  	_ =	strace $0x9000004E  }
0xc4: {  	_ =	sfence  }
0xc5: {  	s30 =	sld [smem:$0x0];
	_ =	sdelay $0x2  }
0xc6: {  	s31 =	sshll.u32 s1, $0xD;
	s1 =	sshrl.u32 s1, $0x2  }
0xc7: {  	s4 =	sand.u32 $0x4000, s31;
	s1 =	sadd.s32 s1, s30  }
0xc8: {  	s0 =	sor.u32 s4, s0;
	s1 =	sshll.u32 s1, $0x11  }
0xc9: {  	s0 =	sor.u32 s1, s0  }
0xca: {  	s0 =	sadd.s32 $0x8F2B, s0  }
0xcb: {  	[sflag:s0] =	ssyncadd.remote.s32 $0x1  }
0xcc: {  	_ =	sfence.sel $0xFFFF  }
0xcd: {  	[dreg:$0x0] =	wrdreg $0xFFFFFFFF;
	(pc) =	sbr.abs _section_cstart, $3  }
0xce: {  	[dreg:$0x1] =	wrdreg $0xFFFFFFFF  }
0xcf: {  	_ =	task.clear_ibuf [dreg:s22], $0x2FFFF;
	_ =	strace $0x9FFFFFFF  }
0xd0: {  	(tm) =	ssettm $0x7FFFFFFF  }
0xd1: {  	_ =	shalt  }
tec
execute0_lowered:
.L_overlay_start_1:
0x0: {  	(tag) =	ssettag $0x1  }
0x1: {  	s6 =	rddreg [dreg:$0x0]  }
0x2: {  	s0 =	rddreg [dreg:$0x1]  }
0x3: {  	s2 =	simm.s32 $0x0;
	s1 =	stileid.u32;
	s3 =	srdreg.scid  }
0x4: {  	s17 =	simm.s32 $0x3C0;
	s18 =	simm.s32 $0x13C0;
	s7 =	smul.u32 $0x1400, s1  }
0x5: {  	s19 =	simm.s32 $0x1BC0;
	s20 =	simm.s32 $0x1;
	s8 =	smul.u32 $0xA00, s1  }
0x6: {  	s21 =	simm.s32 $0x0;
	s9 =	sand.u32 $0x1, s3;
	s10 =	smul.u32 $0x500, s1  }
0x7: {  	[smem:$0x7FF] =	sst s2;
	s3 =	sadd.s32 $0x19E800, s6;
	s29 =	smul.u32 $0x280, s9  }
0x8: {  	s4 =	sshll.u32 s1, $0x1;
	s5 =	sadd.s32 $0x200400, s6;
	s15 =	smul.u32 $0x500, s9  }
0x9: {  	_ =	strace $0x8000004D;
	s11 =	sor.u32 s9, s4;
	s16 =	smul.u32 $0xA00, s9  }
0xa: {  	s4 =	sadd.s32 $0xDB200, s6;
	s26 =	ssub.s32 $0x2, s9;
	s11 =	smul.u32 $0x140, s11  }
0xb: {  	s12 =	sadd.s32 s7, s6;
	s10 =	sadd.s32 s10, s6;
	s14 =	sshrl.u32 s26, $0x1  }
0xc: {  	s13 =	sadd.s32 s8, s6;
	s14 =	ssub.s32 s26, s14;
	s30 =	sadd.s32 s29, s10  }
0xd: {  	s31 =	sadd.s32 s15, s13;
	s12 =	sadd.s32 s16, s12;
	s13 =	simm.s32 $0x2  }
0xe: {  	s15 =	simm.s32 $0x280;
	s16 =	simm.s32 $0x40;
	s28 =	sshrl.u32 s11, $0x3  }
0xf: {  	s9 =	sadd.s32 $0x277200, s30;
	s10 =	smax.u32 s14, $0x1;
	s11 =	sadd.s32 $0x27C200, s31  }
0x10: {  	s12 =	sadd.s32 $0x286200, s12;
	s14 =	simm.s32 $0x140;
	s8 =	sadd.s32 s6, s28  }
0x11: {  	s6 =	sadd.s32 $0xDA200, s8;
	s7 =	sadd.s32 $0xD8800, s8;
	s8 =	sadd.s32 $0xD6E00, s8  }
.LBB2_1:
0x12: {  	[tilespmem:s2], [sflag:$0x2] =	stream.linear.gather [hbm4b:s6+s2], $0x140, $0x38;
	[tilespmem:$0x1FC0] =	vst v63  }
0x13: {  	_ =	swait.ge [sflag:s13], $0x140  }
0x14: {  	[sflag:s13] =	ssyncset.done $0x0  }
0x15: {  	[sflag:s13] =	ssyncadd.s32 $0xFFFFFEC0  }
0x16: {  	[tilespmem:s14], [sflag:$0x2] =	stream.linear.gather [hbm4b:s7+s2], $0x140, $0x38;
	[tilespmem:$0x1FC0] =	vst v63  }
0x17: {  	_ =	swait.ge [sflag:s13], $0x140  }
0x18: {  	[sflag:s13] =	ssyncset.done $0x0  }
0x19: {  	[sflag:s13] =	ssyncadd.s32 $0xFFFFFEC0  }
0x1a: {  	[tilespmem:s15], [sflag:$0x2] =	stream.linear.gather [hbm4b:s8+s2], $0x140, $0x38;
	[tilespmem:$0x1FC0] =	vst v63  }
0x1b: {  	_ =	swait.ge [sflag:s13], $0x140  }
0x1c: {  	[sflag:s13] =	ssyncset.done $0x0  }
0x1d: {  	s22 =	simm.s32 $0x0;
	[sflag:s13] =	ssyncadd.s32 $0xFFFFFEC0  }
0x1e: {  	[tilespmem:s17], [sflag:$0x1] =	stream.indirect.gather [hbm4b:s4+s16], $0x40, s22, s16, $0xb8;
	[tilespmem:$0x1FC0] =	vst v63  }
0x1f: {  	s29 =	simm.s32 $0x140  }
0x20: {  	[tilespmem:s18], [sflag:$0x1] =	stream.indirect.gather [hbm4b:s3+s16], $0x20, s29, s16, $0xb8;
	[tilespmem:$0x1FC0] =	vst v63  }
0x21: {  	s30 =	simm.s32 $0x280  }
0x22: {  	[tilespmem:s19], [sflag:$0x1] =	stream.indirect.gather [hbm4b:s5+s16], $0x10, s30, s16, $0xb8;
	[tilespmem:$0x1FC0] =	vst v63  }
0x23: {  	_ =	swait.ge [sflag:s20], $0x1000  }
0x24: {  	[sflag:s20] =	ssyncset.done $0x0  }
0x25: {  	[sflag:s20] =	ssyncadd.s32 $0xFFFFF000  }
0x26: {  	_ =	swait.ge [sflag:s20], $0x800  }
0x27: {  	[sflag:s20] =	ssyncset.done $0x0  }
0x28: {  	[sflag:s20] =	ssyncadd.s32 $0xFFFFF800  }
0x29: {  	_ =	swait.ge [sflag:s20], $0x400  }
0x2a: {  	[sflag:s20] =	ssyncset.done $0x0  }
0x2b: {  	[sflag:s20] =	ssyncadd.s32 $0xFFFFFC00  }
0x2c: {  	[hbm4b:s12+s2] =	stream.linear.scatter [tilespmem:s17], [sflag:$0x2], $0x1000, $0x38;
	[tilespmem:$0x1FC0] =	vst v63  }
0x2d: {  	_ =	swait.ge [sflag:s13], $0x1000  }
0x2e: {  	[sflag:s13] =	ssyncset.done $0x0  }
0x2f: {  	s31 =	sadd.s32 $0x0, s11;
	[sflag:s13] =	ssyncadd.s32 $0xFFFFF000  }
0x30: {  	[hbm4b:s31+s2] =	stream.linear.scatter [tilespmem:s18], [sflag:$0x2], $0x800, $0x38;
	[tilespmem:$0x1FC0] =	vst v63  }
0x31: {  	_ =	swait.ge [sflag:s13], $0x800  }
0x32: {  	[sflag:s13] =	ssyncset.done $0x0  }
0x33: {  	[sflag:s13] =	ssyncadd.s32 $0xFFFFF800  }
0x34: {  	[hbm4b:s9+s2] =	stream.linear.scatter [tilespmem:s19], [sflag:$0x2], $0x400, $0x38;
	[tilespmem:$0x1FC0] =	vst v63  }
0x35: {  	s23 =	simm.s32 $0x100;
	s25 =	simm.s32 $0x200;
	_ =	swait.ge [sflag:s13], $0x400  }
0x36: {  	s24 =	sadd.s32 $0x200, s12;
	s22 =	sadd.s32 $0x80, s9;
	[sflag:s13] =	ssyncset.done $0x0  }
.LBB2_2:
0x37: {  	s26 =	sshra.s32 s23, $0x2  }
0x38: {  	[sflag:s13] =	ssyncadd.s32 $0xFFFFFC00;
	s28 =	smov.u32 s25;
	s29 =	sadd.s32 $0x100, s25  }
0x39: {  	[tilespmem:s17], [sflag:$0x1] =	stream.indirect.gather [hbm4b:s4+s16], $0x40, s26, s16, $0xb8;
	[tilespmem:$0x1FC0] =	vst v63  }
0x3a: {  	p0 =	sne.s32 s25, $0x400;
	s25 =	sadd.s32 $0x140, s26  }
0x3b: {  	[tilespmem:s18], [sflag:$0x1] =	stream.indirect.gather [hbm4b:s3+s16], $0x20, s25, s16, $0xb8;
	[tilespmem:$0x1FC0] =	vst v63  }
0x3c: {  	s25 =	sadd.s32 $0x280, s26  }
0x3d: {  	[tilespmem:s19], [sflag:$0x1] =	stream.indirect.gather [hbm4b:s5+s16], $0x10, s25, s16, $0xb8;
	[tilespmem:$0x1FC0] =	vst v63  }
0x3e: {  	_ =	swait.ge [sflag:s20], $0x1000  }
0x3f: {  	[sflag:s20] =	ssyncset.done $0x0  }
0x40: {  	[sflag:s20] =	ssyncadd.s32 $0xFFFFF000  }
0x41: {  	_ =	swait.ge [sflag:s20], $0x800  }
0x42: {  	[sflag:s20] =	ssyncset.done $0x0  }
0x43: {  	[sflag:s20] =	ssyncadd.s32 $0xFFFFF800  }
0x44: {  	_ =	swait.ge [sflag:s20], $0x400  }
0x45: {  	[sflag:s20] =	ssyncset.done $0x0  }
0x46: {  	[sflag:s20] =	ssyncadd.s32 $0xFFFFFC00  }
0x47: {  	[hbm4b:s24+s2] =	stream.linear.scatter [tilespmem:s17], [sflag:$0x2], $0x1000, $0x38;
	[tilespmem:$0x1FC0] =	vst v63  }
0x48: {  	_ =	swait.ge [sflag:s13], $0x1000  }
0x49: {  	[sflag:s13] =	ssyncset.done $0x0  }
0x4a: {  	s25 =	sadd.s32 s23, s11;
	s23 =	smov.u32 s28;
	[sflag:s13] =	ssyncadd.s32 $0xFFFFF000  }
0x4b: {  	[hbm4b:s25+s2] =	stream.linear.scatter [tilespmem:s18], [sflag:$0x2], $0x800, $0x38;
	[tilespmem:$0x1FC0] =	vst v63  }
0x4c: {  	_ =	swait.ge [sflag:s13], $0x800  }
.Ltmp0:
0x4d: {  	[sflag:s13] =	ssyncset.done $0x0;
	(pc) =	sbr.rel @p0 .LBB2_2-.Ltmp0, $4  }
0x4e: {  	[sflag:s13] =	ssyncadd.s32 $0xFFFFF800  }
0x4f: {  	[hbm4b:s22+s2] =	stream.linear.scatter [tilespmem:s19], [sflag:$0x2], $0x400, $0x38;
	[tilespmem:$0x1FC0] =	vst v63  }
0x50: {  	s24 =	sadd.s32 $0x200, s24;
	_ =	swait.ge [sflag:s13], $0x400  }
0x51: {  	s25 =	smov.u32 s29;
	s22 =	sadd.s32 $0x80, s22;
	[sflag:s13] =	ssyncset.done $0x0  }
0x52: {  	s25 =	sshra.s32 s23, $0x2;
	[sflag:s13] =	ssyncadd.s32 $0xFFFFFC00  }
0x53: {  	[tilespmem:s17], [sflag:$0x1] =	stream.indirect.gather [hbm4b:s4+s16], $0x40, s25, s16, $0xb8;
	[tilespmem:$0x1FC0] =	vst v63  }
0x54: {  	s26 =	sadd.s32 $0x140, s25  }
0x55: {  	[tilespmem:s18], [sflag:$0x1] =	stream.indirect.gather [hbm4b:s3+s16], $0x20, s26, s16, $0xb8;
	[tilespmem:$0x1FC0] =	vst v63  }
0x56: {  	s25 =	sadd.s32 $0x280, s25  }
0x57: {  	[tilespmem:s19], [sflag:$0x1] =	stream.indirect.gather [hbm4b:s5+s16], $0x10, s25, s16, $0xb8;
	[tilespmem:$0x1FC0] =	vst v63  }
0x58: {  	_ =	swait.ge [sflag:s20], $0x1000  }
0x59: {  	[sflag:s20] =	ssyncset.done $0x0  }
0x5a: {  	[sflag:s20] =	ssyncadd.s32 $0xFFFFF000  }
0x5b: {  	_ =	swait.ge [sflag:s20], $0x800  }
0x5c: {  	[sflag:s20] =	ssyncset.done $0x0  }
0x5d: {  	[sflag:s20] =	ssyncadd.s32 $0xFFFFF800  }
0x5e: {  	_ =	swait.ge [sflag:s20], $0x400  }
0x5f: {  	[sflag:s20] =	ssyncset.done $0x0  }
0x60: {  	[sflag:s20] =	ssyncadd.s32 $0xFFFFFC00  }
0x61: {  	[hbm4b:s24+s2] =	stream.linear.scatter [tilespmem:s17], [sflag:$0x2], $0x1000, $0x38;
	[tilespmem:$0x1FC0] =	vst v63  }
0x62: {  	_ =	swait.ge [sflag:s13], $0x1000  }
0x63: {  	[sflag:s13] =	ssyncset.done $0x0  }
0x64: {  	s31 =	sadd.s32 s23, s11;
	[sflag:s13] =	ssyncadd.s32 $0xFFFFF000  }
0x65: {  	[hbm4b:s31+s2] =	stream.linear.scatter [tilespmem:s18], [sflag:$0x2], $0x800, $0x38;
	[tilespmem:$0x1FC0] =	vst v63  }
0x66: {  	s21 =	sadd.s32 $0x1, s21;
	_ =	swait.ge [sflag:s13], $0x800  }
0x67: {  	p0 =	sne.s32 s21, s10;
	[sflag:s13] =	ssyncset.done $0x0  }
.Ltmp1:
0x68: {  	[sflag:s13] =	ssyncadd.s32 $0xFFFFF800;
	(pc) =	sbr.rel @p0 .LBB2_1-.Ltmp1, $4  }
0x69: {  	[hbm4b:s22+s2] =	stream.linear.scatter [tilespmem:s19], [sflag:$0x2], $0x400, $0x38;
	[tilespmem:$0x1FC0] =	vst v63  }
0x6a: {  	_ =	swait.ge [sflag:s13], $0x400  }
0x6b: {  	[sflag:s13] =	ssyncset.done $0x0  }
0x6c: {  	[sflag:s13] =	ssyncadd.s32 $0xFFFFFC00  }
0x6d: {  	_ =	sfence.sel $0x180000  }
0x6e: {  	[bflag:$0x0] =	sbarrier.arrive $0xFFFF  }
0x6f: {  	p0 =	sne.s32 s1, $0x0;
	_ =	strace $0x9000004D  }
0x70: {  	s0 =	sadd.s32 @!p0 $0x100000, s0;
	[bflag:$0x2] =	sbarrier.arrive $0xFFFF  }
0x71: {  	[sflag:s0] =	ssyncadd.tile.s32 @!p0 $0x1;
	_ =	shalt  }
.Lfunc_end2:
_tile_overlayer_lowered:
.L_overlay_start_2:
0x72: {  	(tag) =	ssettag $0x2  }
0x73: {  	s0 =	rddreg [dreg:$0x0];
	s2 =	stileid.u32  }
0x74: {  	s1 =	rddreg [dreg:$0x1];
	p0 =	sne.s32 s2, $0x0  }
0x75: {  	s3 =	rddreg [dreg:$0x2];
	[bflag:$0x3] =	sbarrier.arrive $0xFFFF;
	s2 =	simm.s32 @!p0 $0x1C02  }
0x76: {  	[timem:s3], [sflag:s2] =	dma.local @!p0 [hbm:s0], s1  }
0x77: {  	s0 =	simm.s32 @!p0 $0x2  }
0x78: {  	_ =	swait.ge @!p0 [sflag:s0], s1  }
0x79: {  	s1 =	ssub.s32 @!p0 $0x0, s1;
	[sflag:s0] =	ssyncset.done @!p0 $0x0  }
0x7a: {  	[sflag:s0] =	ssyncadd.s32 @!p0 s1  }
0x7b: {  	[bflag:$0x3] =	sbarrier.arrive $0xFFFF  }
0x7c: {  	_ =	shalt  }

// kernel: kernel.35.cloned.1.call-start
scs
__scs_entry_jumppad:
0x0: {  	(pc) =	sbr.rel $0x88, $3  }
0x1: {  	(tag) =	ssettag $0x0;
	lr =	simm.s32 $0x1  }
0x2: {  	[smem:$0x3F93] =	sst lr;
	_ =	strace $0xD0000000  }
0x3: {  	_ = 	snop  }
0x4: {  	_ = 	snop  }
0x5: {  	_ = 	snop  }
0x6: {  	_ = 	snop  }
0x7: {  	_ = 	snop  }
__scs_overlays_trampoline_lowered:
0x8: {  	[smem:$0x3FA2] =	sst s0  }
0x9: {  	[smem:$0x3FA3] =	sst s1  }
0xa: {  	[smem:$0x3FA4] =	sst s2  }
0xb: {  	[smem:$0x3FA5] =	sst s3  }
0xc: {  	[smem:$0x3FA6] =	sst s4  }
0xd: {  	[smem:$0x3FA7] =	sst s5  }
0xe: {  	[smem:$0x3FA8] =	sst s6  }
0xf: {  	[smem:$0x3FA9] =	sst s7  }
0x10: {  	[smem:$0x3FAA] =	sst s8  }
0x11: {  	[smem:$0x3FAB] =	sst s9;
	s0 =	simm.s32 @!p0 $0x0  }
0x12: {  	s1 =	sld [smem:$0x3F91];
	s0 =	simm.s32 @p0 $0x1  }
0x13: {  	[smem:$0x3FAC] =	sst s0;
	s0 =	simm.s32 @!p1 $0x0  }
0x14: {  	s2 =	sld [smem:$0x3F90];
	s0 =	simm.s32 @p1 $0x1  }
0x15: {  	[smem:$0x3FAD] =	sst s0;
	s0 =	simm.s32 @!p2 $0x0  }
0x16: {  	s3 =	sld [smem:$0x3FDB];
	s0 =	simm.s32 @p2 $0x1  }
0x17: {  	s4 =	simm.s32 $0x1BF5;
	[smem:$0x3FAF] =	sst s0  }
0x18: {  	s0 =	sld [smem:$0x3F92];
	_ =	swait.ge [sflag:s4], $0x0  }
0x19: {  	s7 =	sld [smem:$0x3F93]  }
0x1a: {  	s8 =	sadd.s32 $0xFFFFE003, lr  }
0x1b: {  	s9 =	sadd.s32 $0xFFFFFEF7, lr;
	s5 =	simm.s32 $0xFFFFFFFF;
	p2 =	slt.u32 s8, $0xFFFFF086  }
0x1c: {  	p1 =	slt.u32 s9, $0xF7A;
	s5 =	simm.s32 @!p2 $0x0  }
0x1d: {  	s5 =	simm.s32 @p1 $0x1;
	p0 =	seq.s32 s7, s2  }
0x1e: {  	s7 =	smul.u32 @!p0 $0xF7A, s2;
	p2 =	seq.s32 @!p0 s5, $0x0  }
0x1f: {  	s9 =	smul.u32 $0xF7A, s1;
	s8 =	simm.s32 @!p0 $0x1BF5;
	p2 =	por !p2, p0  }
0x20: {  	[sflag:s8] =	ssyncset.s32 @!p0 $0xFFFFF086;
	s6 =	sadd.s32 @!p0 s3, s7;
	s7 =	simm.s32 @!p0 $0x108  }
0x21: {  	s3 =	sadd.s32 s3, s9;
	s6 =	sadd.s32 @!p0 $0x88, s6;
	s7 =	simm.s32 @p2 $0x1082  }
0x22: {  	[simem:s7], [sflag:s8] =	dma.local @!p0 [hbm:s6], $0xF7A  }
0x23: {  	s9 =	sor.u32 $0xD0000000, s2;
	s6 =	simm.s32 $0x108;
	_ =	swait.ge @!p0 [sflag:s8], $0x0  }
0x24: {  	s3 =	sadd.s32 $0x88, s3;
	s6 =	simm.s32 @!p1 $0x1082;
	[sflag:s4] =	ssyncset.s32 $0xFFFFF086  }
0x25: {  	[simem:s6], [sflag:s4] =	dma.local [hbm:s3], $0xF7A  }
0x26: {  	[smem:$0x3F93] =	sst s1;
	(tag) =	ssettag s2;
	_ =	strace s9  }
0x27: {  	s1 =	sld [smem:$0x3FA3]  }
0x28: {  	s2 =	sld [smem:$0x3FA4]  }
0x29: {  	s4 =	sld [smem:$0x3FA6]  }
0x2a: {  	p0 =	seq.s32 s5, $0x0;
	s5 =	sld [smem:$0x3FA7]  }
0x2b: {  	s6 =	sld [smem:$0x3FA8]  }
0x2c: {  	s7 =	sld [smem:$0x3FA9]  }
0x2d: {  	s3 =	simm.s32 $0x108;
	s8 =	sld [smem:$0x3FAA]  }
0x2e: {  	s3 =	simm.s32 @!p0 $0x1082;
	s9 =	sld [smem:$0x3FAB]  }
0x2f: {  	lr =	sadd.s32 s0, s3;
	s0 =	sld [smem:$0x3FA2]  }
0x30: {  	s3 =	sld [smem:$0x3FA5]  }
0x31: {  	[smem:$0x3FAE] =	sst s10  }
0x32: {  	s10 =	sld [smem:$0x3FAC];
	_ =	sdelay $0x3  }
0x33: {  	p0 =	seq.s32 s10, $0x1;
	s10 =	sld [smem:$0x3FAE];
	_ =	sdelay $0x3  }
0x34: {  	[smem:$0x3FAE] =	sst s10  }
0x35: {  	s10 =	sld [smem:$0x3FAD];
	_ =	sdelay $0x3  }
0x36: {  	p1 =	seq.s32 s10, $0x1;
	s10 =	sld [smem:$0x3FAE];
	_ =	sdelay $0x3  }
0x37: {  	[smem:$0x3FAE] =	sst s10  }
0x38: {  	s10 =	sld [smem:$0x3FAF]  }
0x39: {  	_ = 	snop;
	(pc) =	sbr.ind lr, $3  }
0x3a: {  	_ = 	snop  }
0x3b: {  	_ = 	snop  }
0x3c: {  	p2 =	seq.s32 s10, $0x1;
	s10 =	sld [smem:$0x3FAE]  }
0x3d: {  	_ =	shalt  }
0x3e: {  	_ =	shalt  }
0x3f: {  	_ =	shalt  }
0x40: {  	_ =	shalt  }
0x41: {  	_ =	shalt  }
0x42: {  	_ =	shalt  }
0x43: {  	_ =	shalt  }
0x44: {  	_ =	shalt  }
0x45: {  	_ =	shalt  }
0x46: {  	_ =	shalt  }
0x47: {  	_ =	shalt  }
0x48: {  	_ =	shalt  }
0x49: {  	_ =	shalt  }
0x4a: {  	_ =	shalt  }
0x4b: {  	_ =	shalt  }
0x4c: {  	_ =	shalt  }
0x4d: {  	_ =	shalt  }
0x4e: {  	_ =	shalt  }
0x4f: {  	_ =	shalt  }
0x50: {  	_ =	shalt  }
0x51: {  	_ =	shalt  }
0x52: {  	_ =	shalt  }
0x53: {  	_ =	shalt  }
0x54: {  	_ =	shalt  }
0x55: {  	_ =	shalt  }
0x56: {  	_ =	shalt  }
0x57: {  	_ =	shalt  }
0x58: {  	_ =	shalt  }
0x59: {  	_ =	shalt  }
0x5a: {  	_ =	shalt  }
0x5b: {  	_ =	shalt  }
0x5c: {  	_ =	shalt  }
0x5d: {  	_ =	shalt  }
0x5e: {  	_ =	shalt  }
0x5f: {  	_ =	shalt  }
0x60: {  	_ =	shalt  }
0x61: {  	_ =	shalt  }
0x62: {  	_ =	shalt  }
0x63: {  	_ =	shalt  }
0x64: {  	_ =	shalt  }
0x65: {  	_ =	shalt  }
0x66: {  	_ =	shalt  }
0x67: {  	_ =	shalt  }
0x68: {  	_ =	shalt  }
0x69: {  	_ =	shalt  }
0x6a: {  	_ =	shalt  }
0x6b: {  	_ =	shalt  }
0x6c: {  	_ =	shalt  }
0x6d: {  	_ =	shalt  }
0x6e: {  	_ =	shalt  }
0x6f: {  	_ =	shalt  }
0x70: {  	_ =	shalt  }
0x71: {  	_ =	shalt  }
0x72: {  	_ =	shalt  }
0x73: {  	_ =	shalt  }
0x74: {  	_ =	shalt  }
0x75: {  	_ =	shalt  }
0x76: {  	_ =	shalt  }
0x77: {  	_ =	shalt  }
0x78: {  	_ =	shalt  }
0x79: {  	_ =	shalt  }
0x7a: {  	_ =	shalt  }
0x7b: {  	_ =	shalt  }
0x7c: {  	_ =	shalt  }
0x7d: {  	_ =	shalt  }
0x7e: {  	_ =	shalt  }
0x7f: {  	_ =	shalt  }
0x80: {  	_ =	shalt  }
0x81: {  	_ =	shalt  }
0x82: {  	_ =	shalt  }
0x83: {  	_ =	shalt  }
0x84: {  	_ =	shalt  }
0x85: {  	_ =	shalt  }
0x86: {  	_ =	shalt  }
0x87: {  	_ =	shalt  }
.Lfunc_end0:
.L_simem_size_0:
called_computation.6_lowered:
.L_overlay_start_0:
0x88: {  	s2 =	sld [smem:$0x3FD9]  }
0x89: {  	s3 =	sld [smem:$0x3FFE];
	_ =	sdelay $0x1  }
0x8a: {  	s1 =	srdreg.scid  }
0x8b: {  	s0 =	sand.u32 $0x1, s1  }
0x8c: {  	s17 =	sshll.u32 s0, $0xA;
	s2 =	sadd.s32 s3, s2  }
0x8d: {  	s2 =	sadd.s32 s2, s17  }
0x8e: {  	[smem:$0x3FBA] =	sst s2  }
0x8f: {  	_ = 	snop  }
0x90: {  	s18 =	sld [smem:$0x3FC8]  }
0x91: {  	s4 =	sld [smem:$0x3FC0];
	(tm) =	ssettm $0x1  }
0x92: {  	s19 =	sld [smem:$0x3FFB];
	_ =	sdelay $0x3  }
0x93: {  	_ =	strace s19  }
0x94: {  	s2 =	sld [smem:$0x3FFC];
	_ =	sdelay $0x3  }
0x95: {  	_ =	strace s2  }
0x96: {  	s2 =	sld [smem:$0x3FFD];
	_ =	sdelay $0x3  }
0x97: {  	_ =	strace s2  }
0x98: {  	_ =	strace $0x8FFFFFFF  }
0x99: {  	s20 =	sld [smem:$0x3FDB];
	_ =	sdelay $0x1  }
0x9a: {  	s5 =	simm.s32 $_scs_section_size  }
0x9b: {  	s6 =	simm.s32 $_size__tile_overlayer_lowered;
	s7 =	simm.s32 $_tile_overlayer_lowered  }
0x9c: {  	s8 =	simm.s32 $0x1BFF;
	s21 =	sshll.u32 s7, $0x1;
	s5 =	sadd.s32 s5, s20  }
0x9d: {  	s22 =	simm.s32 $0x0;
	s6 =	sshll.u32 s6, $0x1;
	s7 =	sadd.s32 s21, s5  }
0x9e: {  	[timem:s22], [sflag:s8] =	dma.local [hbm:s7], s6  }
0x9f: {  	_ =	swait.ge [sflag:s8], s6  }
0xa0: {  	s6 =	ssub.s32 $0x0, s6;
	[sflag:s8] =	ssyncset.done $0x0  }
0xa1: {  	[sflag:s8] =	ssyncadd.s32 s6;
	_ =	sdelay $0x1  }
0xa2: {  	s23 =	simm.s32 $0x1B8B  }
0xa3: {  	_ =	swait.ge [sflag:s23], $0x1  }
0xa4: {  	[sflag:s23] =	ssyncset.done $0x0  }
0xa5: {  	[sflag:s23] =	ssyncadd.s32 $0xFFFFFFFF  }
0xa6: {  	s6 =	sld [smem:$0x0]  }
0xa7: {  	s7 =	sand.u32 $0xFFFFFFFE, s1  }
0xa8: {  	p0 =	sne.s32 s1, s7  }
0xa9: {  	s7 =	sshll.u32 @p0 s7, $0xE  }
0xaa: {  	s7 =	sadd.s32 @p0 $0x11B8D, s7;
	s8 =	sshll.u32 @p0 s6, $0x11  }
0xab: {  	s7 =	sor.u32 @p0 s8, s7  }
0xac: {  	[sflag:s7] =	ssyncadd.remote.s32 @p0 $0x1;
	_ =	sdelay $0x1  }
0xad: {  	s7 =	simm.s32 @p0 $0x1B8D  }
0xae: {  	_ =	swait.eq @p0 [sflag:s7], $0x1  }
0xaf: {  	[sflag:s7] =	ssyncadd.s32 @p0 $0xFFFFFFFF  }
0xb0: {  	s8 =	sshll.u32 @!p0 s1, $0xE  }
0xb1: {  	s8 =	sor.u32 @!p0 $0x4000, s8;
	s7 =	simm.s32 @!p0 $0x1B8D  }
0xb2: {  	s6 =	sshll.u32 @!p0 s6, $0x11;
	s8 =	sadd.s32 @!p0 $0x11B8D, s8;
	_ =	swait.eq @!p0 [sflag:s7], $0x1  }
0xb3: {  	s6 =	sor.u32 @!p0 s6, s8;
	[sflag:s7] =	ssyncadd.s32 @!p0 $0xFFFFFFFF  }
0xb4: {  	s25 =	simm.s32 $0x1B8E;
	s24 =	sld [smem:$0x3FFE];
	[sflag:s6] =	ssyncadd.remote.s32 @!p0 $0x1  }
0xb5: {  	s26 =	simm.s32 $execute0_lowered;
	[smem:$0x3FD2] =	sst s25  }
0xb6: {  	s7 =	sshll.u32 s26, $0x1;
	_ =	strace $0x8000005E;
	[dreg:$0x1] =	wrdreg $0xFFFFFFFF  }
0xb7: {  	s28 =	simm.s32 $_size_execute0_lowered;
	s5 =	sadd.s32 s5, s7;
	[dreg:$0x0] =	wrdreg $0x0  }
0xb8: {  	s7 =	sshll.u32 s28, $0x1;
	[dreg:$0x2] =	wrdreg s5  }
0xb9: {  	[dreg:$0x3] =	wrdreg s7  }
0xba: {  	[dreg:$0x4] =	wrdreg $0xC0  }
0xbb: {  	_ =	task [dreg:s22], $0x5FFFF  }
0xbc: {  	[dreg:$0x1] =	wrdreg $0xFFFFFFFF  }
0xbd: {  	[dreg:$0x0] =	wrdreg $0x60  }
0xbe: {  	[dreg:$0x2] =	wrdreg s18  }
0xbf: {  	[dreg:$0x3] =	wrdreg s4  }
0xc0: {  	[dreg:$0x4] =	wrdreg s24  }
0xc1: {  	[dreg:$0x5] =	wrdreg $0xF  }
0xc2: {  	_ =	task.clear_ibuf [dreg:s22], $0x6FFFF;
	_ =	strace $0x9000005E  }
0xc3: {  	s29 =	simm.s32 $0xF;
	_ =	strace $0x80000060  }
0xc4: {  	_ =	swait.ge [sflag:s29], $0x1  }
0xc5: {  	[sflag:s29] =	ssyncadd.s32 $0xFFFFFFFF  }
0xc6: {  	_ =	strace $0x90000060  }
0xc7: {  	_ =	sfence  }
0xc8: {  	s30 =	sld [smem:$0x0];
	_ =	sdelay $0x2  }
0xc9: {  	s31 =	sshll.u32 s1, $0xD;
	s1 =	sshrl.u32 s1, $0x2  }
0xca: {  	s4 =	sand.u32 $0x4000, s31;
	s1 =	sadd.s32 s1, s30  }
0xcb: {  	s0 =	sor.u32 s4, s0;
	s1 =	sshll.u32 s1, $0x11  }
0xcc: {  	s0 =	sor.u32 s1, s0  }
0xcd: {  	s0 =	sadd.s32 $0x8F2B, s0  }
0xce: {  	[sflag:s0] =	ssyncadd.remote.s32 $0x1  }
0xcf: {  	_ =	sfence.sel $0xFFFF  }
0xd0: {  	[dreg:$0x0] =	wrdreg $0xFFFFFFFF;
	(pc) =	sbr.abs _section_cstart, $3  }
0xd1: {  	[dreg:$0x1] =	wrdreg $0xFFFFFFFF  }
0xd2: {  	_ =	task.clear_ibuf [dreg:s22], $0x2FFFF;
	_ =	strace $0x9FFFFFFF  }
0xd3: {  	(tm) =	ssettm $0x7FFFFFFF  }
tec
execute0_lowered:
.L_overlay_start_1:
0x0: {  	(tag) =	ssettag $0x1  }
0x1: {  	s0 =	rddreg [dreg:$0x0]  }
0x2: {  	s7 =	stileid.u32;
	s2 =	rddreg [dreg:$0x1]  }
0x3: {  	s13 =	srdreg.scid;
	s4 =	rddreg [dreg:$0x2]  }
0x4: {  	s3 =	simm.s32 $0x0;
	s19 =	simm.s32 $0x40;
	s20 =	simm.s32 $0x2B00  }
0x5: {  	s21 =	simm.s32 $0x3300;
	s22 =	simm.s32 $0x3B00;
	s23 =	simm.s32 $0x4300  }
0x6: {  	s24 =	simm.s32 $0x4B00;
	s11 =	simm.s32 $0x2;
	[dreg:$0x4] =	wrdreg s0  }
0x7: {  	s25 =	simm.s32 $0x5300;
	s26 =	simm.s32 $0x5B00;
	[smem:$0x7FF] =	sst s3  }
0x8: {  	s28 =	simm.s32 $0xC300;
	_ =	strace $0x8000005F;
	[dreg:$0x5] =	wrdreg s19  }
0x9: {  	s29 =	simm.s32 $0xCB00;
	s30 =	simm.s32 $0xD300;
	[dreg:$0x6] =	wrdreg s20  }
0xa: {  	s31 =	simm.s32 $0xDB00;
	s0 =	sand.u32 $0x1, s13;
	[dreg:$0x7] =	wrdreg s21  }
0xb: {  	s1 =	smul.u32 $0x280, s7;
	s6 =	sshll.u32 s7, $0x1;
	[dreg:$0x8] =	wrdreg s22  }
0xc: {  	s7 =	smul.u32 $0x2800, s7;
	s13 =	simm.s32 $0x300;
	[dreg:$0x9] =	wrdreg s23  }
0xd: {  	s5 =	smul.u32 $0x140, s0;
	s14 =	sor.u32 s0, s6;
	[dreg:$0xa] =	wrdreg s24  }
0xe: {  	s15 =	ssub.s32 $0x2, s0;
	s6 =	sadd.s32 $0x100, s2;
	[dreg:$0xb] =	wrdreg s25  }
0xf: {  	s0 =	smul.u32 $0x1400, s0;
	[dreg:$0xc] =	wrdreg s26;
	s19 =	simm.s32 $0x8300  }
0x10: {  	s20 =	simm.s32 $0x8B00;
	s21 =	simm.s32 $0x9300;
	s22 =	simm.s32 $0x9B00  }
0x11: {  	s23 =	simm.s32 $0xA300;
	s24 =	simm.s32 $0xAB00;
	s25 =	simm.s32 $0xB300  }
0x12: {  	s26 =	simm.s32 $0xBB00;
	s9 =	sadd.s32 s7, s4;
	s16 =	sshrl.u32 s15, $0x1  }
0x13: {  	s7 =	sadd.s32 $0x200, s2;
	s1 =	sadd.s32 s5, s1;
	s5 =	smul.u32 $0x140, s14  }
0x14: {  	s17 =	ssub.s32 s15, s16;
	s0 =	sadd.s32 s0, s9;
	s1 =	sshrl.u32 s1, $0x3  }
0x15: {  	s14 =	simm.s32 $0x2300;
	s0 =	sadd.s32 $0x600200, s0;
	s1 =	smul.u32 $0x300, s1  }
0x16: {  	s15 =	simm.s32 $0x6300;
	s5 =	sshrl.u32 s5, $0x3;
	[dreg:$0x10] =	wrdreg s0  }
0x17: {  	s1 =	sadd.s32 s1, s4;
	s4 =	sadd.s32 s4, s5;
	s5 =	smax.u32 s17, $0x1  }
0x18: {  	s16 =	simm.s32 $0x6B00;
	s18 =	sadd.s32 $0xD3B00, s4;
	[dreg:$0xf] =	wrdreg s5  }
0x19: {  	v2 =	vlaneseq.u32;
	s0 =	simm.s32 $0x0;
	s4 =	sadd.s32 $0xD5500, s4;
	[dreg:$0xd] =	wrdreg s18  }
0x1a: {  	vm0 =	vmmov $0xffff;
	v1 =	vshrl.u32 v2, $0x3;
	s17 =	simm.s32 $0x7300;
	s1 =	sadd.s32 $0x628200, s1;
	[dreg:$0xe] =	wrdreg s4  }
0x1b: {  	v0 =	vand.u32 $0x7, v2;
	v2 =	vor.u32 $0x8, v2;
	v1 =	vmul.u32 $0x8, v1;
	[dreg:$0x11] =	wrdreg s1;
	s18 =	simm.s32 $0x7B00;
	s1 =	simm.s32 $0x1  }
.LBB2_1:
0x1c: {  	s4 =	rddreg [dreg:$0xd]  }
0x1d: {  	[tilespmem:s3], [sflag:$0x2] =	stream.linear.gather [hbm4b:s4+s3], $0x140, $0x38;
	[tilespmem:$0xE300] =	vst v63  }
0x1e: {  	_ =	swait.ge [sflag:s11], $0x140  }
0x1f: {  	[sflag:s11] =	ssyncset.done $0x0  }
0x20: {  	s5 =	simm.s32 $0x180;
	s12 =	rddreg [dreg:$0xe];
	[sflag:s11] =	ssyncadd.s32 $0xFFFFFEC0  }
0x21: {  	[tilespmem:s5], [sflag:$0x2] =	stream.linear.gather [hbm4b:s12+s3], $0x140, $0x38;
	[tilespmem:$0xE300] =	vst v63  }
0x22: {  	_ =	swait.ge [sflag:s11], $0x140  }
0x23: {  	[sflag:s11] =	ssyncset.done $0x0;
	s10 =	rddreg [dreg:$0x11]  }
0x24: {  	s5 =	simm.s32 $0x0;
	s9 =	rddreg [dreg:$0x10];
	[sflag:s11] =	ssyncadd.s32 $0xFFFFFEC0  }
.LBB2_2:
0x25: {  	s8 =	rddreg [dreg:$0x4]  }
0x26: {  	s4 =	rddreg [dreg:$0x5];
	s12 =	sshra.s32 s5, $0x2  }
0x27: {  	[tilespmem:s13], [sflag:$0x1] =	stream.indirect.gather [hbm4b:s8+s4], $0x80, s12, s4, $0xb8;
	[tilespmem:$0xE300] =	vst v63  }
0x28: {  	v3 =	vld [tilespmem:s12+$0x180];
	_ =	sdelay $0x4  }
0x29: {  	v4 =	vshrl.u32 v3, $0x3  }
0x2a: {  	v4 =	vmul.u32 $0x30, v4  }
0x2b: {  	v3 =	vand.u32 $0x7, v3  }
0x2c: {  	v3 =	vor.u32 v3, v4  }
0x2d: {  	v4 =	vperm.xlane v3, v0;
	_ =	sdelay $0x1  }
0x2e: {  	v4 =	vadd.s32 v1, v4;
	_ =	sdelay $0x3  }
0x2f: {  	v3 =	vperm.xlane v3, v2  }
0x30: {  	[tilespmem:s14], [sflag:$0x1] =	stream.indirect_vreg.gather [hbm4b:s2+s3], $0x80, v4, vm0, $0xb8;
	[tilespmem:$0xE300] =	vst v63  }
0x31: {  	s4 =	rddreg [dreg:$0x6];
	v3 =	vadd.s32 v1, v3  }
0x32: {  	[tilespmem:s4], [sflag:$0x1] =	stream.indirect_vreg.gather [hbm4b:s6+s3], $0x80, v4, vm0, $0xb8;
	[tilespmem:$0xE300] =	vst v63  }
0x33: {  	s8 =	rddreg [dreg:$0x7]  }
0x34: {  	[tilespmem:s8], [sflag:$0x1] =	stream.indirect_vreg.gather [hbm4b:s7+s3], $0x80, v4, vm0, $0xb8;
	[tilespmem:$0xE300] =	vst v63  }
0x35: {  	s4 =	rddreg [dreg:$0x8]  }
0x36: {  	[tilespmem:s4], [sflag:$0x1] =	stream.indirect_vreg.gather [hbm4b:s2+s3], $0x80, v3, vm0, $0xb8;
	[tilespmem:$0xE300] =	vst v63  }
0x37: {  	s8 =	rddreg [dreg:$0x9]  }
0x38: {  	[tilespmem:s8], [sflag:$0x1] =	stream.indirect_vreg.gather [hbm4b:s6+s3], $0x80, v3, vm0, $0xb8;
	[tilespmem:$0xE300] =	vst v63  }
0x39: {  	s4 =	rddreg [dreg:$0xa]  }
0x3a: {  	[tilespmem:s4], [sflag:$0x1] =	stream.indirect_vreg.gather [hbm4b:s7+s3], $0x80, v3, vm0, $0xb8;
	[tilespmem:$0xE300] =	vst v63  }
0x3b: {  	v3 =	vld [tilespmem:s12+$0x190];
	_ =	sdelay $0x4  }
0x3c: {  	v61 =	vshrl.u32 v3, $0x3  }
0x3d: {  	v4 =	vmul.u32 $0x30, v61  }
0x3e: {  	v3 =	vand.u32 $0x7, v3  }
0x3f: {  	v3 =	vor.u32 v3, v4  }
0x40: {  	v4 =	vperm.xlane v3, v0;
	_ =	sdelay $0x1  }
0x41: {  	v4 =	vadd.s32 v1, v4;
	_ =	sdelay $0x3  }
0x42: {  	s4 =	rddreg [dreg:$0xb];
	v3 =	vperm.xlane v3, v2  }
0x43: {  	[tilespmem:s4], [sflag:$0x1] =	stream.indirect_vreg.gather [hbm4b:s2+s3], $0x80, v4, vm0, $0xb8;
	[tilespmem:$0xE300] =	vst v63  }
0x44: {  	s8 =	rddreg [dreg:$0xc];
	v3 =	vadd.s32 v1, v3  }
0x45: {  	[tilespmem:s8], [sflag:$0x1] =	stream.indirect_vreg.gather [hbm4b:s6+s3], $0x80, v4, vm0, $0xb8;
	[tilespmem:$0xE300] =	vst v63  }
0x46: {  	_ = 	snop  }
0x47: {  	[tilespmem:s15], [sflag:$0x1] =	stream.indirect_vreg.gather [hbm4b:s7+s3], $0x80, v4, vm0, $0xb8;
	[tilespmem:$0xE300] =	vst v63  }
0x48: {  	_ = 	snop  }
0x49: {  	[tilespmem:s16], [sflag:$0x1] =	stream.indirect_vreg.gather [hbm4b:s2+s3], $0x80, v3, vm0, $0xb8;
	[tilespmem:$0xE300] =	vst v63  }
0x4a: {  	_ = 	snop  }
0x4b: {  	[tilespmem:s17], [sflag:$0x1] =	stream.indirect_vreg.gather [hbm4b:s6+s3], $0x80, v3, vm0, $0xb8;
	[tilespmem:$0xE300] =	vst v63  }
0x4c: {  	_ = 	snop  }
0x4d: {  	[tilespmem:s18], [sflag:$0x1] =	stream.indirect_vreg.gather [hbm4b:s7+s3], $0x80, v3, vm0, $0xb8;
	[tilespmem:$0xE300] =	vst v63  }
0x4e: {  	v3 =	vld [tilespmem:s12+$0x1A0];
	_ =	sdelay $0x4  }
0x4f: {  	v62 =	vshrl.u32 v3, $0x3  }
0x50: {  	v4 =	vmul.u32 $0x30, v62  }
0x51: {  	v3 =	vand.u32 $0x7, v3  }
0x52: {  	v3 =	vor.u32 v3, v4  }
0x53: {  	v4 =	vperm.xlane v3, v0;
	_ =	sdelay $0x1  }
0x54: {  	v4 =	vadd.s32 v1, v4;
	_ =	sdelay $0x3  }
0x55: {  	v3 =	vperm.xlane v3, v2  }
0x56: {  	[tilespmem:s19], [sflag:$0x1] =	stream.indirect_vreg.gather [hbm4b:s2+s3], $0x80, v4, vm0, $0xb8;
	[tilespmem:$0xE300] =	vst v63  }
0x57: {  	v3 =	vadd.s32 v1, v3  }
0x58: {  	[tilespmem:s20], [sflag:$0x1] =	stream.indirect_vreg.gather [hbm4b:s6+s3], $0x80, v4, vm0, $0xb8;
	[tilespmem:$0xE300] =	vst v63  }
0x59: {  	_ = 	snop  }
0x5a: {  	[tilespmem:s21], [sflag:$0x1] =	stream.indirect_vreg.gather [hbm4b:s7+s3], $0x80, v4, vm0, $0xb8;
	[tilespmem:$0xE300] =	vst v63  }
0x5b: {  	_ = 	snop  }
0x5c: {  	[tilespmem:s22], [sflag:$0x1] =	stream.indirect_vreg.gather [hbm4b:s2+s3], $0x80, v3, vm0, $0xb8;
	[tilespmem:$0xE300] =	vst v63  }
0x5d: {  	_ = 	snop  }
0x5e: {  	[tilespmem:s23], [sflag:$0x1] =	stream.indirect_vreg.gather [hbm4b:s6+s3], $0x80, v3, vm0, $0xb8;
	[tilespmem:$0xE300] =	vst v63  }
0x5f: {  	_ = 	snop  }
0x60: {  	[tilespmem:s24], [sflag:$0x1] =	stream.indirect_vreg.gather [hbm4b:s7+s3], $0x80, v3, vm0, $0xb8;
	[tilespmem:$0xE300] =	vst v63  }
0x61: {  	v3 =	vld [tilespmem:s12+$0x1B0];
	_ =	sdelay $0x4  }
0x62: {  	v63 =	vshrl.u32 v3, $0x3  }
0x63: {  	v4 =	vmul.u32 $0x30, v63  }
0x64: {  	v3 =	vand.u32 $0x7, v3  }
0x65: {  	v3 =	vor.u32 v3, v4  }
0x66: {  	v4 =	vperm.xlane v3, v0;
	_ =	sdelay $0x1  }
0x67: {  	v4 =	vadd.s32 v1, v4;
	_ =	sdelay $0x3  }
0x68: {  	v3 =	vperm.xlane v3, v2  }
0x69: {  	[tilespmem:s25], [sflag:$0x1] =	stream.indirect_vreg.gather [hbm4b:s2+s3], $0x80, v4, vm0, $0xb8;
	[tilespmem:$0xE300] =	vst v63  }
0x6a: {  	v3 =	vadd.s32 v1, v3  }
0x6b: {  	[tilespmem:s26], [sflag:$0x1] =	stream.indirect_vreg.gather [hbm4b:s6+s3], $0x80, v4, vm0, $0xb8;
	[tilespmem:$0xE300] =	vst v63  }
0x6c: {  	_ = 	snop  }
0x6d: {  	[tilespmem:s28], [sflag:$0x1] =	stream.indirect_vreg.gather [hbm4b:s7+s3], $0x80, v4, vm0, $0xb8;
	[tilespmem:$0xE300] =	vst v63  }
0x6e: {  	_ = 	snop  }
0x6f: {  	[tilespmem:s29], [sflag:$0x1] =	stream.indirect_vreg.gather [hbm4b:s2+s3], $0x80, v3, vm0, $0xb8;
	[tilespmem:$0xE300] =	vst v63  }
0x70: {  	_ = 	snop  }
0x71: {  	[tilespmem:s30], [sflag:$0x1] =	stream.indirect_vreg.gather [hbm4b:s6+s3], $0x80, v3, vm0, $0xb8;
	[tilespmem:$0xE300] =	vst v63  }
0x72: {  	_ = 	snop  }
0x73: {  	[tilespmem:s31], [sflag:$0x1] =	stream.indirect_vreg.gather [hbm4b:s7+s3], $0x80, v3, vm0, $0xb8;
	[tilespmem:$0xE300] =	vst v63  }
0x74: {  	_ =	swait.ge [sflag:s1], $0x2000  }
0x75: {  	[sflag:s1] =	ssyncset.done $0x0  }
0x76: {  	[sflag:s1] =	ssyncadd.s32 $0xFFFFE000  }
0x77: {  	_ =	swait.ge [sflag:s1], $0xC000  }
0x78: {  	[sflag:s1] =	ssyncset.done $0x0  }
0x79: {  	[sflag:s1] =	ssyncadd.s32 $0xFFFF4000  }
0x7a: {  	[hbm4b:s9+s3] =	stream.linear.scatter [tilespmem:s13], [sflag:$0x2], $0x2000, $0x38;
	[tilespmem:$0xE300] =	vst v63  }
0x7b: {  	_ =	swait.ge [sflag:s11], $0x2000  }
0x7c: {  	p0 =	sne.s32 s5, $0x400;
	[sflag:s11] =	ssyncset.done $0x0  }
.Ltmp0:
0x7d: {  	[sflag:s11] =	ssyncadd.s32 $0xFFFFE000;
	(pc) =	sbr.rel @p0 .LBB2_2-.Ltmp0, $4  }
0x7e: {  	[hbm4b:s10+s3] =	stream.linear.scatter [tilespmem:s14], [sflag:$0x2], $0xC000, $0x38;
	[tilespmem:$0xE300] =	vst v63  }
0x7f: {  	_ =	swait.ge [sflag:s11], $0xC000  }
0x80: {  	s5 =	sadd.s32 $0x100, s5;
	[sflag:s11] =	ssyncset.done $0x0  }
0x81: {  	s9 =	sadd.s32 $0x400, s9;
	s10 =	sadd.s32 $0x1800, s10;
	[sflag:s11] =	ssyncadd.s32 $0xFFFF4000  }
0x82: {  	s0 =	sadd.s32 $0x1, s0;
	s4 =	rddreg [dreg:$0xf]  }
0x83: {  	p0 =	sne.s32 s0, s4  }
.Ltmp1:
0x84: {  	_ = 	snop;
	(pc) =	sbr.rel @p0 .LBB2_1-.Ltmp1, $1  }
0x85: {  	_ =	sdelay $0x3  }
0x86: {  	_ =	sfence.sel $0x180000  }
0x87: {  	[bflag:$0x0] =	sbarrier.arrive $0xFFFF  }
0x88: {  	_ =	strace $0x9000005F  }
0x89: {  	s0 =	stileid.u32;
	[bflag:$0x2] =	sbarrier.arrive $0xFFFF  }
0x8a: {  	p0 =	sne.s32 s0, $0x0;
	s0 =	rddreg [dreg:$0x3]  }
0x8b: {  	s0 =	sadd.s32 @!p0 $0x100000, s0  }
0x8c: {  	[sflag:s0] =	ssyncadd.tile.s32 @!p0 $0x1;
	_ =	shalt  }
.Lfunc_end2:
_tile_overlayer_lowered:
.L_overlay_start_2:
0x8d: {  	(tag) =	ssettag $0x2  }
0x8e: {  	s0 =	rddreg [dreg:$0x0];
	s2 =	stileid.u32  }
0x8f: {  	s1 =	rddreg [dreg:$0x1];
	p0 =	sne.s32 s2, $0x0  }
0x90: {  	s3 =	rddreg [dreg:$0x2];
	[bflag:$0x3] =	sbarrier.arrive $0xFFFF;
	s2 =	simm.s32 @!p0 $0x1C02  }
0x91: {  	[timem:s3], [sflag:s2] =	dma.local @!p0 [hbm:s0], s1  }
0x92: {  	s0 =	simm.s32 @!p0 $0x2  }
0x93: {  	_ =	swait.ge @!p0 [sflag:s0], s1  }
0x94: {  	s1 =	ssub.s32 @!p0 $0x0, s1;
	[sflag:s0] =	ssyncset.done @!p0 $0x0  }
0x95: {  	[sflag:s0] =	ssyncadd.s32 @!p0 s1  }
0x96: {  	[bflag:$0x3] =	sbarrier.arrive $0xFFFF  }
0x97: {  	_ =	shalt  }

// kernel: kernel.38.cloned.1.call-start
scs
__scs_entry_jumppad:
0x0: {  	(pc) =	sbr.rel $0x88, $3  }
0x1: {  	(tag) =	ssettag $0x0;
	lr =	simm.s32 $0x1  }
0x2: {  	[smem:$0x3F93] =	sst lr;
	_ =	strace $0xD0000000  }
0x3: {  	_ = 	snop  }
0x4: {  	_ = 	snop  }
0x5: {  	_ = 	snop  }
0x6: {  	_ = 	snop  }
0x7: {  	_ = 	snop  }
__scs_overlays_trampoline_lowered:
0x8: {  	[smem:$0x3FA2] =	sst s0  }
0x9: {  	[smem:$0x3FA3] =	sst s1  }
0xa: {  	[smem:$0x3FA4] =	sst s2  }
0xb: {  	[smem:$0x3FA5] =	sst s3  }
0xc: {  	[smem:$0x3FA6] =	sst s4  }
0xd: {  	[smem:$0x3FA7] =	sst s5  }
0xe: {  	[smem:$0x3FA8] =	sst s6  }
0xf: {  	[smem:$0x3FA9] =	sst s7  }
0x10: {  	[smem:$0x3FAA] =	sst s8  }
0x11: {  	[smem:$0x3FAB] =	sst s9;
	s0 =	simm.s32 @!p0 $0x0  }
0x12: {  	s1 =	sld [smem:$0x3F91];
	s0 =	simm.s32 @p0 $0x1  }
0x13: {  	[smem:$0x3FAC] =	sst s0;
	s0 =	simm.s32 @!p1 $0x0  }
0x14: {  	s2 =	sld [smem:$0x3F90];
	s0 =	simm.s32 @p1 $0x1  }
0x15: {  	[smem:$0x3FAD] =	sst s0;
	s0 =	simm.s32 @!p2 $0x0  }
0x16: {  	s3 =	sld [smem:$0x3FDB];
	s0 =	simm.s32 @p2 $0x1  }
0x17: {  	s4 =	simm.s32 $0x1BF5;
	[smem:$0x3FAF] =	sst s0  }
0x18: {  	s0 =	sld [smem:$0x3F92];
	_ =	swait.ge [sflag:s4], $0x0  }
0x19: {  	s7 =	sld [smem:$0x3F93]  }
0x1a: {  	s8 =	sadd.s32 $0xFFFFE003, lr  }
0x1b: {  	s9 =	sadd.s32 $0xFFFFFEF7, lr;
	s5 =	simm.s32 $0xFFFFFFFF;
	p2 =	slt.u32 s8, $0xFFFFF086  }
0x1c: {  	p1 =	slt.u32 s9, $0xF7A;
	s5 =	simm.s32 @!p2 $0x0  }
0x1d: {  	s5 =	simm.s32 @p1 $0x1;
	p0 =	seq.s32 s7, s2  }
0x1e: {  	s7 =	smul.u32 @!p0 $0xF7A, s2;
	p2 =	seq.s32 @!p0 s5, $0x0  }
0x1f: {  	s9 =	smul.u32 $0xF7A, s1;
	s8 =	simm.s32 @!p0 $0x1BF5;
	p2 =	por !p2, p0  }
0x20: {  	[sflag:s8] =	ssyncset.s32 @!p0 $0xFFFFF086;
	s6 =	sadd.s32 @!p0 s3, s7;
	s7 =	simm.s32 @!p0 $0x108  }
0x21: {  	s3 =	sadd.s32 s3, s9;
	s6 =	sadd.s32 @!p0 $0x88, s6;
	s7 =	simm.s32 @p2 $0x1082  }
0x22: {  	[simem:s7], [sflag:s8] =	dma.local @!p0 [hbm:s6], $0xF7A  }
0x23: {  	s9 =	sor.u32 $0xD0000000, s2;
	s6 =	simm.s32 $0x108;
	_ =	swait.ge @!p0 [sflag:s8], $0x0  }
0x24: {  	s3 =	sadd.s32 $0x88, s3;
	s6 =	simm.s32 @!p1 $0x1082;
	[sflag:s4] =	ssyncset.s32 $0xFFFFF086  }
0x25: {  	[simem:s6], [sflag:s4] =	dma.local [hbm:s3], $0xF7A  }
0x26: {  	[smem:$0x3F93] =	sst s1;
	(tag) =	ssettag s2;
	_ =	strace s9  }
0x27: {  	s1 =	sld [smem:$0x3FA3]  }
0x28: {  	s2 =	sld [smem:$0x3FA4]  }
0x29: {  	s4 =	sld [smem:$0x3FA6]  }
0x2a: {  	p0 =	seq.s32 s5, $0x0;
	s5 =	sld [smem:$0x3FA7]  }
0x2b: {  	s6 =	sld [smem:$0x3FA8]  }
0x2c: {  	s7 =	sld [smem:$0x3FA9]  }
0x2d: {  	s3 =	simm.s32 $0x108;
	s8 =	sld [smem:$0x3FAA]  }
0x2e: {  	s3 =	simm.s32 @!p0 $0x1082;
	s9 =	sld [smem:$0x3FAB]  }
0x2f: {  	lr =	sadd.s32 s0, s3;
	s0 =	sld [smem:$0x3FA2]  }
0x30: {  	s3 =	sld [smem:$0x3FA5]  }
0x31: {  	[smem:$0x3FAE] =	sst s10  }
0x32: {  	s10 =	sld [smem:$0x3FAC];
	_ =	sdelay $0x3  }
0x33: {  	p0 =	seq.s32 s10, $0x1;
	s10 =	sld [smem:$0x3FAE];
	_ =	sdelay $0x3  }
0x34: {  	[smem:$0x3FAE] =	sst s10  }
0x35: {  	s10 =	sld [smem:$0x3FAD];
	_ =	sdelay $0x3  }
0x36: {  	p1 =	seq.s32 s10, $0x1;
	s10 =	sld [smem:$0x3FAE];
	_ =	sdelay $0x3  }
0x37: {  	[smem:$0x3FAE] =	sst s10  }
0x38: {  	s10 =	sld [smem:$0x3FAF]  }
0x39: {  	_ = 	snop;
	(pc) =	sbr.ind lr, $3  }
0x3a: {  	_ = 	snop  }
0x3b: {  	_ = 	snop  }
0x3c: {  	p2 =	seq.s32 s10, $0x1;
	s10 =	sld [smem:$0x3FAE]  }
0x3d: {  	_ =	shalt  }
0x3e: {  	_ =	shalt  }
0x3f: {  	_ =	shalt  }
0x40: {  	_ =	shalt  }
0x41: {  	_ =	shalt  }
0x42: {  	_ =	shalt  }
0x43: {  	_ =	shalt  }
0x44: {  	_ =	shalt  }
0x45: {  	_ =	shalt  }
0x46: {  	_ =	shalt  }
0x47: {  	_ =	shalt  }
0x48: {  	_ =	shalt  }
0x49: {  	_ =	shalt  }
0x4a: {  	_ =	shalt  }
0x4b: {  	_ =	shalt  }
0x4c: {  	_ =	shalt  }
0x4d: {  	_ =	shalt  }
0x4e: {  	_ =	shalt  }
0x4f: {  	_ =	shalt  }
0x50: {  	_ =	shalt  }
0x51: {  	_ =	shalt  }
0x52: {  	_ =	shalt  }
0x53: {  	_ =	shalt  }
0x54: {  	_ =	shalt  }
0x55: {  	_ =	shalt  }
0x56: {  	_ =	shalt  }
0x57: {  	_ =	shalt  }
0x58: {  	_ =	shalt  }
0x59: {  	_ =	shalt  }
0x5a: {  	_ =	shalt  }
0x5b: {  	_ =	shalt  }
0x5c: {  	_ =	shalt  }
0x5d: {  	_ =	shalt  }
0x5e: {  	_ =	shalt  }
0x5f: {  	_ =	shalt  }
0x60: {  	_ =	shalt  }
0x61: {  	_ =	shalt  }
0x62: {  	_ =	shalt  }
0x63: {  	_ =	shalt  }
0x64: {  	_ =	shalt  }
0x65: {  	_ =	shalt  }
0x66: {  	_ =	shalt  }
0x67: {  	_ =	shalt  }
0x68: {  	_ =	shalt  }
0x69: {  	_ =	shalt  }
0x6a: {  	_ =	shalt  }
0x6b: {  	_ =	shalt  }
0x6c: {  	_ =	shalt  }
0x6d: {  	_ =	shalt  }
0x6e: {  	_ =	shalt  }
0x6f: {  	_ =	shalt  }
0x70: {  	_ =	shalt  }
0x71: {  	_ =	shalt  }
0x72: {  	_ =	shalt  }
0x73: {  	_ =	shalt  }
0x74: {  	_ =	shalt  }
0x75: {  	_ =	shalt  }
0x76: {  	_ =	shalt  }
0x77: {  	_ =	shalt  }
0x78: {  	_ =	shalt  }
0x79: {  	_ =	shalt  }
0x7a: {  	_ =	shalt  }
0x7b: {  	_ =	shalt  }
0x7c: {  	_ =	shalt  }
0x7d: {  	_ =	shalt  }
0x7e: {  	_ =	shalt  }
0x7f: {  	_ =	shalt  }
0x80: {  	_ =	shalt  }
0x81: {  	_ =	shalt  }
0x82: {  	_ =	shalt  }
0x83: {  	_ =	shalt  }
0x84: {  	_ =	shalt  }
0x85: {  	_ =	shalt  }
0x86: {  	_ =	shalt  }
0x87: {  	_ =	shalt  }
.Lfunc_end0:
.L_simem_size_0:
called_computation.7_lowered:
.L_overlay_start_0:
0x88: {  	s2 =	sld [smem:$0x3FD9]  }
0x89: {  	s3 =	sld [smem:$0x3FFE];
	_ =	sdelay $0x1  }
0x8a: {  	s1 =	srdreg.scid  }
0x8b: {  	s0 =	sand.u32 $0x1, s1  }
0x8c: {  	s17 =	sshll.u32 s0, $0xA;
	s2 =	sadd.s32 s3, s2  }
0x8d: {  	s2 =	sadd.s32 s2, s17  }
0x8e: {  	[smem:$0x3FBA] =	sst s2  }
0x8f: {  	_ = 	snop  }
0x90: {  	(tm) =	ssettm $0x1  }
0x91: {  	s18 =	sld [smem:$0x3FFB];
	_ =	sdelay $0x3  }
0x92: {  	_ =	strace s18  }
0x93: {  	s2 =	sld [smem:$0x3FFC];
	_ =	sdelay $0x3  }
0x94: {  	_ =	strace s2  }
0x95: {  	s2 =	sld [smem:$0x3FFD];
	_ =	sdelay $0x3  }
0x96: {  	_ =	strace s2  }
0x97: {  	_ =	strace $0x8FFFFFFF  }
0x98: {  	s19 =	sld [smem:$0x3FDB];
	_ =	sdelay $0x1  }
0x99: {  	s20 =	simm.s32 $_scs_section_size  }
0x9a: {  	s4 =	simm.s32 $_size__tile_overlayer_lowered;
	s5 =	simm.s32 $_tile_overlayer_lowered  }
0x9b: {  	s6 =	simm.s32 $0x1BFF;
	s21 =	sshll.u32 s5, $0x1;
	s3 =	sadd.s32 s20, s19  }
0x9c: {  	s22 =	simm.s32 $0x0;
	s4 =	sshll.u32 s4, $0x1;
	s5 =	sadd.s32 s21, s3  }
0x9d: {  	[timem:s22], [sflag:s6] =	dma.local [hbm:s5], s4  }
0x9e: {  	_ =	swait.ge [sflag:s6], s4  }
0x9f: {  	s4 =	ssub.s32 $0x0, s4;
	[sflag:s6] =	ssyncset.done $0x0  }
0xa0: {  	[sflag:s6] =	ssyncadd.s32 s4;
	_ =	sdelay $0x1  }
0xa1: {  	s23 =	simm.s32 $0x1B8B  }
0xa2: {  	_ =	swait.ge [sflag:s23], $0x1  }
0xa3: {  	[sflag:s23] =	ssyncset.done $0x0  }
0xa4: {  	[sflag:s23] =	ssyncadd.s32 $0xFFFFFFFF  }
0xa5: {  	s4 =	sld [smem:$0x0]  }
0xa6: {  	s5 =	sand.u32 $0xFFFFFFFE, s1  }
0xa7: {  	p0 =	sne.s32 s1, s5  }
0xa8: {  	s5 =	sshll.u32 @p0 s5, $0xE  }
0xa9: {  	s5 =	sadd.s32 @p0 $0x11B8D, s5;
	s6 =	sshll.u32 @p0 s4, $0x11  }
0xaa: {  	s5 =	sor.u32 @p0 s6, s5  }
0xab: {  	[sflag:s5] =	ssyncadd.remote.s32 @p0 $0x1;
	_ =	sdelay $0x1  }
0xac: {  	s5 =	simm.s32 @p0 $0x1B8D  }
0xad: {  	_ =	swait.eq @p0 [sflag:s5], $0x1  }
0xae: {  	[sflag:s5] =	ssyncadd.s32 @p0 $0xFFFFFFFF  }
0xaf: {  	s6 =	sshll.u32 @!p0 s1, $0xE  }
0xb0: {  	s6 =	sor.u32 @!p0 $0x4000, s6;
	s5 =	simm.s32 @!p0 $0x1B8D  }
0xb1: {  	s4 =	sshll.u32 @!p0 s4, $0x11;
	s6 =	sadd.s32 @!p0 $0x11B8D, s6;
	_ =	swait.eq @!p0 [sflag:s5], $0x1  }
0xb2: {  	s4 =	sor.u32 @!p0 s4, s6;
	[sflag:s5] =	ssyncadd.s32 @!p0 $0xFFFFFFFF  }
0xb3: {  	s25 =	simm.s32 $0x1B8E;
	s24 =	sld [smem:$0x3FFE];
	[sflag:s4] =	ssyncadd.remote.s32 @!p0 $0x1  }
0xb4: {  	s26 =	simm.s32 $execute0_lowered;
	[smem:$0x3FD2] =	sst s25  }
0xb5: {  	s5 =	sshll.u32 s26, $0x1;
	_ =	strace $0x8000004F;
	[dreg:$0x1] =	wrdreg $0xFFFFFFFF  }
0xb6: {  	s28 =	simm.s32 $_size_execute0_lowered;
	s3 =	sadd.s32 s3, s5;
	[dreg:$0x0] =	wrdreg $0x0  }
0xb7: {  	s5 =	sshll.u32 s28, $0x1;
	[dreg:$0x2] =	wrdreg s3  }
0xb8: {  	[dreg:$0x3] =	wrdreg s5  }
0xb9: {  	[dreg:$0x4] =	wrdreg $0xC0  }
0xba: {  	_ =	task [dreg:s22], $0x5FFFF  }
0xbb: {  	[dreg:$0x1] =	wrdreg $0xFFFFFFFF  }
0xbc: {  	[dreg:$0x0] =	wrdreg $0x60  }
0xbd: {  	[dreg:$0x2] =	wrdreg s24  }
0xbe: {  	[dreg:$0x3] =	wrdreg $0x10  }
0xbf: {  	_ =	task.clear_ibuf [dreg:s22], $0x4FFFF;
	_ =	strace $0x9000004F  }
0xc0: {  	s29 =	simm.s32 $0x10;
	_ =	strace $0x80000051  }
0xc1: {  	_ =	swait.ge [sflag:s29], $0x1  }
0xc2: {  	[sflag:s29] =	ssyncadd.s32 $0xFFFFFFFF  }
0xc3: {  	_ =	strace $0x90000051  }
0xc4: {  	_ =	sfence  }
0xc5: {  	s30 =	sld [smem:$0x0];
	_ =	sdelay $0x2  }
0xc6: {  	s31 =	sshll.u32 s1, $0xD;
	s1 =	sshrl.u32 s1, $0x2  }
0xc7: {  	s4 =	sand.u32 $0x4000, s31;
	s1 =	sadd.s32 s1, s30  }
0xc8: {  	s0 =	sor.u32 s4, s0;
	s1 =	sshll.u32 s1, $0x11  }
0xc9: {  	s0 =	sor.u32 s1, s0  }
0xca: {  	s0 =	sadd.s32 $0x8F2B, s0  }
0xcb: {  	[sflag:s0] =	ssyncadd.remote.s32 $0x1  }
0xcc: {  	_ =	sfence.sel $0xFFFF  }
0xcd: {  	[dreg:$0x0] =	wrdreg $0xFFFFFFFF;
	(pc) =	sbr.abs _section_cstart, $3  }
0xce: {  	[dreg:$0x1] =	wrdreg $0xFFFFFFFF  }
0xcf: {  	_ =	task.clear_ibuf [dreg:s22], $0x2FFFF;
	_ =	strace $0x9FFFFFFF  }
0xd0: {  	(tm) =	ssettm $0x7FFFFFFF  }
0xd1: {  	_ =	shalt  }
tec
execute0_lowered:
.L_overlay_start_1:
0x0: {  	(tag) =	ssettag $0x1  }
0x1: {  	s6 =	rddreg [dreg:$0x0]  }
0x2: {  	s0 =	rddreg [dreg:$0x1]  }
0x3: {  	s2 =	simm.s32 $0x0;
	s1 =	stileid.u32;
	s3 =	srdreg.scid  }
0x4: {  	s17 =	simm.s32 $0x3C0;
	s18 =	simm.s32 $0x13C0;
	s7 =	smul.u32 $0x1400, s1  }
0x5: {  	s19 =	simm.s32 $0x1BC0;
	s20 =	simm.s32 $0x1;
	s8 =	smul.u32 $0xA00, s1  }
0x6: {  	s21 =	simm.s32 $0x0;
	s9 =	sand.u32 $0x1, s3;
	s10 =	smul.u32 $0x500, s1  }
0x7: {  	[smem:$0x7FF] =	sst s2;
	s3 =	sadd.s32 $0x19E800, s6;
	s29 =	smul.u32 $0x280, s9  }
0x8: {  	s4 =	sshll.u32 s1, $0x1;
	s5 =	sadd.s32 $0x200400, s6;
	s15 =	smul.u32 $0x500, s9  }
0x9: {  	_ =	strace $0x80000050;
	s11 =	sor.u32 s9, s4;
	s16 =	smul.u32 $0xA00, s9  }
0xa: {  	s4 =	sadd.s32 $0xDB200, s6;
	s26 =	ssub.s32 $0x2, s9;
	s11 =	smul.u32 $0x140, s11  }
0xb: {  	s12 =	sadd.s32 s7, s6;
	s10 =	sadd.s32 s10, s6;
	s14 =	sshrl.u32 s26, $0x1  }
0xc: {  	s13 =	sadd.s32 s8, s6;
	s14 =	ssub.s32 s26, s14;
	s30 =	sadd.s32 s29, s10  }
0xd: {  	s31 =	sadd.s32 s15, s13;
	s12 =	sadd.s32 s16, s12;
	s13 =	simm.s32 $0x2  }
0xe: {  	s15 =	simm.s32 $0x280;
	s16 =	simm.s32 $0x40;
	s28 =	sshrl.u32 s11, $0x3  }
0xf: {  	s9 =	sadd.s32 $0x29A200, s30;
	s10 =	smax.u32 s14, $0x1;
	s11 =	sadd.s32 $0x29F200, s31  }
0x10: {  	s12 =	sadd.s32 $0x2A9200, s12;
	s14 =	simm.s32 $0x140;
	s8 =	sadd.s32 s6, s28  }
0x11: {  	s6 =	sadd.s32 $0xDA700, s8;
	s7 =	sadd.s32 $0xD8D00, s8;
	s8 =	sadd.s32 $0xD7300, s8  }
.LBB2_1:
0x12: {  	[tilespmem:s2], [sflag:$0x2] =	stream.linear.gather [hbm4b:s6+s2], $0x140, $0x38;
	[tilespmem:$0x1FC0] =	vst v63  }
0x13: {  	_ =	swait.ge [sflag:s13], $0x140  }
0x14: {  	[sflag:s13] =	ssyncset.done $0x0  }
0x15: {  	[sflag:s13] =	ssyncadd.s32 $0xFFFFFEC0  }
0x16: {  	[tilespmem:s14], [sflag:$0x2] =	stream.linear.gather [hbm4b:s7+s2], $0x140, $0x38;
	[tilespmem:$0x1FC0] =	vst v63  }
0x17: {  	_ =	swait.ge [sflag:s13], $0x140  }
0x18: {  	[sflag:s13] =	ssyncset.done $0x0  }
0x19: {  	[sflag:s13] =	ssyncadd.s32 $0xFFFFFEC0  }
0x1a: {  	[tilespmem:s15], [sflag:$0x2] =	stream.linear.gather [hbm4b:s8+s2], $0x140, $0x38;
	[tilespmem:$0x1FC0] =	vst v63  }
0x1b: {  	_ =	swait.ge [sflag:s13], $0x140  }
0x1c: {  	[sflag:s13] =	ssyncset.done $0x0  }
0x1d: {  	s22 =	simm.s32 $0x0;
	[sflag:s13] =	ssyncadd.s32 $0xFFFFFEC0  }
0x1e: {  	[tilespmem:s17], [sflag:$0x1] =	stream.indirect.gather [hbm4b:s4+s16], $0x40, s22, s16, $0xb8;
	[tilespmem:$0x1FC0] =	vst v63  }
0x1f: {  	s29 =	simm.s32 $0x140  }
0x20: {  	[tilespmem:s18], [sflag:$0x1] =	stream.indirect.gather [hbm4b:s3+s16], $0x20, s29, s16, $0xb8;
	[tilespmem:$0x1FC0] =	vst v63  }
0x21: {  	s30 =	simm.s32 $0x280  }
0x22: {  	[tilespmem:s19], [sflag:$0x1] =	stream.indirect.gather [hbm4b:s5+s16], $0x10, s30, s16, $0xb8;
	[tilespmem:$0x1FC0] =	vst v63  }
0x23: {  	_ =	swait.ge [sflag:s20], $0x1000  }
0x24: {  	[sflag:s20] =	ssyncset.done $0x0  }
0x25: {  	[sflag:s20] =	ssyncadd.s32 $0xFFFFF000  }
0x26: {  	_ =	swait.ge [sflag:s20], $0x800  }
0x27: {  	[sflag:s20] =	ssyncset.done $0x0  }
0x28: {  	[sflag:s20] =	ssyncadd.s32 $0xFFFFF800  }
0x29: {  	_ =	swait.ge [sflag:s20], $0x400  }
0x2a: {  	[sflag:s20] =	ssyncset.done $0x0  }
0x2b: {  	[sflag:s20] =	ssyncadd.s32 $0xFFFFFC00  }
0x2c: {  	[hbm4b:s12+s2] =	stream.linear.scatter [tilespmem:s17], [sflag:$0x2], $0x1000, $0x38;
	[tilespmem:$0x1FC0] =	vst v63  }
0x2d: {  	_ =	swait.ge [sflag:s13], $0x1000  }
0x2e: {  	[sflag:s13] =	ssyncset.done $0x0  }
0x2f: {  	s31 =	sadd.s32 $0x0, s11;
	[sflag:s13] =	ssyncadd.s32 $0xFFFFF000  }
0x30: {  	[hbm4b:s31+s2] =	stream.linear.scatter [tilespmem:s18], [sflag:$0x2], $0x800, $0x38;
	[tilespmem:$0x1FC0] =	vst v63  }
0x31: {  	_ =	swait.ge [sflag:s13], $0x800  }
0x32: {  	[sflag:s13] =	ssyncset.done $0x0  }
0x33: {  	[sflag:s13] =	ssyncadd.s32 $0xFFFFF800  }
0x34: {  	[hbm4b:s9+s2] =	stream.linear.scatter [tilespmem:s19], [sflag:$0x2], $0x400, $0x38;
	[tilespmem:$0x1FC0] =	vst v63  }
0x35: {  	s23 =	simm.s32 $0x100;
	s25 =	simm.s32 $0x200;
	_ =	swait.ge [sflag:s13], $0x400  }
0x36: {  	s24 =	sadd.s32 $0x200, s12;
	s22 =	sadd.s32 $0x80, s9;
	[sflag:s13] =	ssyncset.done $0x0  }
.LBB2_2:
0x37: {  	s26 =	sshra.s32 s23, $0x2  }
0x38: {  	[sflag:s13] =	ssyncadd.s32 $0xFFFFFC00;
	s28 =	smov.u32 s25;
	s29 =	sadd.s32 $0x100, s25  }
0x39: {  	[tilespmem:s17], [sflag:$0x1] =	stream.indirect.gather [hbm4b:s4+s16], $0x40, s26, s16, $0xb8;
	[tilespmem:$0x1FC0] =	vst v63  }
0x3a: {  	p0 =	sne.s32 s25, $0x400;
	s25 =	sadd.s32 $0x140, s26  }
0x3b: {  	[tilespmem:s18], [sflag:$0x1] =	stream.indirect.gather [hbm4b:s3+s16], $0x20, s25, s16, $0xb8;
	[tilespmem:$0x1FC0] =	vst v63  }
0x3c: {  	s25 =	sadd.s32 $0x280, s26  }
0x3d: {  	[tilespmem:s19], [sflag:$0x1] =	stream.indirect.gather [hbm4b:s5+s16], $0x10, s25, s16, $0xb8;
	[tilespmem:$0x1FC0] =	vst v63  }
0x3e: {  	_ =	swait.ge [sflag:s20], $0x1000  }
0x3f: {  	[sflag:s20] =	ssyncset.done $0x0  }
0x40: {  	[sflag:s20] =	ssyncadd.s32 $0xFFFFF000  }
0x41: {  	_ =	swait.ge [sflag:s20], $0x800  }
0x42: {  	[sflag:s20] =	ssyncset.done $0x0  }
0x43: {  	[sflag:s20] =	ssyncadd.s32 $0xFFFFF800  }
0x44: {  	_ =	swait.ge [sflag:s20], $0x400  }
0x45: {  	[sflag:s20] =	ssyncset.done $0x0  }
0x46: {  	[sflag:s20] =	ssyncadd.s32 $0xFFFFFC00  }
0x47: {  	[hbm4b:s24+s2] =	stream.linear.scatter [tilespmem:s17], [sflag:$0x2], $0x1000, $0x38;
	[tilespmem:$0x1FC0] =	vst v63  }
0x48: {  	_ =	swait.ge [sflag:s13], $0x1000  }
0x49: {  	[sflag:s13] =	ssyncset.done $0x0  }
0x4a: {  	s25 =	sadd.s32 s23, s11;
	s23 =	smov.u32 s28;
	[sflag:s13] =	ssyncadd.s32 $0xFFFFF000  }
0x4b: {  	[hbm4b:s25+s2] =	stream.linear.scatter [tilespmem:s18], [sflag:$0x2], $0x800, $0x38;
	[tilespmem:$0x1FC0] =	vst v63  }
0x4c: {  	_ =	swait.ge [sflag:s13], $0x800  }
.Ltmp0:
0x4d: {  	[sflag:s13] =	ssyncset.done $0x0;
	(pc) =	sbr.rel @p0 .LBB2_2-.Ltmp0, $4  }
0x4e: {  	[sflag:s13] =	ssyncadd.s32 $0xFFFFF800  }
0x4f: {  	[hbm4b:s22+s2] =	stream.linear.scatter [tilespmem:s19], [sflag:$0x2], $0x400, $0x38;
	[tilespmem:$0x1FC0] =	vst v63  }
0x50: {  	s24 =	sadd.s32 $0x200, s24;
	_ =	swait.ge [sflag:s13], $0x400  }
0x51: {  	s25 =	smov.u32 s29;
	s22 =	sadd.s32 $0x80, s22;
	[sflag:s13] =	ssyncset.done $0x0  }
0x52: {  	s25 =	sshra.s32 s23, $0x2;
	[sflag:s13] =	ssyncadd.s32 $0xFFFFFC00  }
0x53: {  	[tilespmem:s17], [sflag:$0x1] =	stream.indirect.gather [hbm4b:s4+s16], $0x40, s25, s16, $0xb8;
	[tilespmem:$0x1FC0] =	vst v63  }
0x54: {  	s26 =	sadd.s32 $0x140, s25  }
0x55: {  	[tilespmem:s18], [sflag:$0x1] =	stream.indirect.gather [hbm4b:s3+s16], $0x20, s26, s16, $0xb8;
	[tilespmem:$0x1FC0] =	vst v63  }
0x56: {  	s25 =	sadd.s32 $0x280, s25  }
0x57: {  	[tilespmem:s19], [sflag:$0x1] =	stream.indirect.gather [hbm4b:s5+s16], $0x10, s25, s16, $0xb8;
	[tilespmem:$0x1FC0] =	vst v63  }
0x58: {  	_ =	swait.ge [sflag:s20], $0x1000  }
0x59: {  	[sflag:s20] =	ssyncset.done $0x0  }
0x5a: {  	[sflag:s20] =	ssyncadd.s32 $0xFFFFF000  }
0x5b: {  	_ =	swait.ge [sflag:s20], $0x800  }
0x5c: {  	[sflag:s20] =	ssyncset.done $0x0  }
0x5d: {  	[sflag:s20] =	ssyncadd.s32 $0xFFFFF800  }
0x5e: {  	_ =	swait.ge [sflag:s20], $0x400  }
0x5f: {  	[sflag:s20] =	ssyncset.done $0x0  }
0x60: {  	[sflag:s20] =	ssyncadd.s32 $0xFFFFFC00  }
0x61: {  	[hbm4b:s24+s2] =	stream.linear.scatter [tilespmem:s17], [sflag:$0x2], $0x1000, $0x38;
	[tilespmem:$0x1FC0] =	vst v63  }
0x62: {  	_ =	swait.ge [sflag:s13], $0x1000  }
0x63: {  	[sflag:s13] =	ssyncset.done $0x0  }
0x64: {  	s31 =	sadd.s32 s23, s11;
	[sflag:s13] =	ssyncadd.s32 $0xFFFFF000  }
0x65: {  	[hbm4b:s31+s2] =	stream.linear.scatter [tilespmem:s18], [sflag:$0x2], $0x800, $0x38;
	[tilespmem:$0x1FC0] =	vst v63  }
0x66: {  	s21 =	sadd.s32 $0x1, s21;
	_ =	swait.ge [sflag:s13], $0x800  }
0x67: {  	p0 =	sne.s32 s21, s10;
	[sflag:s13] =	ssyncset.done $0x0  }
.Ltmp1:
0x68: {  	[sflag:s13] =	ssyncadd.s32 $0xFFFFF800;
	(pc) =	sbr.rel @p0 .LBB2_1-.Ltmp1, $4  }
0x69: {  	[hbm4b:s22+s2] =	stream.linear.scatter [tilespmem:s19], [sflag:$0x2], $0x400, $0x38;
	[tilespmem:$0x1FC0] =	vst v63  }
0x6a: {  	_ =	swait.ge [sflag:s13], $0x400  }
0x6b: {  	[sflag:s13] =	ssyncset.done $0x0  }
0x6c: {  	[sflag:s13] =	ssyncadd.s32 $0xFFFFFC00  }
0x6d: {  	_ =	sfence.sel $0x180000  }
0x6e: {  	[bflag:$0x0] =	sbarrier.arrive $0xFFFF  }
0x6f: {  	p0 =	sne.s32 s1, $0x0;
	_ =	strace $0x90000050  }
0x70: {  	s0 =	sadd.s32 @!p0 $0x100000, s0;
	[bflag:$0x2] =	sbarrier.arrive $0xFFFF  }
0x71: {  	[sflag:s0] =	ssyncadd.tile.s32 @!p0 $0x1;
	_ =	shalt  }
.Lfunc_end2:
_tile_overlayer_lowered:
.L_overlay_start_2:
0x72: {  	(tag) =	ssettag $0x2  }
0x73: {  	s0 =	rddreg [dreg:$0x0];
	s2 =	stileid.u32  }
0x74: {  	s1 =	rddreg [dreg:$0x1];
	p0 =	sne.s32 s2, $0x0  }
0x75: {  	s3 =	rddreg [dreg:$0x2];
	[bflag:$0x3] =	sbarrier.arrive $0xFFFF;
	s2 =	simm.s32 @!p0 $0x1C02  }
0x76: {  	[timem:s3], [sflag:s2] =	dma.local @!p0 [hbm:s0], s1  }
0x77: {  	s0 =	simm.s32 @!p0 $0x2  }
0x78: {  	_ =	swait.ge @!p0 [sflag:s0], s1  }
0x79: {  	s1 =	ssub.s32 @!p0 $0x0, s1;
	[sflag:s0] =	ssyncset.done @!p0 $0x0  }
0x7a: {  	[sflag:s0] =	ssyncadd.s32 @!p0 s1  }
0x7b: {  	[bflag:$0x3] =	sbarrier.arrive $0xFFFF  }
0x7c: {  	_ =	shalt  }

// kernel: kernel.41.cloned.1.call-start
scs
__scs_entry_jumppad:
0x0: {  	(pc) =	sbr.rel $0x88, $3  }
0x1: {  	(tag) =	ssettag $0x0;
	lr =	simm.s32 $0x1  }
0x2: {  	[smem:$0x3F93] =	sst lr;
	_ =	strace $0xD0000000  }
0x3: {  	_ = 	snop  }
0x4: {  	_ = 	snop  }
0x5: {  	_ = 	snop  }
0x6: {  	_ = 	snop  }
0x7: {  	_ = 	snop  }
__scs_overlays_trampoline_lowered:
0x8: {  	[smem:$0x3FA2] =	sst s0  }
0x9: {  	[smem:$0x3FA3] =	sst s1  }
0xa: {  	[smem:$0x3FA4] =	sst s2  }
0xb: {  	[smem:$0x3FA5] =	sst s3  }
0xc: {  	[smem:$0x3FA6] =	sst s4  }
0xd: {  	[smem:$0x3FA7] =	sst s5  }
0xe: {  	[smem:$0x3FA8] =	sst s6  }
0xf: {  	[smem:$0x3FA9] =	sst s7  }
0x10: {  	[smem:$0x3FAA] =	sst s8  }
0x11: {  	[smem:$0x3FAB] =	sst s9;
	s0 =	simm.s32 @!p0 $0x0  }
0x12: {  	s1 =	sld [smem:$0x3F91];
	s0 =	simm.s32 @p0 $0x1  }
0x13: {  	[smem:$0x3FAC] =	sst s0;
	s0 =	simm.s32 @!p1 $0x0  }
0x14: {  	s2 =	sld [smem:$0x3F90];
	s0 =	simm.s32 @p1 $0x1  }
0x15: {  	[smem:$0x3FAD] =	sst s0;
	s0 =	simm.s32 @!p2 $0x0  }
0x16: {  	s3 =	sld [smem:$0x3FDB];
	s0 =	simm.s32 @p2 $0x1  }
0x17: {  	s4 =	simm.s32 $0x1BF5;
	[smem:$0x3FAF] =	sst s0  }
0x18: {  	s0 =	sld [smem:$0x3F92];
	_ =	swait.ge [sflag:s4], $0x0  }
0x19: {  	s7 =	sld [smem:$0x3F93]  }
0x1a: {  	s8 =	sadd.s32 $0xFFFFE003, lr  }
0x1b: {  	s9 =	sadd.s32 $0xFFFFFEF7, lr;
	s5 =	simm.s32 $0xFFFFFFFF;
	p2 =	slt.u32 s8, $0xFFFFF086  }
0x1c: {  	p1 =	slt.u32 s9, $0xF7A;
	s5 =	simm.s32 @!p2 $0x0  }
0x1d: {  	s5 =	simm.s32 @p1 $0x1;
	p0 =	seq.s32 s7, s2  }
0x1e: {  	s7 =	smul.u32 @!p0 $0xF7A, s2;
	p2 =	seq.s32 @!p0 s5, $0x0  }
0x1f: {  	s9 =	smul.u32 $0xF7A, s1;
	s8 =	simm.s32 @!p0 $0x1BF5;
	p2 =	por !p2, p0  }
0x20: {  	[sflag:s8] =	ssyncset.s32 @!p0 $0xFFFFF086;
	s6 =	sadd.s32 @!p0 s3, s7;
	s7 =	simm.s32 @!p0 $0x108  }
0x21: {  	s3 =	sadd.s32 s3, s9;
	s6 =	sadd.s32 @!p0 $0x88, s6;
	s7 =	simm.s32 @p2 $0x1082  }
0x22: {  	[simem:s7], [sflag:s8] =	dma.local @!p0 [hbm:s6], $0xF7A  }
0x23: {  	s9 =	sor.u32 $0xD0000000, s2;
	s6 =	simm.s32 $0x108;
	_ =	swait.ge @!p0 [sflag:s8], $0x0  }
0x24: {  	s3 =	sadd.s32 $0x88, s3;
	s6 =	simm.s32 @!p1 $0x1082;
	[sflag:s4] =	ssyncset.s32 $0xFFFFF086  }
0x25: {  	[simem:s6], [sflag:s4] =	dma.local [hbm:s3], $0xF7A  }
0x26: {  	[smem:$0x3F93] =	sst s1;
	(tag) =	ssettag s2;
	_ =	strace s9  }
0x27: {  	s1 =	sld [smem:$0x3FA3]  }
0x28: {  	s2 =	sld [smem:$0x3FA4]  }
0x29: {  	s4 =	sld [smem:$0x3FA6]  }
0x2a: {  	p0 =	seq.s32 s5, $0x0;
	s5 =	sld [smem:$0x3FA7]  }
0x2b: {  	s6 =	sld [smem:$0x3FA8]  }
0x2c: {  	s7 =	sld [smem:$0x3FA9]  }
0x2d: {  	s3 =	simm.s32 $0x108;
	s8 =	sld [smem:$0x3FAA]  }
0x2e: {  	s3 =	simm.s32 @!p0 $0x1082;
	s9 =	sld [smem:$0x3FAB]  }
0x2f: {  	lr =	sadd.s32 s0, s3;
	s0 =	sld [smem:$0x3FA2]  }
0x30: {  	s3 =	sld [smem:$0x3FA5]  }
0x31: {  	[smem:$0x3FAE] =	sst s10  }
0x32: {  	s10 =	sld [smem:$0x3FAC];
	_ =	sdelay $0x3  }
0x33: {  	p0 =	seq.s32 s10, $0x1;
	s10 =	sld [smem:$0x3FAE];
	_ =	sdelay $0x3  }
0x34: {  	[smem:$0x3FAE] =	sst s10  }
0x35: {  	s10 =	sld [smem:$0x3FAD];
	_ =	sdelay $0x3  }
0x36: {  	p1 =	seq.s32 s10, $0x1;
	s10 =	sld [smem:$0x3FAE];
	_ =	sdelay $0x3  }
0x37: {  	[smem:$0x3FAE] =	sst s10  }
0x38: {  	s10 =	sld [smem:$0x3FAF]  }
0x39: {  	_ = 	snop;
	(pc) =	sbr.ind lr, $3  }
0x3a: {  	_ = 	snop  }
0x3b: {  	_ = 	snop  }
0x3c: {  	p2 =	seq.s32 s10, $0x1;
	s10 =	sld [smem:$0x3FAE]  }
0x3d: {  	_ =	shalt  }
0x3e: {  	_ =	shalt  }
0x3f: {  	_ =	shalt  }
0x40: {  	_ =	shalt  }
0x41: {  	_ =	shalt  }
0x42: {  	_ =	shalt  }
0x43: {  	_ =	shalt  }
0x44: {  	_ =	shalt  }
0x45: {  	_ =	shalt  }
0x46: {  	_ =	shalt  }
0x47: {  	_ =	shalt  }
0x48: {  	_ =	shalt  }
0x49: {  	_ =	shalt  }
0x4a: {  	_ =	shalt  }
0x4b: {  	_ =	shalt  }
0x4c: {  	_ =	shalt  }
0x4d: {  	_ =	shalt  }
0x4e: {  	_ =	shalt  }
0x4f: {  	_ =	shalt  }
0x50: {  	_ =	shalt  }
0x51: {  	_ =	shalt  }
0x52: {  	_ =	shalt  }
0x53: {  	_ =	shalt  }
0x54: {  	_ =	shalt  }
0x55: {  	_ =	shalt  }
0x56: {  	_ =	shalt  }
0x57: {  	_ =	shalt  }
0x58: {  	_ =	shalt  }
0x59: {  	_ =	shalt  }
0x5a: {  	_ =	shalt  }
0x5b: {  	_ =	shalt  }
0x5c: {  	_ =	shalt  }
0x5d: {  	_ =	shalt  }
0x5e: {  	_ =	shalt  }
0x5f: {  	_ =	shalt  }
0x60: {  	_ =	shalt  }
0x61: {  	_ =	shalt  }
0x62: {  	_ =	shalt  }
0x63: {  	_ =	shalt  }
0x64: {  	_ =	shalt  }
0x65: {  	_ =	shalt  }
0x66: {  	_ =	shalt  }
0x67: {  	_ =	shalt  }
0x68: {  	_ =	shalt  }
0x69: {  	_ =	shalt  }
0x6a: {  	_ =	shalt  }
0x6b: {  	_ =	shalt  }
0x6c: {  	_ =	shalt  }
0x6d: {  	_ =	shalt  }
0x6e: {  	_ =	shalt  }
0x6f: {  	_ =	shalt  }
0x70: {  	_ =	shalt  }
0x71: {  	_ =	shalt  }
0x72: {  	_ =	shalt  }
0x73: {  	_ =	shalt  }
0x74: {  	_ =	shalt  }
0x75: {  	_ =	shalt  }
0x76: {  	_ =	shalt  }
0x77: {  	_ =	shalt  }
0x78: {  	_ =	shalt  }
0x79: {  	_ =	shalt  }
0x7a: {  	_ =	shalt  }
0x7b: {  	_ =	shalt  }
0x7c: {  	_ =	shalt  }
0x7d: {  	_ =	shalt  }
0x7e: {  	_ =	shalt  }
0x7f: {  	_ =	shalt  }
0x80: {  	_ =	shalt  }
0x81: {  	_ =	shalt  }
0x82: {  	_ =	shalt  }
0x83: {  	_ =	shalt  }
0x84: {  	_ =	shalt  }
0x85: {  	_ =	shalt  }
0x86: {  	_ =	shalt  }
0x87: {  	_ =	shalt  }
.Lfunc_end0:
.L_simem_size_0:
called_computation.8_lowered:
.L_overlay_start_0:
0x88: {  	s2 =	sld [smem:$0x3FD9]  }
0x89: {  	s3 =	sld [smem:$0x3FFE];
	_ =	sdelay $0x1  }
0x8a: {  	s1 =	srdreg.scid  }
0x8b: {  	s0 =	sand.u32 $0x1, s1  }
0x8c: {  	s17 =	sshll.u32 s0, $0xA;
	s2 =	sadd.s32 s3, s2  }
0x8d: {  	s2 =	sadd.s32 s2, s17  }
0x8e: {  	[smem:$0x3FBA] =	sst s2  }
0x8f: {  	_ = 	snop  }
0x90: {  	s18 =	sld [smem:$0x3FC8]  }
0x91: {  	s4 =	sld [smem:$0x3FC0];
	(tm) =	ssettm $0x1  }
0x92: {  	s19 =	sld [smem:$0x3FFB];
	_ =	sdelay $0x3  }
0x93: {  	_ =	strace s19  }
0x94: {  	s2 =	sld [smem:$0x3FFC];
	_ =	sdelay $0x3  }
0x95: {  	_ =	strace s2  }
0x96: {  	s2 =	sld [smem:$0x3FFD];
	_ =	sdelay $0x3  }
0x97: {  	_ =	strace s2  }
0x98: {  	_ =	strace $0x8FFFFFFF  }
0x99: {  	s20 =	sld [smem:$0x3FDB];
	_ =	sdelay $0x1  }
0x9a: {  	s5 =	simm.s32 $_scs_section_size  }
0x9b: {  	s6 =	simm.s32 $_size__tile_overlayer_lowered;
	s7 =	simm.s32 $_tile_overlayer_lowered  }
0x9c: {  	s8 =	simm.s32 $0x1BFF;
	s21 =	sshll.u32 s7, $0x1;
	s5 =	sadd.s32 s5, s20  }
0x9d: {  	s22 =	simm.s32 $0x0;
	s6 =	sshll.u32 s6, $0x1;
	s7 =	sadd.s32 s21, s5  }
0x9e: {  	[timem:s22], [sflag:s8] =	dma.local [hbm:s7], s6  }
0x9f: {  	_ =	swait.ge [sflag:s8], s6  }
0xa0: {  	s6 =	ssub.s32 $0x0, s6;
	[sflag:s8] =	ssyncset.done $0x0  }
0xa1: {  	[sflag:s8] =	ssyncadd.s32 s6;
	_ =	sdelay $0x1  }
0xa2: {  	s23 =	simm.s32 $0x1B8B  }
0xa3: {  	_ =	swait.ge [sflag:s23], $0x1  }
0xa4: {  	[sflag:s23] =	ssyncset.done $0x0  }
0xa5: {  	[sflag:s23] =	ssyncadd.s32 $0xFFFFFFFF  }
0xa6: {  	s6 =	sld [smem:$0x0]  }
0xa7: {  	s7 =	sand.u32 $0xFFFFFFFE, s1  }
0xa8: {  	p0 =	sne.s32 s1, s7  }
0xa9: {  	s7 =	sshll.u32 @p0 s7, $0xE  }
0xaa: {  	s7 =	sadd.s32 @p0 $0x11B8D, s7;
	s8 =	sshll.u32 @p0 s6, $0x11  }
0xab: {  	s7 =	sor.u32 @p0 s8, s7  }
0xac: {  	[sflag:s7] =	ssyncadd.remote.s32 @p0 $0x1;
	_ =	sdelay $0x1  }
0xad: {  	s7 =	simm.s32 @p0 $0x1B8D  }
0xae: {  	_ =	swait.eq @p0 [sflag:s7], $0x1  }
0xaf: {  	[sflag:s7] =	ssyncadd.s32 @p0 $0xFFFFFFFF  }
0xb0: {  	s8 =	sshll.u32 @!p0 s1, $0xE  }
0xb1: {  	s8 =	sor.u32 @!p0 $0x4000, s8;
	s7 =	simm.s32 @!p0 $0x1B8D  }
0xb2: {  	s6 =	sshll.u32 @!p0 s6, $0x11;
	s8 =	sadd.s32 @!p0 $0x11B8D, s8;
	_ =	swait.eq @!p0 [sflag:s7], $0x1  }
0xb3: {  	s6 =	sor.u32 @!p0 s6, s8;
	[sflag:s7] =	ssyncadd.s32 @!p0 $0xFFFFFFFF  }
0xb4: {  	s25 =	simm.s32 $0x1B8E;
	s24 =	sld [smem:$0x3FFE];
	[sflag:s6] =	ssyncadd.remote.s32 @!p0 $0x1  }
0xb5: {  	s26 =	simm.s32 $execute0_lowered;
	[smem:$0x3FD2] =	sst s25  }
0xb6: {  	s7 =	sshll.u32 s26, $0x1;
	_ =	strace $0x80000061;
	[dreg:$0x1] =	wrdreg $0xFFFFFFFF  }
0xb7: {  	s28 =	simm.s32 $_size_execute0_lowered;
	s5 =	sadd.s32 s5, s7;
	[dreg:$0x0] =	wrdreg $0x0  }
0xb8: {  	s7 =	sshll.u32 s28, $0x1;
	[dreg:$0x2] =	wrdreg s5  }
0xb9: {  	[dreg:$0x3] =	wrdreg s7  }
0xba: {  	[dreg:$0x4] =	wrdreg $0xC0  }
0xbb: {  	_ =	task [dreg:s22], $0x5FFFF  }
0xbc: {  	[dreg:$0x1] =	wrdreg $0xFFFFFFFF  }
0xbd: {  	[dreg:$0x0] =	wrdreg $0x60  }
0xbe: {  	[dreg:$0x2] =	wrdreg s18  }
0xbf: {  	[dreg:$0x3] =	wrdreg s4  }
0xc0: {  	[dreg:$0x4] =	wrdreg s24  }
0xc1: {  	[dreg:$0x5] =	wrdreg $0x11  }
0xc2: {  	_ =	task.clear_ibuf [dreg:s22], $0x6FFFF;
	_ =	strace $0x90000061  }
0xc3: {  	s29 =	simm.s32 $0x11;
	_ =	strace $0x80000063  }
0xc4: {  	_ =	swait.ge [sflag:s29], $0x1  }
0xc5: {  	[sflag:s29] =	ssyncadd.s32 $0xFFFFFFFF  }
0xc6: {  	_ =	strace $0x90000063  }
0xc7: {  	_ =	sfence  }
0xc8: {  	s30 =	sld [smem:$0x0];
	_ =	sdelay $0x2  }
0xc9: {  	s31 =	sshll.u32 s1, $0xD;
	s1 =	sshrl.u32 s1, $0x2  }
0xca: {  	s4 =	sand.u32 $0x4000, s31;
	s1 =	sadd.s32 s1, s30  }
0xcb: {  	s0 =	sor.u32 s4, s0;
	s1 =	sshll.u32 s1, $0x11  }
0xcc: {  	s0 =	sor.u32 s1, s0  }
0xcd: {  	s0 =	sadd.s32 $0x8F2B, s0  }
0xce: {  	[sflag:s0] =	ssyncadd.remote.s32 $0x1  }
0xcf: {  	_ =	sfence.sel $0xFFFF  }
0xd0: {  	[dreg:$0x0] =	wrdreg $0xFFFFFFFF;
	(pc) =	sbr.abs _section_cstart, $3  }
0xd1: {  	[dreg:$0x1] =	wrdreg $0xFFFFFFFF  }
0xd2: {  	_ =	task.clear_ibuf [dreg:s22], $0x2FFFF;
	_ =	strace $0x9FFFFFFF  }
0xd3: {  	(tm) =	ssettm $0x7FFFFFFF  }
tec
execute0_lowered:
.L_overlay_start_1:
0x0: {  	(tag) =	ssettag $0x1  }
0x1: {  	s0 =	rddreg [dreg:$0x0]  }
0x2: {  	s7 =	stileid.u32;
	s2 =	rddreg [dreg:$0x1]  }
0x3: {  	s13 =	srdreg.scid;
	s4 =	rddreg [dreg:$0x2]  }
0x4: {  	s3 =	simm.s32 $0x0;
	s19 =	simm.s32 $0x40;
	s20 =	simm.s32 $0x2B00  }
0x5: {  	s21 =	simm.s32 $0x3300;
	s22 =	simm.s32 $0x3B00;
	s23 =	simm.s32 $0x4300  }
0x6: {  	s24 =	simm.s32 $0x4B00;
	s11 =	simm.s32 $0x2;
	[dreg:$0x4] =	wrdreg s0  }
0x7: {  	s25 =	simm.s32 $0x5300;
	s26 =	simm.s32 $0x5B00;
	[smem:$0x7FF] =	sst s3  }
0x8: {  	s28 =	simm.s32 $0xC300;
	_ =	strace $0x80000062;
	[dreg:$0x5] =	wrdreg s19  }
0x9: {  	s29 =	simm.s32 $0xCB00;
	s30 =	simm.s32 $0xD300;
	[dreg:$0x6] =	wrdreg s20  }
0xa: {  	s31 =	simm.s32 $0xDB00;
	s0 =	sand.u32 $0x1, s13;
	[dreg:$0x7] =	wrdreg s21  }
0xb: {  	s1 =	smul.u32 $0x280, s7;
	s6 =	sshll.u32 s7, $0x1;
	[dreg:$0x8] =	wrdreg s22  }
0xc: {  	s7 =	smul.u32 $0x2800, s7;
	s13 =	simm.s32 $0x300;
	[dreg:$0x9] =	wrdreg s23  }
0xd: {  	s5 =	smul.u32 $0x140, s0;
	s14 =	sor.u32 s0, s6;
	[dreg:$0xa] =	wrdreg s24  }
0xe: {  	s15 =	ssub.s32 $0x2, s0;
	s6 =	sadd.s32 $0x100, s2;
	[dreg:$0xb] =	wrdreg s25  }
0xf: {  	s0 =	smul.u32 $0x1400, s0;
	[dreg:$0xc] =	wrdreg s26;
	s19 =	simm.s32 $0x8300  }
0x10: {  	s20 =	simm.s32 $0x8B00;
	s21 =	simm.s32 $0x9300;
	s22 =	simm.s32 $0x9B00  }
0x11: {  	s23 =	simm.s32 $0xA300;
	s24 =	simm.s32 $0xAB00;
	s25 =	simm.s32 $0xB300  }
0x12: {  	s26 =	simm.s32 $0xBB00;
	s9 =	sadd.s32 s7, s4;
	s16 =	sshrl.u32 s15, $0x1  }
0x13: {  	s7 =	sadd.s32 $0x200, s2;
	s1 =	sadd.s32 s5, s1;
	s5 =	smul.u32 $0x140, s14  }
0x14: {  	s17 =	ssub.s32 s15, s16;
	s0 =	sadd.s32 s0, s9;
	s1 =	sshrl.u32 s1, $0x3  }
0x15: {  	s14 =	simm.s32 $0x2300;
	s0 =	sadd.s32 $0x718200, s0;
	s1 =	smul.u32 $0x300, s1  }
0x16: {  	s15 =	simm.s32 $0x6300;
	s5 =	sshrl.u32 s5, $0x3;
	[dreg:$0x10] =	wrdreg s0  }
0x17: {  	s1 =	sadd.s32 s1, s4;
	s4 =	sadd.s32 s4, s5;
	s5 =	smax.u32 s17, $0x1  }
0x18: {  	s16 =	simm.s32 $0x6B00;
	s18 =	sadd.s32 $0xD4000, s4;
	[dreg:$0xf] =	wrdreg s5  }
0x19: {  	v2 =	vlaneseq.u32;
	s0 =	simm.s32 $0x0;
	s4 =	sadd.s32 $0xD5A00, s4;
	[dreg:$0xd] =	wrdreg s18  }
0x1a: {  	vm0 =	vmmov $0xffff;
	v1 =	vshrl.u32 v2, $0x3;
	s17 =	simm.s32 $0x7300;
	s1 =	sadd.s32 $0x740200, s1;
	[dreg:$0xe] =	wrdreg s4  }
0x1b: {  	v0 =	vand.u32 $0x7, v2;
	v2 =	vor.u32 $0x8, v2;
	v1 =	vmul.u32 $0x8, v1;
	[dreg:$0x11] =	wrdreg s1;
	s18 =	simm.s32 $0x7B00;
	s1 =	simm.s32 $0x1  }
.LBB2_1:
0x1c: {  	s4 =	rddreg [dreg:$0xd]  }
0x1d: {  	[tilespmem:s3], [sflag:$0x2] =	stream.linear.gather [hbm4b:s4+s3], $0x140, $0x38;
	[tilespmem:$0xE300] =	vst v63  }
0x1e: {  	_ =	swait.ge [sflag:s11], $0x140  }
0x1f: {  	[sflag:s11] =	ssyncset.done $0x0  }
0x20: {  	s5 =	simm.s32 $0x180;
	s12 =	rddreg [dreg:$0xe];
	[sflag:s11] =	ssyncadd.s32 $0xFFFFFEC0  }
0x21: {  	[tilespmem:s5], [sflag:$0x2] =	stream.linear.gather [hbm4b:s12+s3], $0x140, $0x38;
	[tilespmem:$0xE300] =	vst v63  }
0x22: {  	_ =	swait.ge [sflag:s11], $0x140  }
0x23: {  	[sflag:s11] =	ssyncset.done $0x0;
	s10 =	rddreg [dreg:$0x11]  }
0x24: {  	s5 =	simm.s32 $0x0;
	s9 =	rddreg [dreg:$0x10];
	[sflag:s11] =	ssyncadd.s32 $0xFFFFFEC0  }
.LBB2_2:
0x25: {  	s8 =	rddreg [dreg:$0x4]  }
0x26: {  	s4 =	rddreg [dreg:$0x5];
	s12 =	sshra.s32 s5, $0x2  }
0x27: {  	[tilespmem:s13], [sflag:$0x1] =	stream.indirect.gather [hbm4b:s8+s4], $0x80, s12, s4, $0xb8;
	[tilespmem:$0xE300] =	vst v63  }
0x28: {  	v3 =	vld [tilespmem:s12+$0x180];
	_ =	sdelay $0x4  }
0x29: {  	v4 =	vshrl.u32 v3, $0x3  }
0x2a: {  	v4 =	vmul.u32 $0x30, v4  }
0x2b: {  	v3 =	vand.u32 $0x7, v3  }
0x2c: {  	v3 =	vor.u32 v3, v4  }
0x2d: {  	v4 =	vperm.xlane v3, v0;
	_ =	sdelay $0x1  }
0x2e: {  	v4 =	vadd.s32 v1, v4;
	_ =	sdelay $0x3  }
0x2f: {  	v3 =	vperm.xlane v3, v2  }
0x30: {  	[tilespmem:s14], [sflag:$0x1] =	stream.indirect_vreg.gather [hbm4b:s2+s3], $0x80, v4, vm0, $0xb8;
	[tilespmem:$0xE300] =	vst v63  }
0x31: {  	s4 =	rddreg [dreg:$0x6];
	v3 =	vadd.s32 v1, v3  }
0x32: {  	[tilespmem:s4], [sflag:$0x1] =	stream.indirect_vreg.gather [hbm4b:s6+s3], $0x80, v4, vm0, $0xb8;
	[tilespmem:$0xE300] =	vst v63  }
0x33: {  	s8 =	rddreg [dreg:$0x7]  }
0x34: {  	[tilespmem:s8], [sflag:$0x1] =	stream.indirect_vreg.gather [hbm4b:s7+s3], $0x80, v4, vm0, $0xb8;
	[tilespmem:$0xE300] =	vst v63  }
0x35: {  	s4 =	rddreg [dreg:$0x8]  }
0x36: {  	[tilespmem:s4], [sflag:$0x1] =	stream.indirect_vreg.gather [hbm4b:s2+s3], $0x80, v3, vm0, $0xb8;
	[tilespmem:$0xE300] =	vst v63  }
0x37: {  	s8 =	rddreg [dreg:$0x9]  }
0x38: {  	[tilespmem:s8], [sflag:$0x1] =	stream.indirect_vreg.gather [hbm4b:s6+s3], $0x80, v3, vm0, $0xb8;
	[tilespmem:$0xE300] =	vst v63  }
0x39: {  	s4 =	rddreg [dreg:$0xa]  }
0x3a: {  	[tilespmem:s4], [sflag:$0x1] =	stream.indirect_vreg.gather [hbm4b:s7+s3], $0x80, v3, vm0, $0xb8;
	[tilespmem:$0xE300] =	vst v63  }
0x3b: {  	v3 =	vld [tilespmem:s12+$0x190];
	_ =	sdelay $0x4  }
0x3c: {  	v61 =	vshrl.u32 v3, $0x3  }
0x3d: {  	v4 =	vmul.u32 $0x30, v61  }
0x3e: {  	v3 =	vand.u32 $0x7, v3  }
0x3f: {  	v3 =	vor.u32 v3, v4  }
0x40: {  	v4 =	vperm.xlane v3, v0;
	_ =	sdelay $0x1  }
0x41: {  	v4 =	vadd.s32 v1, v4;
	_ =	sdelay $0x3  }
0x42: {  	s4 =	rddreg [dreg:$0xb];
	v3 =	vperm.xlane v3, v2  }
0x43: {  	[tilespmem:s4], [sflag:$0x1] =	stream.indirect_vreg.gather [hbm4b:s2+s3], $0x80, v4, vm0, $0xb8;
	[tilespmem:$0xE300] =	vst v63  }
0x44: {  	s8 =	rddreg [dreg:$0xc];
	v3 =	vadd.s32 v1, v3  }
0x45: {  	[tilespmem:s8], [sflag:$0x1] =	stream.indirect_vreg.gather [hbm4b:s6+s3], $0x80, v4, vm0, $0xb8;
	[tilespmem:$0xE300] =	vst v63  }
0x46: {  	_ = 	snop  }
0x47: {  	[tilespmem:s15], [sflag:$0x1] =	stream.indirect_vreg.gather [hbm4b:s7+s3], $0x80, v4, vm0, $0xb8;
	[tilespmem:$0xE300] =	vst v63  }
0x48: {  	_ = 	snop  }
0x49: {  	[tilespmem:s16], [sflag:$0x1] =	stream.indirect_vreg.gather [hbm4b:s2+s3], $0x80, v3, vm0, $0xb8;
	[tilespmem:$0xE300] =	vst v63  }
0x4a: {  	_ = 	snop  }
0x4b: {  	[tilespmem:s17], [sflag:$0x1] =	stream.indirect_vreg.gather [hbm4b:s6+s3], $0x80, v3, vm0, $0xb8;
	[tilespmem:$0xE300] =	vst v63  }
0x4c: {  	_ = 	snop  }
0x4d: {  	[tilespmem:s18], [sflag:$0x1] =	stream.indirect_vreg.gather [hbm4b:s7+s3], $0x80, v3, vm0, $0xb8;
	[tilespmem:$0xE300] =	vst v63  }
0x4e: {  	v3 =	vld [tilespmem:s12+$0x1A0];
	_ =	sdelay $0x4  }
0x4f: {  	v62 =	vshrl.u32 v3, $0x3  }
0x50: {  	v4 =	vmul.u32 $0x30, v62  }
0x51: {  	v3 =	vand.u32 $0x7, v3  }
0x52: {  	v3 =	vor.u32 v3, v4  }
0x53: {  	v4 =	vperm.xlane v3, v0;
	_ =	sdelay $0x1  }
0x54: {  	v4 =	vadd.s32 v1, v4;
	_ =	sdelay $0x3  }
0x55: {  	v3 =	vperm.xlane v3, v2  }
0x56: {  	[tilespmem:s19], [sflag:$0x1] =	stream.indirect_vreg.gather [hbm4b:s2+s3], $0x80, v4, vm0, $0xb8;
	[tilespmem:$0xE300] =	vst v63  }
0x57: {  	v3 =	vadd.s32 v1, v3  }
0x58: {  	[tilespmem:s20], [sflag:$0x1] =	stream.indirect_vreg.gather [hbm4b:s6+s3], $0x80, v4, vm0, $0xb8;
	[tilespmem:$0xE300] =	vst v63  }
0x59: {  	_ = 	snop  }
0x5a: {  	[tilespmem:s21], [sflag:$0x1] =	stream.indirect_vreg.gather [hbm4b:s7+s3], $0x80, v4, vm0, $0xb8;
	[tilespmem:$0xE300] =	vst v63  }
0x5b: {  	_ = 	snop  }
0x5c: {  	[tilespmem:s22], [sflag:$0x1] =	stream.indirect_vreg.gather [hbm4b:s2+s3], $0x80, v3, vm0, $0xb8;
	[tilespmem:$0xE300] =	vst v63  }
0x5d: {  	_ = 	snop  }
0x5e: {  	[tilespmem:s23], [sflag:$0x1] =	stream.indirect_vreg.gather [hbm4b:s6+s3], $0x80, v3, vm0, $0xb8;
	[tilespmem:$0xE300] =	vst v63  }
0x5f: {  	_ = 	snop  }
0x60: {  	[tilespmem:s24], [sflag:$0x1] =	stream.indirect_vreg.gather [hbm4b:s7+s3], $0x80, v3, vm0, $0xb8;
	[tilespmem:$0xE300] =	vst v63  }
0x61: {  	v3 =	vld [tilespmem:s12+$0x1B0];
	_ =	sdelay $0x4  }
0x62: {  	v63 =	vshrl.u32 v3, $0x3  }
0x63: {  	v4 =	vmul.u32 $0x30, v63  }
0x64: {  	v3 =	vand.u32 $0x7, v3  }
0x65: {  	v3 =	vor.u32 v3, v4  }
0x66: {  	v4 =	vperm.xlane v3, v0;
	_ =	sdelay $0x1  }
0x67: {  	v4 =	vadd.s32 v1, v4;
	_ =	sdelay $0x3  }
0x68: {  	v3 =	vperm.xlane v3, v2  }
0x69: {  	[tilespmem:s25], [sflag:$0x1] =	stream.indirect_vreg.gather [hbm4b:s2+s3], $0x80, v4, vm0, $0xb8;
	[tilespmem:$0xE300] =	vst v63  }
0x6a: {  	v3 =	vadd.s32 v1, v3  }
0x6b: {  	[tilespmem:s26], [sflag:$0x1] =	stream.indirect_vreg.gather [hbm4b:s6+s3], $0x80, v4, vm0, $0xb8;
	[tilespmem:$0xE300] =	vst v63  }
0x6c: {  	_ = 	snop  }
0x6d: {  	[tilespmem:s28], [sflag:$0x1] =	stream.indirect_vreg.gather [hbm4b:s7+s3], $0x80, v4, vm0, $0xb8;
	[tilespmem:$0xE300] =	vst v63  }
0x6e: {  	_ = 	snop  }
0x6f: {  	[tilespmem:s29], [sflag:$0x1] =	stream.indirect_vreg.gather [hbm4b:s2+s3], $0x80, v3, vm0, $0xb8;
	[tilespmem:$0xE300] =	vst v63  }
0x70: {  	_ = 	snop  }
0x71: {  	[tilespmem:s30], [sflag:$0x1] =	stream.indirect_vreg.gather [hbm4b:s6+s3], $0x80, v3, vm0, $0xb8;
	[tilespmem:$0xE300] =	vst v63  }
0x72: {  	_ = 	snop  }
0x73: {  	[tilespmem:s31], [sflag:$0x1] =	stream.indirect_vreg.gather [hbm4b:s7+s3], $0x80, v3, vm0, $0xb8;
	[tilespmem:$0xE300] =	vst v63  }
0x74: {  	_ =	swait.ge [sflag:s1], $0x2000  }
0x75: {  	[sflag:s1] =	ssyncset.done $0x0  }
0x76: {  	[sflag:s1] =	ssyncadd.s32 $0xFFFFE000  }
0x77: {  	_ =	swait.ge [sflag:s1], $0xC000  }
0x78: {  	[sflag:s1] =	ssyncset.done $0x0  }
0x79: {  	[sflag:s1] =	ssyncadd.s32 $0xFFFF4000  }
0x7a: {  	[hbm4b:s9+s3] =	stream.linear.scatter [tilespmem:s13], [sflag:$0x2], $0x2000, $0x38;
	[tilespmem:$0xE300] =	vst v63  }
0x7b: {  	_ =	swait.ge [sflag:s11], $0x2000  }
0x7c: {  	p0 =	sne.s32 s5, $0x400;
	[sflag:s11] =	ssyncset.done $0x0  }
.Ltmp0:
0x7d: {  	[sflag:s11] =	ssyncadd.s32 $0xFFFFE000;
	(pc) =	sbr.rel @p0 .LBB2_2-.Ltmp0, $4  }
0x7e: {  	[hbm4b:s10+s3] =	stream.linear.scatter [tilespmem:s14], [sflag:$0x2], $0xC000, $0x38;
	[tilespmem:$0xE300] =	vst v63  }
0x7f: {  	_ =	swait.ge [sflag:s11], $0xC000  }
0x80: {  	s5 =	sadd.s32 $0x100, s5;
	[sflag:s11] =	ssyncset.done $0x0  }
0x81: {  	s9 =	sadd.s32 $0x400, s9;
	s10 =	sadd.s32 $0x1800, s10;
	[sflag:s11] =	ssyncadd.s32 $0xFFFF4000  }
0x82: {  	s0 =	sadd.s32 $0x1, s0;
	s4 =	rddreg [dreg:$0xf]  }
0x83: {  	p0 =	sne.s32 s0, s4  }
.Ltmp1:
0x84: {  	_ = 	snop;
	(pc) =	sbr.rel @p0 .LBB2_1-.Ltmp1, $1  }
0x85: {  	_ =	sdelay $0x3  }
0x86: {  	_ =	sfence.sel $0x180000  }
0x87: {  	[bflag:$0x0] =	sbarrier.arrive $0xFFFF  }
0x88: {  	_ =	strace $0x90000062  }
0x89: {  	s0 =	stileid.u32;
	[bflag:$0x2] =	sbarrier.arrive $0xFFFF  }
0x8a: {  	p0 =	sne.s32 s0, $0x0;
	s0 =	rddreg [dreg:$0x3]  }
0x8b: {  	s0 =	sadd.s32 @!p0 $0x100000, s0  }
0x8c: {  	[sflag:s0] =	ssyncadd.tile.s32 @!p0 $0x1;
	_ =	shalt  }
.Lfunc_end2:
_tile_overlayer_lowered:
.L_overlay_start_2:
0x8d: {  	(tag) =	ssettag $0x2  }
0x8e: {  	s0 =	rddreg [dreg:$0x0];
	s2 =	stileid.u32  }
0x8f: {  	s1 =	rddreg [dreg:$0x1];
	p0 =	sne.s32 s2, $0x0  }
0x90: {  	s3 =	rddreg [dreg:$0x2];
	[bflag:$0x3] =	sbarrier.arrive $0xFFFF;
	s2 =	simm.s32 @!p0 $0x1C02  }
0x91: {  	[timem:s3], [sflag:s2] =	dma.local @!p0 [hbm:s0], s1  }
0x92: {  	s0 =	simm.s32 @!p0 $0x2  }
0x93: {  	_ =	swait.ge @!p0 [sflag:s0], s1  }
0x94: {  	s1 =	ssub.s32 @!p0 $0x0, s1;
	[sflag:s0] =	ssyncset.done @!p0 $0x0  }
0x95: {  	[sflag:s0] =	ssyncadd.s32 @!p0 s1  }
0x96: {  	[bflag:$0x3] =	sbarrier.arrive $0xFFFF  }
0x97: {  	_ =	shalt  }

// kernel: kernel.44.cloned.1.call-start
scs
__scs_entry_jumppad:
0x0: {  	(pc) =	sbr.rel $0x88, $3  }
0x1: {  	(tag) =	ssettag $0x0;
	lr =	simm.s32 $0x1  }
0x2: {  	[smem:$0x3F93] =	sst lr;
	_ =	strace $0xD0000000  }
0x3: {  	_ = 	snop  }
0x4: {  	_ = 	snop  }
0x5: {  	_ = 	snop  }
0x6: {  	_ = 	snop  }
0x7: {  	_ = 	snop  }
__scs_overlays_trampoline_lowered:
0x8: {  	[smem:$0x3FA2] =	sst s0  }
0x9: {  	[smem:$0x3FA3] =	sst s1  }
0xa: {  	[smem:$0x3FA4] =	sst s2  }
0xb: {  	[smem:$0x3FA5] =	sst s3  }
0xc: {  	[smem:$0x3FA6] =	sst s4  }
0xd: {  	[smem:$0x3FA7] =	sst s5  }
0xe: {  	[smem:$0x3FA8] =	sst s6  }
0xf: {  	[smem:$0x3FA9] =	sst s7  }
0x10: {  	[smem:$0x3FAA] =	sst s8  }
0x11: {  	[smem:$0x3FAB] =	sst s9;
	s0 =	simm.s32 @!p0 $0x0  }
0x12: {  	s1 =	sld [smem:$0x3F91];
	s0 =	simm.s32 @p0 $0x1  }
0x13: {  	[smem:$0x3FAC] =	sst s0;
	s0 =	simm.s32 @!p1 $0x0  }
0x14: {  	s2 =	sld [smem:$0x3F90];
	s0 =	simm.s32 @p1 $0x1  }
0x15: {  	[smem:$0x3FAD] =	sst s0;
	s0 =	simm.s32 @!p2 $0x0  }
0x16: {  	s3 =	sld [smem:$0x3FDB];
	s0 =	simm.s32 @p2 $0x1  }
0x17: {  	s4 =	simm.s32 $0x1BF5;
	[smem:$0x3FAF] =	sst s0  }
0x18: {  	s0 =	sld [smem:$0x3F92];
	_ =	swait.ge [sflag:s4], $0x0  }
0x19: {  	s7 =	sld [smem:$0x3F93]  }
0x1a: {  	s8 =	sadd.s32 $0xFFFFE003, lr  }
0x1b: {  	s9 =	sadd.s32 $0xFFFFFEF7, lr;
	s5 =	simm.s32 $0xFFFFFFFF;
	p2 =	slt.u32 s8, $0xFFFFF086  }
0x1c: {  	p1 =	slt.u32 s9, $0xF7A;
	s5 =	simm.s32 @!p2 $0x0  }
0x1d: {  	s5 =	simm.s32 @p1 $0x1;
	p0 =	seq.s32 s7, s2  }
0x1e: {  	s7 =	smul.u32 @!p0 $0xF7A, s2;
	p2 =	seq.s32 @!p0 s5, $0x0  }
0x1f: {  	s9 =	smul.u32 $0xF7A, s1;
	s8 =	simm.s32 @!p0 $0x1BF5;
	p2 =	por !p2, p0  }
0x20: {  	[sflag:s8] =	ssyncset.s32 @!p0 $0xFFFFF086;
	s6 =	sadd.s32 @!p0 s3, s7;
	s7 =	simm.s32 @!p0 $0x108  }
0x21: {  	s3 =	sadd.s32 s3, s9;
	s6 =	sadd.s32 @!p0 $0x88, s6;
	s7 =	simm.s32 @p2 $0x1082  }
0x22: {  	[simem:s7], [sflag:s8] =	dma.local @!p0 [hbm:s6], $0xF7A  }
0x23: {  	s9 =	sor.u32 $0xD0000000, s2;
	s6 =	simm.s32 $0x108;
	_ =	swait.ge @!p0 [sflag:s8], $0x0  }
0x24: {  	s3 =	sadd.s32 $0x88, s3;
	s6 =	simm.s32 @!p1 $0x1082;
	[sflag:s4] =	ssyncset.s32 $0xFFFFF086  }
0x25: {  	[simem:s6], [sflag:s4] =	dma.local [hbm:s3], $0xF7A  }
0x26: {  	[smem:$0x3F93] =	sst s1;
	(tag) =	ssettag s2;
	_ =	strace s9  }
0x27: {  	s1 =	sld [smem:$0x3FA3]  }
0x28: {  	s2 =	sld [smem:$0x3FA4]  }
0x29: {  	s4 =	sld [smem:$0x3FA6]  }
0x2a: {  	p0 =	seq.s32 s5, $0x0;
	s5 =	sld [smem:$0x3FA7]  }
0x2b: {  	s6 =	sld [smem:$0x3FA8]  }
0x2c: {  	s7 =	sld [smem:$0x3FA9]  }
0x2d: {  	s3 =	simm.s32 $0x108;
	s8 =	sld [smem:$0x3FAA]  }
0x2e: {  	s3 =	simm.s32 @!p0 $0x1082;
	s9 =	sld [smem:$0x3FAB]  }
0x2f: {  	lr =	sadd.s32 s0, s3;
	s0 =	sld [smem:$0x3FA2]  }
0x30: {  	s3 =	sld [smem:$0x3FA5]  }
0x31: {  	[smem:$0x3FAE] =	sst s10  }
0x32: {  	s10 =	sld [smem:$0x3FAC];
	_ =	sdelay $0x3  }
0x33: {  	p0 =	seq.s32 s10, $0x1;
	s10 =	sld [smem:$0x3FAE];
	_ =	sdelay $0x3  }
0x34: {  	[smem:$0x3FAE] =	sst s10  }
0x35: {  	s10 =	sld [smem:$0x3FAD];
	_ =	sdelay $0x3  }
0x36: {  	p1 =	seq.s32 s10, $0x1;
	s10 =	sld [smem:$0x3FAE];
	_ =	sdelay $0x3  }
0x37: {  	[smem:$0x3FAE] =	sst s10  }
0x38: {  	s10 =	sld [smem:$0x3FAF]  }
0x39: {  	_ = 	snop;
	(pc) =	sbr.ind lr, $3  }
0x3a: {  	_ = 	snop  }
0x3b: {  	_ = 	snop  }
0x3c: {  	p2 =	seq.s32 s10, $0x1;
	s10 =	sld [smem:$0x3FAE]  }
0x3d: {  	_ =	shalt  }
0x3e: {  	_ =	shalt  }
0x3f: {  	_ =	shalt  }
0x40: {  	_ =	shalt  }
0x41: {  	_ =	shalt  }
0x42: {  	_ =	shalt  }
0x43: {  	_ =	shalt  }
0x44: {  	_ =	shalt  }
0x45: {  	_ =	shalt  }
0x46: {  	_ =	shalt  }
0x47: {  	_ =	shalt  }
0x48: {  	_ =	shalt  }
0x49: {  	_ =	shalt  }
0x4a: {  	_ =	shalt  }
0x4b: {  	_ =	shalt  }
0x4c: {  	_ =	shalt  }
0x4d: {  	_ =	shalt  }
0x4e: {  	_ =	shalt  }
0x4f: {  	_ =	shalt  }
0x50: {  	_ =	shalt  }
0x51: {  	_ =	shalt  }
0x52: {  	_ =	shalt  }
0x53: {  	_ =	shalt  }
0x54: {  	_ =	shalt  }
0x55: {  	_ =	shalt  }
0x56: {  	_ =	shalt  }
0x57: {  	_ =	shalt  }
0x58: {  	_ =	shalt  }
0x59: {  	_ =	shalt  }
0x5a: {  	_ =	shalt  }
0x5b: {  	_ =	shalt  }
0x5c: {  	_ =	shalt  }
0x5d: {  	_ =	shalt  }
0x5e: {  	_ =	shalt  }
0x5f: {  	_ =	shalt  }
0x60: {  	_ =	shalt  }
0x61: {  	_ =	shalt  }
0x62: {  	_ =	shalt  }
0x63: {  	_ =	shalt  }
0x64: {  	_ =	shalt  }
0x65: {  	_ =	shalt  }
0x66: {  	_ =	shalt  }
0x67: {  	_ =	shalt  }
0x68: {  	_ =	shalt  }
0x69: {  	_ =	shalt  }
0x6a: {  	_ =	shalt  }
0x6b: {  	_ =	shalt  }
0x6c: {  	_ =	shalt  }
0x6d: {  	_ =	shalt  }
0x6e: {  	_ =	shalt  }
0x6f: {  	_ =	shalt  }
0x70: {  	_ =	shalt  }
0x71: {  	_ =	shalt  }
0x72: {  	_ =	shalt  }
0x73: {  	_ =	shalt  }
0x74: {  	_ =	shalt  }
0x75: {  	_ =	shalt  }
0x76: {  	_ =	shalt  }
0x77: {  	_ =	shalt  }
0x78: {  	_ =	shalt  }
0x79: {  	_ =	shalt  }
0x7a: {  	_ =	shalt  }
0x7b: {  	_ =	shalt  }
0x7c: {  	_ =	shalt  }
0x7d: {  	_ =	shalt  }
0x7e: {  	_ =	shalt  }
0x7f: {  	_ =	shalt  }
0x80: {  	_ =	shalt  }
0x81: {  	_ =	shalt  }
0x82: {  	_ =	shalt  }
0x83: {  	_ =	shalt  }
0x84: {  	_ =	shalt  }
0x85: {  	_ =	shalt  }
0x86: {  	_ =	shalt  }
0x87: {  	_ =	shalt  }
.Lfunc_end0:
.L_simem_size_0:
called_computation.9_lowered:
.L_overlay_start_0:
0x88: {  	s2 =	sld [smem:$0x3FD9]  }
0x89: {  	s3 =	sld [smem:$0x3FFE];
	_ =	sdelay $0x1  }
0x8a: {  	s1 =	srdreg.scid  }
0x8b: {  	s0 =	sand.u32 $0x1, s1  }
0x8c: {  	s17 =	sshll.u32 s0, $0xA;
	s2 =	sadd.s32 s3, s2  }
0x8d: {  	s2 =	sadd.s32 s2, s17  }
0x8e: {  	[smem:$0x3FBA] =	sst s2  }
0x8f: {  	_ = 	snop  }
0x90: {  	(tm) =	ssettm $0x1  }
0x91: {  	s18 =	sld [smem:$0x3FFB];
	_ =	sdelay $0x3  }
0x92: {  	_ =	strace s18  }
0x93: {  	s2 =	sld [smem:$0x3FFC];
	_ =	sdelay $0x3  }
0x94: {  	_ =	strace s2  }
0x95: {  	s2 =	sld [smem:$0x3FFD];
	_ =	sdelay $0x3  }
0x96: {  	_ =	strace s2  }
0x97: {  	_ =	strace $0x8FFFFFFF  }
0x98: {  	s19 =	sld [smem:$0x3FDB];
	_ =	sdelay $0x1  }
0x99: {  	s20 =	simm.s32 $_scs_section_size  }
0x9a: {  	s4 =	simm.s32 $_size__tile_overlayer_lowered;
	s5 =	simm.s32 $_tile_overlayer_lowered  }
0x9b: {  	s6 =	simm.s32 $0x1BFF;
	s21 =	sshll.u32 s5, $0x1;
	s3 =	sadd.s32 s20, s19  }
0x9c: {  	s22 =	simm.s32 $0x0;
	s4 =	sshll.u32 s4, $0x1;
	s5 =	sadd.s32 s21, s3  }
0x9d: {  	[timem:s22], [sflag:s6] =	dma.local [hbm:s5], s4  }
0x9e: {  	_ =	swait.ge [sflag:s6], s4  }
0x9f: {  	s4 =	ssub.s32 $0x0, s4;
	[sflag:s6] =	ssyncset.done $0x0  }
0xa0: {  	[sflag:s6] =	ssyncadd.s32 s4;
	_ =	sdelay $0x1  }
0xa1: {  	s23 =	simm.s32 $0x1B8B  }
0xa2: {  	_ =	swait.ge [sflag:s23], $0x1  }
0xa3: {  	[sflag:s23] =	ssyncset.done $0x0  }
0xa4: {  	[sflag:s23] =	ssyncadd.s32 $0xFFFFFFFF  }
0xa5: {  	s4 =	sld [smem:$0x0]  }
0xa6: {  	s5 =	sand.u32 $0xFFFFFFFE, s1  }
0xa7: {  	p0 =	sne.s32 s1, s5  }
0xa8: {  	s5 =	sshll.u32 @p0 s5, $0xE  }
0xa9: {  	s5 =	sadd.s32 @p0 $0x11B8D, s5;
	s6 =	sshll.u32 @p0 s4, $0x11  }
0xaa: {  	s5 =	sor.u32 @p0 s6, s5  }
0xab: {  	[sflag:s5] =	ssyncadd.remote.s32 @p0 $0x1;
	_ =	sdelay $0x1  }
0xac: {  	s5 =	simm.s32 @p0 $0x1B8D  }
0xad: {  	_ =	swait.eq @p0 [sflag:s5], $0x1  }
0xae: {  	[sflag:s5] =	ssyncadd.s32 @p0 $0xFFFFFFFF  }
0xaf: {  	s6 =	sshll.u32 @!p0 s1, $0xE  }
0xb0: {  	s6 =	sor.u32 @!p0 $0x4000, s6;
	s5 =	simm.s32 @!p0 $0x1B8D  }
0xb1: {  	s4 =	sshll.u32 @!p0 s4, $0x11;
	s6 =	sadd.s32 @!p0 $0x11B8D, s6;
	_ =	swait.eq @!p0 [sflag:s5], $0x1  }
0xb2: {  	s4 =	sor.u32 @!p0 s4, s6;
	[sflag:s5] =	ssyncadd.s32 @!p0 $0xFFFFFFFF  }
0xb3: {  	s25 =	simm.s32 $0x1B8E;
	s24 =	sld [smem:$0x3FFE];
	[sflag:s4] =	ssyncadd.remote.s32 @!p0 $0x1  }
0xb4: {  	s26 =	simm.s32 $execute0_lowered;
	[smem:$0x3FD2] =	sst s25  }
0xb5: {  	s5 =	sshll.u32 s26, $0x1;
	_ =	strace $0x80000052;
	[dreg:$0x1] =	wrdreg $0xFFFFFFFF  }
0xb6: {  	s28 =	simm.s32 $_size_execute0_lowered;
	s3 =	sadd.s32 s3, s5;
	[dreg:$0x0] =	wrdreg $0x0  }
0xb7: {  	s5 =	sshll.u32 s28, $0x1;
	[dreg:$0x2] =	wrdreg s3  }
0xb8: {  	[dreg:$0x3] =	wrdreg s5  }
0xb9: {  	[dreg:$0x4] =	wrdreg $0xC0  }
0xba: {  	_ =	task [dreg:s22], $0x5FFFF  }
0xbb: {  	[dreg:$0x1] =	wrdreg $0xFFFFFFFF  }
0xbc: {  	[dreg:$0x0] =	wrdreg $0x60  }
0xbd: {  	[dreg:$0x2] =	wrdreg s24  }
0xbe: {  	[dreg:$0x3] =	wrdreg $0x12  }
0xbf: {  	_ =	task.clear_ibuf [dreg:s22], $0x4FFFF;
	_ =	strace $0x90000052  }
0xc0: {  	s29 =	simm.s32 $0x12;
	_ =	strace $0x80000054  }
0xc1: {  	_ =	swait.ge [sflag:s29], $0x1  }
0xc2: {  	[sflag:s29] =	ssyncadd.s32 $0xFFFFFFFF  }
0xc3: {  	_ =	strace $0x90000054  }
0xc4: {  	_ =	sfence  }
0xc5: {  	s30 =	sld [smem:$0x0];
	_ =	sdelay $0x2  }
0xc6: {  	s31 =	sshll.u32 s1, $0xD;
	s1 =	sshrl.u32 s1, $0x2  }
0xc7: {  	s4 =	sand.u32 $0x4000, s31;
	s1 =	sadd.s32 s1, s30  }
0xc8: {  	s0 =	sor.u32 s4, s0;
	s1 =	sshll.u32 s1, $0x11  }
0xc9: {  	s0 =	sor.u32 s1, s0  }
0xca: {  	s0 =	sadd.s32 $0x8F2B, s0  }
0xcb: {  	[sflag:s0] =	ssyncadd.remote.s32 $0x1  }
0xcc: {  	_ =	sfence.sel $0xFFFF  }
0xcd: {  	[dreg:$0x0] =	wrdreg $0xFFFFFFFF;
	(pc) =	sbr.abs _section_cstart, $3  }
0xce: {  	[dreg:$0x1] =	wrdreg $0xFFFFFFFF  }
0xcf: {  	_ =	task.clear_ibuf [dreg:s22], $0x2FFFF;
	_ =	strace $0x9FFFFFFF  }
0xd0: {  	(tm) =	ssettm $0x7FFFFFFF  }
0xd1: {  	_ =	shalt  }
tec
execute0_lowered:
.L_overlay_start_1:
0x0: {  	(tag) =	ssettag $0x1  }
0x1: {  	s6 =	rddreg [dreg:$0x0]  }
0x2: {  	s0 =	rddreg [dreg:$0x1]  }
0x3: {  	s2 =	simm.s32 $0x0;
	s1 =	stileid.u32;
	s3 =	srdreg.scid  }
0x4: {  	s17 =	simm.s32 $0x3C0;
	s18 =	simm.s32 $0x13C0;
	s7 =	smul.u32 $0x1400, s1  }
0x5: {  	s19 =	simm.s32 $0x1BC0;
	s20 =	simm.s32 $0x1;
	s8 =	smul.u32 $0xA00, s1  }
0x6: {  	s21 =	simm.s32 $0x0;
	s9 =	sand.u32 $0x1, s3;
	s10 =	smul.u32 $0x500, s1  }
0x7: {  	[smem:$0x7FF] =	sst s2;
	s3 =	sadd.s32 $0x19E800, s6;
	s29 =	smul.u32 $0x280, s9  }
0x8: {  	s4 =	sshll.u32 s1, $0x1;
	s5 =	sadd.s32 $0x200400, s6;
	s15 =	smul.u32 $0x500, s9  }
0x9: {  	_ =	strace $0x80000053;
	s11 =	sor.u32 s9, s4;
	s16 =	smul.u32 $0xA00, s9  }
0xa: {  	s4 =	sadd.s32 $0xDB200, s6;
	s26 =	ssub.s32 $0x2, s9;
	s11 =	smul.u32 $0x140, s11  }
0xb: {  	s12 =	sadd.s32 s7, s6;
	s10 =	sadd.s32 s10, s6;
	s14 =	sshrl.u32 s26, $0x1  }
0xc: {  	s13 =	sadd.s32 s8, s6;
	s14 =	ssub.s32 s26, s14;
	s30 =	sadd.s32 s29, s10  }
0xd: {  	s31 =	sadd.s32 s15, s13;
	s12 =	sadd.s32 s16, s12;
	s13 =	simm.s32 $0x2  }
0xe: {  	s15 =	simm.s32 $0x280;
	s16 =	simm.s32 $0x40;
	s28 =	sshrl.u32 s11, $0x3  }
0xf: {  	s9 =	sadd.s32 $0x2BD200, s30;
	s10 =	smax.u32 s14, $0x1;
	s11 =	sadd.s32 $0x2C2200, s31  }
0x10: {  	s12 =	sadd.s32 $0x2CC200, s12;
	s14 =	simm.s32 $0x140;
	s8 =	sadd.s32 s6, s28  }
0x11: {  	s6 =	sadd.s32 $0xDAC00, s8;
	s7 =	sadd.s32 $0xD9200, s8;
	s8 =	sadd.s32 $0xD7800, s8  }
.LBB2_1:
0x12: {  	[tilespmem:s2], [sflag:$0x2] =	stream.linear.gather [hbm4b:s6+s2], $0x140, $0x38;
	[tilespmem:$0x1FC0] =	vst v63  }
0x13: {  	_ =	swait.ge [sflag:s13], $0x140  }
0x14: {  	[sflag:s13] =	ssyncset.done $0x0  }
0x15: {  	[sflag:s13] =	ssyncadd.s32 $0xFFFFFEC0  }
0x16: {  	[tilespmem:s14], [sflag:$0x2] =	stream.linear.gather [hbm4b:s7+s2], $0x140, $0x38;
	[tilespmem:$0x1FC0] =	vst v63  }
0x17: {  	_ =	swait.ge [sflag:s13], $0x140  }
0x18: {  	[sflag:s13] =	ssyncset.done $0x0  }
0x19: {  	[sflag:s13] =	ssyncadd.s32 $0xFFFFFEC0  }
0x1a: {  	[tilespmem:s15], [sflag:$0x2] =	stream.linear.gather [hbm4b:s8+s2], $0x140, $0x38;
	[tilespmem:$0x1FC0] =	vst v63  }
0x1b: {  	_ =	swait.ge [sflag:s13], $0x140  }
0x1c: {  	[sflag:s13] =	ssyncset.done $0x0  }
0x1d: {  	s22 =	simm.s32 $0x0;
	[sflag:s13] =	ssyncadd.s32 $0xFFFFFEC0  }
0x1e: {  	[tilespmem:s17], [sflag:$0x1] =	stream.indirect.gather [hbm4b:s4+s16], $0x40, s22, s16, $0xb8;
	[tilespmem:$0x1FC0] =	vst v63  }
0x1f: {  	s29 =	simm.s32 $0x140  }
0x20: {  	[tilespmem:s18], [sflag:$0x1] =	stream.indirect.gather [hbm4b:s3+s16], $0x20, s29, s16, $0xb8;
	[tilespmem:$0x1FC0] =	vst v63  }
0x21: {  	s30 =	simm.s32 $0x280  }
0x22: {  	[tilespmem:s19], [sflag:$0x1] =	stream.indirect.gather [hbm4b:s5+s16], $0x10, s30, s16, $0xb8;
	[tilespmem:$0x1FC0] =	vst v63  }
0x23: {  	_ =	swait.ge [sflag:s20], $0x1000  }
0x24: {  	[sflag:s20] =	ssyncset.done $0x0  }
0x25: {  	[sflag:s20] =	ssyncadd.s32 $0xFFFFF000  }
0x26: {  	_ =	swait.ge [sflag:s20], $0x800  }
0x27: {  	[sflag:s20] =	ssyncset.done $0x0  }
0x28: {  	[sflag:s20] =	ssyncadd.s32 $0xFFFFF800  }
0x29: {  	_ =	swait.ge [sflag:s20], $0x400  }
0x2a: {  	[sflag:s20] =	ssyncset.done $0x0  }
0x2b: {  	[sflag:s20] =	ssyncadd.s32 $0xFFFFFC00  }
0x2c: {  	[hbm4b:s12+s2] =	stream.linear.scatter [tilespmem:s17], [sflag:$0x2], $0x1000, $0x38;
	[tilespmem:$0x1FC0] =	vst v63  }
0x2d: {  	_ =	swait.ge [sflag:s13], $0x1000  }
0x2e: {  	[sflag:s13] =	ssyncset.done $0x0  }
0x2f: {  	s31 =	sadd.s32 $0x0, s11;
	[sflag:s13] =	ssyncadd.s32 $0xFFFFF000  }
0x30: {  	[hbm4b:s31+s2] =	stream.linear.scatter [tilespmem:s18], [sflag:$0x2], $0x800, $0x38;
	[tilespmem:$0x1FC0] =	vst v63  }
0x31: {  	_ =	swait.ge [sflag:s13], $0x800  }
0x32: {  	[sflag:s13] =	ssyncset.done $0x0  }
0x33: {  	[sflag:s13] =	ssyncadd.s32 $0xFFFFF800  }
0x34: {  	[hbm4b:s9+s2] =	stream.linear.scatter [tilespmem:s19], [sflag:$0x2], $0x400, $0x38;
	[tilespmem:$0x1FC0] =	vst v63  }
0x35: {  	s23 =	simm.s32 $0x100;
	s25 =	simm.s32 $0x200;
	_ =	swait.ge [sflag:s13], $0x400  }
0x36: {  	s24 =	sadd.s32 $0x200, s12;
	s22 =	sadd.s32 $0x80, s9;
	[sflag:s13] =	ssyncset.done $0x0  }
.LBB2_2:
0x37: {  	s26 =	sshra.s32 s23, $0x2  }
0x38: {  	[sflag:s13] =	ssyncadd.s32 $0xFFFFFC00;
	s28 =	smov.u32 s25;
	s29 =	sadd.s32 $0x100, s25  }
0x39: {  	[tilespmem:s17], [sflag:$0x1] =	stream.indirect.gather [hbm4b:s4+s16], $0x40, s26, s16, $0xb8;
	[tilespmem:$0x1FC0] =	vst v63  }
0x3a: {  	p0 =	sne.s32 s25, $0x400;
	s25 =	sadd.s32 $0x140, s26  }
0x3b: {  	[tilespmem:s18], [sflag:$0x1] =	stream.indirect.gather [hbm4b:s3+s16], $0x20, s25, s16, $0xb8;
	[tilespmem:$0x1FC0] =	vst v63  }
0x3c: {  	s25 =	sadd.s32 $0x280, s26  }
0x3d: {  	[tilespmem:s19], [sflag:$0x1] =	stream.indirect.gather [hbm4b:s5+s16], $0x10, s25, s16, $0xb8;
	[tilespmem:$0x1FC0] =	vst v63  }
0x3e: {  	_ =	swait.ge [sflag:s20], $0x1000  }
0x3f: {  	[sflag:s20] =	ssyncset.done $0x0  }
0x40: {  	[sflag:s20] =	ssyncadd.s32 $0xFFFFF000  }
0x41: {  	_ =	swait.ge [sflag:s20], $0x800  }
0x42: {  	[sflag:s20] =	ssyncset.done $0x0  }
0x43: {  	[sflag:s20] =	ssyncadd.s32 $0xFFFFF800  }
0x44: {  	_ =	swait.ge [sflag:s20], $0x400  }
0x45: {  	[sflag:s20] =	ssyncset.done $0x0  }
0x46: {  	[sflag:s20] =	ssyncadd.s32 $0xFFFFFC00  }
0x47: {  	[hbm4b:s24+s2] =	stream.linear.scatter [tilespmem:s17], [sflag:$0x2], $0x1000, $0x38;
	[tilespmem:$0x1FC0] =	vst v63  }
0x48: {  	_ =	swait.ge [sflag:s13], $0x1000  }
0x49: {  	[sflag:s13] =	ssyncset.done $0x0  }
0x4a: {  	s25 =	sadd.s32 s23, s11;
	s23 =	smov.u32 s28;
	[sflag:s13] =	ssyncadd.s32 $0xFFFFF000  }
0x4b: {  	[hbm4b:s25+s2] =	stream.linear.scatter [tilespmem:s18], [sflag:$0x2], $0x800, $0x38;
	[tilespmem:$0x1FC0] =	vst v63  }
0x4c: {  	_ =	swait.ge [sflag:s13], $0x800  }
.Ltmp0:
0x4d: {  	[sflag:s13] =	ssyncset.done $0x0;
	(pc) =	sbr.rel @p0 .LBB2_2-.Ltmp0, $4  }
0x4e: {  	[sflag:s13] =	ssyncadd.s32 $0xFFFFF800  }
0x4f: {  	[hbm4b:s22+s2] =	stream.linear.scatter [tilespmem:s19], [sflag:$0x2], $0x400, $0x38;
	[tilespmem:$0x1FC0] =	vst v63  }
0x50: {  	s24 =	sadd.s32 $0x200, s24;
	_ =	swait.ge [sflag:s13], $0x400  }
0x51: {  	s25 =	smov.u32 s29;
	s22 =	sadd.s32 $0x80, s22;
	[sflag:s13] =	ssyncset.done $0x0  }
0x52: {  	s25 =	sshra.s32 s23, $0x2;
	[sflag:s13] =	ssyncadd.s32 $0xFFFFFC00  }
0x53: {  	[tilespmem:s17], [sflag:$0x1] =	stream.indirect.gather [hbm4b:s4+s16], $0x40, s25, s16, $0xb8;
	[tilespmem:$0x1FC0] =	vst v63  }
0x54: {  	s26 =	sadd.s32 $0x140, s25  }
0x55: {  	[tilespmem:s18], [sflag:$0x1] =	stream.indirect.gather [hbm4b:s3+s16], $0x20, s26, s16, $0xb8;
	[tilespmem:$0x1FC0] =	vst v63  }
0x56: {  	s25 =	sadd.s32 $0x280, s25  }
0x57: {  	[tilespmem:s19], [sflag:$0x1] =	stream.indirect.gather [hbm4b:s5+s16], $0x10, s25, s16, $0xb8;
	[tilespmem:$0x1FC0] =	vst v63  }
0x58: {  	_ =	swait.ge [sflag:s20], $0x1000  }
0x59: {  	[sflag:s20] =	ssyncset.done $0x0  }
0x5a: {  	[sflag:s20] =	ssyncadd.s32 $0xFFFFF000  }
0x5b: {  	_ =	swait.ge [sflag:s20], $0x800  }
0x5c: {  	[sflag:s20] =	ssyncset.done $0x0  }
0x5d: {  	[sflag:s20] =	ssyncadd.s32 $0xFFFFF800  }
0x5e: {  	_ =	swait.ge [sflag:s20], $0x400  }
0x5f: {  	[sflag:s20] =	ssyncset.done $0x0  }
0x60: {  	[sflag:s20] =	ssyncadd.s32 $0xFFFFFC00  }
0x61: {  	[hbm4b:s24+s2] =	stream.linear.scatter [tilespmem:s17], [sflag:$0x2], $0x1000, $0x38;
	[tilespmem:$0x1FC0] =	vst v63  }
0x62: {  	_ =	swait.ge [sflag:s13], $0x1000  }
0x63: {  	[sflag:s13] =	ssyncset.done $0x0  }
0x64: {  	s31 =	sadd.s32 s23, s11;
	[sflag:s13] =	ssyncadd.s32 $0xFFFFF000  }
0x65: {  	[hbm4b:s31+s2] =	stream.linear.scatter [tilespmem:s18], [sflag:$0x2], $0x800, $0x38;
	[tilespmem:$0x1FC0] =	vst v63  }
0x66: {  	s21 =	sadd.s32 $0x1, s21;
	_ =	swait.ge [sflag:s13], $0x800  }
0x67: {  	p0 =	sne.s32 s21, s10;
	[sflag:s13] =	ssyncset.done $0x0  }
.Ltmp1:
0x68: {  	[sflag:s13] =	ssyncadd.s32 $0xFFFFF800;
	(pc) =	sbr.rel @p0 .LBB2_1-.Ltmp1, $4  }
0x69: {  	[hbm4b:s22+s2] =	stream.linear.scatter [tilespmem:s19], [sflag:$0x2], $0x400, $0x38;
	[tilespmem:$0x1FC0] =	vst v63  }
0x6a: {  	_ =	swait.ge [sflag:s13], $0x400  }
0x6b: {  	[sflag:s13] =	ssyncset.done $0x0  }
0x6c: {  	[sflag:s13] =	ssyncadd.s32 $0xFFFFFC00  }
0x6d: {  	_ =	sfence.sel $0x180000  }
0x6e: {  	[bflag:$0x0] =	sbarrier.arrive $0xFFFF  }
0x6f: {  	p0 =	sne.s32 s1, $0x0;
	_ =	strace $0x90000053  }
0x70: {  	s0 =	sadd.s32 @!p0 $0x100000, s0;
	[bflag:$0x2] =	sbarrier.arrive $0xFFFF  }
0x71: {  	[sflag:s0] =	ssyncadd.tile.s32 @!p0 $0x1;
	_ =	shalt  }
.Lfunc_end2:
_tile_overlayer_lowered:
.L_overlay_start_2:
0x72: {  	(tag) =	ssettag $0x2  }
0x73: {  	s0 =	rddreg [dreg:$0x0];
	s2 =	stileid.u32  }
0x74: {  	s1 =	rddreg [dreg:$0x1];
	p0 =	sne.s32 s2, $0x0  }
0x75: {  	s3 =	rddreg [dreg:$0x2];
	[bflag:$0x3] =	sbarrier.arrive $0xFFFF;
	s2 =	simm.s32 @!p0 $0x1C02  }
0x76: {  	[timem:s3], [sflag:s2] =	dma.local @!p0 [hbm:s0], s1  }
0x77: {  	s0 =	simm.s32 @!p0 $0x2  }
0x78: {  	_ =	swait.ge @!p0 [sflag:s0], s1  }
0x79: {  	s1 =	ssub.s32 @!p0 $0x0, s1;
	[sflag:s0] =	ssyncset.done @!p0 $0x0  }
0x7a: {  	[sflag:s0] =	ssyncadd.s32 @!p0 s1  }
0x7b: {  	[bflag:$0x3] =	sbarrier.arrive $0xFFFF  }
0x7c: {  	_ =	shalt  }

</sc_bundles>
